<compile_context>
chip_gen: v7x
topology: tpu7x:2x2x1
jax: 0.10.2.dev20260603
libtpu: 0.0.44.dev20260713+nightly
codegen_flags: <defaults>
</compile_context>

<pallas_src>
import jax
import jax.numpy as jnp
from jax import lax
from jax.experimental import pallas as pl
from jax.experimental.pallas import tpu as pltpu
from jax.experimental.pallas import tpu_sc as plsc

H = 512
W = 512
B = 16
P = H * W
R = 10.0
MAGIC = 1.5 * (2.0 ** 23)

NC = 2
NS = 16
L = 16

BATCHES_PER_CORE = B // NC
PASS_BATCHES = 4
NPASS = BATCHES_PER_CORE // PASS_BATCHES
TILES_PER_BATCH = NS // PASS_BATCHES
ROWS_PER_TILE = H // TILES_PER_BATCH
RCH = 8
CH = RCH * W
NCHUNK = ROWS_PER_TILE // RCH
SLOTS = 3
HIST = PASS_BATCHES * P
SLICE = HIST // NS
ZB = 2048


def _body(w_hbm, off_hbm, out_hbm, hist,
          dx_a, dx_b, dx_c, dy_a, dy_b, dy_c, w_a, w_b, w_c,
          w1_a, w1_b, w1_c, idx_a, idx_b, idx_c, zero_v, xf_buf,
          sin_a, sin_b, sin_c, ssc_a, ssc_b, ssc_c):
    c = lax.axis_index("c")
    s = lax.axis_index("s")
    b_in_pass = s // TILES_PER_BATCH
    part = s % TILES_PER_BATCH
    row_base = part * ROWS_PER_TILE
    myslice = s * SLICE
    lanes = lax.iota(jnp.int32, L)

    dx_r = (dx_a, dx_b, dx_c)
    dy_r = (dy_a, dy_b, dy_c)
    w_r = (w_a, w_b, w_c)
    w1_r = (w1_a, w1_b, w1_c)
    idx_r = (idx_a, idx_b, idx_c)
    sin_r = (sin_a, sin_b, sin_c)
    ssc_r = (ssc_a, ssc_b, ssc_c)

    def zinit(i, carry):
        zero_v[pl.ds(i * L, L)] = jnp.zeros((L,), jnp.float32)
        return carry

    lax.fori_loop(0, ZB // L, zinit, 0)

    def xinit(j, carry):
        xf_buf[pl.ds(j * L, L)] = (lanes + j * L).astype(jnp.float32)
        return carry

    lax.fori_loop(0, W // L, xinit, 0)

    def fire_first_inputs():
        bg0 = c * BATCHES_PER_CORE + b_in_pass
        y0 = row_base
        pltpu.async_copy(w_hbm.at[bg0, pl.ds(y0, RCH), :], w_a, sin_a)
        pltpu.async_copy(off_hbm.at[2 * bg0, pl.ds(y0, RCH), :], dx_a, sin_a)
        pltpu.async_copy(off_hbm.at[2 * bg0 + 1, pl.ds(y0, RCH), :], dy_a,
                         sin_a)

    fire_first_inputs()

    def pass_body(pidx, pcarry):
        b_global = c * BATCHES_PER_CORE + pidx * PASS_BATCHES + b_in_pass
        for q in range(SLICE // ZB):
            pltpu.async_copy(zero_v, hist.at[pl.ds(myslice + q * ZB, ZB)],
                             ssc_a)
        for q in range(SLICE // ZB):
            pltpu.make_async_copy(
                zero_v, hist.at[pl.ds(myslice + q * ZB, ZB)], ssc_a).wait()
        plsc.subcore_barrier()

        hist_off = b_in_pass * P

        def fire_inputs(ci, sl, bg=None):
            bg = b_global if bg is None else bg
            y0 = row_base + ci * RCH
            pltpu.async_copy(
                w_hbm.at[bg, pl.ds(y0, RCH), :], w_r[sl], sin_r[sl])
            pltpu.async_copy(
                off_hbm.at[2 * bg, pl.ds(y0, RCH), :], dx_r[sl],
                sin_r[sl])
            pltpu.async_copy(
                off_hbm.at[2 * bg + 1, pl.ds(y0, RCH), :], dy_r[sl],
                sin_r[sl])

        def wait_inputs(sl):
            src = w_hbm.at[b_global, pl.ds(0, RCH), :]
            pltpu.make_async_copy(src, w_r[sl], sin_r[sl]).wait()
            pltpu.make_async_copy(src, dx_r[sl], sin_r[sl]).wait()
            pltpu.make_async_copy(src, dy_r[sl], sin_r[sl]).wait()

        def wait_scatter(sl):
            pltpu.make_async_copy(
                w1_r[sl], hist.at[idx_r[sl]], ssc_r[sl]).wait()

        def chunk_body(ci, carry):
            for k in range(SLOTS):

                @pl.when(ci % SLOTS == k)
                def _process(k=k):
                    nxt = (k + 1) % SLOTS

                    @pl.when(ci + 1 < NCHUNK)
                    def _prefetch():
                        @pl.when(ci >= 2)
                        def _drain():
                            wait_scatter(nxt)

                        fire_inputs(ci + 1, nxt)

                    wait_inputs(k)
                    y0 = row_base + ci * RCH
                    dx_cur = dx_r[k]
                    dy_cur = dy_r[k]
                    w_cur = w_r[k]
                    w1_cur = w1_r[k]
                    idx_cur = idx_r[k]
                    yfs = [(y0 + r).astype(jnp.float32) for r in range(RCH)]

                    def vec_body(j, rcarry):
                        xf = xf_buf[pl.ds(j * L, L)]
                        for r in range(RCH):
                            dxv = dx_cur[r, pl.ds(j * L, L)]
                            dyv = dy_cur[r, pl.ds(j * L, L)]
                            wv = w_cur[r, pl.ds(j * L, L)]
                            vx = (xf + R * dxv + MAGIC) - MAGIC
                            vy = (yfs[r] + R * dyv + MAGIC) - MAGIC
                            vx = jnp.minimum(jnp.maximum(vx, 0.0), W - 1.0)
                            vy = jnp.minimum(jnp.maximum(vy, 0.0), H - 1.0)
                            idx = (lax.shift_left(vy.astype(jnp.int32), 9)
                                   + vx.astype(jnp.int32) + hist_off)
                            o = r * W + j * L
                            idx_cur[pl.ds(o, L)] = idx
                            w1_cur[pl.ds(o, L)] = wv
                        return rcarry

                    lax.fori_loop(0, W // L, vec_body, 0)
                    pltpu.async_copy(
                        w1_cur, hist.at[idx_cur], ssc_r[k], add=True)

            return carry

        lax.fori_loop(0, NCHUNK, chunk_body, 0)
        for sl in range(SLOTS):
            wait_scatter(sl)
        plsc.subcore_barrier()

        @pl.when(pidx + 1 < NPASS)
        def _next_pass_prefetch():
            fire_inputs(0, 0, bg=b_global + PASS_BATCHES)

        pass_out = (c * BATCHES_PER_CORE + pidx * PASS_BATCHES) * P
        pltpu.sync_copy(hist.at[pl.ds(myslice, SLICE)],
                        out_hbm.at[pl.ds(pass_out + myslice, SLICE)])
        return pcarry

    lax.fori_loop(0, NPASS, pass_body, 0)


def kernel(stem_keypoint_output, stem_offset_output):
    w3 = stem_keypoint_output.reshape(B, H, W)
    off3 = stem_offset_output.reshape(2 * B, H, W)
    mesh = plsc.VectorSubcoreMesh(core_axis_name="c", subcore_axis_name="s")
    out = pl.kernel(
        _body,
        out_type=jax.ShapeDtypeStruct((B * P,), jnp.float32),
        mesh=mesh,
        compiler_params=pltpu.CompilerParams(use_tc_tiling_on_sc=True),
        scratch_types=[
            pltpu.VMEM_SHARED((HIST,), jnp.float32),
            pltpu.VMEM((RCH, W), jnp.float32),
            pltpu.VMEM((RCH, W), jnp.float32),
            pltpu.VMEM((RCH, W), jnp.float32),
            pltpu.VMEM((RCH, W), jnp.float32),
            pltpu.VMEM((RCH, W), jnp.float32),
            pltpu.VMEM((RCH, W), jnp.float32),
            pltpu.VMEM((RCH, W), jnp.float32),
            pltpu.VMEM((RCH, W), jnp.float32),
            pltpu.VMEM((RCH, W), jnp.float32),
            pltpu.VMEM((CH,), jnp.float32),
            pltpu.VMEM((CH,), jnp.float32),
            pltpu.VMEM((CH,), jnp.float32),
            pltpu.VMEM((CH,), jnp.int32),
            pltpu.VMEM((CH,), jnp.int32),
            pltpu.VMEM((CH,), jnp.int32),
            pltpu.VMEM((ZB,), jnp.float32),
            pltpu.VMEM((W,), jnp.float32),
            pltpu.SemaphoreType.DMA,
            pltpu.SemaphoreType.DMA,
            pltpu.SemaphoreType.DMA,
            pltpu.SemaphoreType.DMA,
            pltpu.SemaphoreType.DMA,
            pltpu.SemaphoreType.DMA,
        ],
    )(w3, off3)
    return out.reshape(B, H, W)

# --- scband reference (transcript-rebuilt; emitter-appended) ---
"""Pipeline reference for scband-stem-voting-28784870817793 (READ-ONLY COPY).

The authoritative reference and input builder live on the scoring server;
editing this copy changes nothing except your own understanding.
"""

import jax, jax.numpy as jnp
import numpy as np

INPUT_WIDTH = 512
INPUT_HEIGHT = 512
KEYPOINT_RADIUS = 10.0
BATCH = 16


def setup_inputs(seed: int = 0) -> dict:
    key = jax.random.key(seed)
    k1, k2 = jax.random.split(key)
    stem_keypoint_output = jax.random.uniform(k1, (BATCH, 1, INPUT_HEIGHT, INPUT_WIDTH), dtype=jnp.float32)
    stem_offset_output = jax.random.normal(k2, (BATCH, 2, INPUT_HEIGHT, INPUT_WIDTH), dtype=jnp.float32)
    return {"stem_keypoint_output": stem_keypoint_output, "stem_offset_output": stem_offset_output}


def reference(stem_keypoint_output, stem_offset_output):
    W = INPUT_WIDTH
    H = INPUT_HEIGHT
    B = stem_keypoint_output.shape[0]
    xs = jnp.arange(W, dtype=jnp.float32).reshape(1, -1)
    ys = jnp.arange(H, dtype=jnp.float32).reshape(-1, 1)
    # Each pixel casts a vote at (x + r*dx, y + r*dy), rounded and clamped.
    votes_xs = jnp.round(xs + KEYPOINT_RADIUS * stem_offset_output[:, 0])
    votes_ys = jnp.round(ys + KEYPOINT_RADIUS * stem_offset_output[:, 1])
    votes_xs = jnp.clip(votes_xs.astype(jnp.int32), 0, W - 1)  # [B, H, W]
    votes_ys = jnp.clip(votes_ys.astype(jnp.int32), 0, H - 1)  # [B, H, W]
    weights = stem_keypoint_output[:, 0]  # [B, H, W] keypoint confidence
    # cast_votes: scatter-add confidence into per-batch 2D vote histogram
    flat = votes_ys * W + votes_xs  # [B, H, W]
    b_idx = jnp.arange(B, dtype=jnp.int32).reshape(B, 1, 1)
    glob = (b_idx * (H * W) + flat).reshape(-1)
    vote_img = jnp.zeros((B * H * W,), dtype=weights.dtype).at[glob].add(weights.reshape(-1))
    return vote_img.reshape(B, H, W)

if __name__ == "__main__":
    import jax
    _d = setup_inputs()
    print(jax.jit(kernel)(*tuple(_d.values())))

</pallas_src>

<mosaic_0001>
#map = affine_map<(d0, d1) -> (0, 0, 0)>
#map1 = affine_map<(d0, d1) -> (0)>
module attributes {stable_mosaic.version = 14 : i64} {
  func.func @_body(%arg0: i32, %arg1: i32, %arg2: memref<16x512x512xf32, #tpu.memory_space<hbm>>, %arg3: memref<32x512x512xf32, #tpu.memory_space<hbm>>, %arg4: memref<4194304xf32, #tpu.memory_space<hbm>>, %arg5: memref<1048576xf32, #tpu.memory_space<vmem_shared>>, %arg6: memref<8x512xf32, #tpu.memory_space<vmem>>, %arg7: memref<8x512xf32, #tpu.memory_space<vmem>>, %arg8: memref<8x512xf32, #tpu.memory_space<vmem>>, %arg9: memref<8x512xf32, #tpu.memory_space<vmem>>, %arg10: memref<8x512xf32, #tpu.memory_space<vmem>>, %arg11: memref<8x512xf32, #tpu.memory_space<vmem>>, %arg12: memref<8x512xf32, #tpu.memory_space<vmem>>, %arg13: memref<8x512xf32, #tpu.memory_space<vmem>>, %arg14: memref<8x512xf32, #tpu.memory_space<vmem>>, %arg15: memref<4096xf32, #tpu.memory_space<vmem>>, %arg16: memref<4096xf32, #tpu.memory_space<vmem>>, %arg17: memref<4096xf32, #tpu.memory_space<vmem>>, %arg18: memref<4096xi32, #tpu.memory_space<vmem>>, %arg19: memref<4096xi32, #tpu.memory_space<vmem>>, %arg20: memref<4096xi32, #tpu.memory_space<vmem>>, %arg21: memref<2048xf32, #tpu.memory_space<vmem>>, %arg22: memref<512xf32, #tpu.memory_space<vmem>>, %arg23: memref<!tpu.dma_semaphore, #tpu.memory_space<semaphore_mem>>, %arg24: memref<!tpu.dma_semaphore, #tpu.memory_space<semaphore_mem>>, %arg25: memref<!tpu.dma_semaphore, #tpu.memory_space<semaphore_mem>>, %arg26: memref<!tpu.dma_semaphore, #tpu.memory_space<semaphore_mem>>, %arg27: memref<!tpu.dma_semaphore, #tpu.memory_space<semaphore_mem>>, %arg28: memref<!tpu.dma_semaphore, #tpu.memory_space<semaphore_mem>>) attributes {dimension_semantics = [#tpu.dimension_semantics<core_parallel>, #tpu.dimension_semantics<subcore_parallel>], iteration_bounds = array<i64: 2, 16>, scalar_prefetch = 0 : i64, scratch_operands = 24 : i64, tpu.core_type = #tpu.core_type<sc_vector_subcore>, window_params = [{transform_indices = #map}, {transform_indices = #map}, {transform_indices = #map1}]} {
    %jit3A = arith.constant 4 : i32
    %div3A = arith.divsi %arg1, %jit3A : i32
    %sign3A = arith.constant 0 : i32
    %sign3A_0 = arith.cmpi sgt, %arg1, %sign3A : i32
    %sign3A_1 = arith.extui %sign3A_0 : i1 to i32
    %sign3A_2 = arith.constant 0 : i32
    %sign3A_3 = arith.cmpi slt, %arg1, %sign3A_2 : i32
    %sign3A_4 = arith.extui %sign3A_3 : i1 to i32
    %sign3A_5 = arith.subi %sign3A_1, %sign3A_4 : i32
    %sign3A_6 = arith.constant 0 : i32
    %sign3A_7 = arith.cmpi sgt, %jit3A, %sign3A_6 : i32
    %sign3A_8 = arith.extui %sign3A_7 : i1 to i32
    %sign3A_9 = arith.constant 0 : i32
    %sign3A_10 = arith.cmpi slt, %jit3A, %sign3A_9 : i32
    %sign3A_11 = arith.extui %sign3A_10 : i1 to i32
    %sign3A_12 = arith.subi %sign3A_8, %sign3A_11 : i32
    %ne3A = arith.cmpi ne, %sign3A_5, %sign3A_12 : i32
    %rem3A = arith.remsi %arg1, %jit3A : i32
    %ne3A_13 = arith.constant 0 : i32
    %ne3A_14 = arith.cmpi ne, %rem3A, %ne3A_13 : i32
    %and3A = arith.andi %ne3A, %ne3A_14 : i1
    %sub3A = arith.constant 1 : i32
    %sub3A_15 = arith.subi %div3A, %sub3A : i32
    %select_n3A = arith.select %and3A, %sub3A_15, %div3A : i32
    %jit3A_16 = arith.constant 4 : i32
    %eq3A = arith.constant 0 : i32
    %eq3A_17 = arith.cmpi eq, %jit3A_16, %eq3A : i32
    %jit3A_18 = arith.constant 1 : i32
    %select_n3A_19 = arith.select %eq3A_17, %jit3A_18, %jit3A_16 : i32
    %rem3A_20 = arith.remsi %arg1, %select_n3A_19 : i32
    %ne3A_21 = arith.constant 0 : i32
    %ne3A_22 = arith.cmpi ne, %rem3A_20, %ne3A_21 : i32
    %lt3A = arith.constant 0 : i32
    %lt3A_23 = arith.cmpi slt, %rem3A_20, %lt3A : i32
    %lt3A_24 = arith.constant 0 : i32
    %lt3A_25 = arith.cmpi slt, %select_n3A_19, %lt3A_24 : i32
    %ne3A_26 = arith.xori %lt3A_23, %lt3A_25 : i1
    %and3A_27 = arith.andi %ne3A_26, %ne3A_22 : i1
    %add3A = arith.addi %rem3A_20, %select_n3A_19 : i32
    %select_n3A_28 = arith.select %and3A_27, %add3A, %rem3A_20 : i32
    %mul3A = arith.constant 128 : i32
    %mul3A_29 = arith.muli %select_n3A_28, %mul3A : i32
    %mul3A_30 = arith.constant 65536 : i32
    %mul3A_31 = arith.muli %arg1, %mul3A_30 : i32
    %iota3A = tpu.iota {dimensions = array<i32: 0>} : vector<16xi32>
    %scan3A = arith.constant 0 : i32
    %scan3A_32 = arith.constant 0 : i32
    %scan3A_33 = arith.constant 128 : i32
    %scan3A_34 = arith.addi %scan3A_32, %scan3A_33 : i32
    %scan3A_35 = arith.constant 1 : i32
    scf.for %scan3A_75 = %scan3A_32 to %scan3A_34 step %scan3A_35  : i32 {
      %broadcast_in_dim3A = arith.constant 0.000000e+00 : f32
      %broadcast_in_dim3A_76 = vector.broadcast %broadcast_in_dim3A : f32 to vector<16xf32>
      %mul3A_77 = arith.constant 16 : i32
      %mul3A_78 = arith.muli %scan3A_75, %mul3A_77 : i32
      %swap3A = arith.index_cast %mul3A_78 : i32 to index
      %swap3A_79 = tpu.vector_load %arg21[%swap3A] {strides = array<i32>} : memref<2048xf32, #tpu.memory_space<vmem>>, vector<16xf32>,
      %swap3A_80 = vector.shape_cast %swap3A_79 : vector<16xf32> to vector<16xf32>
      %swap3A_81 = vector.shape_cast %broadcast_in_dim3A_76 : vector<16xf32> to vector<16xf32>
      tpu.vector_store %arg21[%swap3A], %swap3A_81 {strides = array<i32>} : memref<2048xf32, #tpu.memory_space<vmem>>, vector<16xf32>,
    }
    %scan3A_36 = arith.constant 128 : i32
    %scan3A_37 = arith.constant 0 : i32
    %scan3A_38 = arith.constant 0 : i32
    %scan3A_39 = arith.constant 32 : i32
    %scan3A_40 = arith.addi %scan3A_38, %scan3A_39 : i32
    %scan3A_41 = arith.constant 1 : i32
    scf.for %scan3A_75 = %scan3A_38 to %scan3A_40 step %scan3A_41  : i32 {
      %mul3A_76 = arith.constant 16 : i32
      %mul3A_77 = arith.muli %scan3A_75, %mul3A_76 : i32
      %add3A_78 = vector.broadcast %mul3A_77 : i32 to vector<16xi32>
      %add3A_79 = arith.addi %iota3A, %add3A_78 : vector<16xi32>
      %convert_element_type3A = arith.sitofp %add3A_79 : vector<16xi32> to vector<16xf32>
      %mul3A_80 = arith.constant 16 : i32
      %mul3A_81 = arith.muli %scan3A_75, %mul3A_80 : i32
      %swap3A = arith.index_cast %mul3A_81 : i32 to index
      %swap3A_82 = tpu.vector_load %arg22[%swap3A] {strides = array<i32>} : memref<512xf32, #tpu.memory_space<vmem>>, vector<16xf32>,
      %swap3A_83 = vector.shape_cast %swap3A_82 : vector<16xf32> to vector<16xf32>
      %swap3A_84 = vector.shape_cast %convert_element_type3A : vector<16xf32> to vector<16xf32>
      tpu.vector_store %arg22[%swap3A], %swap3A_84 {strides = array<i32>} : memref<512xf32, #tpu.memory_space<vmem>>, vector<16xf32>,
    }
    %scan3A_42 = arith.constant 32 : i32
    %mul3A_43 = arith.constant 8 : i32
    %mul3A_44 = arith.muli %arg0, %mul3A_43 : i32
    %add3A_45 = arith.addi %mul3A_44, %select_n3A : i32
    %dma_start3A = arith.constant 0 : i32
    %dma_start3A_46 = tpu.memref_slice %arg2[%add3A_45, %mul3A_29, %dma_start3A] : memref<16x512x512xf32, #tpu.memory_space<hbm>> -> memref<1x8x512xf32, #tpu.memory_space<hbm>>
    %dma_start3A_47 = tpu.memref_squeeze %dma_start3A_46 : memref<1x8x512xf32, #tpu.memory_space<hbm>> -> memref<8x512xf32, #tpu.memory_space<hbm>>
    %dma_start3A_48 = arith.constant 0 : i32
    %dma_start3A_49 = tpu.memref_slice %arg2[%add3A_45, %mul3A_29, %dma_start3A_48] : memref<16x512x512xf32, #tpu.memory_space<hbm>> -> memref<1x8x512xf32, #tpu.memory_space<hbm>>
    %dma_start3A_50 = tpu.memref_squeeze %dma_start3A_49 : memref<1x8x512xf32, #tpu.memory_space<hbm>> -> memref<8x512xf32, #tpu.memory_space<hbm>>
    tpu.enqueue_dma source(%dma_start3A_50 : memref<8x512xf32, #tpu.memory_space<hbm>>) target(%arg12 : memref<8x512xf32, #tpu.memory_space<vmem>>) target_semaphore(%arg23 : memref<!tpu.dma_semaphore, #tpu.memory_space<semaphore_mem>>)
    %mul3A_51 = arith.constant 2 : i32
    %mul3A_52 = arith.muli %mul3A_51, %add3A_45 : i32
    %dma_start3A_53 = arith.constant 0 : i32
    %dma_start3A_54 = tpu.memref_slice %arg3[%mul3A_52, %mul3A_29, %dma_start3A_53] : memref<32x512x512xf32, #tpu.memory_space<hbm>> -> memref<1x8x512xf32, #tpu.memory_space<hbm>>
    %dma_start3A_55 = tpu.memref_squeeze %dma_start3A_54 : memref<1x8x512xf32, #tpu.memory_space<hbm>> -> memref<8x512xf32, #tpu.memory_space<hbm>>
    %dma_start3A_56 = arith.constant 0 : i32
    %dma_start3A_57 = tpu.memref_slice %arg3[%mul3A_52, %mul3A_29, %dma_start3A_56] : memref<32x512x512xf32, #tpu.memory_space<hbm>> -> memref<1x8x512xf32, #tpu.memory_space<hbm>>
    %dma_start3A_58 = tpu.memref_squeeze %dma_start3A_57 : memref<1x8x512xf32, #tpu.memory_space<hbm>> -> memref<8x512xf32, #tpu.memory_space<hbm>>
    tpu.enqueue_dma source(%dma_start3A_58 : memref<8x512xf32, #tpu.memory_space<hbm>>) target(%arg6 : memref<8x512xf32, #tpu.memory_space<vmem>>) target_semaphore(%arg23 : memref<!tpu.dma_semaphore, #tpu.memory_space<semaphore_mem>>)
    %mul3A_59 = arith.constant 2 : i32
    %mul3A_60 = arith.muli %mul3A_59, %add3A_45 : i32
    %add3A_61 = arith.constant 1 : i32
    %add3A_62 = arith.addi %mul3A_60, %add3A_61 : i32
    %dma_start3A_63 = arith.constant 0 : i32
    %dma_start3A_64 = tpu.memref_slice %arg3[%add3A_62, %mul3A_29, %dma_start3A_63] : memref<32x512x512xf32, #tpu.memory_space<hbm>> -> memref<1x8x512xf32, #tpu.memory_space<hbm>>
    %dma_start3A_65 = tpu.memref_squeeze %dma_start3A_64 : memref<1x8x512xf32, #tpu.memory_space<hbm>> -> memref<8x512xf32, #tpu.memory_space<hbm>>
    %dma_start3A_66 = arith.constant 0 : i32
    %dma_start3A_67 = tpu.memref_slice %arg3[%add3A_62, %mul3A_29, %dma_start3A_66] : memref<32x512x512xf32, #tpu.memory_space<hbm>> -> memref<1x8x512xf32, #tpu.memory_space<hbm>>
    %dma_start3A_68 = tpu.memref_squeeze %dma_start3A_67 : memref<1x8x512xf32, #tpu.memory_space<hbm>> -> memref<8x512xf32, #tpu.memory_space<hbm>>
    tpu.enqueue_dma source(%dma_start3A_68 : memref<8x512xf32, #tpu.memory_space<hbm>>) target(%arg9 : memref<8x512xf32, #tpu.memory_space<vmem>>) target_semaphore(%arg23 : memref<!tpu.dma_semaphore, #tpu.memory_space<semaphore_mem>>)
    %scan3A_69 = arith.constant 0 : i32
    %scan3A_70 = arith.constant 0 : i32
    %scan3A_71 = arith.constant 2 : i32
    %scan3A_72 = arith.addi %scan3A_70, %scan3A_71 : i32
    %scan3A_73 = arith.constant 1 : i32
    scf.for %scan3A_75 = %scan3A_70 to %scan3A_72 step %scan3A_73  : i32 {
      %mul3A_76 = arith.constant 8 : i32
      %mul3A_77 = arith.muli %arg0, %mul3A_76 : i32
      %mul3A_78 = arith.constant 4 : i32
      %mul3A_79 = arith.muli %scan3A_75, %mul3A_78 : i32
      %add3A_80 = arith.addi %mul3A_77, %mul3A_79 : i32
      %add3A_81 = arith.addi %add3A_80, %select_n3A : i32
      %add3A_82 = arith.constant 0 : i32
      %add3A_83 = arith.addi %mul3A_31, %add3A_82 : i32
      %dma_start3A_84 = tpu.memref_slice %arg5[%add3A_83] : memref<1048576xf32, #tpu.memory_space<vmem_shared>> -> memref<2048xf32, #tpu.memory_space<vmem_shared>>
      %dma_start3A_85 = tpu.memref_slice %arg5[%add3A_83] : memref<1048576xf32, #tpu.memory_space<vmem_shared>> -> memref<2048xf32, #tpu.memory_space<vmem_shared>>
      tpu.enqueue_dma source(%arg21 : memref<2048xf32, #tpu.memory_space<vmem>>) target(%dma_start3A_85 : memref<2048xf32, #tpu.memory_space<vmem_shared>>) target_semaphore(%arg26 : memref<!tpu.dma_semaphore, #tpu.memory_space<semaphore_mem>>)
      %add3A_86 = arith.constant 2048 : i32
      %add3A_87 = arith.addi %mul3A_31, %add3A_86 : i32
      %dma_start3A_88 = tpu.memref_slice %arg5[%add3A_87] : memref<1048576xf32, #tpu.memory_space<vmem_shared>> -> memref<2048xf32, #tpu.memory_space<vmem_shared>>
      %dma_start3A_89 = tpu.memref_slice %arg5[%add3A_87] : memref<1048576xf32, #tpu.memory_space<vmem_shared>> -> memref<2048xf32, #tpu.memory_space<vmem_shared>>
      tpu.enqueue_dma source(%arg21 : memref<2048xf32, #tpu.memory_space<vmem>>) target(%dma_start3A_89 : memref<2048xf32, #tpu.memory_space<vmem_shared>>) target_semaphore(%arg26 : memref<!tpu.dma_semaphore, #tpu.memory_space<semaphore_mem>>)
      %add3A_90 = arith.constant 4096 : i32
      %add3A_91 = arith.addi %mul3A_31, %add3A_90 : i32
      %dma_start3A_92 = tpu.memref_slice %arg5[%add3A_91] : memref<1048576xf32, #tpu.memory_space<vmem_shared>> -> memref<2048xf32, #tpu.memory_space<vmem_shared>>
      %dma_start3A_93 = tpu.memref_slice %arg5[%add3A_91] : memref<1048576xf32, #tpu.memory_space<vmem_shared>> -> memref<2048xf32, #tpu.memory_space<vmem_shared>>
      tpu.enqueue_dma source(%arg21 : memref<2048xf32, #tpu.memory_space<vmem>>) target(%dma_start3A_93 : memref<2048xf32, #tpu.memory_space<vmem_shared>>) target_semaphore(%arg26 : memref<!tpu.dma_semaphore, #tpu.memory_space<semaphore_mem>>)
      %add3A_94 = arith.constant 6144 : i32
      %add3A_95 = arith.addi %mul3A_31, %add3A_94 : i32
      %dma_start3A_96 = tpu.memref_slice %arg5[%add3A_95] : memref<1048576xf32, #tpu.memory_space<vmem_shared>> -> memref<2048xf32, #tpu.memory_space<vmem_shared>>
      %dma_start3A_97 = tpu.memref_slice %arg5[%add3A_95] : memref<1048576xf32, #tpu.memory_space<vmem_shared>> -> memref<2048xf32, #tpu.memory_space<vmem_shared>>
      tpu.enqueue_dma source(%arg21 : memref<2048xf32, #tpu.memory_space<vmem>>) target(%dma_start3A_97 : memref<2048xf32, #tpu.memory_space<vmem_shared>>) target_semaphore(%arg26 : memref<!tpu.dma_semaphore, #tpu.memory_space<semaphore_mem>>)
      %add3A_98 = arith.constant 8192 : i32
      %add3A_99 = arith.addi %mul3A_31, %add3A_98 : i32
      %dma_start3A_100 = tpu.memref_slice %arg5[%add3A_99] : memref<1048576xf32, #tpu.memory_space<vmem_shared>> -> memref<2048xf32, #tpu.memory_space<vmem_shared>>
      %dma_start3A_101 = tpu.memref_slice %arg5[%add3A_99] : memref<1048576xf32, #tpu.memory_space<vmem_shared>> -> memref<2048xf32, #tpu.memory_space<vmem_shared>>
      tpu.enqueue_dma source(%arg21 : memref<2048xf32, #tpu.memory_space<vmem>>) target(%dma_start3A_101 : memref<2048xf32, #tpu.memory_space<vmem_shared>>) target_semaphore(%arg26 : memref<!tpu.dma_semaphore, #tpu.memory_space<semaphore_mem>>)
      %add3A_102 = arith.constant 10240 : i32
      %add3A_103 = arith.addi %mul3A_31, %add3A_102 : i32
      %dma_start3A_104 = tpu.memref_slice %arg5[%add3A_103] : memref<1048576xf32, #tpu.memory_space<vmem_shared>> -> memref<2048xf32, #tpu.memory_space<vmem_shared>>
      %dma_start3A_105 = tpu.memref_slice %arg5[%add3A_103] : memref<1048576xf32, #tpu.memory_space<vmem_shared>> -> memref<2048xf32, #tpu.memory_space<vmem_shared>>
      tpu.enqueue_dma source(%arg21 : memref<2048xf32, #tpu.memory_space<vmem>>) target(%dma_start3A_105 : memref<2048xf32, #tpu.memory_space<vmem_shared>>) target_semaphore(%arg26 : memref<!tpu.dma_semaphore, #tpu.memory_space<semaphore_mem>>)
      %add3A_106 = arith.constant 12288 : i32
      %add3A_107 = arith.addi %mul3A_31, %add3A_106 : i32
      %dma_start3A_108 = tpu.memref_slice %arg5[%add3A_107] : memref<1048576xf32, #tpu.memory_space<vmem_shared>> -> memref<2048xf32, #tpu.memory_space<vmem_shared>>
      %dma_start3A_109 = tpu.memref_slice %arg5[%add3A_107] : memref<1048576xf32, #tpu.memory_space<vmem_shared>> -> memref<2048xf32, #tpu.memory_space<vmem_shared>>
      tpu.enqueue_dma source(%arg21 : memref<2048xf32, #tpu.memory_space<vmem>>) target(%dma_start3A_109 : memref<2048xf32, #tpu.memory_space<vmem_shared>>) target_semaphore(%arg26 : memref<!tpu.dma_semaphore, #tpu.memory_space<semaphore_mem>>)
      %add3A_110 = arith.constant 14336 : i32
      %add3A_111 = arith.addi %mul3A_31, %add3A_110 : i32
      %dma_start3A_112 = tpu.memref_slice %arg5[%add3A_111] : memref<1048576xf32, #tpu.memory_space<vmem_shared>> -> memref<2048xf32, #tpu.memory_space<vmem_shared>>
      %dma_start3A_113 = tpu.memref_slice %arg5[%add3A_111] : memref<1048576xf32, #tpu.memory_space<vmem_shared>> -> memref<2048xf32, #tpu.memory_space<vmem_shared>>
      tpu.enqueue_dma source(%arg21 : memref<2048xf32, #tpu.memory_space<vmem>>) target(%dma_start3A_113 : memref<2048xf32, #tpu.memory_space<vmem_shared>>) target_semaphore(%arg26 : memref<!tpu.dma_semaphore, #tpu.memory_space<semaphore_mem>>)
      %add3A_114 = arith.constant 16384 : i32
      %add3A_115 = arith.addi %mul3A_31, %add3A_114 : i32
      %dma_start3A_116 = tpu.memref_slice %arg5[%add3A_115] : memref<1048576xf32, #tpu.memory_space<vmem_shared>> -> memref<2048xf32, #tpu.memory_space<vmem_shared>>
      %dma_start3A_117 = tpu.memref_slice %arg5[%add3A_115] : memref<1048576xf32, #tpu.memory_space<vmem_shared>> -> memref<2048xf32, #tpu.memory_space<vmem_shared>>
      tpu.enqueue_dma source(%arg21 : memref<2048xf32, #tpu.memory_space<vmem>>) target(%dma_start3A_117 : memref<2048xf32, #tpu.memory_space<vmem_shared>>) target_semaphore(%arg26 : memref<!tpu.dma_semaphore, #tpu.memory_space<semaphore_mem>>)
      %add3A_118 = arith.constant 18432 : i32
      %add3A_119 = arith.addi %mul3A_31, %add3A_118 : i32
      %dma_start3A_120 = tpu.memref_slice %arg5[%add3A_119] : memref<1048576xf32, #tpu.memory_space<vmem_shared>> -> memref<2048xf32, #tpu.memory_space<vmem_shared>>
      %dma_start3A_121 = tpu.memref_slice %arg5[%add3A_119] : memref<1048576xf32, #tpu.memory_space<vmem_shared>> -> memref<2048xf32, #tpu.memory_space<vmem_shared>>
      tpu.enqueue_dma source(%arg21 : memref<2048xf32, #tpu.memory_space<vmem>>) target(%dma_start3A_121 : memref<2048xf32, #tpu.memory_space<vmem_shared>>) target_semaphore(%arg26 : memref<!tpu.dma_semaphore, #tpu.memory_space<semaphore_mem>>)
      %add3A_122 = arith.constant 20480 : i32
      %add3A_123 = arith.addi %mul3A_31, %add3A_122 : i32
      %dma_start3A_124 = tpu.memref_slice %arg5[%add3A_123] : memref<1048576xf32, #tpu.memory_space<vmem_shared>> -> memref<2048xf32, #tpu.memory_space<vmem_shared>>
      %dma_start3A_125 = tpu.memref_slice %arg5[%add3A_123] : memref<1048576xf32, #tpu.memory_space<vmem_shared>> -> memref<2048xf32, #tpu.memory_space<vmem_shared>>
      tpu.enqueue_dma source(%arg21 : memref<2048xf32, #tpu.memory_space<vmem>>) target(%dma_start3A_125 : memref<2048xf32, #tpu.memory_space<vmem_shared>>) target_semaphore(%arg26 : memref<!tpu.dma_semaphore, #tpu.memory_space<semaphore_mem>>)
      %add3A_126 = arith.constant 22528 : i32
      %add3A_127 = arith.addi %mul3A_31, %add3A_126 : i32
      %dma_start3A_128 = tpu.memref_slice %arg5[%add3A_127] : memref<1048576xf32, #tpu.memory_space<vmem_shared>> -> memref<2048xf32, #tpu.memory_space<vmem_shared>>
      %dma_start3A_129 = tpu.memref_slice %arg5[%add3A_127] : memref<1048576xf32, #tpu.memory_space<vmem_shared>> -> memref<2048xf32, #tpu.memory_space<vmem_shared>>
      tpu.enqueue_dma source(%arg21 : memref<2048xf32, #tpu.memory_space<vmem>>) target(%dma_start3A_129 : memref<2048xf32, #tpu.memory_space<vmem_shared>>) target_semaphore(%arg26 : memref<!tpu.dma_semaphore, #tpu.memory_space<semaphore_mem>>)
      %add3A_130 = arith.constant 24576 : i32
      %add3A_131 = arith.addi %mul3A_31, %add3A_130 : i32
      %dma_start3A_132 = tpu.memref_slice %arg5[%add3A_131] : memref<1048576xf32, #tpu.memory_space<vmem_shared>> -> memref<2048xf32, #tpu.memory_space<vmem_shared>>
      %dma_start3A_133 = tpu.memref_slice %arg5[%add3A_131] : memref<1048576xf32, #tpu.memory_space<vmem_shared>> -> memref<2048xf32, #tpu.memory_space<vmem_shared>>
      tpu.enqueue_dma source(%arg21 : memref<2048xf32, #tpu.memory_space<vmem>>) target(%dma_start3A_133 : memref<2048xf32, #tpu.memory_space<vmem_shared>>) target_semaphore(%arg26 : memref<!tpu.dma_semaphore, #tpu.memory_space<semaphore_mem>>)
      %add3A_134 = arith.constant 26624 : i32
      %add3A_135 = arith.addi %mul3A_31, %add3A_134 : i32
      %dma_start3A_136 = tpu.memref_slice %arg5[%add3A_135] : memref<1048576xf32, #tpu.memory_space<vmem_shared>> -> memref<2048xf32, #tpu.memory_space<vmem_shared>>
      %dma_start3A_137 = tpu.memref_slice %arg5[%add3A_135] : memref<1048576xf32, #tpu.memory_space<vmem_shared>> -> memref<2048xf32, #tpu.memory_space<vmem_shared>>
      tpu.enqueue_dma source(%arg21 : memref<2048xf32, #tpu.memory_space<vmem>>) target(%dma_start3A_137 : memref<2048xf32, #tpu.memory_space<vmem_shared>>) target_semaphore(%arg26 : memref<!tpu.dma_semaphore, #tpu.memory_space<semaphore_mem>>)
      %add3A_138 = arith.constant 28672 : i32
      %add3A_139 = arith.addi %mul3A_31, %add3A_138 : i32
      %dma_start3A_140 = tpu.memref_slice %arg5[%add3A_139] : memref<1048576xf32, #tpu.memory_space<vmem_shared>> -> memref<2048xf32, #tpu.memory_space<vmem_shared>>
      %dma_start3A_141 = tpu.memref_slice %arg5[%add3A_139] : memref<1048576xf32, #tpu.memory_space<vmem_shared>> -> memref<2048xf32, #tpu.memory_space<vmem_shared>>
      tpu.enqueue_dma source(%arg21 : memref<2048xf32, #tpu.memory_space<vmem>>) target(%dma_start3A_141 : memref<2048xf32, #tpu.memory_space<vmem_shared>>) target_semaphore(%arg26 : memref<!tpu.dma_semaphore, #tpu.memory_space<semaphore_mem>>)
      %add3A_142 = arith.constant 30720 : i32
      %add3A_143 = arith.addi %mul3A_31, %add3A_142 : i32
      %dma_start3A_144 = tpu.memref_slice %arg5[%add3A_143] : memref<1048576xf32, #tpu.memory_space<vmem_shared>> -> memref<2048xf32, #tpu.memory_space<vmem_shared>>
      %dma_start3A_145 = tpu.memref_slice %arg5[%add3A_143] : memref<1048576xf32, #tpu.memory_space<vmem_shared>> -> memref<2048xf32, #tpu.memory_space<vmem_shared>>
      tpu.enqueue_dma source(%arg21 : memref<2048xf32, #tpu.memory_space<vmem>>) target(%dma_start3A_145 : memref<2048xf32, #tpu.memory_space<vmem_shared>>) target_semaphore(%arg26 : memref<!tpu.dma_semaphore, #tpu.memory_space<semaphore_mem>>)
      %add3A_146 = arith.constant 32768 : i32
      %add3A_147 = arith.addi %mul3A_31, %add3A_146 : i32
      %dma_start3A_148 = tpu.memref_slice %arg5[%add3A_147] : memref<1048576xf32, #tpu.memory_space<vmem_shared>> -> memref<2048xf32, #tpu.memory_space<vmem_shared>>
      %dma_start3A_149 = tpu.memref_slice %arg5[%add3A_147] : memref<1048576xf32, #tpu.memory_space<vmem_shared>> -> memref<2048xf32, #tpu.memory_space<vmem_shared>>
      tpu.enqueue_dma source(%arg21 : memref<2048xf32, #tpu.memory_space<vmem>>) target(%dma_start3A_149 : memref<2048xf32, #tpu.memory_space<vmem_shared>>) target_semaphore(%arg26 : memref<!tpu.dma_semaphore, #tpu.memory_space<semaphore_mem>>)
      %add3A_150 = arith.constant 34816 : i32
      %add3A_151 = arith.addi %mul3A_31, %add3A_150 : i32
      %dma_start3A_152 = tpu.memref_slice %arg5[%add3A_151] : memref<1048576xf32, #tpu.memory_space<vmem_shared>> -> memref<2048xf32, #tpu.memory_space<vmem_shared>>
      %dma_start3A_153 = tpu.memref_slice %arg5[%add3A_151] : memref<1048576xf32, #tpu.memory_space<vmem_shared>> -> memref<2048xf32, #tpu.memory_space<vmem_shared>>
      tpu.enqueue_dma source(%arg21 : memref<2048xf32, #tpu.memory_space<vmem>>) target(%dma_start3A_153 : memref<2048xf32, #tpu.memory_space<vmem_shared>>) target_semaphore(%arg26 : memref<!tpu.dma_semaphore, #tpu.memory_space<semaphore_mem>>)
      %add3A_154 = arith.constant 36864 : i32
      %add3A_155 = arith.addi %mul3A_31, %add3A_154 : i32
      %dma_start3A_156 = tpu.memref_slice %arg5[%add3A_155] : memref<1048576xf32, #tpu.memory_space<vmem_shared>> -> memref<2048xf32, #tpu.memory_space<vmem_shared>>
      %dma_start3A_157 = tpu.memref_slice %arg5[%add3A_155] : memref<1048576xf32, #tpu.memory_space<vmem_shared>> -> memref<2048xf32, #tpu.memory_space<vmem_shared>>
      tpu.enqueue_dma source(%arg21 : memref<2048xf32, #tpu.memory_space<vmem>>) target(%dma_start3A_157 : memref<2048xf32, #tpu.memory_space<vmem_shared>>) target_semaphore(%arg26 : memref<!tpu.dma_semaphore, #tpu.memory_space<semaphore_mem>>)
      %add3A_158 = arith.constant 38912 : i32
      %add3A_159 = arith.addi %mul3A_31, %add3A_158 : i32
      %dma_start3A_160 = tpu.memref_slice %arg5[%add3A_159] : memref<1048576xf32, #tpu.memory_space<vmem_shared>> -> memref<2048xf32, #tpu.memory_space<vmem_shared>>
      %dma_start3A_161 = tpu.memref_slice %arg5[%add3A_159] : memref<1048576xf32, #tpu.memory_space<vmem_shared>> -> memref<2048xf32, #tpu.memory_space<vmem_shared>>
      tpu.enqueue_dma source(%arg21 : memref<2048xf32, #tpu.memory_space<vmem>>) target(%dma_start3A_161 : memref<2048xf32, #tpu.memory_space<vmem_shared>>) target_semaphore(%arg26 : memref<!tpu.dma_semaphore, #tpu.memory_space<semaphore_mem>>)
      %add3A_162 = arith.constant 40960 : i32
      %add3A_163 = arith.addi %mul3A_31, %add3A_162 : i32
      %dma_start3A_164 = tpu.memref_slice %arg5[%add3A_163] : memref<1048576xf32, #tpu.memory_space<vmem_shared>> -> memref<2048xf32, #tpu.memory_space<vmem_shared>>
      %dma_start3A_165 = tpu.memref_slice %arg5[%add3A_163] : memref<1048576xf32, #tpu.memory_space<vmem_shared>> -> memref<2048xf32, #tpu.memory_space<vmem_shared>>
      tpu.enqueue_dma source(%arg21 : memref<2048xf32, #tpu.memory_space<vmem>>) target(%dma_start3A_165 : memref<2048xf32, #tpu.memory_space<vmem_shared>>) target_semaphore(%arg26 : memref<!tpu.dma_semaphore, #tpu.memory_space<semaphore_mem>>)
      %add3A_166 = arith.constant 43008 : i32
      %add3A_167 = arith.addi %mul3A_31, %add3A_166 : i32
      %dma_start3A_168 = tpu.memref_slice %arg5[%add3A_167] : memref<1048576xf32, #tpu.memory_space<vmem_shared>> -> memref<2048xf32, #tpu.memory_space<vmem_shared>>
      %dma_start3A_169 = tpu.memref_slice %arg5[%add3A_167] : memref<1048576xf32, #tpu.memory_space<vmem_shared>> -> memref<2048xf32, #tpu.memory_space<vmem_shared>>
      tpu.enqueue_dma source(%arg21 : memref<2048xf32, #tpu.memory_space<vmem>>) target(%dma_start3A_169 : memref<2048xf32, #tpu.memory_space<vmem_shared>>) target_semaphore(%arg26 : memref<!tpu.dma_semaphore, #tpu.memory_space<semaphore_mem>>)
      %add3A_170 = arith.constant 45056 : i32
      %add3A_171 = arith.addi %mul3A_31, %add3A_170 : i32
      %dma_start3A_172 = tpu.memref_slice %arg5[%add3A_171] : memref<1048576xf32, #tpu.memory_space<vmem_shared>> -> memref<2048xf32, #tpu.memory_space<vmem_shared>>
      %dma_start3A_173 = tpu.memref_slice %arg5[%add3A_171] : memref<1048576xf32, #tpu.memory_space<vmem_shared>> -> memref<2048xf32, #tpu.memory_space<vmem_shared>>
      tpu.enqueue_dma source(%arg21 : memref<2048xf32, #tpu.memory_space<vmem>>) target(%dma_start3A_173 : memref<2048xf32, #tpu.memory_space<vmem_shared>>) target_semaphore(%arg26 : memref<!tpu.dma_semaphore, #tpu.memory_space<semaphore_mem>>)
      %add3A_174 = arith.constant 47104 : i32
      %add3A_175 = arith.addi %mul3A_31, %add3A_174 : i32
      %dma_start3A_176 = tpu.memref_slice %arg5[%add3A_175] : memref<1048576xf32, #tpu.memory_space<vmem_shared>> -> memref<2048xf32, #tpu.memory_space<vmem_shared>>
      %dma_start3A_177 = tpu.memref_slice %arg5[%add3A_175] : memref<1048576xf32, #tpu.memory_space<vmem_shared>> -> memref<2048xf32, #tpu.memory_space<vmem_shared>>
      tpu.enqueue_dma source(%arg21 : memref<2048xf32, #tpu.memory_space<vmem>>) target(%dma_start3A_177 : memref<2048xf32, #tpu.memory_space<vmem_shared>>) target_semaphore(%arg26 : memref<!tpu.dma_semaphore, #tpu.memory_space<semaphore_mem>>)
      %add3A_178 = arith.constant 49152 : i32
      %add3A_179 = arith.addi %mul3A_31, %add3A_178 : i32
      %dma_start3A_180 = tpu.memref_slice %arg5[%add3A_179] : memref<1048576xf32, #tpu.memory_space<vmem_shared>> -> memref<2048xf32, #tpu.memory_space<vmem_shared>>
      %dma_start3A_181 = tpu.memref_slice %arg5[%add3A_179] : memref<1048576xf32, #tpu.memory_space<vmem_shared>> -> memref<2048xf32, #tpu.memory_space<vmem_shared>>
      tpu.enqueue_dma source(%arg21 : memref<2048xf32, #tpu.memory_space<vmem>>) target(%dma_start3A_181 : memref<2048xf32, #tpu.memory_space<vmem_shared>>) target_semaphore(%arg26 : memref<!tpu.dma_semaphore, #tpu.memory_space<semaphore_mem>>)
      %add3A_182 = arith.constant 51200 : i32
      %add3A_183 = arith.addi %mul3A_31, %add3A_182 : i32
      %dma_start3A_184 = tpu.memref_slice %arg5[%add3A_183] : memref<1048576xf32, #tpu.memory_space<vmem_shared>> -> memref<2048xf32, #tpu.memory_space<vmem_shared>>
      %dma_start3A_185 = tpu.memref_slice %arg5[%add3A_183] : memref<1048576xf32, #tpu.memory_space<vmem_shared>> -> memref<2048xf32, #tpu.memory_space<vmem_shared>>
      tpu.enqueue_dma source(%arg21 : memref<2048xf32, #tpu.memory_space<vmem>>) target(%dma_start3A_185 : memref<2048xf32, #tpu.memory_space<vmem_shared>>) target_semaphore(%arg26 : memref<!tpu.dma_semaphore, #tpu.memory_space<semaphore_mem>>)
      %add3A_186 = arith.constant 53248 : i32
      %add3A_187 = arith.addi %mul3A_31, %add3A_186 : i32
      %dma_start3A_188 = tpu.memref_slice %arg5[%add3A_187] : memref<1048576xf32, #tpu.memory_space<vmem_shared>> -> memref<2048xf32, #tpu.memory_space<vmem_shared>>
      %dma_start3A_189 = tpu.memref_slice %arg5[%add3A_187] : memref<1048576xf32, #tpu.memory_space<vmem_shared>> -> memref<2048xf32, #tpu.memory_space<vmem_shared>>
      tpu.enqueue_dma source(%arg21 : memref<2048xf32, #tpu.memory_space<vmem>>) target(%dma_start3A_189 : memref<2048xf32, #tpu.memory_space<vmem_shared>>) target_semaphore(%arg26 : memref<!tpu.dma_semaphore, #tpu.memory_space<semaphore_mem>>)
      %add3A_190 = arith.constant 55296 : i32
      %add3A_191 = arith.addi %mul3A_31, %add3A_190 : i32
      %dma_start3A_192 = tpu.memref_slice %arg5[%add3A_191] : memref<1048576xf32, #tpu.memory_space<vmem_shared>> -> memref<2048xf32, #tpu.memory_space<vmem_shared>>
      %dma_start3A_193 = tpu.memref_slice %arg5[%add3A_191] : memref<1048576xf32, #tpu.memory_space<vmem_shared>> -> memref<2048xf32, #tpu.memory_space<vmem_shared>>
      tpu.enqueue_dma source(%arg21 : memref<2048xf32, #tpu.memory_space<vmem>>) target(%dma_start3A_193 : memref<2048xf32, #tpu.memory_space<vmem_shared>>) target_semaphore(%arg26 : memref<!tpu.dma_semaphore, #tpu.memory_space<semaphore_mem>>)
      %add3A_194 = arith.constant 57344 : i32
      %add3A_195 = arith.addi %mul3A_31, %add3A_194 : i32
      %dma_start3A_196 = tpu.memref_slice %arg5[%add3A_195] : memref<1048576xf32, #tpu.memory_space<vmem_shared>> -> memref<2048xf32, #tpu.memory_space<vmem_shared>>
      %dma_start3A_197 = tpu.memref_slice %arg5[%add3A_195] : memref<1048576xf32, #tpu.memory_space<vmem_shared>> -> memref<2048xf32, #tpu.memory_space<vmem_shared>>
      tpu.enqueue_dma source(%arg21 : memref<2048xf32, #tpu.memory_space<vmem>>) target(%dma_start3A_197 : memref<2048xf32, #tpu.memory_space<vmem_shared>>) target_semaphore(%arg26 : memref<!tpu.dma_semaphore, #tpu.memory_space<semaphore_mem>>)
      %add3A_198 = arith.constant 59392 : i32
      %add3A_199 = arith.addi %mul3A_31, %add3A_198 : i32
      %dma_start3A_200 = tpu.memref_slice %arg5[%add3A_199] : memref<1048576xf32, #tpu.memory_space<vmem_shared>> -> memref<2048xf32, #tpu.memory_space<vmem_shared>>
      %dma_start3A_201 = tpu.memref_slice %arg5[%add3A_199] : memref<1048576xf32, #tpu.memory_space<vmem_shared>> -> memref<2048xf32, #tpu.memory_space<vmem_shared>>
      tpu.enqueue_dma source(%arg21 : memref<2048xf32, #tpu.memory_space<vmem>>) target(%dma_start3A_201 : memref<2048xf32, #tpu.memory_space<vmem_shared>>) target_semaphore(%arg26 : memref<!tpu.dma_semaphore, #tpu.memory_space<semaphore_mem>>)
      %add3A_202 = arith.constant 61440 : i32
      %add3A_203 = arith.addi %mul3A_31, %add3A_202 : i32
      %dma_start3A_204 = tpu.memref_slice %arg5[%add3A_203] : memref<1048576xf32, #tpu.memory_space<vmem_shared>> -> memref<2048xf32, #tpu.memory_space<vmem_shared>>
      %dma_start3A_205 = tpu.memref_slice %arg5[%add3A_203] : memref<1048576xf32, #tpu.memory_space<vmem_shared>> -> memref<2048xf32, #tpu.memory_space<vmem_shared>>
      tpu.enqueue_dma source(%arg21 : memref<2048xf32, #tpu.memory_space<vmem>>) target(%dma_start3A_205 : memref<2048xf32, #tpu.memory_space<vmem_shared>>) target_semaphore(%arg26 : memref<!tpu.dma_semaphore, #tpu.memory_space<semaphore_mem>>)
      %add3A_206 = arith.constant 63488 : i32
      %add3A_207 = arith.addi %mul3A_31, %add3A_206 : i32
      %dma_start3A_208 = tpu.memref_slice %arg5[%add3A_207] : memref<1048576xf32, #tpu.memory_space<vmem_shared>> -> memref<2048xf32, #tpu.memory_space<vmem_shared>>
      %dma_start3A_209 = tpu.memref_slice %arg5[%add3A_207] : memref<1048576xf32, #tpu.memory_space<vmem_shared>> -> memref<2048xf32, #tpu.memory_space<vmem_shared>>
      tpu.enqueue_dma source(%arg21 : memref<2048xf32, #tpu.memory_space<vmem>>) target(%dma_start3A_209 : memref<2048xf32, #tpu.memory_space<vmem_shared>>) target_semaphore(%arg26 : memref<!tpu.dma_semaphore, #tpu.memory_space<semaphore_mem>>)
      %add3A_210 = arith.constant 0 : i32
      %add3A_211 = arith.addi %mul3A_31, %add3A_210 : i32
      %dma_wait3A = tpu.memref_slice %arg5[%add3A_211] : memref<1048576xf32, #tpu.memory_space<vmem_shared>> -> memref<2048xf32, #tpu.memory_space<vmem_shared>>
      %dma_wait3A_212 = tpu.memref_slice %arg5[%add3A_211] : memref<1048576xf32, #tpu.memory_space<vmem_shared>> -> memref<2048xf32, #tpu.memory_space<vmem_shared>>
      tpu.wait_dma2 semaphore(%arg26 : memref<!tpu.dma_semaphore, #tpu.memory_space<semaphore_mem>>) src(%arg21 : memref<2048xf32, #tpu.memory_space<vmem>>) dst(%dma_wait3A_212 : memref<2048xf32, #tpu.memory_space<vmem_shared>>)
      %add3A_213 = arith.constant 2048 : i32
      %add3A_214 = arith.addi %mul3A_31, %add3A_213 : i32
      %dma_wait3A_215 = tpu.memref_slice %arg5[%add3A_214] : memref<1048576xf32, #tpu.memory_space<vmem_shared>> -> memref<2048xf32, #tpu.memory_space<vmem_shared>>
      %dma_wait3A_216 = tpu.memref_slice %arg5[%add3A_214] : memref<1048576xf32, #tpu.memory_space<vmem_shared>> -> memref<2048xf32, #tpu.memory_space<vmem_shared>>
      tpu.wait_dma2 semaphore(%arg26 : memref<!tpu.dma_semaphore, #tpu.memory_space<semaphore_mem>>) src(%arg21 : memref<2048xf32, #tpu.memory_space<vmem>>) dst(%dma_wait3A_216 : memref<2048xf32, #tpu.memory_space<vmem_shared>>)
      %add3A_217 = arith.constant 4096 : i32
      %add3A_218 = arith.addi %mul3A_31, %add3A_217 : i32
      %dma_wait3A_219 = tpu.memref_slice %arg5[%add3A_218] : memref<1048576xf32, #tpu.memory_space<vmem_shared>> -> memref<2048xf32, #tpu.memory_space<vmem_shared>>
      %dma_wait3A_220 = tpu.memref_slice %arg5[%add3A_218] : memref<1048576xf32, #tpu.memory_space<vmem_shared>> -> memref<2048xf32, #tpu.memory_space<vmem_shared>>
      tpu.wait_dma2 semaphore(%arg26 : memref<!tpu.dma_semaphore, #tpu.memory_space<semaphore_mem>>) src(%arg21 : memref<2048xf32, #tpu.memory_space<vmem>>) dst(%dma_wait3A_220 : memref<2048xf32, #tpu.memory_space<vmem_shared>>)
      %add3A_221 = arith.constant 6144 : i32
      %add3A_222 = arith.addi %mul3A_31, %add3A_221 : i32
      %dma_wait3A_223 = tpu.memref_slice %arg5[%add3A_222] : memref<1048576xf32, #tpu.memory_space<vmem_shared>> -> memref<2048xf32, #tpu.memory_space<vmem_shared>>
      %dma_wait3A_224 = tpu.memref_slice %arg5[%add3A_222] : memref<1048576xf32, #tpu.memory_space<vmem_shared>> -> memref<2048xf32, #tpu.memory_space<vmem_shared>>
      tpu.wait_dma2 semaphore(%arg26 : memref<!tpu.dma_semaphore, #tpu.memory_space<semaphore_mem>>) src(%arg21 : memref<2048xf32, #tpu.memory_space<vmem>>) dst(%dma_wait3A_224 : memref<2048xf32, #tpu.memory_space<vmem_shared>>)
      %add3A_225 = arith.constant 8192 : i32
      %add3A_226 = arith.addi %mul3A_31, %add3A_225 : i32
      %dma_wait3A_227 = tpu.memref_slice %arg5[%add3A_226] : memref<1048576xf32, #tpu.memory_space<vmem_shared>> -> memref<2048xf32, #tpu.memory_space<vmem_shared>>
      %dma_wait3A_228 = tpu.memref_slice %arg5[%add3A_226] : memref<1048576xf32, #tpu.memory_space<vmem_shared>> -> memref<2048xf32, #tpu.memory_space<vmem_shared>>
      tpu.wait_dma2 semaphore(%arg26 : memref<!tpu.dma_semaphore, #tpu.memory_space<semaphore_mem>>) src(%arg21 : memref<2048xf32, #tpu.memory_space<vmem>>) dst(%dma_wait3A_228 : memref<2048xf32, #tpu.memory_space<vmem_shared>>)
      %add3A_229 = arith.constant 10240 : i32
      %add3A_230 = arith.addi %mul3A_31, %add3A_229 : i32
      %dma_wait3A_231 = tpu.memref_slice %arg5[%add3A_230] : memref<1048576xf32, #tpu.memory_space<vmem_shared>> -> memref<2048xf32, #tpu.memory_space<vmem_shared>>
      %dma_wait3A_232 = tpu.memref_slice %arg5[%add3A_230] : memref<1048576xf32, #tpu.memory_space<vmem_shared>> -> memref<2048xf32, #tpu.memory_space<vmem_shared>>
      tpu.wait_dma2 semaphore(%arg26 : memref<!tpu.dma_semaphore, #tpu.memory_space<semaphore_mem>>) src(%arg21 : memref<2048xf32, #tpu.memory_space<vmem>>) dst(%dma_wait3A_232 : memref<2048xf32, #tpu.memory_space<vmem_shared>>)
      %add3A_233 = arith.constant 12288 : i32
      %add3A_234 = arith.addi %mul3A_31, %add3A_233 : i32
      %dma_wait3A_235 = tpu.memref_slice %arg5[%add3A_234] : memref<1048576xf32, #tpu.memory_space<vmem_shared>> -> memref<2048xf32, #tpu.memory_space<vmem_shared>>
      %dma_wait3A_236 = tpu.memref_slice %arg5[%add3A_234] : memref<1048576xf32, #tpu.memory_space<vmem_shared>> -> memref<2048xf32, #tpu.memory_space<vmem_shared>>
      tpu.wait_dma2 semaphore(%arg26 : memref<!tpu.dma_semaphore, #tpu.memory_space<semaphore_mem>>) src(%arg21 : memref<2048xf32, #tpu.memory_space<vmem>>) dst(%dma_wait3A_236 : memref<2048xf32, #tpu.memory_space<vmem_shared>>)
      %add3A_237 = arith.constant 14336 : i32
      %add3A_238 = arith.addi %mul3A_31, %add3A_237 : i32
      %dma_wait3A_239 = tpu.memref_slice %arg5[%add3A_238] : memref<1048576xf32, #tpu.memory_space<vmem_shared>> -> memref<2048xf32, #tpu.memory_space<vmem_shared>>
      %dma_wait3A_240 = tpu.memref_slice %arg5[%add3A_238] : memref<1048576xf32, #tpu.memory_space<vmem_shared>> -> memref<2048xf32, #tpu.memory_space<vmem_shared>>
      tpu.wait_dma2 semaphore(%arg26 : memref<!tpu.dma_semaphore, #tpu.memory_space<semaphore_mem>>) src(%arg21 : memref<2048xf32, #tpu.memory_space<vmem>>) dst(%dma_wait3A_240 : memref<2048xf32, #tpu.memory_space<vmem_shared>>)
      %add3A_241 = arith.constant 16384 : i32
      %add3A_242 = arith.addi %mul3A_31, %add3A_241 : i32
      %dma_wait3A_243 = tpu.memref_slice %arg5[%add3A_242] : memref<1048576xf32, #tpu.memory_space<vmem_shared>> -> memref<2048xf32, #tpu.memory_space<vmem_shared>>
      %dma_wait3A_244 = tpu.memref_slice %arg5[%add3A_242] : memref<1048576xf32, #tpu.memory_space<vmem_shared>> -> memref<2048xf32, #tpu.memory_space<vmem_shared>>
      tpu.wait_dma2 semaphore(%arg26 : memref<!tpu.dma_semaphore, #tpu.memory_space<semaphore_mem>>) src(%arg21 : memref<2048xf32, #tpu.memory_space<vmem>>) dst(%dma_wait3A_244 : memref<2048xf32, #tpu.memory_space<vmem_shared>>)
      %add3A_245 = arith.constant 18432 : i32
      %add3A_246 = arith.addi %mul3A_31, %add3A_245 : i32
      %dma_wait3A_247 = tpu.memref_slice %arg5[%add3A_246] : memref<1048576xf32, #tpu.memory_space<vmem_shared>> -> memref<2048xf32, #tpu.memory_space<vmem_shared>>
      %dma_wait3A_248 = tpu.memref_slice %arg5[%add3A_246] : memref<1048576xf32, #tpu.memory_space<vmem_shared>> -> memref<2048xf32, #tpu.memory_space<vmem_shared>>
      tpu.wait_dma2 semaphore(%arg26 : memref<!tpu.dma_semaphore, #tpu.memory_space<semaphore_mem>>) src(%arg21 : memref<2048xf32, #tpu.memory_space<vmem>>) dst(%dma_wait3A_248 : memref<2048xf32, #tpu.memory_space<vmem_shared>>)
      %add3A_249 = arith.constant 20480 : i32
      %add3A_250 = arith.addi %mul3A_31, %add3A_249 : i32
      %dma_wait3A_251 = tpu.memref_slice %arg5[%add3A_250] : memref<1048576xf32, #tpu.memory_space<vmem_shared>> -> memref<2048xf32, #tpu.memory_space<vmem_shared>>
      %dma_wait3A_252 = tpu.memref_slice %arg5[%add3A_250] : memref<1048576xf32, #tpu.memory_space<vmem_shared>> -> memref<2048xf32, #tpu.memory_space<vmem_shared>>
      tpu.wait_dma2 semaphore(%arg26 : memref<!tpu.dma_semaphore, #tpu.memory_space<semaphore_mem>>) src(%arg21 : memref<2048xf32, #tpu.memory_space<vmem>>) dst(%dma_wait3A_252 : memref<2048xf32, #tpu.memory_space<vmem_shared>>)
      %add3A_253 = arith.constant 22528 : i32
      %add3A_254 = arith.addi %mul3A_31, %add3A_253 : i32
      %dma_wait3A_255 = tpu.memref_slice %arg5[%add3A_254] : memref<1048576xf32, #tpu.memory_space<vmem_shared>> -> memref<2048xf32, #tpu.memory_space<vmem_shared>>
      %dma_wait3A_256 = tpu.memref_slice %arg5[%add3A_254] : memref<1048576xf32, #tpu.memory_space<vmem_shared>> -> memref<2048xf32, #tpu.memory_space<vmem_shared>>
      tpu.wait_dma2 semaphore(%arg26 : memref<!tpu.dma_semaphore, #tpu.memory_space<semaphore_mem>>) src(%arg21 : memref<2048xf32, #tpu.memory_space<vmem>>) dst(%dma_wait3A_256 : memref<2048xf32, #tpu.memory_space<vmem_shared>>)
      %add3A_257 = arith.constant 24576 : i32
      %add3A_258 = arith.addi %mul3A_31, %add3A_257 : i32
      %dma_wait3A_259 = tpu.memref_slice %arg5[%add3A_258] : memref<1048576xf32, #tpu.memory_space<vmem_shared>> -> memref<2048xf32, #tpu.memory_space<vmem_shared>>
      %dma_wait3A_260 = tpu.memref_slice %arg5[%add3A_258] : memref<1048576xf32, #tpu.memory_space<vmem_shared>> -> memref<2048xf32, #tpu.memory_space<vmem_shared>>
      tpu.wait_dma2 semaphore(%arg26 : memref<!tpu.dma_semaphore, #tpu.memory_space<semaphore_mem>>) src(%arg21 : memref<2048xf32, #tpu.memory_space<vmem>>) dst(%dma_wait3A_260 : memref<2048xf32, #tpu.memory_space<vmem_shared>>)
      %add3A_261 = arith.constant 26624 : i32
      %add3A_262 = arith.addi %mul3A_31, %add3A_261 : i32
      %dma_wait3A_263 = tpu.memref_slice %arg5[%add3A_262] : memref<1048576xf32, #tpu.memory_space<vmem_shared>> -> memref<2048xf32, #tpu.memory_space<vmem_shared>>
      %dma_wait3A_264 = tpu.memref_slice %arg5[%add3A_262] : memref<1048576xf32, #tpu.memory_space<vmem_shared>> -> memref<2048xf32, #tpu.memory_space<vmem_shared>>
      tpu.wait_dma2 semaphore(%arg26 : memref<!tpu.dma_semaphore, #tpu.memory_space<semaphore_mem>>) src(%arg21 : memref<2048xf32, #tpu.memory_space<vmem>>) dst(%dma_wait3A_264 : memref<2048xf32, #tpu.memory_space<vmem_shared>>)
      %add3A_265 = arith.constant 28672 : i32
      %add3A_266 = arith.addi %mul3A_31, %add3A_265 : i32
      %dma_wait3A_267 = tpu.memref_slice %arg5[%add3A_266] : memref<1048576xf32, #tpu.memory_space<vmem_shared>> -> memref<2048xf32, #tpu.memory_space<vmem_shared>>
      %dma_wait3A_268 = tpu.memref_slice %arg5[%add3A_266] : memref<1048576xf32, #tpu.memory_space<vmem_shared>> -> memref<2048xf32, #tpu.memory_space<vmem_shared>>
      tpu.wait_dma2 semaphore(%arg26 : memref<!tpu.dma_semaphore, #tpu.memory_space<semaphore_mem>>) src(%arg21 : memref<2048xf32, #tpu.memory_space<vmem>>) dst(%dma_wait3A_268 : memref<2048xf32, #tpu.memory_space<vmem_shared>>)
      %add3A_269 = arith.constant 30720 : i32
      %add3A_270 = arith.addi %mul3A_31, %add3A_269 : i32
      %dma_wait3A_271 = tpu.memref_slice %arg5[%add3A_270] : memref<1048576xf32, #tpu.memory_space<vmem_shared>> -> memref<2048xf32, #tpu.memory_space<vmem_shared>>
      %dma_wait3A_272 = tpu.memref_slice %arg5[%add3A_270] : memref<1048576xf32, #tpu.memory_space<vmem_shared>> -> memref<2048xf32, #tpu.memory_space<vmem_shared>>
      tpu.wait_dma2 semaphore(%arg26 : memref<!tpu.dma_semaphore, #tpu.memory_space<semaphore_mem>>) src(%arg21 : memref<2048xf32, #tpu.memory_space<vmem>>) dst(%dma_wait3A_272 : memref<2048xf32, #tpu.memory_space<vmem_shared>>)
      %add3A_273 = arith.constant 32768 : i32
      %add3A_274 = arith.addi %mul3A_31, %add3A_273 : i32
      %dma_wait3A_275 = tpu.memref_slice %arg5[%add3A_274] : memref<1048576xf32, #tpu.memory_space<vmem_shared>> -> memref<2048xf32, #tpu.memory_space<vmem_shared>>
      %dma_wait3A_276 = tpu.memref_slice %arg5[%add3A_274] : memref<1048576xf32, #tpu.memory_space<vmem_shared>> -> memref<2048xf32, #tpu.memory_space<vmem_shared>>
      tpu.wait_dma2 semaphore(%arg26 : memref<!tpu.dma_semaphore, #tpu.memory_space<semaphore_mem>>) src(%arg21 : memref<2048xf32, #tpu.memory_space<vmem>>) dst(%dma_wait3A_276 : memref<2048xf32, #tpu.memory_space<vmem_shared>>)
      %add3A_277 = arith.constant 34816 : i32
      %add3A_278 = arith.addi %mul3A_31, %add3A_277 : i32
      %dma_wait3A_279 = tpu.memref_slice %arg5[%add3A_278] : memref<1048576xf32, #tpu.memory_space<vmem_shared>> -> memref<2048xf32, #tpu.memory_space<vmem_shared>>
      %dma_wait3A_280 = tpu.memref_slice %arg5[%add3A_278] : memref<1048576xf32, #tpu.memory_space<vmem_shared>> -> memref<2048xf32, #tpu.memory_space<vmem_shared>>
      tpu.wait_dma2 semaphore(%arg26 : memref<!tpu.dma_semaphore, #tpu.memory_space<semaphore_mem>>) src(%arg21 : memref<2048xf32, #tpu.memory_space<vmem>>) dst(%dma_wait3A_280 : memref<2048xf32, #tpu.memory_space<vmem_shared>>)
      %add3A_281 = arith.constant 36864 : i32
      %add3A_282 = arith.addi %mul3A_31, %add3A_281 : i32
      %dma_wait3A_283 = tpu.memref_slice %arg5[%add3A_282] : memref<1048576xf32, #tpu.memory_space<vmem_shared>> -> memref<2048xf32, #tpu.memory_space<vmem_shared>>
      %dma_wait3A_284 = tpu.memref_slice %arg5[%add3A_282] : memref<1048576xf32, #tpu.memory_space<vmem_shared>> -> memref<2048xf32, #tpu.memory_space<vmem_shared>>
      tpu.wait_dma2 semaphore(%arg26 : memref<!tpu.dma_semaphore, #tpu.memory_space<semaphore_mem>>) src(%arg21 : memref<2048xf32, #tpu.memory_space<vmem>>) dst(%dma_wait3A_284 : memref<2048xf32, #tpu.memory_space<vmem_shared>>)
      %add3A_285 = arith.constant 38912 : i32
      %add3A_286 = arith.addi %mul3A_31, %add3A_285 : i32
      %dma_wait3A_287 = tpu.memref_slice %arg5[%add3A_286] : memref<1048576xf32, #tpu.memory_space<vmem_shared>> -> memref<2048xf32, #tpu.memory_space<vmem_shared>>
      %dma_wait3A_288 = tpu.memref_slice %arg5[%add3A_286] : memref<1048576xf32, #tpu.memory_space<vmem_shared>> -> memref<2048xf32, #tpu.memory_space<vmem_shared>>
      tpu.wait_dma2 semaphore(%arg26 : memref<!tpu.dma_semaphore, #tpu.memory_space<semaphore_mem>>) src(%arg21 : memref<2048xf32, #tpu.memory_space<vmem>>) dst(%dma_wait3A_288 : memref<2048xf32, #tpu.memory_space<vmem_shared>>)
      %add3A_289 = arith.constant 40960 : i32
      %add3A_290 = arith.addi %mul3A_31, %add3A_289 : i32
      %dma_wait3A_291 = tpu.memref_slice %arg5[%add3A_290] : memref<1048576xf32, #tpu.memory_space<vmem_shared>> -> memref<2048xf32, #tpu.memory_space<vmem_shared>>
      %dma_wait3A_292 = tpu.memref_slice %arg5[%add3A_290] : memref<1048576xf32, #tpu.memory_space<vmem_shared>> -> memref<2048xf32, #tpu.memory_space<vmem_shared>>
      tpu.wait_dma2 semaphore(%arg26 : memref<!tpu.dma_semaphore, #tpu.memory_space<semaphore_mem>>) src(%arg21 : memref<2048xf32, #tpu.memory_space<vmem>>) dst(%dma_wait3A_292 : memref<2048xf32, #tpu.memory_space<vmem_shared>>)
      %add3A_293 = arith.constant 43008 : i32
      %add3A_294 = arith.addi %mul3A_31, %add3A_293 : i32
      %dma_wait3A_295 = tpu.memref_slice %arg5[%add3A_294] : memref<1048576xf32, #tpu.memory_space<vmem_shared>> -> memref<2048xf32, #tpu.memory_space<vmem_shared>>
      %dma_wait3A_296 = tpu.memref_slice %arg5[%add3A_294] : memref<1048576xf32, #tpu.memory_space<vmem_shared>> -> memref<2048xf32, #tpu.memory_space<vmem_shared>>
      tpu.wait_dma2 semaphore(%arg26 : memref<!tpu.dma_semaphore, #tpu.memory_space<semaphore_mem>>) src(%arg21 : memref<2048xf32, #tpu.memory_space<vmem>>) dst(%dma_wait3A_296 : memref<2048xf32, #tpu.memory_space<vmem_shared>>)
      %add3A_297 = arith.constant 45056 : i32
      %add3A_298 = arith.addi %mul3A_31, %add3A_297 : i32
      %dma_wait3A_299 = tpu.memref_slice %arg5[%add3A_298] : memref<1048576xf32, #tpu.memory_space<vmem_shared>> -> memref<2048xf32, #tpu.memory_space<vmem_shared>>
      %dma_wait3A_300 = tpu.memref_slice %arg5[%add3A_298] : memref<1048576xf32, #tpu.memory_space<vmem_shared>> -> memref<2048xf32, #tpu.memory_space<vmem_shared>>
      tpu.wait_dma2 semaphore(%arg26 : memref<!tpu.dma_semaphore, #tpu.memory_space<semaphore_mem>>) src(%arg21 : memref<2048xf32, #tpu.memory_space<vmem>>) dst(%dma_wait3A_300 : memref<2048xf32, #tpu.memory_space<vmem_shared>>)
      %add3A_301 = arith.constant 47104 : i32
      %add3A_302 = arith.addi %mul3A_31, %add3A_301 : i32
      %dma_wait3A_303 = tpu.memref_slice %arg5[%add3A_302] : memref<1048576xf32, #tpu.memory_space<vmem_shared>> -> memref<2048xf32, #tpu.memory_space<vmem_shared>>
      %dma_wait3A_304 = tpu.memref_slice %arg5[%add3A_302] : memref<1048576xf32, #tpu.memory_space<vmem_shared>> -> memref<2048xf32, #tpu.memory_space<vmem_shared>>
      tpu.wait_dma2 semaphore(%arg26 : memref<!tpu.dma_semaphore, #tpu.memory_space<semaphore_mem>>) src(%arg21 : memref<2048xf32, #tpu.memory_space<vmem>>) dst(%dma_wait3A_304 : memref<2048xf32, #tpu.memory_space<vmem_shared>>)
      %add3A_305 = arith.constant 49152 : i32
      %add3A_306 = arith.addi %mul3A_31, %add3A_305 : i32
      %dma_wait3A_307 = tpu.memref_slice %arg5[%add3A_306] : memref<1048576xf32, #tpu.memory_space<vmem_shared>> -> memref<2048xf32, #tpu.memory_space<vmem_shared>>
      %dma_wait3A_308 = tpu.memref_slice %arg5[%add3A_306] : memref<1048576xf32, #tpu.memory_space<vmem_shared>> -> memref<2048xf32, #tpu.memory_space<vmem_shared>>
      tpu.wait_dma2 semaphore(%arg26 : memref<!tpu.dma_semaphore, #tpu.memory_space<semaphore_mem>>) src(%arg21 : memref<2048xf32, #tpu.memory_space<vmem>>) dst(%dma_wait3A_308 : memref<2048xf32, #tpu.memory_space<vmem_shared>>)
      %add3A_309 = arith.constant 51200 : i32
      %add3A_310 = arith.addi %mul3A_31, %add3A_309 : i32
      %dma_wait3A_311 = tpu.memref_slice %arg5[%add3A_310] : memref<1048576xf32, #tpu.memory_space<vmem_shared>> -> memref<2048xf32, #tpu.memory_space<vmem_shared>>
      %dma_wait3A_312 = tpu.memref_slice %arg5[%add3A_310] : memref<1048576xf32, #tpu.memory_space<vmem_shared>> -> memref<2048xf32, #tpu.memory_space<vmem_shared>>
      tpu.wait_dma2 semaphore(%arg26 : memref<!tpu.dma_semaphore, #tpu.memory_space<semaphore_mem>>) src(%arg21 : memref<2048xf32, #tpu.memory_space<vmem>>) dst(%dma_wait3A_312 : memref<2048xf32, #tpu.memory_space<vmem_shared>>)
      %add3A_313 = arith.constant 53248 : i32
      %add3A_314 = arith.addi %mul3A_31, %add3A_313 : i32
      %dma_wait3A_315 = tpu.memref_slice %arg5[%add3A_314] : memref<1048576xf32, #tpu.memory_space<vmem_shared>> -> memref<2048xf32, #tpu.memory_space<vmem_shared>>
      %dma_wait3A_316 = tpu.memref_slice %arg5[%add3A_314] : memref<1048576xf32, #tpu.memory_space<vmem_shared>> -> memref<2048xf32, #tpu.memory_space<vmem_shared>>
      tpu.wait_dma2 semaphore(%arg26 : memref<!tpu.dma_semaphore, #tpu.memory_space<semaphore_mem>>) src(%arg21 : memref<2048xf32, #tpu.memory_space<vmem>>) dst(%dma_wait3A_316 : memref<2048xf32, #tpu.memory_space<vmem_shared>>)
      %add3A_317 = arith.constant 55296 : i32
      %add3A_318 = arith.addi %mul3A_31, %add3A_317 : i32
      %dma_wait3A_319 = tpu.memref_slice %arg5[%add3A_318] : memref<1048576xf32, #tpu.memory_space<vmem_shared>> -> memref<2048xf32, #tpu.memory_space<vmem_shared>>
      %dma_wait3A_320 = tpu.memref_slice %arg5[%add3A_318] : memref<1048576xf32, #tpu.memory_space<vmem_shared>> -> memref<2048xf32, #tpu.memory_space<vmem_shared>>
      tpu.wait_dma2 semaphore(%arg26 : memref<!tpu.dma_semaphore, #tpu.memory_space<semaphore_mem>>) src(%arg21 : memref<2048xf32, #tpu.memory_space<vmem>>) dst(%dma_wait3A_320 : memref<2048xf32, #tpu.memory_space<vmem_shared>>)
      %add3A_321 = arith.constant 57344 : i32
      %add3A_322 = arith.addi %mul3A_31, %add3A_321 : i32
      %dma_wait3A_323 = tpu.memref_slice %arg5[%add3A_322] : memref<1048576xf32, #tpu.memory_space<vmem_shared>> -> memref<2048xf32, #tpu.memory_space<vmem_shared>>
      %dma_wait3A_324 = tpu.memref_slice %arg5[%add3A_322] : memref<1048576xf32, #tpu.memory_space<vmem_shared>> -> memref<2048xf32, #tpu.memory_space<vmem_shared>>
      tpu.wait_dma2 semaphore(%arg26 : memref<!tpu.dma_semaphore, #tpu.memory_space<semaphore_mem>>) src(%arg21 : memref<2048xf32, #tpu.memory_space<vmem>>) dst(%dma_wait3A_324 : memref<2048xf32, #tpu.memory_space<vmem_shared>>)
      %add3A_325 = arith.constant 59392 : i32
      %add3A_326 = arith.addi %mul3A_31, %add3A_325 : i32
      %dma_wait3A_327 = tpu.memref_slice %arg5[%add3A_326] : memref<1048576xf32, #tpu.memory_space<vmem_shared>> -> memref<2048xf32, #tpu.memory_space<vmem_shared>>
      %dma_wait3A_328 = tpu.memref_slice %arg5[%add3A_326] : memref<1048576xf32, #tpu.memory_space<vmem_shared>> -> memref<2048xf32, #tpu.memory_space<vmem_shared>>
      tpu.wait_dma2 semaphore(%arg26 : memref<!tpu.dma_semaphore, #tpu.memory_space<semaphore_mem>>) src(%arg21 : memref<2048xf32, #tpu.memory_space<vmem>>) dst(%dma_wait3A_328 : memref<2048xf32, #tpu.memory_space<vmem_shared>>)
      %add3A_329 = arith.constant 61440 : i32
      %add3A_330 = arith.addi %mul3A_31, %add3A_329 : i32
      %dma_wait3A_331 = tpu.memref_slice %arg5[%add3A_330] : memref<1048576xf32, #tpu.memory_space<vmem_shared>> -> memref<2048xf32, #tpu.memory_space<vmem_shared>>
      %dma_wait3A_332 = tpu.memref_slice %arg5[%add3A_330] : memref<1048576xf32, #tpu.memory_space<vmem_shared>> -> memref<2048xf32, #tpu.memory_space<vmem_shared>>
      tpu.wait_dma2 semaphore(%arg26 : memref<!tpu.dma_semaphore, #tpu.memory_space<semaphore_mem>>) src(%arg21 : memref<2048xf32, #tpu.memory_space<vmem>>) dst(%dma_wait3A_332 : memref<2048xf32, #tpu.memory_space<vmem_shared>>)
      %add3A_333 = arith.constant 63488 : i32
      %add3A_334 = arith.addi %mul3A_31, %add3A_333 : i32
      %dma_wait3A_335 = tpu.memref_slice %arg5[%add3A_334] : memref<1048576xf32, #tpu.memory_space<vmem_shared>> -> memref<2048xf32, #tpu.memory_space<vmem_shared>>
      %dma_wait3A_336 = tpu.memref_slice %arg5[%add3A_334] : memref<1048576xf32, #tpu.memory_space<vmem_shared>> -> memref<2048xf32, #tpu.memory_space<vmem_shared>>
      tpu.wait_dma2 semaphore(%arg26 : memref<!tpu.dma_semaphore, #tpu.memory_space<semaphore_mem>>) src(%arg21 : memref<2048xf32, #tpu.memory_space<vmem>>) dst(%dma_wait3A_336 : memref<2048xf32, #tpu.memory_space<vmem_shared>>)
      %barrier3A = arith.constant 0 : index
      tpu.barrier barrier_id(%barrier3A)
      %mul3A_337 = arith.constant 262144 : i32
      %mul3A_338 = arith.muli %select_n3A, %mul3A_337 : i32
      %scan3A_339 = arith.constant 0 : i32
      %scan3A_340 = arith.constant 0 : i32
      %scan3A_341 = arith.constant 16 : i32
      %scan3A_342 = arith.addi %scan3A_340, %scan3A_341 : i32
      %scan3A_343 = arith.constant 1 : i32
      scf.for %scan3A_365 = %scan3A_340 to %scan3A_342 step %scan3A_343  : i32 {
        %jit3A_366 = arith.constant 3 : i32
        %eq3A_367 = arith.constant 0 : i32
        %eq3A_368 = arith.cmpi eq, %jit3A_366, %eq3A_367 : i32
        %jit3A_369 = arith.constant 1 : i32
        %select_n3A_370 = arith.select %eq3A_368, %jit3A_369, %jit3A_366 : i32
        %rem3A_371 = arith.remsi %scan3A_365, %select_n3A_370 : i32
        %ne3A_372 = arith.constant 0 : i32
        %ne3A_373 = arith.cmpi ne, %rem3A_371, %ne3A_372 : i32
        %lt3A_374 = arith.constant 0 : i32
        %lt3A_375 = arith.cmpi slt, %rem3A_371, %lt3A_374 : i32
        %lt3A_376 = arith.constant 0 : i32
        %lt3A_377 = arith.cmpi slt, %select_n3A_370, %lt3A_376 : i32
        %ne3A_378 = arith.xori %lt3A_375, %lt3A_377 : i1
        %and3A_379 = arith.andi %ne3A_378, %ne3A_373 : i1
        %add3A_380 = arith.addi %rem3A_371, %select_n3A_370 : i32
        %select_n3A_381 = arith.select %and3A_379, %add3A_380, %rem3A_371 : i32
        %eq3A_382 = arith.constant 0 : i32
        %eq3A_383 = arith.cmpi eq, %select_n3A_381, %eq3A_382 : i32
        %convert_element_type3A_384 = arith.extui %eq3A_383 : i1 to i32
        %cond3A_385 = arith.constant 0 : i32
        %cond3A_386 = arith.cmpi ne, %convert_element_type3A_384, %cond3A_385 : i32
        scf.if %cond3A_386 {
          %add3A_429 = arith.constant 1 : i32
          %add3A_430 = arith.addi %scan3A_365, %add3A_429 : i32
          %lt3A_431 = arith.constant 16 : i32
          %lt3A_432 = arith.cmpi slt, %add3A_430, %lt3A_431 : i32
          %convert_element_type3A_433 = arith.extui %lt3A_432 : i1 to i32
          %cond3A_434 = arith.constant 0 : i32
          %cond3A_435 = arith.cmpi ne, %convert_element_type3A_433, %cond3A_434 : i32
          scf.if %cond3A_435 {
            %ge3A = arith.constant 2 : i32
            %ge3A_495 = arith.cmpi sge, %scan3A_365, %ge3A : i32
            %convert_element_type3A_496 = arith.extui %ge3A_495 : i1 to i32
            %cond3A_497 = arith.constant 0 : i32
            %cond3A_498 = arith.cmpi ne, %convert_element_type3A_496, %cond3A_497 : i32
            scf.if %cond3A_498 {
              %dma_wait3A_528 = arith.constant 0 : i32
              %dma_wait3A_529 = tpu.memref_slice %arg5[%dma_wait3A_528] : memref<1048576xf32, #tpu.memory_space<vmem_shared>> -> memref<1048576xf32, #tpu.memory_space<vmem_shared>>
              tpu.wait_indirect_dma semaphore(%arg27 : memref<!tpu.dma_semaphore, #tpu.memory_space<semaphore_mem>>) src(%arg16 : memref<4096xf32, #tpu.memory_space<vmem>>) dst(%dma_wait3A_529 : memref<1048576xf32, #tpu.memory_space<vmem_shared>>)
            } else {
            }
            %add3A_499 = arith.constant 1 : i32
            %add3A_500 = arith.addi %scan3A_365, %add3A_499 : i32
            %mul3A_501 = arith.constant 8 : i32
            %mul3A_502 = arith.muli %add3A_500, %mul3A_501 : i32
            %add3A_503 = arith.addi %mul3A_29, %mul3A_502 : i32
            %dma_start3A_504 = arith.constant 0 : i32
            %dma_start3A_505 = tpu.memref_slice %arg2[%add3A_81, %add3A_503, %dma_start3A_504] : memref<16x512x512xf32, #tpu.memory_space<hbm>> -> memref<1x8x512xf32, #tpu.memory_space<hbm>>
            %dma_start3A_506 = tpu.memref_squeeze %dma_start3A_505 : memref<1x8x512xf32, #tpu.memory_space<hbm>> -> memref<8x512xf32, #tpu.memory_space<hbm>>
            %dma_start3A_507 = arith.constant 0 : i32
            %dma_start3A_508 = tpu.memref_slice %arg2[%add3A_81, %add3A_503, %dma_start3A_507] : memref<16x512x512xf32, #tpu.memory_space<hbm>> -> memref<1x8x512xf32, #tpu.memory_space<hbm>>
            %dma_start3A_509 = tpu.memref_squeeze %dma_start3A_508 : memref<1x8x512xf32, #tpu.memory_space<hbm>> -> memref<8x512xf32, #tpu.memory_space<hbm>>
            tpu.enqueue_dma source(%dma_start3A_509 : memref<8x512xf32, #tpu.memory_space<hbm>>) target(%arg13 : memref<8x512xf32, #tpu.memory_space<vmem>>) target_semaphore(%arg24 : memref<!tpu.dma_semaphore, #tpu.memory_space<semaphore_mem>>)
            %mul3A_510 = arith.constant 2 : i32
            %mul3A_511 = arith.muli %mul3A_510, %add3A_81 : i32
            %dma_start3A_512 = arith.constant 0 : i32
            %dma_start3A_513 = tpu.memref_slice %arg3[%mul3A_511, %add3A_503, %dma_start3A_512] : memref<32x512x512xf32, #tpu.memory_space<hbm>> -> memref<1x8x512xf32, #tpu.memory_space<hbm>>
            %dma_start3A_514 = tpu.memref_squeeze %dma_start3A_513 : memref<1x8x512xf32, #tpu.memory_space<hbm>> -> memref<8x512xf32, #tpu.memory_space<hbm>>
            %dma_start3A_515 = arith.constant 0 : i32
            %dma_start3A_516 = tpu.memref_slice %arg3[%mul3A_511, %add3A_503, %dma_start3A_515] : memref<32x512x512xf32, #tpu.memory_space<hbm>> -> memref<1x8x512xf32, #tpu.memory_space<hbm>>
            %dma_start3A_517 = tpu.memref_squeeze %dma_start3A_516 : memref<1x8x512xf32, #tpu.memory_space<hbm>> -> memref<8x512xf32, #tpu.memory_space<hbm>>
            tpu.enqueue_dma source(%dma_start3A_517 : memref<8x512xf32, #tpu.memory_space<hbm>>) target(%arg7 : memref<8x512xf32, #tpu.memory_space<vmem>>) target_semaphore(%arg24 : memref<!tpu.dma_semaphore, #tpu.memory_space<semaphore_mem>>)
            %mul3A_518 = arith.constant 2 : i32
            %mul3A_519 = arith.muli %mul3A_518, %add3A_81 : i32
            %add3A_520 = arith.constant 1 : i32
            %add3A_521 = arith.addi %mul3A_519, %add3A_520 : i32
            %dma_start3A_522 = arith.constant 0 : i32
            %dma_start3A_523 = tpu.memref_slice %arg3[%add3A_521, %add3A_503, %dma_start3A_522] : memref<32x512x512xf32, #tpu.memory_space<hbm>> -> memref<1x8x512xf32, #tpu.memory_space<hbm>>
            %dma_start3A_524 = tpu.memref_squeeze %dma_start3A_523 : memref<1x8x512xf32, #tpu.memory_space<hbm>> -> memref<8x512xf32, #tpu.memory_space<hbm>>
            %dma_start3A_525 = arith.constant 0 : i32
            %dma_start3A_526 = tpu.memref_slice %arg3[%add3A_521, %add3A_503, %dma_start3A_525] : memref<32x512x512xf32, #tpu.memory_space<hbm>> -> memref<1x8x512xf32, #tpu.memory_space<hbm>>
            %dma_start3A_527 = tpu.memref_squeeze %dma_start3A_526 : memref<1x8x512xf32, #tpu.memory_space<hbm>> -> memref<8x512xf32, #tpu.memory_space<hbm>>
            tpu.enqueue_dma source(%dma_start3A_527 : memref<8x512xf32, #tpu.memory_space<hbm>>) target(%arg10 : memref<8x512xf32, #tpu.memory_space<vmem>>) target_semaphore(%arg24 : memref<!tpu.dma_semaphore, #tpu.memory_space<semaphore_mem>>)
          } else {
          }
          %dma_wait3A_436 = arith.constant 0 : i32
          %dma_wait3A_437 = arith.constant 0 : i32
          %dma_wait3A_438 = tpu.memref_slice %arg2[%add3A_81, %dma_wait3A_436, %dma_wait3A_437] : memref<16x512x512xf32, #tpu.memory_space<hbm>> -> memref<1x8x512xf32, #tpu.memory_space<hbm>>
          %dma_wait3A_439 = tpu.memref_squeeze %dma_wait3A_438 : memref<1x8x512xf32, #tpu.memory_space<hbm>> -> memref<8x512xf32, #tpu.memory_space<hbm>>
          %dma_wait3A_440 = arith.constant 0 : i32
          %dma_wait3A_441 = arith.constant 0 : i32
          %dma_wait3A_442 = tpu.memref_slice %arg2[%add3A_81, %dma_wait3A_440, %dma_wait3A_441] : memref<16x512x512xf32, #tpu.memory_space<hbm>> -> memref<1x8x512xf32, #tpu.memory_space<hbm>>
          %dma_wait3A_443 = tpu.memref_squeeze %dma_wait3A_442 : memref<1x8x512xf32, #tpu.memory_space<hbm>> -> memref<8x512xf32, #tpu.memory_space<hbm>>
          tpu.wait_dma2 semaphore(%arg23 : memref<!tpu.dma_semaphore, #tpu.memory_space<semaphore_mem>>) src(%dma_wait3A_443 : memref<8x512xf32, #tpu.memory_space<hbm>>) dst(%arg12 : memref<8x512xf32, #tpu.memory_space<vmem>>)
          %dma_wait3A_444 = arith.constant 0 : i32
          %dma_wait3A_445 = arith.constant 0 : i32
          %dma_wait3A_446 = tpu.memref_slice %arg2[%add3A_81, %dma_wait3A_444, %dma_wait3A_445] : memref<16x512x512xf32, #tpu.memory_space<hbm>> -> memref<1x8x512xf32, #tpu.memory_space<hbm>>
          %dma_wait3A_447 = tpu.memref_squeeze %dma_wait3A_446 : memref<1x8x512xf32, #tpu.memory_space<hbm>> -> memref<8x512xf32, #tpu.memory_space<hbm>>
          %dma_wait3A_448 = arith.constant 0 : i32
          %dma_wait3A_449 = arith.constant 0 : i32
          %dma_wait3A_450 = tpu.memref_slice %arg2[%add3A_81, %dma_wait3A_448, %dma_wait3A_449] : memref<16x512x512xf32, #tpu.memory_space<hbm>> -> memref<1x8x512xf32, #tpu.memory_space<hbm>>
          %dma_wait3A_451 = tpu.memref_squeeze %dma_wait3A_450 : memref<1x8x512xf32, #tpu.memory_space<hbm>> -> memref<8x512xf32, #tpu.memory_space<hbm>>
          tpu.wait_dma2 semaphore(%arg23 : memref<!tpu.dma_semaphore, #tpu.memory_space<semaphore_mem>>) src(%dma_wait3A_451 : memref<8x512xf32, #tpu.memory_space<hbm>>) dst(%arg6 : memref<8x512xf32, #tpu.memory_space<vmem>>)
          %dma_wait3A_452 = arith.constant 0 : i32
          %dma_wait3A_453 = arith.constant 0 : i32
          %dma_wait3A_454 = tpu.memref_slice %arg2[%add3A_81, %dma_wait3A_452, %dma_wait3A_453] : memref<16x512x512xf32, #tpu.memory_space<hbm>> -> memref<1x8x512xf32, #tpu.memory_space<hbm>>
          %dma_wait3A_455 = tpu.memref_squeeze %dma_wait3A_454 : memref<1x8x512xf32, #tpu.memory_space<hbm>> -> memref<8x512xf32, #tpu.memory_space<hbm>>
          %dma_wait3A_456 = arith.constant 0 : i32
          %dma_wait3A_457 = arith.constant 0 : i32
          %dma_wait3A_458 = tpu.memref_slice %arg2[%add3A_81, %dma_wait3A_456, %dma_wait3A_457] : memref<16x512x512xf32, #tpu.memory_space<hbm>> -> memref<1x8x512xf32, #tpu.memory_space<hbm>>
          %dma_wait3A_459 = tpu.memref_squeeze %dma_wait3A_458 : memref<1x8x512xf32, #tpu.memory_space<hbm>> -> memref<8x512xf32, #tpu.memory_space<hbm>>
          tpu.wait_dma2 semaphore(%arg23 : memref<!tpu.dma_semaphore, #tpu.memory_space<semaphore_mem>>) src(%dma_wait3A_459 : memref<8x512xf32, #tpu.memory_space<hbm>>) dst(%arg9 : memref<8x512xf32, #tpu.memory_space<vmem>>)
          %mul3A_460 = arith.constant 8 : i32
          %mul3A_461 = arith.muli %scan3A_365, %mul3A_460 : i32
          %add3A_462 = arith.addi %mul3A_29, %mul3A_461 : i32
          %add3A_463 = arith.constant 0 : i32
          %add3A_464 = arith.addi %add3A_462, %add3A_463 : i32
          %convert_element_type3A_465 = arith.sitofp %add3A_464 : i32 to f32
          %add3A_466 = arith.constant 1 : i32
          %add3A_467 = arith.addi %add3A_462, %add3A_466 : i32
          %convert_element_type3A_468 = arith.sitofp %add3A_467 : i32 to f32
          %add3A_469 = arith.constant 2 : i32
          %add3A_470 = arith.addi %add3A_462, %add3A_469 : i32
          %convert_element_type3A_471 = arith.sitofp %add3A_470 : i32 to f32
          %add3A_472 = arith.constant 3 : i32
          %add3A_473 = arith.addi %add3A_462, %add3A_472 : i32
          %convert_element_type3A_474 = arith.sitofp %add3A_473 : i32 to f32
          %add3A_475 = arith.constant 4 : i32
          %add3A_476 = arith.addi %add3A_462, %add3A_475 : i32
          %convert_element_type3A_477 = arith.sitofp %add3A_476 : i32 to f32
          %add3A_478 = arith.constant 5 : i32
          %add3A_479 = arith.addi %add3A_462, %add3A_478 : i32
          %convert_element_type3A_480 = arith.sitofp %add3A_479 : i32 to f32
          %add3A_481 = arith.constant 6 : i32
          %add3A_482 = arith.addi %add3A_462, %add3A_481 : i32
          %convert_element_type3A_483 = arith.sitofp %add3A_482 : i32 to f32
          %add3A_484 = arith.constant 7 : i32
          %add3A_485 = arith.addi %add3A_462, %add3A_484 : i32
          %convert_element_type3A_486 = arith.sitofp %add3A_485 : i32 to f32
          %scan3A_487 = arith.constant 0 : i32
          %scan3A_488 = arith.constant 0 : i32
          %scan3A_489 = arith.constant 32 : i32
          %scan3A_490 = arith.addi %scan3A_488, %scan3A_489 : i32
          %scan3A_491 = arith.constant 1 : i32
          scf.for %scan3A_495 = %scan3A_488 to %scan3A_490 step %scan3A_491  : i32 {
            %mul3A_496 = arith.constant 16 : i32
            %mul3A_497 = arith.muli %scan3A_495, %mul3A_496 : i32
            %get3A = arith.index_cast %mul3A_497 : i32 to index
            %get3A_498 = tpu.vector_load %arg22[%get3A] {strides = array<i32>} : memref<512xf32, #tpu.memory_space<vmem>>, vector<16xf32>,
            %get3A_499 = vector.shape_cast %get3A_498 : vector<16xf32> to vector<16xf32>
            %mul3A_500 = arith.constant 16 : i32
            %mul3A_501 = arith.muli %scan3A_495, %mul3A_500 : i32
            %get3A_502 = arith.constant 0 : i32
            %get3A_503 = arith.index_cast %get3A_502 : i32 to index
            %get3A_504 = arith.index_cast %mul3A_501 : i32 to index
            %get3A_505 = tpu.vector_load %arg6[%get3A_503, %get3A_504] {strides = array<i32>} : memref<8x512xf32, #tpu.memory_space<vmem>>, vector<1x16xf32>,
            %get3A_506 = vector.shape_cast %get3A_505 : vector<1x16xf32> to vector<16xf32>
            %mul3A_507 = arith.constant 16 : i32
            %mul3A_508 = arith.muli %scan3A_495, %mul3A_507 : i32
            %get3A_509 = arith.constant 0 : i32
            %get3A_510 = arith.index_cast %get3A_509 : i32 to index
            %get3A_511 = arith.index_cast %mul3A_508 : i32 to index
            %get3A_512 = tpu.vector_load %arg9[%get3A_510, %get3A_511] {strides = array<i32>} : memref<8x512xf32, #tpu.memory_space<vmem>>, vector<1x16xf32>,
            %get3A_513 = vector.shape_cast %get3A_512 : vector<1x16xf32> to vector<16xf32>
            %mul3A_514 = arith.constant 16 : i32
            %mul3A_515 = arith.muli %scan3A_495, %mul3A_514 : i32
            %get3A_516 = arith.constant 0 : i32
            %get3A_517 = arith.index_cast %get3A_516 : i32 to index
            %get3A_518 = arith.index_cast %mul3A_515 : i32 to index
            %get3A_519 = tpu.vector_load %arg12[%get3A_517, %get3A_518] {strides = array<i32>} : memref<8x512xf32, #tpu.memory_space<vmem>>, vector<1x16xf32>,
            %get3A_520 = vector.shape_cast %get3A_519 : vector<1x16xf32> to vector<16xf32>
            %mul3A_521 = arith.constant 1.000000e+01 : f32
            %mul3A_522 = vector.broadcast %mul3A_521 : f32 to vector<16xf32>
            %mul3A_523 = arith.mulf %mul3A_522, %get3A_506 : vector<16xf32>
            %add3A_524 = arith.addf %get3A_499, %mul3A_523 : vector<16xf32>
            %add3A_525 = arith.constant 0x4B400000 : f32
            %add3A_526 = vector.broadcast %add3A_525 : f32 to vector<16xf32>
            %add3A_527 = arith.addf %add3A_524, %add3A_526 : vector<16xf32>
            %sub3A_528 = arith.constant 0x4B400000 : f32
            %sub3A_529 = vector.broadcast %sub3A_528 : f32 to vector<16xf32>
            %sub3A_530 = arith.subf %add3A_527, %sub3A_529 : vector<16xf32>
            %mul3A_531 = arith.constant 1.000000e+01 : f32
            %mul3A_532 = vector.broadcast %mul3A_531 : f32 to vector<16xf32>
            %mul3A_533 = arith.mulf %mul3A_532, %get3A_513 : vector<16xf32>
            %add3A_534 = vector.broadcast %convert_element_type3A_465 : f32 to vector<16xf32>
            %add3A_535 = arith.addf %add3A_534, %mul3A_533 : vector<16xf32>
            %add3A_536 = arith.constant 0x4B400000 : f32
            %add3A_537 = vector.broadcast %add3A_536 : f32 to vector<16xf32>
            %add3A_538 = arith.addf %add3A_535, %add3A_537 : vector<16xf32>
            %sub3A_539 = arith.constant 0x4B400000 : f32
            %sub3A_540 = vector.broadcast %sub3A_539 : f32 to vector<16xf32>
            %sub3A_541 = arith.subf %add3A_538, %sub3A_540 : vector<16xf32>
            %max3A = arith.constant 0.000000e+00 : f32
            %max3A_542 = vector.broadcast %max3A : f32 to vector<16xf32>
            %max3A_543 = arith.maximumf %sub3A_530, %max3A_542 : vector<16xf32>
            %min3A = arith.constant 5.110000e+02 : f32
            %min3A_544 = vector.broadcast %min3A : f32 to vector<16xf32>
            %min3A_545 = arith.minimumf %max3A_543, %min3A_544 : vector<16xf32>
            %max3A_546 = arith.constant 0.000000e+00 : f32
            %max3A_547 = vector.broadcast %max3A_546 : f32 to vector<16xf32>
            %max3A_548 = arith.maximumf %sub3A_541, %max3A_547 : vector<16xf32>
            %min3A_549 = arith.constant 5.110000e+02 : f32
            %min3A_550 = vector.broadcast %min3A_549 : f32 to vector<16xf32>
            %min3A_551 = arith.minimumf %max3A_548, %min3A_550 : vector<16xf32>
            %convert_element_type3A_552 = arith.fptosi %min3A_551 : vector<16xf32> to vector<16xi32>
            %shift_left3A = arith.constant 9 : i32
            %shift_left3A_553 = vector.broadcast %shift_left3A : i32 to vector<16xi32>
            %shift_left3A_554 = arith.shli %convert_element_type3A_552, %shift_left3A_553 : vector<16xi32>
            %convert_element_type3A_555 = arith.fptosi %min3A_545 : vector<16xf32> to vector<16xi32>
            %add3A_556 = arith.addi %shift_left3A_554, %convert_element_type3A_555 : vector<16xi32>
            %add3A_557 = vector.broadcast %mul3A_338 : i32 to vector<16xi32>
            %add3A_558 = arith.addi %add3A_556, %add3A_557 : vector<16xi32>
            %mul3A_559 = arith.constant 16 : i32
            %mul3A_560 = arith.muli %scan3A_495, %mul3A_559 : i32
            %add3A_561 = arith.constant 0 : i32
            %add3A_562 = arith.addi %add3A_561, %mul3A_560 : i32
            %swap3A = arith.index_cast %add3A_562 : i32 to index
            %swap3A_563 = tpu.vector_load %arg18[%swap3A] {strides = array<i32>} : memref<4096xi32, #tpu.memory_space<vmem>>, vector<16xi32>,
            %swap3A_564 = vector.shape_cast %swap3A_563 : vector<16xi32> to vector<16xi32>
            %swap3A_565 = vector.shape_cast %add3A_558 : vector<16xi32> to vector<16xi32>
            tpu.vector_store %arg18[%swap3A], %swap3A_565 {strides = array<i32>} : memref<4096xi32, #tpu.memory_space<vmem>>, vector<16xi32>,
            %swap3A_566 = arith.index_cast %add3A_562 : i32 to index
            %swap3A_567 = tpu.vector_load %arg15[%swap3A_566] {strides = array<i32>} : memref<4096xf32, #tpu.memory_space<vmem>>, vector<16xf32>,
            %swap3A_568 = vector.shape_cast %swap3A_567 : vector<16xf32> to vector<16xf32>
            %swap3A_569 = vector.shape_cast %get3A_520 : vector<16xf32> to vector<16xf32>
            tpu.vector_store %arg15[%swap3A_566], %swap3A_569 {strides = array<i32>} : memref<4096xf32, #tpu.memory_space<vmem>>, vector<16xf32>,
            %mul3A_570 = arith.constant 16 : i32
            %mul3A_571 = arith.muli %scan3A_495, %mul3A_570 : i32
            %get3A_572 = arith.constant 1 : i32
            %get3A_573 = arith.index_cast %get3A_572 : i32 to index
            %get3A_574 = arith.index_cast %mul3A_571 : i32 to index
            %get3A_575 = tpu.vector_load %arg6[%get3A_573, %get3A_574] {strides = array<i32>} : memref<8x512xf32, #tpu.memory_space<vmem>>, vector<1x16xf32>,
            %get3A_576 = vector.shape_cast %get3A_575 : vector<1x16xf32> to vector<16xf32>
            %mul3A_577 = arith.constant 16 : i32
            %mul3A_578 = arith.muli %scan3A_495, %mul3A_577 : i32
            %get3A_579 = arith.constant 1 : i32
            %get3A_580 = arith.index_cast %get3A_579 : i32 to index
            %get3A_581 = arith.index_cast %mul3A_578 : i32 to index
            %get3A_582 = tpu.vector_load %arg9[%get3A_580, %get3A_581] {strides = array<i32>} : memref<8x512xf32, #tpu.memory_space<vmem>>, vector<1x16xf32>,
            %get3A_583 = vector.shape_cast %get3A_582 : vector<1x16xf32> to vector<16xf32>
            %mul3A_584 = arith.constant 16 : i32
            %mul3A_585 = arith.muli %scan3A_495, %mul3A_584 : i32
            %get3A_586 = arith.constant 1 : i32
            %get3A_587 = arith.index_cast %get3A_586 : i32 to index
            %get3A_588 = arith.index_cast %mul3A_585 : i32 to index
            %get3A_589 = tpu.vector_load %arg12[%get3A_587, %get3A_588] {strides = array<i32>} : memref<8x512xf32, #tpu.memory_space<vmem>>, vector<1x16xf32>,
            %get3A_590 = vector.shape_cast %get3A_589 : vector<1x16xf32> to vector<16xf32>
            %mul3A_591 = arith.constant 1.000000e+01 : f32
            %mul3A_592 = vector.broadcast %mul3A_591 : f32 to vector<16xf32>
            %mul3A_593 = arith.mulf %mul3A_592, %get3A_576 : vector<16xf32>
            %add3A_594 = arith.addf %get3A_499, %mul3A_593 : vector<16xf32>
            %add3A_595 = arith.constant 0x4B400000 : f32
            %add3A_596 = vector.broadcast %add3A_595 : f32 to vector<16xf32>
            %add3A_597 = arith.addf %add3A_594, %add3A_596 : vector<16xf32>
            %sub3A_598 = arith.constant 0x4B400000 : f32
            %sub3A_599 = vector.broadcast %sub3A_598 : f32 to vector<16xf32>
            %sub3A_600 = arith.subf %add3A_597, %sub3A_599 : vector<16xf32>
            %mul3A_601 = arith.constant 1.000000e+01 : f32
            %mul3A_602 = vector.broadcast %mul3A_601 : f32 to vector<16xf32>
            %mul3A_603 = arith.mulf %mul3A_602, %get3A_583 : vector<16xf32>
            %add3A_604 = vector.broadcast %convert_element_type3A_468 : f32 to vector<16xf32>
            %add3A_605 = arith.addf %add3A_604, %mul3A_603 : vector<16xf32>
            %add3A_606 = arith.constant 0x4B400000 : f32
            %add3A_607 = vector.broadcast %add3A_606 : f32 to vector<16xf32>
            %add3A_608 = arith.addf %add3A_605, %add3A_607 : vector<16xf32>
            %sub3A_609 = arith.constant 0x4B400000 : f32
            %sub3A_610 = vector.broadcast %sub3A_609 : f32 to vector<16xf32>
            %sub3A_611 = arith.subf %add3A_608, %sub3A_610 : vector<16xf32>
            %max3A_612 = arith.constant 0.000000e+00 : f32
            %max3A_613 = vector.broadcast %max3A_612 : f32 to vector<16xf32>
            %max3A_614 = arith.maximumf %sub3A_600, %max3A_613 : vector<16xf32>
            %min3A_615 = arith.constant 5.110000e+02 : f32
            %min3A_616 = vector.broadcast %min3A_615 : f32 to vector<16xf32>
            %min3A_617 = arith.minimumf %max3A_614, %min3A_616 : vector<16xf32>
            %max3A_618 = arith.constant 0.000000e+00 : f32
            %max3A_619 = vector.broadcast %max3A_618 : f32 to vector<16xf32>
            %max3A_620 = arith.maximumf %sub3A_611, %max3A_619 : vector<16xf32>
            %min3A_621 = arith.constant 5.110000e+02 : f32
            %min3A_622 = vector.broadcast %min3A_621 : f32 to vector<16xf32>
            %min3A_623 = arith.minimumf %max3A_620, %min3A_622 : vector<16xf32>
            %convert_element_type3A_624 = arith.fptosi %min3A_623 : vector<16xf32> to vector<16xi32>
            %shift_left3A_625 = arith.constant 9 : i32
            %shift_left3A_626 = vector.broadcast %shift_left3A_625 : i32 to vector<16xi32>
            %shift_left3A_627 = arith.shli %convert_element_type3A_624, %shift_left3A_626 : vector<16xi32>
            %convert_element_type3A_628 = arith.fptosi %min3A_617 : vector<16xf32> to vector<16xi32>
            %add3A_629 = arith.addi %shift_left3A_627, %convert_element_type3A_628 : vector<16xi32>
            %add3A_630 = vector.broadcast %mul3A_338 : i32 to vector<16xi32>
            %add3A_631 = arith.addi %add3A_629, %add3A_630 : vector<16xi32>
            %mul3A_632 = arith.constant 16 : i32
            %mul3A_633 = arith.muli %scan3A_495, %mul3A_632 : i32
            %add3A_634 = arith.constant 512 : i32
            %add3A_635 = arith.addi %add3A_634, %mul3A_633 : i32
            %swap3A_636 = arith.index_cast %add3A_635 : i32 to index
            %swap3A_637 = tpu.vector_load %arg18[%swap3A_636] {strides = array<i32>} : memref<4096xi32, #tpu.memory_space<vmem>>, vector<16xi32>,
            %swap3A_638 = vector.shape_cast %swap3A_637 : vector<16xi32> to vector<16xi32>
            %swap3A_639 = vector.shape_cast %add3A_631 : vector<16xi32> to vector<16xi32>
            tpu.vector_store %arg18[%swap3A_636], %swap3A_639 {strides = array<i32>} : memref<4096xi32, #tpu.memory_space<vmem>>, vector<16xi32>,
            %swap3A_640 = arith.index_cast %add3A_635 : i32 to index
            %swap3A_641 = tpu.vector_load %arg15[%swap3A_640] {strides = array<i32>} : memref<4096xf32, #tpu.memory_space<vmem>>, vector<16xf32>,
            %swap3A_642 = vector.shape_cast %swap3A_641 : vector<16xf32> to vector<16xf32>
            %swap3A_643 = vector.shape_cast %get3A_590 : vector<16xf32> to vector<16xf32>
            tpu.vector_store %arg15[%swap3A_640], %swap3A_643 {strides = array<i32>} : memref<4096xf32, #tpu.memory_space<vmem>>, vector<16xf32>,
            %mul3A_644 = arith.constant 16 : i32
            %mul3A_645 = arith.muli %scan3A_495, %mul3A_644 : i32
            %get3A_646 = arith.constant 2 : i32
            %get3A_647 = arith.index_cast %get3A_646 : i32 to index
            %get3A_648 = arith.index_cast %mul3A_645 : i32 to index
            %get3A_649 = tpu.vector_load %arg6[%get3A_647, %get3A_648] {strides = array<i32>} : memref<8x512xf32, #tpu.memory_space<vmem>>, vector<1x16xf32>,
            %get3A_650 = vector.shape_cast %get3A_649 : vector<1x16xf32> to vector<16xf32>
            %mul3A_651 = arith.constant 16 : i32
            %mul3A_652 = arith.muli %scan3A_495, %mul3A_651 : i32
            %get3A_653 = arith.constant 2 : i32
            %get3A_654 = arith.index_cast %get3A_653 : i32 to index
            %get3A_655 = arith.index_cast %mul3A_652 : i32 to index
            %get3A_656 = tpu.vector_load %arg9[%get3A_654, %get3A_655] {strides = array<i32>} : memref<8x512xf32, #tpu.memory_space<vmem>>, vector<1x16xf32>,
            %get3A_657 = vector.shape_cast %get3A_656 : vector<1x16xf32> to vector<16xf32>
            %mul3A_658 = arith.constant 16 : i32
            %mul3A_659 = arith.muli %scan3A_495, %mul3A_658 : i32
            %get3A_660 = arith.constant 2 : i32
            %get3A_661 = arith.index_cast %get3A_660 : i32 to index
            %get3A_662 = arith.index_cast %mul3A_659 : i32 to index
            %get3A_663 = tpu.vector_load %arg12[%get3A_661, %get3A_662] {strides = array<i32>} : memref<8x512xf32, #tpu.memory_space<vmem>>, vector<1x16xf32>,
            %get3A_664 = vector.shape_cast %get3A_663 : vector<1x16xf32> to vector<16xf32>
            %mul3A_665 = arith.constant 1.000000e+01 : f32
            %mul3A_666 = vector.broadcast %mul3A_665 : f32 to vector<16xf32>
            %mul3A_667 = arith.mulf %mul3A_666, %get3A_650 : vector<16xf32>
            %add3A_668 = arith.addf %get3A_499, %mul3A_667 : vector<16xf32>
            %add3A_669 = arith.constant 0x4B400000 : f32
            %add3A_670 = vector.broadcast %add3A_669 : f32 to vector<16xf32>
            %add3A_671 = arith.addf %add3A_668, %add3A_670 : vector<16xf32>
            %sub3A_672 = arith.constant 0x4B400000 : f32
            %sub3A_673 = vector.broadcast %sub3A_672 : f32 to vector<16xf32>
            %sub3A_674 = arith.subf %add3A_671, %sub3A_673 : vector<16xf32>
            %mul3A_675 = arith.constant 1.000000e+01 : f32
            %mul3A_676 = vector.broadcast %mul3A_675 : f32 to vector<16xf32>
            %mul3A_677 = arith.mulf %mul3A_676, %get3A_657 : vector<16xf32>
            %add3A_678 = vector.broadcast %convert_element_type3A_471 : f32 to vector<16xf32>
            %add3A_679 = arith.addf %add3A_678, %mul3A_677 : vector<16xf32>
            %add3A_680 = arith.constant 0x4B400000 : f32
            %add3A_681 = vector.broadcast %add3A_680 : f32 to vector<16xf32>
            %add3A_682 = arith.addf %add3A_679, %add3A_681 : vector<16xf32>
            %sub3A_683 = arith.constant 0x4B400000 : f32
            %sub3A_684 = vector.broadcast %sub3A_683 : f32 to vector<16xf32>
            %sub3A_685 = arith.subf %add3A_682, %sub3A_684 : vector<16xf32>
            %max3A_686 = arith.constant 0.000000e+00 : f32
            %max3A_687 = vector.broadcast %max3A_686 : f32 to vector<16xf32>
            %max3A_688 = arith.maximumf %sub3A_674, %max3A_687 : vector<16xf32>
            %min3A_689 = arith.constant 5.110000e+02 : f32
            %min3A_690 = vector.broadcast %min3A_689 : f32 to vector<16xf32>
            %min3A_691 = arith.minimumf %max3A_688, %min3A_690 : vector<16xf32>
            %max3A_692 = arith.constant 0.000000e+00 : f32
            %max3A_693 = vector.broadcast %max3A_692 : f32 to vector<16xf32>
            %max3A_694 = arith.maximumf %sub3A_685, %max3A_693 : vector<16xf32>
            %min3A_695 = arith.constant 5.110000e+02 : f32
            %min3A_696 = vector.broadcast %min3A_695 : f32 to vector<16xf32>
            %min3A_697 = arith.minimumf %max3A_694, %min3A_696 : vector<16xf32>
            %convert_element_type3A_698 = arith.fptosi %min3A_697 : vector<16xf32> to vector<16xi32>
            %shift_left3A_699 = arith.constant 9 : i32
            %shift_left3A_700 = vector.broadcast %shift_left3A_699 : i32 to vector<16xi32>
            %shift_left3A_701 = arith.shli %convert_element_type3A_698, %shift_left3A_700 : vector<16xi32>
            %convert_element_type3A_702 = arith.fptosi %min3A_691 : vector<16xf32> to vector<16xi32>
            %add3A_703 = arith.addi %shift_left3A_701, %convert_element_type3A_702 : vector<16xi32>
            %add3A_704 = vector.broadcast %mul3A_338 : i32 to vector<16xi32>
            %add3A_705 = arith.addi %add3A_703, %add3A_704 : vector<16xi32>
            %mul3A_706 = arith.constant 16 : i32
            %mul3A_707 = arith.muli %scan3A_495, %mul3A_706 : i32
            %add3A_708 = arith.constant 1024 : i32
            %add3A_709 = arith.addi %add3A_708, %mul3A_707 : i32
            %swap3A_710 = arith.index_cast %add3A_709 : i32 to index
            %swap3A_711 = tpu.vector_load %arg18[%swap3A_710] {strides = array<i32>} : memref<4096xi32, #tpu.memory_space<vmem>>, vector<16xi32>,
            %swap3A_712 = vector.shape_cast %swap3A_711 : vector<16xi32> to vector<16xi32>
            %swap3A_713 = vector.shape_cast %add3A_705 : vector<16xi32> to vector<16xi32>
            tpu.vector_store %arg18[%swap3A_710], %swap3A_713 {strides = array<i32>} : memref<4096xi32, #tpu.memory_space<vmem>>, vector<16xi32>,
            %swap3A_714 = arith.index_cast %add3A_709 : i32 to index
            %swap3A_715 = tpu.vector_load %arg15[%swap3A_714] {strides = array<i32>} : memref<4096xf32, #tpu.memory_space<vmem>>, vector<16xf32>,
            %swap3A_716 = vector.shape_cast %swap3A_715 : vector<16xf32> to vector<16xf32>
            %swap3A_717 = vector.shape_cast %get3A_664 : vector<16xf32> to vector<16xf32>
            tpu.vector_store %arg15[%swap3A_714], %swap3A_717 {strides = array<i32>} : memref<4096xf32, #tpu.memory_space<vmem>>, vector<16xf32>,
            %mul3A_718 = arith.constant 16 : i32
            %mul3A_719 = arith.muli %scan3A_495, %mul3A_718 : i32
            %get3A_720 = arith.constant 3 : i32
            %get3A_721 = arith.index_cast %get3A_720 : i32 to index
            %get3A_722 = arith.index_cast %mul3A_719 : i32 to index
            %get3A_723 = tpu.vector_load %arg6[%get3A_721, %get3A_722] {strides = array<i32>} : memref<8x512xf32, #tpu.memory_space<vmem>>, vector<1x16xf32>,
            %get3A_724 = vector.shape_cast %get3A_723 : vector<1x16xf32> to vector<16xf32>
            %mul3A_725 = arith.constant 16 : i32
            %mul3A_726 = arith.muli %scan3A_495, %mul3A_725 : i32
            %get3A_727 = arith.constant 3 : i32
            %get3A_728 = arith.index_cast %get3A_727 : i32 to index
            %get3A_729 = arith.index_cast %mul3A_726 : i32 to index
            %get3A_730 = tpu.vector_load %arg9[%get3A_728, %get3A_729] {strides = array<i32>} : memref<8x512xf32, #tpu.memory_space<vmem>>, vector<1x16xf32>,
            %get3A_731 = vector.shape_cast %get3A_730 : vector<1x16xf32> to vector<16xf32>
            %mul3A_732 = arith.constant 16 : i32
            %mul3A_733 = arith.muli %scan3A_495, %mul3A_732 : i32
            %get3A_734 = arith.constant 3 : i32
            %get3A_735 = arith.index_cast %get3A_734 : i32 to index
            %get3A_736 = arith.index_cast %mul3A_733 : i32 to index
            %get3A_737 = tpu.vector_load %arg12[%get3A_735, %get3A_736] {strides = array<i32>} : memref<8x512xf32, #tpu.memory_space<vmem>>, vector<1x16xf32>,
            %get3A_738 = vector.shape_cast %get3A_737 : vector<1x16xf32> to vector<16xf32>
            %mul3A_739 = arith.constant 1.000000e+01 : f32
            %mul3A_740 = vector.broadcast %mul3A_739 : f32 to vector<16xf32>
            %mul3A_741 = arith.mulf %mul3A_740, %get3A_724 : vector<16xf32>
            %add3A_742 = arith.addf %get3A_499, %mul3A_741 : vector<16xf32>
            %add3A_743 = arith.constant 0x4B400000 : f32
            %add3A_744 = vector.broadcast %add3A_743 : f32 to vector<16xf32>
            %add3A_745 = arith.addf %add3A_742, %add3A_744 : vector<16xf32>
            %sub3A_746 = arith.constant 0x4B400000 : f32
            %sub3A_747 = vector.broadcast %sub3A_746 : f32 to vector<16xf32>
            %sub3A_748 = arith.subf %add3A_745, %sub3A_747 : vector<16xf32>
            %mul3A_749 = arith.constant 1.000000e+01 : f32
            %mul3A_750 = vector.broadcast %mul3A_749 : f32 to vector<16xf32>
            %mul3A_751 = arith.mulf %mul3A_750, %get3A_731 : vector<16xf32>
            %add3A_752 = vector.broadcast %convert_element_type3A_474 : f32 to vector<16xf32>
            %add3A_753 = arith.addf %add3A_752, %mul3A_751 : vector<16xf32>
            %add3A_754 = arith.constant 0x4B400000 : f32
            %add3A_755 = vector.broadcast %add3A_754 : f32 to vector<16xf32>
            %add3A_756 = arith.addf %add3A_753, %add3A_755 : vector<16xf32>
            %sub3A_757 = arith.constant 0x4B400000 : f32
            %sub3A_758 = vector.broadcast %sub3A_757 : f32 to vector<16xf32>
            %sub3A_759 = arith.subf %add3A_756, %sub3A_758 : vector<16xf32>
            %max3A_760 = arith.constant 0.000000e+00 : f32
            %max3A_761 = vector.broadcast %max3A_760 : f32 to vector<16xf32>
            %max3A_762 = arith.maximumf %sub3A_748, %max3A_761 : vector<16xf32>
            %min3A_763 = arith.constant 5.110000e+02 : f32
            %min3A_764 = vector.broadcast %min3A_763 : f32 to vector<16xf32>
            %min3A_765 = arith.minimumf %max3A_762, %min3A_764 : vector<16xf32>
            %max3A_766 = arith.constant 0.000000e+00 : f32
            %max3A_767 = vector.broadcast %max3A_766 : f32 to vector<16xf32>
            %max3A_768 = arith.maximumf %sub3A_759, %max3A_767 : vector<16xf32>
            %min3A_769 = arith.constant 5.110000e+02 : f32
            %min3A_770 = vector.broadcast %min3A_769 : f32 to vector<16xf32>
            %min3A_771 = arith.minimumf %max3A_768, %min3A_770 : vector<16xf32>
            %convert_element_type3A_772 = arith.fptosi %min3A_771 : vector<16xf32> to vector<16xi32>
            %shift_left3A_773 = arith.constant 9 : i32
            %shift_left3A_774 = vector.broadcast %shift_left3A_773 : i32 to vector<16xi32>
            %shift_left3A_775 = arith.shli %convert_element_type3A_772, %shift_left3A_774 : vector<16xi32>
            %convert_element_type3A_776 = arith.fptosi %min3A_765 : vector<16xf32> to vector<16xi32>
            %add3A_777 = arith.addi %shift_left3A_775, %convert_element_type3A_776 : vector<16xi32>
            %add3A_778 = vector.broadcast %mul3A_338 : i32 to vector<16xi32>
            %add3A_779 = arith.addi %add3A_777, %add3A_778 : vector<16xi32>
            %mul3A_780 = arith.constant 16 : i32
            %mul3A_781 = arith.muli %scan3A_495, %mul3A_780 : i32
            %add3A_782 = arith.constant 1536 : i32
            %add3A_783 = arith.addi %add3A_782, %mul3A_781 : i32
            %swap3A_784 = arith.index_cast %add3A_783 : i32 to index
            %swap3A_785 = tpu.vector_load %arg18[%swap3A_784] {strides = array<i32>} : memref<4096xi32, #tpu.memory_space<vmem>>, vector<16xi32>,
            %swap3A_786 = vector.shape_cast %swap3A_785 : vector<16xi32> to vector<16xi32>
            %swap3A_787 = vector.shape_cast %add3A_779 : vector<16xi32> to vector<16xi32>
            tpu.vector_store %arg18[%swap3A_784], %swap3A_787 {strides = array<i32>} : memref<4096xi32, #tpu.memory_space<vmem>>, vector<16xi32>,
            %swap3A_788 = arith.index_cast %add3A_783 : i32 to index
            %swap3A_789 = tpu.vector_load %arg15[%swap3A_788] {strides = array<i32>} : memref<4096xf32, #tpu.memory_space<vmem>>, vector<16xf32>,
            %swap3A_790 = vector.shape_cast %swap3A_789 : vector<16xf32> to vector<16xf32>
            %swap3A_791 = vector.shape_cast %get3A_738 : vector<16xf32> to vector<16xf32>
            tpu.vector_store %arg15[%swap3A_788], %swap3A_791 {strides = array<i32>} : memref<4096xf32, #tpu.memory_space<vmem>>, vector<16xf32>,
            %mul3A_792 = arith.constant 16 : i32
            %mul3A_793 = arith.muli %scan3A_495, %mul3A_792 : i32
            %get3A_794 = arith.constant 4 : i32
            %get3A_795 = arith.index_cast %get3A_794 : i32 to index
            %get3A_796 = arith.index_cast %mul3A_793 : i32 to index
            %get3A_797 = tpu.vector_load %arg6[%get3A_795, %get3A_796] {strides = array<i32>} : memref<8x512xf32, #tpu.memory_space<vmem>>, vector<1x16xf32>,
            %get3A_798 = vector.shape_cast %get3A_797 : vector<1x16xf32> to vector<16xf32>
            %mul3A_799 = arith.constant 16 : i32
            %mul3A_800 = arith.muli %scan3A_495, %mul3A_799 : i32
            %get3A_801 = arith.constant 4 : i32
            %get3A_802 = arith.index_cast %get3A_801 : i32 to index
            %get3A_803 = arith.index_cast %mul3A_800 : i32 to index
            %get3A_804 = tpu.vector_load %arg9[%get3A_802, %get3A_803] {strides = array<i32>} : memref<8x512xf32, #tpu.memory_space<vmem>>, vector<1x16xf32>,
            %get3A_805 = vector.shape_cast %get3A_804 : vector<1x16xf32> to vector<16xf32>
            %mul3A_806 = arith.constant 16 : i32
            %mul3A_807 = arith.muli %scan3A_495, %mul3A_806 : i32
            %get3A_808 = arith.constant 4 : i32
            %get3A_809 = arith.index_cast %get3A_808 : i32 to index
            %get3A_810 = arith.index_cast %mul3A_807 : i32 to index
            %get3A_811 = tpu.vector_load %arg12[%get3A_809, %get3A_810] {strides = array<i32>} : memref<8x512xf32, #tpu.memory_space<vmem>>, vector<1x16xf32>,
            %get3A_812 = vector.shape_cast %get3A_811 : vector<1x16xf32> to vector<16xf32>
            %mul3A_813 = arith.constant 1.000000e+01 : f32
            %mul3A_814 = vector.broadcast %mul3A_813 : f32 to vector<16xf32>
            %mul3A_815 = arith.mulf %mul3A_814, %get3A_798 : vector<16xf32>
            %add3A_816 = arith.addf %get3A_499, %mul3A_815 : vector<16xf32>
            %add3A_817 = arith.constant 0x4B400000 : f32
            %add3A_818 = vector.broadcast %add3A_817 : f32 to vector<16xf32>
            %add3A_819 = arith.addf %add3A_816, %add3A_818 : vector<16xf32>
            %sub3A_820 = arith.constant 0x4B400000 : f32
            %sub3A_821 = vector.broadcast %sub3A_820 : f32 to vector<16xf32>
            %sub3A_822 = arith.subf %add3A_819, %sub3A_821 : vector<16xf32>
            %mul3A_823 = arith.constant 1.000000e+01 : f32
            %mul3A_824 = vector.broadcast %mul3A_823 : f32 to vector<16xf32>
            %mul3A_825 = arith.mulf %mul3A_824, %get3A_805 : vector<16xf32>
            %add3A_826 = vector.broadcast %convert_element_type3A_477 : f32 to vector<16xf32>
            %add3A_827 = arith.addf %add3A_826, %mul3A_825 : vector<16xf32>
            %add3A_828 = arith.constant 0x4B400000 : f32
            %add3A_829 = vector.broadcast %add3A_828 : f32 to vector<16xf32>
            %add3A_830 = arith.addf %add3A_827, %add3A_829 : vector<16xf32>
            %sub3A_831 = arith.constant 0x4B400000 : f32
            %sub3A_832 = vector.broadcast %sub3A_831 : f32 to vector<16xf32>
            %sub3A_833 = arith.subf %add3A_830, %sub3A_832 : vector<16xf32>
            %max3A_834 = arith.constant 0.000000e+00 : f32
            %max3A_835 = vector.broadcast %max3A_834 : f32 to vector<16xf32>
            %max3A_836 = arith.maximumf %sub3A_822, %max3A_835 : vector<16xf32>
            %min3A_837 = arith.constant 5.110000e+02 : f32
            %min3A_838 = vector.broadcast %min3A_837 : f32 to vector<16xf32>
            %min3A_839 = arith.minimumf %max3A_836, %min3A_838 : vector<16xf32>
            %max3A_840 = arith.constant 0.000000e+00 : f32
            %max3A_841 = vector.broadcast %max3A_840 : f32 to vector<16xf32>
            %max3A_842 = arith.maximumf %sub3A_833, %max3A_841 : vector<16xf32>
            %min3A_843 = arith.constant 5.110000e+02 : f32
            %min3A_844 = vector.broadcast %min3A_843 : f32 to vector<16xf32>
            %min3A_845 = arith.minimumf %max3A_842, %min3A_844 : vector<16xf32>
            %convert_element_type3A_846 = arith.fptosi %min3A_845 : vector<16xf32> to vector<16xi32>
            %shift_left3A_847 = arith.constant 9 : i32
            %shift_left3A_848 = vector.broadcast %shift_left3A_847 : i32 to vector<16xi32>
            %shift_left3A_849 = arith.shli %convert_element_type3A_846, %shift_left3A_848 : vector<16xi32>
            %convert_element_type3A_850 = arith.fptosi %min3A_839 : vector<16xf32> to vector<16xi32>
            %add3A_851 = arith.addi %shift_left3A_849, %convert_element_type3A_850 : vector<16xi32>
            %add3A_852 = vector.broadcast %mul3A_338 : i32 to vector<16xi32>
            %add3A_853 = arith.addi %add3A_851, %add3A_852 : vector<16xi32>
            %mul3A_854 = arith.constant 16 : i32
            %mul3A_855 = arith.muli %scan3A_495, %mul3A_854 : i32
            %add3A_856 = arith.constant 2048 : i32
            %add3A_857 = arith.addi %add3A_856, %mul3A_855 : i32
            %swap3A_858 = arith.index_cast %add3A_857 : i32 to index
            %swap3A_859 = tpu.vector_load %arg18[%swap3A_858] {strides = array<i32>} : memref<4096xi32, #tpu.memory_space<vmem>>, vector<16xi32>,
            %swap3A_860 = vector.shape_cast %swap3A_859 : vector<16xi32> to vector<16xi32>
            %swap3A_861 = vector.shape_cast %add3A_853 : vector<16xi32> to vector<16xi32>
            tpu.vector_store %arg18[%swap3A_858], %swap3A_861 {strides = array<i32>} : memref<4096xi32, #tpu.memory_space<vmem>>, vector<16xi32>,
            %swap3A_862 = arith.index_cast %add3A_857 : i32 to index
            %swap3A_863 = tpu.vector_load %arg15[%swap3A_862] {strides = array<i32>} : memref<4096xf32, #tpu.memory_space<vmem>>, vector<16xf32>,
            %swap3A_864 = vector.shape_cast %swap3A_863 : vector<16xf32> to vector<16xf32>
            %swap3A_865 = vector.shape_cast %get3A_812 : vector<16xf32> to vector<16xf32>
            tpu.vector_store %arg15[%swap3A_862], %swap3A_865 {strides = array<i32>} : memref<4096xf32, #tpu.memory_space<vmem>>, vector<16xf32>,
            %mul3A_866 = arith.constant 16 : i32
            %mul3A_867 = arith.muli %scan3A_495, %mul3A_866 : i32
            %get3A_868 = arith.constant 5 : i32
            %get3A_869 = arith.index_cast %get3A_868 : i32 to index
            %get3A_870 = arith.index_cast %mul3A_867 : i32 to index
            %get3A_871 = tpu.vector_load %arg6[%get3A_869, %get3A_870] {strides = array<i32>} : memref<8x512xf32, #tpu.memory_space<vmem>>, vector<1x16xf32>,
            %get3A_872 = vector.shape_cast %get3A_871 : vector<1x16xf32> to vector<16xf32>
            %mul3A_873 = arith.constant 16 : i32
            %mul3A_874 = arith.muli %scan3A_495, %mul3A_873 : i32
            %get3A_875 = arith.constant 5 : i32
            %get3A_876 = arith.index_cast %get3A_875 : i32 to index
            %get3A_877 = arith.index_cast %mul3A_874 : i32 to index
            %get3A_878 = tpu.vector_load %arg9[%get3A_876, %get3A_877] {strides = array<i32>} : memref<8x512xf32, #tpu.memory_space<vmem>>, vector<1x16xf32>,
            %get3A_879 = vector.shape_cast %get3A_878 : vector<1x16xf32> to vector<16xf32>
            %mul3A_880 = arith.constant 16 : i32
            %mul3A_881 = arith.muli %scan3A_495, %mul3A_880 : i32
            %get3A_882 = arith.constant 5 : i32
            %get3A_883 = arith.index_cast %get3A_882 : i32 to index
            %get3A_884 = arith.index_cast %mul3A_881 : i32 to index
            %get3A_885 = tpu.vector_load %arg12[%get3A_883, %get3A_884] {strides = array<i32>} : memref<8x512xf32, #tpu.memory_space<vmem>>, vector<1x16xf32>,
            %get3A_886 = vector.shape_cast %get3A_885 : vector<1x16xf32> to vector<16xf32>
            %mul3A_887 = arith.constant 1.000000e+01 : f32
            %mul3A_888 = vector.broadcast %mul3A_887 : f32 to vector<16xf32>
            %mul3A_889 = arith.mulf %mul3A_888, %get3A_872 : vector<16xf32>
            %add3A_890 = arith.addf %get3A_499, %mul3A_889 : vector<16xf32>
            %add3A_891 = arith.constant 0x4B400000 : f32
            %add3A_892 = vector.broadcast %add3A_891 : f32 to vector<16xf32>
            %add3A_893 = arith.addf %add3A_890, %add3A_892 : vector<16xf32>
            %sub3A_894 = arith.constant 0x4B400000 : f32
            %sub3A_895 = vector.broadcast %sub3A_894 : f32 to vector<16xf32>
            %sub3A_896 = arith.subf %add3A_893, %sub3A_895 : vector<16xf32>
            %mul3A_897 = arith.constant 1.000000e+01 : f32
            %mul3A_898 = vector.broadcast %mul3A_897 : f32 to vector<16xf32>
            %mul3A_899 = arith.mulf %mul3A_898, %get3A_879 : vector<16xf32>
            %add3A_900 = vector.broadcast %convert_element_type3A_480 : f32 to vector<16xf32>
            %add3A_901 = arith.addf %add3A_900, %mul3A_899 : vector<16xf32>
            %add3A_902 = arith.constant 0x4B400000 : f32
            %add3A_903 = vector.broadcast %add3A_902 : f32 to vector<16xf32>
            %add3A_904 = arith.addf %add3A_901, %add3A_903 : vector<16xf32>
            %sub3A_905 = arith.constant 0x4B400000 : f32
            %sub3A_906 = vector.broadcast %sub3A_905 : f32 to vector<16xf32>
            %sub3A_907 = arith.subf %add3A_904, %sub3A_906 : vector<16xf32>
            %max3A_908 = arith.constant 0.000000e+00 : f32
            %max3A_909 = vector.broadcast %max3A_908 : f32 to vector<16xf32>
            %max3A_910 = arith.maximumf %sub3A_896, %max3A_909 : vector<16xf32>
            %min3A_911 = arith.constant 5.110000e+02 : f32
            %min3A_912 = vector.broadcast %min3A_911 : f32 to vector<16xf32>
            %min3A_913 = arith.minimumf %max3A_910, %min3A_912 : vector<16xf32>
            %max3A_914 = arith.constant 0.000000e+00 : f32
            %max3A_915 = vector.broadcast %max3A_914 : f32 to vector<16xf32>
            %max3A_916 = arith.maximumf %sub3A_907, %max3A_915 : vector<16xf32>
            %min3A_917 = arith.constant 5.110000e+02 : f32
            %min3A_918 = vector.broadcast %min3A_917 : f32 to vector<16xf32>
            %min3A_919 = arith.minimumf %max3A_916, %min3A_918 : vector<16xf32>
            %convert_element_type3A_920 = arith.fptosi %min3A_919 : vector<16xf32> to vector<16xi32>
            %shift_left3A_921 = arith.constant 9 : i32
            %shift_left3A_922 = vector.broadcast %shift_left3A_921 : i32 to vector<16xi32>
            %shift_left3A_923 = arith.shli %convert_element_type3A_920, %shift_left3A_922 : vector<16xi32>
            %convert_element_type3A_924 = arith.fptosi %min3A_913 : vector<16xf32> to vector<16xi32>
            %add3A_925 = arith.addi %shift_left3A_923, %convert_element_type3A_924 : vector<16xi32>
            %add3A_926 = vector.broadcast %mul3A_338 : i32 to vector<16xi32>
            %add3A_927 = arith.addi %add3A_925, %add3A_926 : vector<16xi32>
            %mul3A_928 = arith.constant 16 : i32
            %mul3A_929 = arith.muli %scan3A_495, %mul3A_928 : i32
            %add3A_930 = arith.constant 2560 : i32
            %add3A_931 = arith.addi %add3A_930, %mul3A_929 : i32
            %swap3A_932 = arith.index_cast %add3A_931 : i32 to index
            %swap3A_933 = tpu.vector_load %arg18[%swap3A_932] {strides = array<i32>} : memref<4096xi32, #tpu.memory_space<vmem>>, vector<16xi32>,
            %swap3A_934 = vector.shape_cast %swap3A_933 : vector<16xi32> to vector<16xi32>
            %swap3A_935 = vector.shape_cast %add3A_927 : vector<16xi32> to vector<16xi32>
            tpu.vector_store %arg18[%swap3A_932], %swap3A_935 {strides = array<i32>} : memref<4096xi32, #tpu.memory_space<vmem>>, vector<16xi32>,
            %swap3A_936 = arith.index_cast %add3A_931 : i32 to index
            %swap3A_937 = tpu.vector_load %arg15[%swap3A_936] {strides = array<i32>} : memref<4096xf32, #tpu.memory_space<vmem>>, vector<16xf32>,
            %swap3A_938 = vector.shape_cast %swap3A_937 : vector<16xf32> to vector<16xf32>
            %swap3A_939 = vector.shape_cast %get3A_886 : vector<16xf32> to vector<16xf32>
            tpu.vector_store %arg15[%swap3A_936], %swap3A_939 {strides = array<i32>} : memref<4096xf32, #tpu.memory_space<vmem>>, vector<16xf32>,
            %mul3A_940 = arith.constant 16 : i32
            %mul3A_941 = arith.muli %scan3A_495, %mul3A_940 : i32
            %get3A_942 = arith.constant 6 : i32
            %get3A_943 = arith.index_cast %get3A_942 : i32 to index
            %get3A_944 = arith.index_cast %mul3A_941 : i32 to index
            %get3A_945 = tpu.vector_load %arg6[%get3A_943, %get3A_944] {strides = array<i32>} : memref<8x512xf32, #tpu.memory_space<vmem>>, vector<1x16xf32>,
            %get3A_946 = vector.shape_cast %get3A_945 : vector<1x16xf32> to vector<16xf32>
            %mul3A_947 = arith.constant 16 : i32
            %mul3A_948 = arith.muli %scan3A_495, %mul3A_947 : i32
            %get3A_949 = arith.constant 6 : i32
            %get3A_950 = arith.index_cast %get3A_949 : i32 to index
            %get3A_951 = arith.index_cast %mul3A_948 : i32 to index
            %get3A_952 = tpu.vector_load %arg9[%get3A_950, %get3A_951] {strides = array<i32>} : memref<8x512xf32, #tpu.memory_space<vmem>>, vector<1x16xf32>,
            %get3A_953 = vector.shape_cast %get3A_952 : vector<1x16xf32> to vector<16xf32>
            %mul3A_954 = arith.constant 16 : i32
            %mul3A_955 = arith.muli %scan3A_495, %mul3A_954 : i32
            %get3A_956 = arith.constant 6 : i32
            %get3A_957 = arith.index_cast %get3A_956 : i32 to index
            %get3A_958 = arith.index_cast %mul3A_955 : i32 to index
            %get3A_959 = tpu.vector_load %arg12[%get3A_957, %get3A_958] {strides = array<i32>} : memref<8x512xf32, #tpu.memory_space<vmem>>, vector<1x16xf32>,
            %get3A_960 = vector.shape_cast %get3A_959 : vector<1x16xf32> to vector<16xf32>
            %mul3A_961 = arith.constant 1.000000e+01 : f32
            %mul3A_962 = vector.broadcast %mul3A_961 : f32 to vector<16xf32>
            %mul3A_963 = arith.mulf %mul3A_962, %get3A_946 : vector<16xf32>
            %add3A_964 = arith.addf %get3A_499, %mul3A_963 : vector<16xf32>
            %add3A_965 = arith.constant 0x4B400000 : f32
            %add3A_966 = vector.broadcast %add3A_965 : f32 to vector<16xf32>
            %add3A_967 = arith.addf %add3A_964, %add3A_966 : vector<16xf32>
            %sub3A_968 = arith.constant 0x4B400000 : f32
            %sub3A_969 = vector.broadcast %sub3A_968 : f32 to vector<16xf32>
            %sub3A_970 = arith.subf %add3A_967, %sub3A_969 : vector<16xf32>
            %mul3A_971 = arith.constant 1.000000e+01 : f32
            %mul3A_972 = vector.broadcast %mul3A_971 : f32 to vector<16xf32>
            %mul3A_973 = arith.mulf %mul3A_972, %get3A_953 : vector<16xf32>
            %add3A_974 = vector.broadcast %convert_element_type3A_483 : f32 to vector<16xf32>
            %add3A_975 = arith.addf %add3A_974, %mul3A_973 : vector<16xf32>
            %add3A_976 = arith.constant 0x4B400000 : f32
            %add3A_977 = vector.broadcast %add3A_976 : f32 to vector<16xf32>
            %add3A_978 = arith.addf %add3A_975, %add3A_977 : vector<16xf32>
            %sub3A_979 = arith.constant 0x4B400000 : f32
            %sub3A_980 = vector.broadcast %sub3A_979 : f32 to vector<16xf32>
            %sub3A_981 = arith.subf %add3A_978, %sub3A_980 : vector<16xf32>
            %max3A_982 = arith.constant 0.000000e+00 : f32
            %max3A_983 = vector.broadcast %max3A_982 : f32 to vector<16xf32>
            %max3A_984 = arith.maximumf %sub3A_970, %max3A_983 : vector<16xf32>
            %min3A_985 = arith.constant 5.110000e+02 : f32
            %min3A_986 = vector.broadcast %min3A_985 : f32 to vector<16xf32>
            %min3A_987 = arith.minimumf %max3A_984, %min3A_986 : vector<16xf32>
            %max3A_988 = arith.constant 0.000000e+00 : f32
            %max3A_989 = vector.broadcast %max3A_988 : f32 to vector<16xf32>
            %max3A_990 = arith.maximumf %sub3A_981, %max3A_989 : vector<16xf32>
            %min3A_991 = arith.constant 5.110000e+02 : f32
            %min3A_992 = vector.broadcast %min3A_991 : f32 to vector<16xf32>
            %min3A_993 = arith.minimumf %max3A_990, %min3A_992 : vector<16xf32>
            %convert_element_type3A_994 = arith.fptosi %min3A_993 : vector<16xf32> to vector<16xi32>
            %shift_left3A_995 = arith.constant 9 : i32
            %shift_left3A_996 = vector.broadcast %shift_left3A_995 : i32 to vector<16xi32>
            %shift_left3A_997 = arith.shli %convert_element_type3A_994, %shift_left3A_996 : vector<16xi32>
            %convert_element_type3A_998 = arith.fptosi %min3A_987 : vector<16xf32> to vector<16xi32>
            %add3A_999 = arith.addi %shift_left3A_997, %convert_element_type3A_998 : vector<16xi32>
            %add3A_1000 = vector.broadcast %mul3A_338 : i32 to vector<16xi32>
            %add3A_1001 = arith.addi %add3A_999, %add3A_1000 : vector<16xi32>
            %mul3A_1002 = arith.constant 16 : i32
            %mul3A_1003 = arith.muli %scan3A_495, %mul3A_1002 : i32
            %add3A_1004 = arith.constant 3072 : i32
            %add3A_1005 = arith.addi %add3A_1004, %mul3A_1003 : i32
            %swap3A_1006 = arith.index_cast %add3A_1005 : i32 to index
            %swap3A_1007 = tpu.vector_load %arg18[%swap3A_1006] {strides = array<i32>} : memref<4096xi32, #tpu.memory_space<vmem>>, vector<16xi32>,
            %swap3A_1008 = vector.shape_cast %swap3A_1007 : vector<16xi32> to vector<16xi32>
            %swap3A_1009 = vector.shape_cast %add3A_1001 : vector<16xi32> to vector<16xi32>
            tpu.vector_store %arg18[%swap3A_1006], %swap3A_1009 {strides = array<i32>} : memref<4096xi32, #tpu.memory_space<vmem>>, vector<16xi32>,
            %swap3A_1010 = arith.index_cast %add3A_1005 : i32 to index
            %swap3A_1011 = tpu.vector_load %arg15[%swap3A_1010] {strides = array<i32>} : memref<4096xf32, #tpu.memory_space<vmem>>, vector<16xf32>,
            %swap3A_1012 = vector.shape_cast %swap3A_1011 : vector<16xf32> to vector<16xf32>
            %swap3A_1013 = vector.shape_cast %get3A_960 : vector<16xf32> to vector<16xf32>
            tpu.vector_store %arg15[%swap3A_1010], %swap3A_1013 {strides = array<i32>} : memref<4096xf32, #tpu.memory_space<vmem>>, vector<16xf32>,
            %mul3A_1014 = arith.constant 16 : i32
            %mul3A_1015 = arith.muli %scan3A_495, %mul3A_1014 : i32
            %get3A_1016 = arith.constant 7 : i32
            %get3A_1017 = arith.index_cast %get3A_1016 : i32 to index
            %get3A_1018 = arith.index_cast %mul3A_1015 : i32 to index
            %get3A_1019 = tpu.vector_load %arg6[%get3A_1017, %get3A_1018] {strides = array<i32>} : memref<8x512xf32, #tpu.memory_space<vmem>>, vector<1x16xf32>,
            %get3A_1020 = vector.shape_cast %get3A_1019 : vector<1x16xf32> to vector<16xf32>
            %mul3A_1021 = arith.constant 16 : i32
            %mul3A_1022 = arith.muli %scan3A_495, %mul3A_1021 : i32
            %get3A_1023 = arith.constant 7 : i32
            %get3A_1024 = arith.index_cast %get3A_1023 : i32 to index
            %get3A_1025 = arith.index_cast %mul3A_1022 : i32 to index
            %get3A_1026 = tpu.vector_load %arg9[%get3A_1024, %get3A_1025] {strides = array<i32>} : memref<8x512xf32, #tpu.memory_space<vmem>>, vector<1x16xf32>,
            %get3A_1027 = vector.shape_cast %get3A_1026 : vector<1x16xf32> to vector<16xf32>
            %mul3A_1028 = arith.constant 16 : i32
            %mul3A_1029 = arith.muli %scan3A_495, %mul3A_1028 : i32
            %get3A_1030 = arith.constant 7 : i32
            %get3A_1031 = arith.index_cast %get3A_1030 : i32 to index
            %get3A_1032 = arith.index_cast %mul3A_1029 : i32 to index
            %get3A_1033 = tpu.vector_load %arg12[%get3A_1031, %get3A_1032] {strides = array<i32>} : memref<8x512xf32, #tpu.memory_space<vmem>>, vector<1x16xf32>,
            %get3A_1034 = vector.shape_cast %get3A_1033 : vector<1x16xf32> to vector<16xf32>
            %mul3A_1035 = arith.constant 1.000000e+01 : f32
            %mul3A_1036 = vector.broadcast %mul3A_1035 : f32 to vector<16xf32>
            %mul3A_1037 = arith.mulf %mul3A_1036, %get3A_1020 : vector<16xf32>
            %add3A_1038 = arith.addf %get3A_499, %mul3A_1037 : vector<16xf32>
            %add3A_1039 = arith.constant 0x4B400000 : f32
            %add3A_1040 = vector.broadcast %add3A_1039 : f32 to vector<16xf32>
            %add3A_1041 = arith.addf %add3A_1038, %add3A_1040 : vector<16xf32>
            %sub3A_1042 = arith.constant 0x4B400000 : f32
            %sub3A_1043 = vector.broadcast %sub3A_1042 : f32 to vector<16xf32>
            %sub3A_1044 = arith.subf %add3A_1041, %sub3A_1043 : vector<16xf32>
            %mul3A_1045 = arith.constant 1.000000e+01 : f32
            %mul3A_1046 = vector.broadcast %mul3A_1045 : f32 to vector<16xf32>
            %mul3A_1047 = arith.mulf %mul3A_1046, %get3A_1027 : vector<16xf32>
            %add3A_1048 = vector.broadcast %convert_element_type3A_486 : f32 to vector<16xf32>
            %add3A_1049 = arith.addf %add3A_1048, %mul3A_1047 : vector<16xf32>
            %add3A_1050 = arith.constant 0x4B400000 : f32
            %add3A_1051 = vector.broadcast %add3A_1050 : f32 to vector<16xf32>
            %add3A_1052 = arith.addf %add3A_1049, %add3A_1051 : vector<16xf32>
            %sub3A_1053 = arith.constant 0x4B400000 : f32
            %sub3A_1054 = vector.broadcast %sub3A_1053 : f32 to vector<16xf32>
            %sub3A_1055 = arith.subf %add3A_1052, %sub3A_1054 : vector<16xf32>
            %max3A_1056 = arith.constant 0.000000e+00 : f32
            %max3A_1057 = vector.broadcast %max3A_1056 : f32 to vector<16xf32>
            %max3A_1058 = arith.maximumf %sub3A_1044, %max3A_1057 : vector<16xf32>
            %min3A_1059 = arith.constant 5.110000e+02 : f32
            %min3A_1060 = vector.broadcast %min3A_1059 : f32 to vector<16xf32>
            %min3A_1061 = arith.minimumf %max3A_1058, %min3A_1060 : vector<16xf32>
            %max3A_1062 = arith.constant 0.000000e+00 : f32
            %max3A_1063 = vector.broadcast %max3A_1062 : f32 to vector<16xf32>
            %max3A_1064 = arith.maximumf %sub3A_1055, %max3A_1063 : vector<16xf32>
            %min3A_1065 = arith.constant 5.110000e+02 : f32
            %min3A_1066 = vector.broadcast %min3A_1065 : f32 to vector<16xf32>
            %min3A_1067 = arith.minimumf %max3A_1064, %min3A_1066 : vector<16xf32>
            %convert_element_type3A_1068 = arith.fptosi %min3A_1067 : vector<16xf32> to vector<16xi32>
            %shift_left3A_1069 = arith.constant 9 : i32
            %shift_left3A_1070 = vector.broadcast %shift_left3A_1069 : i32 to vector<16xi32>
            %shift_left3A_1071 = arith.shli %convert_element_type3A_1068, %shift_left3A_1070 : vector<16xi32>
            %convert_element_type3A_1072 = arith.fptosi %min3A_1061 : vector<16xf32> to vector<16xi32>
            %add3A_1073 = arith.addi %shift_left3A_1071, %convert_element_type3A_1072 : vector<16xi32>
            %add3A_1074 = vector.broadcast %mul3A_338 : i32 to vector<16xi32>
            %add3A_1075 = arith.addi %add3A_1073, %add3A_1074 : vector<16xi32>
            %mul3A_1076 = arith.constant 16 : i32
            %mul3A_1077 = arith.muli %scan3A_495, %mul3A_1076 : i32
            %add3A_1078 = arith.constant 3584 : i32
            %add3A_1079 = arith.addi %add3A_1078, %mul3A_1077 : i32
            %swap3A_1080 = arith.index_cast %add3A_1079 : i32 to index
            %swap3A_1081 = tpu.vector_load %arg18[%swap3A_1080] {strides = array<i32>} : memref<4096xi32, #tpu.memory_space<vmem>>, vector<16xi32>,
            %swap3A_1082 = vector.shape_cast %swap3A_1081 : vector<16xi32> to vector<16xi32>
            %swap3A_1083 = vector.shape_cast %add3A_1075 : vector<16xi32> to vector<16xi32>
            tpu.vector_store %arg18[%swap3A_1080], %swap3A_1083 {strides = array<i32>} : memref<4096xi32, #tpu.memory_space<vmem>>, vector<16xi32>,
            %swap3A_1084 = arith.index_cast %add3A_1079 : i32 to index
            %swap3A_1085 = tpu.vector_load %arg15[%swap3A_1084] {strides = array<i32>} : memref<4096xf32, #tpu.memory_space<vmem>>, vector<16xf32>,
            %swap3A_1086 = vector.shape_cast %swap3A_1085 : vector<16xf32> to vector<16xf32>
            %swap3A_1087 = vector.shape_cast %get3A_1034 : vector<16xf32> to vector<16xf32>
            tpu.vector_store %arg15[%swap3A_1084], %swap3A_1087 {strides = array<i32>} : memref<4096xf32, #tpu.memory_space<vmem>>, vector<16xf32>,
          }
          %scan3A_492 = arith.constant 32 : i32
          %dma_start3A_493 = arith.constant 0 : i32
          %dma_start3A_494 = tpu.memref_slice %arg5[%dma_start3A_493] : memref<1048576xf32, #tpu.memory_space<vmem_shared>> -> memref<1048576xf32, #tpu.memory_space<vmem_shared>>
          tpu.enqueue_indirect_dma source(%arg15 : memref<4096xf32, #tpu.memory_space<vmem>>) target(%dma_start3A_494 : memref<1048576xf32, #tpu.memory_space<vmem_shared>>) offsets(%arg18 : memref<4096xi32, #tpu.memory_space<vmem>>) semaphore(%arg26 : memref<!tpu.dma_semaphore, #tpu.memory_space<semaphore_mem>>) {add = true}
        } else {
        }
        %jit3A_387 = arith.constant 3 : i32
        %eq3A_388 = arith.constant 0 : i32
        %eq3A_389 = arith.cmpi eq, %jit3A_387, %eq3A_388 : i32
        %jit3A_390 = arith.constant 1 : i32
        %select_n3A_391 = arith.select %eq3A_389, %jit3A_390, %jit3A_387 : i32
        %rem3A_392 = arith.remsi %scan3A_365, %select_n3A_391 : i32
        %ne3A_393 = arith.constant 0 : i32
        %ne3A_394 = arith.cmpi ne, %rem3A_392, %ne3A_393 : i32
        %lt3A_395 = arith.constant 0 : i32
        %lt3A_396 = arith.cmpi slt, %rem3A_392, %lt3A_395 : i32
        %lt3A_397 = arith.constant 0 : i32
        %lt3A_398 = arith.cmpi slt, %select_n3A_391, %lt3A_397 : i32
        %ne3A_399 = arith.xori %lt3A_396, %lt3A_398 : i1
        %and3A_400 = arith.andi %ne3A_399, %ne3A_394 : i1
        %add3A_401 = arith.addi %rem3A_392, %select_n3A_391 : i32
        %select_n3A_402 = arith.select %and3A_400, %add3A_401, %rem3A_392 : i32
        %eq3A_403 = arith.constant 1 : i32
        %eq3A_404 = arith.cmpi eq, %select_n3A_402, %eq3A_403 : i32
        %convert_element_type3A_405 = arith.extui %eq3A_404 : i1 to i32
        %cond3A_406 = arith.constant 0 : i32
        %cond3A_407 = arith.cmpi ne, %convert_element_type3A_405, %cond3A_406 : i32
        scf.if %cond3A_407 {
          %add3A_429 = arith.constant 1 : i32
          %add3A_430 = arith.addi %scan3A_365, %add3A_429 : i32
          %lt3A_431 = arith.constant 16 : i32
          %lt3A_432 = arith.cmpi slt, %add3A_430, %lt3A_431 : i32
          %convert_element_type3A_433 = arith.extui %lt3A_432 : i1 to i32
          %cond3A_434 = arith.constant 0 : i32
          %cond3A_435 = arith.cmpi ne, %convert_element_type3A_433, %cond3A_434 : i32
          scf.if %cond3A_435 {
            %ge3A = arith.constant 2 : i32
            %ge3A_495 = arith.cmpi sge, %scan3A_365, %ge3A : i32
            %convert_element_type3A_496 = arith.extui %ge3A_495 : i1 to i32
            %cond3A_497 = arith.constant 0 : i32
            %cond3A_498 = arith.cmpi ne, %convert_element_type3A_496, %cond3A_497 : i32
            scf.if %cond3A_498 {
              %dma_wait3A_528 = arith.constant 0 : i32
              %dma_wait3A_529 = tpu.memref_slice %arg5[%dma_wait3A_528] : memref<1048576xf32, #tpu.memory_space<vmem_shared>> -> memref<1048576xf32, #tpu.memory_space<vmem_shared>>
              tpu.wait_indirect_dma semaphore(%arg28 : memref<!tpu.dma_semaphore, #tpu.memory_space<semaphore_mem>>) src(%arg17 : memref<4096xf32, #tpu.memory_space<vmem>>) dst(%dma_wait3A_529 : memref<1048576xf32, #tpu.memory_space<vmem_shared>>)
            } else {
            }
            %add3A_499 = arith.constant 1 : i32
            %add3A_500 = arith.addi %scan3A_365, %add3A_499 : i32
            %mul3A_501 = arith.constant 8 : i32
            %mul3A_502 = arith.muli %add3A_500, %mul3A_501 : i32
            %add3A_503 = arith.addi %mul3A_29, %mul3A_502 : i32
            %dma_start3A_504 = arith.constant 0 : i32
            %dma_start3A_505 = tpu.memref_slice %arg2[%add3A_81, %add3A_503, %dma_start3A_504] : memref<16x512x512xf32, #tpu.memory_space<hbm>> -> memref<1x8x512xf32, #tpu.memory_space<hbm>>
            %dma_start3A_506 = tpu.memref_squeeze %dma_start3A_505 : memref<1x8x512xf32, #tpu.memory_space<hbm>> -> memref<8x512xf32, #tpu.memory_space<hbm>>
            %dma_start3A_507 = arith.constant 0 : i32
            %dma_start3A_508 = tpu.memref_slice %arg2[%add3A_81, %add3A_503, %dma_start3A_507] : memref<16x512x512xf32, #tpu.memory_space<hbm>> -> memref<1x8x512xf32, #tpu.memory_space<hbm>>
            %dma_start3A_509 = tpu.memref_squeeze %dma_start3A_508 : memref<1x8x512xf32, #tpu.memory_space<hbm>> -> memref<8x512xf32, #tpu.memory_space<hbm>>
            tpu.enqueue_dma source(%dma_start3A_509 : memref<8x512xf32, #tpu.memory_space<hbm>>) target(%arg14 : memref<8x512xf32, #tpu.memory_space<vmem>>) target_semaphore(%arg25 : memref<!tpu.dma_semaphore, #tpu.memory_space<semaphore_mem>>)
            %mul3A_510 = arith.constant 2 : i32
            %mul3A_511 = arith.muli %mul3A_510, %add3A_81 : i32
            %dma_start3A_512 = arith.constant 0 : i32
            %dma_start3A_513 = tpu.memref_slice %arg3[%mul3A_511, %add3A_503, %dma_start3A_512] : memref<32x512x512xf32, #tpu.memory_space<hbm>> -> memref<1x8x512xf32, #tpu.memory_space<hbm>>
            %dma_start3A_514 = tpu.memref_squeeze %dma_start3A_513 : memref<1x8x512xf32, #tpu.memory_space<hbm>> -> memref<8x512xf32, #tpu.memory_space<hbm>>
            %dma_start3A_515 = arith.constant 0 : i32
            %dma_start3A_516 = tpu.memref_slice %arg3[%mul3A_511, %add3A_503, %dma_start3A_515] : memref<32x512x512xf32, #tpu.memory_space<hbm>> -> memref<1x8x512xf32, #tpu.memory_space<hbm>>
            %dma_start3A_517 = tpu.memref_squeeze %dma_start3A_516 : memref<1x8x512xf32, #tpu.memory_space<hbm>> -> memref<8x512xf32, #tpu.memory_space<hbm>>
            tpu.enqueue_dma source(%dma_start3A_517 : memref<8x512xf32, #tpu.memory_space<hbm>>) target(%arg8 : memref<8x512xf32, #tpu.memory_space<vmem>>) target_semaphore(%arg25 : memref<!tpu.dma_semaphore, #tpu.memory_space<semaphore_mem>>)
            %mul3A_518 = arith.constant 2 : i32
            %mul3A_519 = arith.muli %mul3A_518, %add3A_81 : i32
            %add3A_520 = arith.constant 1 : i32
            %add3A_521 = arith.addi %mul3A_519, %add3A_520 : i32
            %dma_start3A_522 = arith.constant 0 : i32
            %dma_start3A_523 = tpu.memref_slice %arg3[%add3A_521, %add3A_503, %dma_start3A_522] : memref<32x512x512xf32, #tpu.memory_space<hbm>> -> memref<1x8x512xf32, #tpu.memory_space<hbm>>
            %dma_start3A_524 = tpu.memref_squeeze %dma_start3A_523 : memref<1x8x512xf32, #tpu.memory_space<hbm>> -> memref<8x512xf32, #tpu.memory_space<hbm>>
            %dma_start3A_525 = arith.constant 0 : i32
            %dma_start3A_526 = tpu.memref_slice %arg3[%add3A_521, %add3A_503, %dma_start3A_525] : memref<32x512x512xf32, #tpu.memory_space<hbm>> -> memref<1x8x512xf32, #tpu.memory_space<hbm>>
            %dma_start3A_527 = tpu.memref_squeeze %dma_start3A_526 : memref<1x8x512xf32, #tpu.memory_space<hbm>> -> memref<8x512xf32, #tpu.memory_space<hbm>>
            tpu.enqueue_dma source(%dma_start3A_527 : memref<8x512xf32, #tpu.memory_space<hbm>>) target(%arg11 : memref<8x512xf32, #tpu.memory_space<vmem>>) target_semaphore(%arg25 : memref<!tpu.dma_semaphore, #tpu.memory_space<semaphore_mem>>)
          } else {
          }
          %dma_wait3A_436 = arith.constant 0 : i32
          %dma_wait3A_437 = arith.constant 0 : i32
          %dma_wait3A_438 = tpu.memref_slice %arg2[%add3A_81, %dma_wait3A_436, %dma_wait3A_437] : memref<16x512x512xf32, #tpu.memory_space<hbm>> -> memref<1x8x512xf32, #tpu.memory_space<hbm>>
          %dma_wait3A_439 = tpu.memref_squeeze %dma_wait3A_438 : memref<1x8x512xf32, #tpu.memory_space<hbm>> -> memref<8x512xf32, #tpu.memory_space<hbm>>
          %dma_wait3A_440 = arith.constant 0 : i32
          %dma_wait3A_441 = arith.constant 0 : i32
          %dma_wait3A_442 = tpu.memref_slice %arg2[%add3A_81, %dma_wait3A_440, %dma_wait3A_441] : memref<16x512x512xf32, #tpu.memory_space<hbm>> -> memref<1x8x512xf32, #tpu.memory_space<hbm>>
          %dma_wait3A_443 = tpu.memref_squeeze %dma_wait3A_442 : memref<1x8x512xf32, #tpu.memory_space<hbm>> -> memref<8x512xf32, #tpu.memory_space<hbm>>
          tpu.wait_dma2 semaphore(%arg24 : memref<!tpu.dma_semaphore, #tpu.memory_space<semaphore_mem>>) src(%dma_wait3A_443 : memref<8x512xf32, #tpu.memory_space<hbm>>) dst(%arg13 : memref<8x512xf32, #tpu.memory_space<vmem>>)
          %dma_wait3A_444 = arith.constant 0 : i32
          %dma_wait3A_445 = arith.constant 0 : i32
          %dma_wait3A_446 = tpu.memref_slice %arg2[%add3A_81, %dma_wait3A_444, %dma_wait3A_445] : memref<16x512x512xf32, #tpu.memory_space<hbm>> -> memref<1x8x512xf32, #tpu.memory_space<hbm>>
          %dma_wait3A_447 = tpu.memref_squeeze %dma_wait3A_446 : memref<1x8x512xf32, #tpu.memory_space<hbm>> -> memref<8x512xf32, #tpu.memory_space<hbm>>
          %dma_wait3A_448 = arith.constant 0 : i32
          %dma_wait3A_449 = arith.constant 0 : i32
          %dma_wait3A_450 = tpu.memref_slice %arg2[%add3A_81, %dma_wait3A_448, %dma_wait3A_449] : memref<16x512x512xf32, #tpu.memory_space<hbm>> -> memref<1x8x512xf32, #tpu.memory_space<hbm>>
          %dma_wait3A_451 = tpu.memref_squeeze %dma_wait3A_450 : memref<1x8x512xf32, #tpu.memory_space<hbm>> -> memref<8x512xf32, #tpu.memory_space<hbm>>
          tpu.wait_dma2 semaphore(%arg24 : memref<!tpu.dma_semaphore, #tpu.memory_space<semaphore_mem>>) src(%dma_wait3A_451 : memref<8x512xf32, #tpu.memory_space<hbm>>) dst(%arg7 : memref<8x512xf32, #tpu.memory_space<vmem>>)
          %dma_wait3A_452 = arith.constant 0 : i32
          %dma_wait3A_453 = arith.constant 0 : i32
          %dma_wait3A_454 = tpu.memref_slice %arg2[%add3A_81, %dma_wait3A_452, %dma_wait3A_453] : memref<16x512x512xf32, #tpu.memory_space<hbm>> -> memref<1x8x512xf32, #tpu.memory_space<hbm>>
          %dma_wait3A_455 = tpu.memref_squeeze %dma_wait3A_454 : memref<1x8x512xf32, #tpu.memory_space<hbm>> -> memref<8x512xf32, #tpu.memory_space<hbm>>
          %dma_wait3A_456 = arith.constant 0 : i32
          %dma_wait3A_457 = arith.constant 0 : i32
          %dma_wait3A_458 = tpu.memref_slice %arg2[%add3A_81, %dma_wait3A_456, %dma_wait3A_457] : memref<16x512x512xf32, #tpu.memory_space<hbm>> -> memref<1x8x512xf32, #tpu.memory_space<hbm>>
          %dma_wait3A_459 = tpu.memref_squeeze %dma_wait3A_458 : memref<1x8x512xf32, #tpu.memory_space<hbm>> -> memref<8x512xf32, #tpu.memory_space<hbm>>
          tpu.wait_dma2 semaphore(%arg24 : memref<!tpu.dma_semaphore, #tpu.memory_space<semaphore_mem>>) src(%dma_wait3A_459 : memref<8x512xf32, #tpu.memory_space<hbm>>) dst(%arg10 : memref<8x512xf32, #tpu.memory_space<vmem>>)
          %mul3A_460 = arith.constant 8 : i32
          %mul3A_461 = arith.muli %scan3A_365, %mul3A_460 : i32
          %add3A_462 = arith.addi %mul3A_29, %mul3A_461 : i32
          %add3A_463 = arith.constant 0 : i32
          %add3A_464 = arith.addi %add3A_462, %add3A_463 : i32
          %convert_element_type3A_465 = arith.sitofp %add3A_464 : i32 to f32
          %add3A_466 = arith.constant 1 : i32
          %add3A_467 = arith.addi %add3A_462, %add3A_466 : i32
          %convert_element_type3A_468 = arith.sitofp %add3A_467 : i32 to f32
          %add3A_469 = arith.constant 2 : i32
          %add3A_470 = arith.addi %add3A_462, %add3A_469 : i32
          %convert_element_type3A_471 = arith.sitofp %add3A_470 : i32 to f32
          %add3A_472 = arith.constant 3 : i32
          %add3A_473 = arith.addi %add3A_462, %add3A_472 : i32
          %convert_element_type3A_474 = arith.sitofp %add3A_473 : i32 to f32
          %add3A_475 = arith.constant 4 : i32
          %add3A_476 = arith.addi %add3A_462, %add3A_475 : i32
          %convert_element_type3A_477 = arith.sitofp %add3A_476 : i32 to f32
          %add3A_478 = arith.constant 5 : i32
          %add3A_479 = arith.addi %add3A_462, %add3A_478 : i32
          %convert_element_type3A_480 = arith.sitofp %add3A_479 : i32 to f32
          %add3A_481 = arith.constant 6 : i32
          %add3A_482 = arith.addi %add3A_462, %add3A_481 : i32
          %convert_element_type3A_483 = arith.sitofp %add3A_482 : i32 to f32
          %add3A_484 = arith.constant 7 : i32
          %add3A_485 = arith.addi %add3A_462, %add3A_484 : i32
          %convert_element_type3A_486 = arith.sitofp %add3A_485 : i32 to f32
          %scan3A_487 = arith.constant 0 : i32
          %scan3A_488 = arith.constant 0 : i32
          %scan3A_489 = arith.constant 32 : i32
          %scan3A_490 = arith.addi %scan3A_488, %scan3A_489 : i32
          %scan3A_491 = arith.constant 1 : i32
          scf.for %scan3A_495 = %scan3A_488 to %scan3A_490 step %scan3A_491  : i32 {
            %mul3A_496 = arith.constant 16 : i32
            %mul3A_497 = arith.muli %scan3A_495, %mul3A_496 : i32
            %get3A = arith.index_cast %mul3A_497 : i32 to index
            %get3A_498 = tpu.vector_load %arg22[%get3A] {strides = array<i32>} : memref<512xf32, #tpu.memory_space<vmem>>, vector<16xf32>,
            %get3A_499 = vector.shape_cast %get3A_498 : vector<16xf32> to vector<16xf32>
            %mul3A_500 = arith.constant 16 : i32
            %mul3A_501 = arith.muli %scan3A_495, %mul3A_500 : i32
            %get3A_502 = arith.constant 0 : i32
            %get3A_503 = arith.index_cast %get3A_502 : i32 to index
            %get3A_504 = arith.index_cast %mul3A_501 : i32 to index
            %get3A_505 = tpu.vector_load %arg7[%get3A_503, %get3A_504] {strides = array<i32>} : memref<8x512xf32, #tpu.memory_space<vmem>>, vector<1x16xf32>,
            %get3A_506 = vector.shape_cast %get3A_505 : vector<1x16xf32> to vector<16xf32>
            %mul3A_507 = arith.constant 16 : i32
            %mul3A_508 = arith.muli %scan3A_495, %mul3A_507 : i32
            %get3A_509 = arith.constant 0 : i32
            %get3A_510 = arith.index_cast %get3A_509 : i32 to index
            %get3A_511 = arith.index_cast %mul3A_508 : i32 to index
            %get3A_512 = tpu.vector_load %arg10[%get3A_510, %get3A_511] {strides = array<i32>} : memref<8x512xf32, #tpu.memory_space<vmem>>, vector<1x16xf32>,
            %get3A_513 = vector.shape_cast %get3A_512 : vector<1x16xf32> to vector<16xf32>
            %mul3A_514 = arith.constant 16 : i32
            %mul3A_515 = arith.muli %scan3A_495, %mul3A_514 : i32
            %get3A_516 = arith.constant 0 : i32
            %get3A_517 = arith.index_cast %get3A_516 : i32 to index
            %get3A_518 = arith.index_cast %mul3A_515 : i32 to index
            %get3A_519 = tpu.vector_load %arg13[%get3A_517, %get3A_518] {strides = array<i32>} : memref<8x512xf32, #tpu.memory_space<vmem>>, vector<1x16xf32>,
            %get3A_520 = vector.shape_cast %get3A_519 : vector<1x16xf32> to vector<16xf32>
            %mul3A_521 = arith.constant 1.000000e+01 : f32
            %mul3A_522 = vector.broadcast %mul3A_521 : f32 to vector<16xf32>
            %mul3A_523 = arith.mulf %mul3A_522, %get3A_506 : vector<16xf32>
            %add3A_524 = arith.addf %get3A_499, %mul3A_523 : vector<16xf32>
            %add3A_525 = arith.constant 0x4B400000 : f32
            %add3A_526 = vector.broadcast %add3A_525 : f32 to vector<16xf32>
            %add3A_527 = arith.addf %add3A_524, %add3A_526 : vector<16xf32>
            %sub3A_528 = arith.constant 0x4B400000 : f32
            %sub3A_529 = vector.broadcast %sub3A_528 : f32 to vector<16xf32>
            %sub3A_530 = arith.subf %add3A_527, %sub3A_529 : vector<16xf32>
            %mul3A_531 = arith.constant 1.000000e+01 : f32
            %mul3A_532 = vector.broadcast %mul3A_531 : f32 to vector<16xf32>
            %mul3A_533 = arith.mulf %mul3A_532, %get3A_513 : vector<16xf32>
            %add3A_534 = vector.broadcast %convert_element_type3A_465 : f32 to vector<16xf32>
            %add3A_535 = arith.addf %add3A_534, %mul3A_533 : vector<16xf32>
            %add3A_536 = arith.constant 0x4B400000 : f32
            %add3A_537 = vector.broadcast %add3A_536 : f32 to vector<16xf32>
            %add3A_538 = arith.addf %add3A_535, %add3A_537 : vector<16xf32>
            %sub3A_539 = arith.constant 0x4B400000 : f32
            %sub3A_540 = vector.broadcast %sub3A_539 : f32 to vector<16xf32>
            %sub3A_541 = arith.subf %add3A_538, %sub3A_540 : vector<16xf32>
            %max3A = arith.constant 0.000000e+00 : f32
            %max3A_542 = vector.broadcast %max3A : f32 to vector<16xf32>
            %max3A_543 = arith.maximumf %sub3A_530, %max3A_542 : vector<16xf32>
            %min3A = arith.constant 5.110000e+02 : f32
            %min3A_544 = vector.broadcast %min3A : f32 to vector<16xf32>
            %min3A_545 = arith.minimumf %max3A_543, %min3A_544 : vector<16xf32>
            %max3A_546 = arith.constant 0.000000e+00 : f32
            %max3A_547 = vector.broadcast %max3A_546 : f32 to vector<16xf32>
            %max3A_548 = arith.maximumf %sub3A_541, %max3A_547 : vector<16xf32>
            %min3A_549 = arith.constant 5.110000e+02 : f32
            %min3A_550 = vector.broadcast %min3A_549 : f32 to vector<16xf32>
            %min3A_551 = arith.minimumf %max3A_548, %min3A_550 : vector<16xf32>
            %convert_element_type3A_552 = arith.fptosi %min3A_551 : vector<16xf32> to vector<16xi32>
            %shift_left3A = arith.constant 9 : i32
            %shift_left3A_553 = vector.broadcast %shift_left3A : i32 to vector<16xi32>
            %shift_left3A_554 = arith.shli %convert_element_type3A_552, %shift_left3A_553 : vector<16xi32>
            %convert_element_type3A_555 = arith.fptosi %min3A_545 : vector<16xf32> to vector<16xi32>
            %add3A_556 = arith.addi %shift_left3A_554, %convert_element_type3A_555 : vector<16xi32>
            %add3A_557 = vector.broadcast %mul3A_338 : i32 to vector<16xi32>
            %add3A_558 = arith.addi %add3A_556, %add3A_557 : vector<16xi32>
            %mul3A_559 = arith.constant 16 : i32
            %mul3A_560 = arith.muli %scan3A_495, %mul3A_559 : i32
            %add3A_561 = arith.constant 0 : i32
            %add3A_562 = arith.addi %add3A_561, %mul3A_560 : i32
            %swap3A = arith.index_cast %add3A_562 : i32 to index
            %swap3A_563 = tpu.vector_load %arg19[%swap3A] {strides = array<i32>} : memref<4096xi32, #tpu.memory_space<vmem>>, vector<16xi32>,
            %swap3A_564 = vector.shape_cast %swap3A_563 : vector<16xi32> to vector<16xi32>
            %swap3A_565 = vector.shape_cast %add3A_558 : vector<16xi32> to vector<16xi32>
            tpu.vector_store %arg19[%swap3A], %swap3A_565 {strides = array<i32>} : memref<4096xi32, #tpu.memory_space<vmem>>, vector<16xi32>,
            %swap3A_566 = arith.index_cast %add3A_562 : i32 to index
            %swap3A_567 = tpu.vector_load %arg16[%swap3A_566] {strides = array<i32>} : memref<4096xf32, #tpu.memory_space<vmem>>, vector<16xf32>,
            %swap3A_568 = vector.shape_cast %swap3A_567 : vector<16xf32> to vector<16xf32>
            %swap3A_569 = vector.shape_cast %get3A_520 : vector<16xf32> to vector<16xf32>
            tpu.vector_store %arg16[%swap3A_566], %swap3A_569 {strides = array<i32>} : memref<4096xf32, #tpu.memory_space<vmem>>, vector<16xf32>,
            %mul3A_570 = arith.constant 16 : i32
            %mul3A_571 = arith.muli %scan3A_495, %mul3A_570 : i32
            %get3A_572 = arith.constant 1 : i32
            %get3A_573 = arith.index_cast %get3A_572 : i32 to index
            %get3A_574 = arith.index_cast %mul3A_571 : i32 to index
            %get3A_575 = tpu.vector_load %arg7[%get3A_573, %get3A_574] {strides = array<i32>} : memref<8x512xf32, #tpu.memory_space<vmem>>, vector<1x16xf32>,
            %get3A_576 = vector.shape_cast %get3A_575 : vector<1x16xf32> to vector<16xf32>
            %mul3A_577 = arith.constant 16 : i32
            %mul3A_578 = arith.muli %scan3A_495, %mul3A_577 : i32
            %get3A_579 = arith.constant 1 : i32
            %get3A_580 = arith.index_cast %get3A_579 : i32 to index
            %get3A_581 = arith.index_cast %mul3A_578 : i32 to index
            %get3A_582 = tpu.vector_load %arg10[%get3A_580, %get3A_581] {strides = array<i32>} : memref<8x512xf32, #tpu.memory_space<vmem>>, vector<1x16xf32>,
            %get3A_583 = vector.shape_cast %get3A_582 : vector<1x16xf32> to vector<16xf32>
            %mul3A_584 = arith.constant 16 : i32
            %mul3A_585 = arith.muli %scan3A_495, %mul3A_584 : i32
            %get3A_586 = arith.constant 1 : i32
            %get3A_587 = arith.index_cast %get3A_586 : i32 to index
            %get3A_588 = arith.index_cast %mul3A_585 : i32 to index
            %get3A_589 = tpu.vector_load %arg13[%get3A_587, %get3A_588] {strides = array<i32>} : memref<8x512xf32, #tpu.memory_space<vmem>>, vector<1x16xf32>,
            %get3A_590 = vector.shape_cast %get3A_589 : vector<1x16xf32> to vector<16xf32>
            %mul3A_591 = arith.constant 1.000000e+01 : f32
            %mul3A_592 = vector.broadcast %mul3A_591 : f32 to vector<16xf32>
            %mul3A_593 = arith.mulf %mul3A_592, %get3A_576 : vector<16xf32>
            %add3A_594 = arith.addf %get3A_499, %mul3A_593 : vector<16xf32>
            %add3A_595 = arith.constant 0x4B400000 : f32
            %add3A_596 = vector.broadcast %add3A_595 : f32 to vector<16xf32>
            %add3A_597 = arith.addf %add3A_594, %add3A_596 : vector<16xf32>
            %sub3A_598 = arith.constant 0x4B400000 : f32
            %sub3A_599 = vector.broadcast %sub3A_598 : f32 to vector<16xf32>
            %sub3A_600 = arith.subf %add3A_597, %sub3A_599 : vector<16xf32>
            %mul3A_601 = arith.constant 1.000000e+01 : f32
            %mul3A_602 = vector.broadcast %mul3A_601 : f32 to vector<16xf32>
            %mul3A_603 = arith.mulf %mul3A_602, %get3A_583 : vector<16xf32>
            %add3A_604 = vector.broadcast %convert_element_type3A_468 : f32 to vector<16xf32>
            %add3A_605 = arith.addf %add3A_604, %mul3A_603 : vector<16xf32>
            %add3A_606 = arith.constant 0x4B400000 : f32
            %add3A_607 = vector.broadcast %add3A_606 : f32 to vector<16xf32>
            %add3A_608 = arith.addf %add3A_605, %add3A_607 : vector<16xf32>
            %sub3A_609 = arith.constant 0x4B400000 : f32
            %sub3A_610 = vector.broadcast %sub3A_609 : f32 to vector<16xf32>
            %sub3A_611 = arith.subf %add3A_608, %sub3A_610 : vector<16xf32>
            %max3A_612 = arith.constant 0.000000e+00 : f32
            %max3A_613 = vector.broadcast %max3A_612 : f32 to vector<16xf32>
            %max3A_614 = arith.maximumf %sub3A_600, %max3A_613 : vector<16xf32>
            %min3A_615 = arith.constant 5.110000e+02 : f32
            %min3A_616 = vector.broadcast %min3A_615 : f32 to vector<16xf32>
            %min3A_617 = arith.minimumf %max3A_614, %min3A_616 : vector<16xf32>
            %max3A_618 = arith.constant 0.000000e+00 : f32
            %max3A_619 = vector.broadcast %max3A_618 : f32 to vector<16xf32>
            %max3A_620 = arith.maximumf %sub3A_611, %max3A_619 : vector<16xf32>
            %min3A_621 = arith.constant 5.110000e+02 : f32
            %min3A_622 = vector.broadcast %min3A_621 : f32 to vector<16xf32>
            %min3A_623 = arith.minimumf %max3A_620, %min3A_622 : vector<16xf32>
            %convert_element_type3A_624 = arith.fptosi %min3A_623 : vector<16xf32> to vector<16xi32>
            %shift_left3A_625 = arith.constant 9 : i32
            %shift_left3A_626 = vector.broadcast %shift_left3A_625 : i32 to vector<16xi32>
            %shift_left3A_627 = arith.shli %convert_element_type3A_624, %shift_left3A_626 : vector<16xi32>
            %convert_element_type3A_628 = arith.fptosi %min3A_617 : vector<16xf32> to vector<16xi32>
            %add3A_629 = arith.addi %shift_left3A_627, %convert_element_type3A_628 : vector<16xi32>
            %add3A_630 = vector.broadcast %mul3A_338 : i32 to vector<16xi32>
            %add3A_631 = arith.addi %add3A_629, %add3A_630 : vector<16xi32>
            %mul3A_632 = arith.constant 16 : i32
            %mul3A_633 = arith.muli %scan3A_495, %mul3A_632 : i32
            %add3A_634 = arith.constant 512 : i32
            %add3A_635 = arith.addi %add3A_634, %mul3A_633 : i32
            %swap3A_636 = arith.index_cast %add3A_635 : i32 to index
            %swap3A_637 = tpu.vector_load %arg19[%swap3A_636] {strides = array<i32>} : memref<4096xi32, #tpu.memory_space<vmem>>, vector<16xi32>,
            %swap3A_638 = vector.shape_cast %swap3A_637 : vector<16xi32> to vector<16xi32>
            %swap3A_639 = vector.shape_cast %add3A_631 : vector<16xi32> to vector<16xi32>
            tpu.vector_store %arg19[%swap3A_636], %swap3A_639 {strides = array<i32>} : memref<4096xi32, #tpu.memory_space<vmem>>, vector<16xi32>,
            %swap3A_640 = arith.index_cast %add3A_635 : i32 to index
            %swap3A_641 = tpu.vector_load %arg16[%swap3A_640] {strides = array<i32>} : memref<4096xf32, #tpu.memory_space<vmem>>, vector<16xf32>,
            %swap3A_642 = vector.shape_cast %swap3A_641 : vector<16xf32> to vector<16xf32>
            %swap3A_643 = vector.shape_cast %get3A_590 : vector<16xf32> to vector<16xf32>
            tpu.vector_store %arg16[%swap3A_640], %swap3A_643 {strides = array<i32>} : memref<4096xf32, #tpu.memory_space<vmem>>, vector<16xf32>,
            %mul3A_644 = arith.constant 16 : i32
            %mul3A_645 = arith.muli %scan3A_495, %mul3A_644 : i32
            %get3A_646 = arith.constant 2 : i32
            %get3A_647 = arith.index_cast %get3A_646 : i32 to index
            %get3A_648 = arith.index_cast %mul3A_645 : i32 to index
            %get3A_649 = tpu.vector_load %arg7[%get3A_647, %get3A_648] {strides = array<i32>} : memref<8x512xf32, #tpu.memory_space<vmem>>, vector<1x16xf32>,
            %get3A_650 = vector.shape_cast %get3A_649 : vector<1x16xf32> to vector<16xf32>
            %mul3A_651 = arith.constant 16 : i32
            %mul3A_652 = arith.muli %scan3A_495, %mul3A_651 : i32
            %get3A_653 = arith.constant 2 : i32
            %get3A_654 = arith.index_cast %get3A_653 : i32 to index
            %get3A_655 = arith.index_cast %mul3A_652 : i32 to index
            %get3A_656 = tpu.vector_load %arg10[%get3A_654, %get3A_655] {strides = array<i32>} : memref<8x512xf32, #tpu.memory_space<vmem>>, vector<1x16xf32>,
            %get3A_657 = vector.shape_cast %get3A_656 : vector<1x16xf32> to vector<16xf32>
            %mul3A_658 = arith.constant 16 : i32
            %mul3A_659 = arith.muli %scan3A_495, %mul3A_658 : i32
            %get3A_660 = arith.constant 2 : i32
            %get3A_661 = arith.index_cast %get3A_660 : i32 to index
            %get3A_662 = arith.index_cast %mul3A_659 : i32 to index
            %get3A_663 = tpu.vector_load %arg13[%get3A_661, %get3A_662] {strides = array<i32>} : memref<8x512xf32, #tpu.memory_space<vmem>>, vector<1x16xf32>,
            %get3A_664 = vector.shape_cast %get3A_663 : vector<1x16xf32> to vector<16xf32>
            %mul3A_665 = arith.constant 1.000000e+01 : f32
            %mul3A_666 = vector.broadcast %mul3A_665 : f32 to vector<16xf32>
            %mul3A_667 = arith.mulf %mul3A_666, %get3A_650 : vector<16xf32>
            %add3A_668 = arith.addf %get3A_499, %mul3A_667 : vector<16xf32>
            %add3A_669 = arith.constant 0x4B400000 : f32
            %add3A_670 = vector.broadcast %add3A_669 : f32 to vector<16xf32>
            %add3A_671 = arith.addf %add3A_668, %add3A_670 : vector<16xf32>
            %sub3A_672 = arith.constant 0x4B400000 : f32
            %sub3A_673 = vector.broadcast %sub3A_672 : f32 to vector<16xf32>
            %sub3A_674 = arith.subf %add3A_671, %sub3A_673 : vector<16xf32>
            %mul3A_675 = arith.constant 1.000000e+01 : f32
            %mul3A_676 = vector.broadcast %mul3A_675 : f32 to vector<16xf32>
            %mul3A_677 = arith.mulf %mul3A_676, %get3A_657 : vector<16xf32>
            %add3A_678 = vector.broadcast %convert_element_type3A_471 : f32 to vector<16xf32>
            %add3A_679 = arith.addf %add3A_678, %mul3A_677 : vector<16xf32>
            %add3A_680 = arith.constant 0x4B400000 : f32
            %add3A_681 = vector.broadcast %add3A_680 : f32 to vector<16xf32>
            %add3A_682 = arith.addf %add3A_679, %add3A_681 : vector<16xf32>
            %sub3A_683 = arith.constant 0x4B400000 : f32
            %sub3A_684 = vector.broadcast %sub3A_683 : f32 to vector<16xf32>
            %sub3A_685 = arith.subf %add3A_682, %sub3A_684 : vector<16xf32>
            %max3A_686 = arith.constant 0.000000e+00 : f32
            %max3A_687 = vector.broadcast %max3A_686 : f32 to vector<16xf32>
            %max3A_688 = arith.maximumf %sub3A_674, %max3A_687 : vector<16xf32>
            %min3A_689 = arith.constant 5.110000e+02 : f32
            %min3A_690 = vector.broadcast %min3A_689 : f32 to vector<16xf32>
            %min3A_691 = arith.minimumf %max3A_688, %min3A_690 : vector<16xf32>
            %max3A_692 = arith.constant 0.000000e+00 : f32
            %max3A_693 = vector.broadcast %max3A_692 : f32 to vector<16xf32>
            %max3A_694 = arith.maximumf %sub3A_685, %max3A_693 : vector<16xf32>
            %min3A_695 = arith.constant 5.110000e+02 : f32
            %min3A_696 = vector.broadcast %min3A_695 : f32 to vector<16xf32>
            %min3A_697 = arith.minimumf %max3A_694, %min3A_696 : vector<16xf32>
            %convert_element_type3A_698 = arith.fptosi %min3A_697 : vector<16xf32> to vector<16xi32>
            %shift_left3A_699 = arith.constant 9 : i32
            %shift_left3A_700 = vector.broadcast %shift_left3A_699 : i32 to vector<16xi32>
            %shift_left3A_701 = arith.shli %convert_element_type3A_698, %shift_left3A_700 : vector<16xi32>
            %convert_element_type3A_702 = arith.fptosi %min3A_691 : vector<16xf32> to vector<16xi32>
            %add3A_703 = arith.addi %shift_left3A_701, %convert_element_type3A_702 : vector<16xi32>
            %add3A_704 = vector.broadcast %mul3A_338 : i32 to vector<16xi32>
            %add3A_705 = arith.addi %add3A_703, %add3A_704 : vector<16xi32>
            %mul3A_706 = arith.constant 16 : i32
            %mul3A_707 = arith.muli %scan3A_495, %mul3A_706 : i32
            %add3A_708 = arith.constant 1024 : i32
            %add3A_709 = arith.addi %add3A_708, %mul3A_707 : i32
            %swap3A_710 = arith.index_cast %add3A_709 : i32 to index
            %swap3A_711 = tpu.vector_load %arg19[%swap3A_710] {strides = array<i32>} : memref<4096xi32, #tpu.memory_space<vmem>>, vector<16xi32>,
            %swap3A_712 = vector.shape_cast %swap3A_711 : vector<16xi32> to vector<16xi32>
            %swap3A_713 = vector.shape_cast %add3A_705 : vector<16xi32> to vector<16xi32>
            tpu.vector_store %arg19[%swap3A_710], %swap3A_713 {strides = array<i32>} : memref<4096xi32, #tpu.memory_space<vmem>>, vector<16xi32>,
            %swap3A_714 = arith.index_cast %add3A_709 : i32 to index
            %swap3A_715 = tpu.vector_load %arg16[%swap3A_714] {strides = array<i32>} : memref<4096xf32, #tpu.memory_space<vmem>>, vector<16xf32>,
            %swap3A_716 = vector.shape_cast %swap3A_715 : vector<16xf32> to vector<16xf32>
            %swap3A_717 = vector.shape_cast %get3A_664 : vector<16xf32> to vector<16xf32>
            tpu.vector_store %arg16[%swap3A_714], %swap3A_717 {strides = array<i32>} : memref<4096xf32, #tpu.memory_space<vmem>>, vector<16xf32>,
            %mul3A_718 = arith.constant 16 : i32
            %mul3A_719 = arith.muli %scan3A_495, %mul3A_718 : i32
            %get3A_720 = arith.constant 3 : i32
            %get3A_721 = arith.index_cast %get3A_720 : i32 to index
            %get3A_722 = arith.index_cast %mul3A_719 : i32 to index
            %get3A_723 = tpu.vector_load %arg7[%get3A_721, %get3A_722] {strides = array<i32>} : memref<8x512xf32, #tpu.memory_space<vmem>>, vector<1x16xf32>,
            %get3A_724 = vector.shape_cast %get3A_723 : vector<1x16xf32> to vector<16xf32>
            %mul3A_725 = arith.constant 16 : i32
            %mul3A_726 = arith.muli %scan3A_495, %mul3A_725 : i32
            %get3A_727 = arith.constant 3 : i32
            %get3A_728 = arith.index_cast %get3A_727 : i32 to index
            %get3A_729 = arith.index_cast %mul3A_726 : i32 to index
            %get3A_730 = tpu.vector_load %arg10[%get3A_728, %get3A_729] {strides = array<i32>} : memref<8x512xf32, #tpu.memory_space<vmem>>, vector<1x16xf32>,
            %get3A_731 = vector.shape_cast %get3A_730 : vector<1x16xf32> to vector<16xf32>
            %mul3A_732 = arith.constant 16 : i32
            %mul3A_733 = arith.muli %scan3A_495, %mul3A_732 : i32
            %get3A_734 = arith.constant 3 : i32
            %get3A_735 = arith.index_cast %get3A_734 : i32 to index
            %get3A_736 = arith.index_cast %mul3A_733 : i32 to index
            %get3A_737 = tpu.vector_load %arg13[%get3A_735, %get3A_736] {strides = array<i32>} : memref<8x512xf32, #tpu.memory_space<vmem>>, vector<1x16xf32>,
            %get3A_738 = vector.shape_cast %get3A_737 : vector<1x16xf32> to vector<16xf32>
            %mul3A_739 = arith.constant 1.000000e+01 : f32
            %mul3A_740 = vector.broadcast %mul3A_739 : f32 to vector<16xf32>
            %mul3A_741 = arith.mulf %mul3A_740, %get3A_724 : vector<16xf32>
            %add3A_742 = arith.addf %get3A_499, %mul3A_741 : vector<16xf32>
            %add3A_743 = arith.constant 0x4B400000 : f32
            %add3A_744 = vector.broadcast %add3A_743 : f32 to vector<16xf32>
            %add3A_745 = arith.addf %add3A_742, %add3A_744 : vector<16xf32>
            %sub3A_746 = arith.constant 0x4B400000 : f32
            %sub3A_747 = vector.broadcast %sub3A_746 : f32 to vector<16xf32>
            %sub3A_748 = arith.subf %add3A_745, %sub3A_747 : vector<16xf32>
            %mul3A_749 = arith.constant 1.000000e+01 : f32
            %mul3A_750 = vector.broadcast %mul3A_749 : f32 to vector<16xf32>
            %mul3A_751 = arith.mulf %mul3A_750, %get3A_731 : vector<16xf32>
            %add3A_752 = vector.broadcast %convert_element_type3A_474 : f32 to vector<16xf32>
            %add3A_753 = arith.addf %add3A_752, %mul3A_751 : vector<16xf32>
            %add3A_754 = arith.constant 0x4B400000 : f32
            %add3A_755 = vector.broadcast %add3A_754 : f32 to vector<16xf32>
            %add3A_756 = arith.addf %add3A_753, %add3A_755 : vector<16xf32>
            %sub3A_757 = arith.constant 0x4B400000 : f32
            %sub3A_758 = vector.broadcast %sub3A_757 : f32 to vector<16xf32>
            %sub3A_759 = arith.subf %add3A_756, %sub3A_758 : vector<16xf32>
            %max3A_760 = arith.constant 0.000000e+00 : f32
            %max3A_761 = vector.broadcast %max3A_760 : f32 to vector<16xf32>
            %max3A_762 = arith.maximumf %sub3A_748, %max3A_761 : vector<16xf32>
            %min3A_763 = arith.constant 5.110000e+02 : f32
            %min3A_764 = vector.broadcast %min3A_763 : f32 to vector<16xf32>
            %min3A_765 = arith.minimumf %max3A_762, %min3A_764 : vector<16xf32>
            %max3A_766 = arith.constant 0.000000e+00 : f32
            %max3A_767 = vector.broadcast %max3A_766 : f32 to vector<16xf32>
            %max3A_768 = arith.maximumf %sub3A_759, %max3A_767 : vector<16xf32>
            %min3A_769 = arith.constant 5.110000e+02 : f32
            %min3A_770 = vector.broadcast %min3A_769 : f32 to vector<16xf32>
            %min3A_771 = arith.minimumf %max3A_768, %min3A_770 : vector<16xf32>
            %convert_element_type3A_772 = arith.fptosi %min3A_771 : vector<16xf32> to vector<16xi32>
            %shift_left3A_773 = arith.constant 9 : i32
            %shift_left3A_774 = vector.broadcast %shift_left3A_773 : i32 to vector<16xi32>
            %shift_left3A_775 = arith.shli %convert_element_type3A_772, %shift_left3A_774 : vector<16xi32>
            %convert_element_type3A_776 = arith.fptosi %min3A_765 : vector<16xf32> to vector<16xi32>
            %add3A_777 = arith.addi %shift_left3A_775, %convert_element_type3A_776 : vector<16xi32>
            %add3A_778 = vector.broadcast %mul3A_338 : i32 to vector<16xi32>
            %add3A_779 = arith.addi %add3A_777, %add3A_778 : vector<16xi32>
            %mul3A_780 = arith.constant 16 : i32
            %mul3A_781 = arith.muli %scan3A_495, %mul3A_780 : i32
            %add3A_782 = arith.constant 1536 : i32
            %add3A_783 = arith.addi %add3A_782, %mul3A_781 : i32
            %swap3A_784 = arith.index_cast %add3A_783 : i32 to index
            %swap3A_785 = tpu.vector_load %arg19[%swap3A_784] {strides = array<i32>} : memref<4096xi32, #tpu.memory_space<vmem>>, vector<16xi32>,
            %swap3A_786 = vector.shape_cast %swap3A_785 : vector<16xi32> to vector<16xi32>
            %swap3A_787 = vector.shape_cast %add3A_779 : vector<16xi32> to vector<16xi32>
            tpu.vector_store %arg19[%swap3A_784], %swap3A_787 {strides = array<i32>} : memref<4096xi32, #tpu.memory_space<vmem>>, vector<16xi32>,
            %swap3A_788 = arith.index_cast %add3A_783 : i32 to index
            %swap3A_789 = tpu.vector_load %arg16[%swap3A_788] {strides = array<i32>} : memref<4096xf32, #tpu.memory_space<vmem>>, vector<16xf32>,
            %swap3A_790 = vector.shape_cast %swap3A_789 : vector<16xf32> to vector<16xf32>
            %swap3A_791 = vector.shape_cast %get3A_738 : vector<16xf32> to vector<16xf32>
            tpu.vector_store %arg16[%swap3A_788], %swap3A_791 {strides = array<i32>} : memref<4096xf32, #tpu.memory_space<vmem>>, vector<16xf32>,
            %mul3A_792 = arith.constant 16 : i32
            %mul3A_793 = arith.muli %scan3A_495, %mul3A_792 : i32
            %get3A_794 = arith.constant 4 : i32
            %get3A_795 = arith.index_cast %get3A_794 : i32 to index
            %get3A_796 = arith.index_cast %mul3A_793 : i32 to index
            %get3A_797 = tpu.vector_load %arg7[%get3A_795, %get3A_796] {strides = array<i32>} : memref<8x512xf32, #tpu.memory_space<vmem>>, vector<1x16xf32>,
            %get3A_798 = vector.shape_cast %get3A_797 : vector<1x16xf32> to vector<16xf32>
            %mul3A_799 = arith.constant 16 : i32
            %mul3A_800 = arith.muli %scan3A_495, %mul3A_799 : i32
            %get3A_801 = arith.constant 4 : i32
            %get3A_802 = arith.index_cast %get3A_801 : i32 to index
            %get3A_803 = arith.index_cast %mul3A_800 : i32 to index
            %get3A_804 = tpu.vector_load %arg10[%get3A_802, %get3A_803] {strides = array<i32>} : memref<8x512xf32, #tpu.memory_space<vmem>>, vector<1x16xf32>,
            %get3A_805 = vector.shape_cast %get3A_804 : vector<1x16xf32> to vector<16xf32>
            %mul3A_806 = arith.constant 16 : i32
            %mul3A_807 = arith.muli %scan3A_495, %mul3A_806 : i32
            %get3A_808 = arith.constant 4 : i32
            %get3A_809 = arith.index_cast %get3A_808 : i32 to index
            %get3A_810 = arith.index_cast %mul3A_807 : i32 to index
            %get3A_811 = tpu.vector_load %arg13[%get3A_809, %get3A_810] {strides = array<i32>} : memref<8x512xf32, #tpu.memory_space<vmem>>, vector<1x16xf32>,
            %get3A_812 = vector.shape_cast %get3A_811 : vector<1x16xf32> to vector<16xf32>
            %mul3A_813 = arith.constant 1.000000e+01 : f32
            %mul3A_814 = vector.broadcast %mul3A_813 : f32 to vector<16xf32>
            %mul3A_815 = arith.mulf %mul3A_814, %get3A_798 : vector<16xf32>
            %add3A_816 = arith.addf %get3A_499, %mul3A_815 : vector<16xf32>
            %add3A_817 = arith.constant 0x4B400000 : f32
            %add3A_818 = vector.broadcast %add3A_817 : f32 to vector<16xf32>
            %add3A_819 = arith.addf %add3A_816, %add3A_818 : vector<16xf32>
            %sub3A_820 = arith.constant 0x4B400000 : f32
            %sub3A_821 = vector.broadcast %sub3A_820 : f32 to vector<16xf32>
            %sub3A_822 = arith.subf %add3A_819, %sub3A_821 : vector<16xf32>
            %mul3A_823 = arith.constant 1.000000e+01 : f32
            %mul3A_824 = vector.broadcast %mul3A_823 : f32 to vector<16xf32>
            %mul3A_825 = arith.mulf %mul3A_824, %get3A_805 : vector<16xf32>
            %add3A_826 = vector.broadcast %convert_element_type3A_477 : f32 to vector<16xf32>
            %add3A_827 = arith.addf %add3A_826, %mul3A_825 : vector<16xf32>
            %add3A_828 = arith.constant 0x4B400000 : f32
            %add3A_829 = vector.broadcast %add3A_828 : f32 to vector<16xf32>
            %add3A_830 = arith.addf %add3A_827, %add3A_829 : vector<16xf32>
            %sub3A_831 = arith.constant 0x4B400000 : f32
            %sub3A_832 = vector.broadcast %sub3A_831 : f32 to vector<16xf32>
            %sub3A_833 = arith.subf %add3A_830, %sub3A_832 : vector<16xf32>
            %max3A_834 = arith.constant 0.000000e+00 : f32
            %max3A_835 = vector.broadcast %max3A_834 : f32 to vector<16xf32>
            %max3A_836 = arith.maximumf %sub3A_822, %max3A_835 : vector<16xf32>
            %min3A_837 = arith.constant 5.110000e+02 : f32
            %min3A_838 = vector.broadcast %min3A_837 : f32 to vector<16xf32>
            %min3A_839 = arith.minimumf %max3A_836, %min3A_838 : vector<16xf32>
            %max3A_840 = arith.constant 0.000000e+00 : f32
            %max3A_841 = vector.broadcast %max3A_840 : f32 to vector<16xf32>
            %max3A_842 = arith.maximumf %sub3A_833, %max3A_841 : vector<16xf32>
            %min3A_843 = arith.constant 5.110000e+02 : f32
            %min3A_844 = vector.broadcast %min3A_843 : f32 to vector<16xf32>
            %min3A_845 = arith.minimumf %max3A_842, %min3A_844 : vector<16xf32>
            %convert_element_type3A_846 = arith.fptosi %min3A_845 : vector<16xf32> to vector<16xi32>
            %shift_left3A_847 = arith.constant 9 : i32
            %shift_left3A_848 = vector.broadcast %shift_left3A_847 : i32 to vector<16xi32>
            %shift_left3A_849 = arith.shli %convert_element_type3A_846, %shift_left3A_848 : vector<16xi32>
            %convert_element_type3A_850 = arith.fptosi %min3A_839 : vector<16xf32> to vector<16xi32>
            %add3A_851 = arith.addi %shift_left3A_849, %convert_element_type3A_850 : vector<16xi32>
            %add3A_852 = vector.broadcast %mul3A_338 : i32 to vector<16xi32>
            %add3A_853 = arith.addi %add3A_851, %add3A_852 : vector<16xi32>
            %mul3A_854 = arith.constant 16 : i32
            %mul3A_855 = arith.muli %scan3A_495, %mul3A_854 : i32
            %add3A_856 = arith.constant 2048 : i32
            %add3A_857 = arith.addi %add3A_856, %mul3A_855 : i32
            %swap3A_858 = arith.index_cast %add3A_857 : i32 to index
            %swap3A_859 = tpu.vector_load %arg19[%swap3A_858] {strides = array<i32>} : memref<4096xi32, #tpu.memory_space<vmem>>, vector<16xi32>,
            %swap3A_860 = vector.shape_cast %swap3A_859 : vector<16xi32> to vector<16xi32>
            %swap3A_861 = vector.shape_cast %add3A_853 : vector<16xi32> to vector<16xi32>
            tpu.vector_store %arg19[%swap3A_858], %swap3A_861 {strides = array<i32>} : memref<4096xi32, #tpu.memory_space<vmem>>, vector<16xi32>,
            %swap3A_862 = arith.index_cast %add3A_857 : i32 to index
            %swap3A_863 = tpu.vector_load %arg16[%swap3A_862] {strides = array<i32>} : memref<4096xf32, #tpu.memory_space<vmem>>, vector<16xf32>,
            %swap3A_864 = vector.shape_cast %swap3A_863 : vector<16xf32> to vector<16xf32>
            %swap3A_865 = vector.shape_cast %get3A_812 : vector<16xf32> to vector<16xf32>
            tpu.vector_store %arg16[%swap3A_862], %swap3A_865 {strides = array<i32>} : memref<4096xf32, #tpu.memory_space<vmem>>, vector<16xf32>,
            %mul3A_866 = arith.constant 16 : i32
            %mul3A_867 = arith.muli %scan3A_495, %mul3A_866 : i32
            %get3A_868 = arith.constant 5 : i32
            %get3A_869 = arith.index_cast %get3A_868 : i32 to index
            %get3A_870 = arith.index_cast %mul3A_867 : i32 to index
            %get3A_871 = tpu.vector_load %arg7[%get3A_869, %get3A_870] {strides = array<i32>} : memref<8x512xf32, #tpu.memory_space<vmem>>, vector<1x16xf32>,
            %get3A_872 = vector.shape_cast %get3A_871 : vector<1x16xf32> to vector<16xf32>
            %mul3A_873 = arith.constant 16 : i32
            %mul3A_874 = arith.muli %scan3A_495, %mul3A_873 : i32
            %get3A_875 = arith.constant 5 : i32
            %get3A_876 = arith.index_cast %get3A_875 : i32 to index
            %get3A_877 = arith.index_cast %mul3A_874 : i32 to index
            %get3A_878 = tpu.vector_load %arg10[%get3A_876, %get3A_877] {strides = array<i32>} : memref<8x512xf32, #tpu.memory_space<vmem>>, vector<1x16xf32>,
            %get3A_879 = vector.shape_cast %get3A_878 : vector<1x16xf32> to vector<16xf32>
            %mul3A_880 = arith.constant 16 : i32
            %mul3A_881 = arith.muli %scan3A_495, %mul3A_880 : i32
            %get3A_882 = arith.constant 5 : i32
            %get3A_883 = arith.index_cast %get3A_882 : i32 to index
            %get3A_884 = arith.index_cast %mul3A_881 : i32 to index
            %get3A_885 = tpu.vector_load %arg13[%get3A_883, %get3A_884] {strides = array<i32>} : memref<8x512xf32, #tpu.memory_space<vmem>>, vector<1x16xf32>,
            %get3A_886 = vector.shape_cast %get3A_885 : vector<1x16xf32> to vector<16xf32>
            %mul3A_887 = arith.constant 1.000000e+01 : f32
            %mul3A_888 = vector.broadcast %mul3A_887 : f32 to vector<16xf32>
            %mul3A_889 = arith.mulf %mul3A_888, %get3A_872 : vector<16xf32>
            %add3A_890 = arith.addf %get3A_499, %mul3A_889 : vector<16xf32>
            %add3A_891 = arith.constant 0x4B400000 : f32
            %add3A_892 = vector.broadcast %add3A_891 : f32 to vector<16xf32>
            %add3A_893 = arith.addf %add3A_890, %add3A_892 : vector<16xf32>
            %sub3A_894 = arith.constant 0x4B400000 : f32
            %sub3A_895 = vector.broadcast %sub3A_894 : f32 to vector<16xf32>
            %sub3A_896 = arith.subf %add3A_893, %sub3A_895 : vector<16xf32>
            %mul3A_897 = arith.constant 1.000000e+01 : f32
            %mul3A_898 = vector.broadcast %mul3A_897 : f32 to vector<16xf32>
            %mul3A_899 = arith.mulf %mul3A_898, %get3A_879 : vector<16xf32>
            %add3A_900 = vector.broadcast %convert_element_type3A_480 : f32 to vector<16xf32>
            %add3A_901 = arith.addf %add3A_900, %mul3A_899 : vector<16xf32>
            %add3A_902 = arith.constant 0x4B400000 : f32
            %add3A_903 = vector.broadcast %add3A_902 : f32 to vector<16xf32>
            %add3A_904 = arith.addf %add3A_901, %add3A_903 : vector<16xf32>
            %sub3A_905 = arith.constant 0x4B400000 : f32
            %sub3A_906 = vector.broadcast %sub3A_905 : f32 to vector<16xf32>
            %sub3A_907 = arith.subf %add3A_904, %sub3A_906 : vector<16xf32>
            %max3A_908 = arith.constant 0.000000e+00 : f32
            %max3A_909 = vector.broadcast %max3A_908 : f32 to vector<16xf32>
            %max3A_910 = arith.maximumf %sub3A_896, %max3A_909 : vector<16xf32>
            %min3A_911 = arith.constant 5.110000e+02 : f32
            %min3A_912 = vector.broadcast %min3A_911 : f32 to vector<16xf32>
            %min3A_913 = arith.minimumf %max3A_910, %min3A_912 : vector<16xf32>
            %max3A_914 = arith.constant 0.000000e+00 : f32
            %max3A_915 = vector.broadcast %max3A_914 : f32 to vector<16xf32>
            %max3A_916 = arith.maximumf %sub3A_907, %max3A_915 : vector<16xf32>
            %min3A_917 = arith.constant 5.110000e+02 : f32
            %min3A_918 = vector.broadcast %min3A_917 : f32 to vector<16xf32>
            %min3A_919 = arith.minimumf %max3A_916, %min3A_918 : vector<16xf32>
            %convert_element_type3A_920 = arith.fptosi %min3A_919 : vector<16xf32> to vector<16xi32>
            %shift_left3A_921 = arith.constant 9 : i32
            %shift_left3A_922 = vector.broadcast %shift_left3A_921 : i32 to vector<16xi32>
            %shift_left3A_923 = arith.shli %convert_element_type3A_920, %shift_left3A_922 : vector<16xi32>
            %convert_element_type3A_924 = arith.fptosi %min3A_913 : vector<16xf32> to vector<16xi32>
            %add3A_925 = arith.addi %shift_left3A_923, %convert_element_type3A_924 : vector<16xi32>
            %add3A_926 = vector.broadcast %mul3A_338 : i32 to vector<16xi32>
            %add3A_927 = arith.addi %add3A_925, %add3A_926 : vector<16xi32>
            %mul3A_928 = arith.constant 16 : i32
            %mul3A_929 = arith.muli %scan3A_495, %mul3A_928 : i32
            %add3A_930 = arith.constant 2560 : i32
            %add3A_931 = arith.addi %add3A_930, %mul3A_929 : i32
            %swap3A_932 = arith.index_cast %add3A_931 : i32 to index
            %swap3A_933 = tpu.vector_load %arg19[%swap3A_932] {strides = array<i32>} : memref<4096xi32, #tpu.memory_space<vmem>>, vector<16xi32>,
            %swap3A_934 = vector.shape_cast %swap3A_933 : vector<16xi32> to vector<16xi32>
            %swap3A_935 = vector.shape_cast %add3A_927 : vector<16xi32> to vector<16xi32>
            tpu.vector_store %arg19[%swap3A_932], %swap3A_935 {strides = array<i32>} : memref<4096xi32, #tpu.memory_space<vmem>>, vector<16xi32>,
            %swap3A_936 = arith.index_cast %add3A_931 : i32 to index
            %swap3A_937 = tpu.vector_load %arg16[%swap3A_936] {strides = array<i32>} : memref<4096xf32, #tpu.memory_space<vmem>>, vector<16xf32>,
            %swap3A_938 = vector.shape_cast %swap3A_937 : vector<16xf32> to vector<16xf32>
            %swap3A_939 = vector.shape_cast %get3A_886 : vector<16xf32> to vector<16xf32>
            tpu.vector_store %arg16[%swap3A_936], %swap3A_939 {strides = array<i32>} : memref<4096xf32, #tpu.memory_space<vmem>>, vector<16xf32>,
            %mul3A_940 = arith.constant 16 : i32
            %mul3A_941 = arith.muli %scan3A_495, %mul3A_940 : i32
            %get3A_942 = arith.constant 6 : i32
            %get3A_943 = arith.index_cast %get3A_942 : i32 to index
            %get3A_944 = arith.index_cast %mul3A_941 : i32 to index
            %get3A_945 = tpu.vector_load %arg7[%get3A_943, %get3A_944] {strides = array<i32>} : memref<8x512xf32, #tpu.memory_space<vmem>>, vector<1x16xf32>,
            %get3A_946 = vector.shape_cast %get3A_945 : vector<1x16xf32> to vector<16xf32>
            %mul3A_947 = arith.constant 16 : i32
            %mul3A_948 = arith.muli %scan3A_495, %mul3A_947 : i32
            %get3A_949 = arith.constant 6 : i32
            %get3A_950 = arith.index_cast %get3A_949 : i32 to index
            %get3A_951 = arith.index_cast %mul3A_948 : i32 to index
            %get3A_952 = tpu.vector_load %arg10[%get3A_950, %get3A_951] {strides = array<i32>} : memref<8x512xf32, #tpu.memory_space<vmem>>, vector<1x16xf32>,
            %get3A_953 = vector.shape_cast %get3A_952 : vector<1x16xf32> to vector<16xf32>
            %mul3A_954 = arith.constant 16 : i32
            %mul3A_955 = arith.muli %scan3A_495, %mul3A_954 : i32
            %get3A_956 = arith.constant 6 : i32
            %get3A_957 = arith.index_cast %get3A_956 : i32 to index
            %get3A_958 = arith.index_cast %mul3A_955 : i32 to index
            %get3A_959 = tpu.vector_load %arg13[%get3A_957, %get3A_958] {strides = array<i32>} : memref<8x512xf32, #tpu.memory_space<vmem>>, vector<1x16xf32>,
            %get3A_960 = vector.shape_cast %get3A_959 : vector<1x16xf32> to vector<16xf32>
            %mul3A_961 = arith.constant 1.000000e+01 : f32
            %mul3A_962 = vector.broadcast %mul3A_961 : f32 to vector<16xf32>
            %mul3A_963 = arith.mulf %mul3A_962, %get3A_946 : vector<16xf32>
            %add3A_964 = arith.addf %get3A_499, %mul3A_963 : vector<16xf32>
            %add3A_965 = arith.constant 0x4B400000 : f32
            %add3A_966 = vector.broadcast %add3A_965 : f32 to vector<16xf32>
            %add3A_967 = arith.addf %add3A_964, %add3A_966 : vector<16xf32>
            %sub3A_968 = arith.constant 0x4B400000 : f32
            %sub3A_969 = vector.broadcast %sub3A_968 : f32 to vector<16xf32>
            %sub3A_970 = arith.subf %add3A_967, %sub3A_969 : vector<16xf32>
            %mul3A_971 = arith.constant 1.000000e+01 : f32
            %mul3A_972 = vector.broadcast %mul3A_971 : f32 to vector<16xf32>
            %mul3A_973 = arith.mulf %mul3A_972, %get3A_953 : vector<16xf32>
            %add3A_974 = vector.broadcast %convert_element_type3A_483 : f32 to vector<16xf32>
            %add3A_975 = arith.addf %add3A_974, %mul3A_973 : vector<16xf32>
            %add3A_976 = arith.constant 0x4B400000 : f32
            %add3A_977 = vector.broadcast %add3A_976 : f32 to vector<16xf32>
            %add3A_978 = arith.addf %add3A_975, %add3A_977 : vector<16xf32>
            %sub3A_979 = arith.constant 0x4B400000 : f32
            %sub3A_980 = vector.broadcast %sub3A_979 : f32 to vector<16xf32>
            %sub3A_981 = arith.subf %add3A_978, %sub3A_980 : vector<16xf32>
            %max3A_982 = arith.constant 0.000000e+00 : f32
            %max3A_983 = vector.broadcast %max3A_982 : f32 to vector<16xf32>
            %max3A_984 = arith.maximumf %sub3A_970, %max3A_983 : vector<16xf32>
            %min3A_985 = arith.constant 5.110000e+02 : f32
            %min3A_986 = vector.broadcast %min3A_985 : f32 to vector<16xf32>
            %min3A_987 = arith.minimumf %max3A_984, %min3A_986 : vector<16xf32>
            %max3A_988 = arith.constant 0.000000e+00 : f32
            %max3A_989 = vector.broadcast %max3A_988 : f32 to vector<16xf32>
            %max3A_990 = arith.maximumf %sub3A_981, %max3A_989 : vector<16xf32>
            %min3A_991 = arith.constant 5.110000e+02 : f32
            %min3A_992 = vector.broadcast %min3A_991 : f32 to vector<16xf32>
            %min3A_993 = arith.minimumf %max3A_990, %min3A_992 : vector<16xf32>
            %convert_element_type3A_994 = arith.fptosi %min3A_993 : vector<16xf32> to vector<16xi32>
            %shift_left3A_995 = arith.constant 9 : i32
            %shift_left3A_996 = vector.broadcast %shift_left3A_995 : i32 to vector<16xi32>
            %shift_left3A_997 = arith.shli %convert_element_type3A_994, %shift_left3A_996 : vector<16xi32>
            %convert_element_type3A_998 = arith.fptosi %min3A_987 : vector<16xf32> to vector<16xi32>
            %add3A_999 = arith.addi %shift_left3A_997, %convert_element_type3A_998 : vector<16xi32>
            %add3A_1000 = vector.broadcast %mul3A_338 : i32 to vector<16xi32>
            %add3A_1001 = arith.addi %add3A_999, %add3A_1000 : vector<16xi32>
            %mul3A_1002 = arith.constant 16 : i32
            %mul3A_1003 = arith.muli %scan3A_495, %mul3A_1002 : i32
            %add3A_1004 = arith.constant 3072 : i32
            %add3A_1005 = arith.addi %add3A_1004, %mul3A_1003 : i32
            %swap3A_1006 = arith.index_cast %add3A_1005 : i32 to index
            %swap3A_1007 = tpu.vector_load %arg19[%swap3A_1006] {strides = array<i32>} : memref<4096xi32, #tpu.memory_space<vmem>>, vector<16xi32>,
            %swap3A_1008 = vector.shape_cast %swap3A_1007 : vector<16xi32> to vector<16xi32>
            %swap3A_1009 = vector.shape_cast %add3A_1001 : vector<16xi32> to vector<16xi32>
            tpu.vector_store %arg19[%swap3A_1006], %swap3A_1009 {strides = array<i32>} : memref<4096xi32, #tpu.memory_space<vmem>>, vector<16xi32>,
            %swap3A_1010 = arith.index_cast %add3A_1005 : i32 to index
            %swap3A_1011 = tpu.vector_load %arg16[%swap3A_1010] {strides = array<i32>} : memref<4096xf32, #tpu.memory_space<vmem>>, vector<16xf32>,
            %swap3A_1012 = vector.shape_cast %swap3A_1011 : vector<16xf32> to vector<16xf32>
            %swap3A_1013 = vector.shape_cast %get3A_960 : vector<16xf32> to vector<16xf32>
            tpu.vector_store %arg16[%swap3A_1010], %swap3A_1013 {strides = array<i32>} : memref<4096xf32, #tpu.memory_space<vmem>>, vector<16xf32>,
            %mul3A_1014 = arith.constant 16 : i32
            %mul3A_1015 = arith.muli %scan3A_495, %mul3A_1014 : i32
            %get3A_1016 = arith.constant 7 : i32
            %get3A_1017 = arith.index_cast %get3A_1016 : i32 to index
            %get3A_1018 = arith.index_cast %mul3A_1015 : i32 to index
            %get3A_1019 = tpu.vector_load %arg7[%get3A_1017, %get3A_1018] {strides = array<i32>} : memref<8x512xf32, #tpu.memory_space<vmem>>, vector<1x16xf32>,
            %get3A_1020 = vector.shape_cast %get3A_1019 : vector<1x16xf32> to vector<16xf32>
            %mul3A_1021 = arith.constant 16 : i32
            %mul3A_1022 = arith.muli %scan3A_495, %mul3A_1021 : i32
            %get3A_1023 = arith.constant 7 : i32
            %get3A_1024 = arith.index_cast %get3A_1023 : i32 to index
            %get3A_1025 = arith.index_cast %mul3A_1022 : i32 to index
            %get3A_1026 = tpu.vector_load %arg10[%get3A_1024, %get3A_1025] {strides = array<i32>} : memref<8x512xf32, #tpu.memory_space<vmem>>, vector<1x16xf32>,
            %get3A_1027 = vector.shape_cast %get3A_1026 : vector<1x16xf32> to vector<16xf32>
            %mul3A_1028 = arith.constant 16 : i32
            %mul3A_1029 = arith.muli %scan3A_495, %mul3A_1028 : i32
            %get3A_1030 = arith.constant 7 : i32
            %get3A_1031 = arith.index_cast %get3A_1030 : i32 to index
            %get3A_1032 = arith.index_cast %mul3A_1029 : i32 to index
            %get3A_1033 = tpu.vector_load %arg13[%get3A_1031, %get3A_1032] {strides = array<i32>} : memref<8x512xf32, #tpu.memory_space<vmem>>, vector<1x16xf32>,
            %get3A_1034 = vector.shape_cast %get3A_1033 : vector<1x16xf32> to vector<16xf32>
            %mul3A_1035 = arith.constant 1.000000e+01 : f32
            %mul3A_1036 = vector.broadcast %mul3A_1035 : f32 to vector<16xf32>
            %mul3A_1037 = arith.mulf %mul3A_1036, %get3A_1020 : vector<16xf32>
            %add3A_1038 = arith.addf %get3A_499, %mul3A_1037 : vector<16xf32>
            %add3A_1039 = arith.constant 0x4B400000 : f32
            %add3A_1040 = vector.broadcast %add3A_1039 : f32 to vector<16xf32>
            %add3A_1041 = arith.addf %add3A_1038, %add3A_1040 : vector<16xf32>
            %sub3A_1042 = arith.constant 0x4B400000 : f32
            %sub3A_1043 = vector.broadcast %sub3A_1042 : f32 to vector<16xf32>
            %sub3A_1044 = arith.subf %add3A_1041, %sub3A_1043 : vector<16xf32>
            %mul3A_1045 = arith.constant 1.000000e+01 : f32
            %mul3A_1046 = vector.broadcast %mul3A_1045 : f32 to vector<16xf32>
            %mul3A_1047 = arith.mulf %mul3A_1046, %get3A_1027 : vector<16xf32>
            %add3A_1048 = vector.broadcast %convert_element_type3A_486 : f32 to vector<16xf32>
            %add3A_1049 = arith.addf %add3A_1048, %mul3A_1047 : vector<16xf32>
            %add3A_1050 = arith.constant 0x4B400000 : f32
            %add3A_1051 = vector.broadcast %add3A_1050 : f32 to vector<16xf32>
            %add3A_1052 = arith.addf %add3A_1049, %add3A_1051 : vector<16xf32>
            %sub3A_1053 = arith.constant 0x4B400000 : f32
            %sub3A_1054 = vector.broadcast %sub3A_1053 : f32 to vector<16xf32>
            %sub3A_1055 = arith.subf %add3A_1052, %sub3A_1054 : vector<16xf32>
            %max3A_1056 = arith.constant 0.000000e+00 : f32
            %max3A_1057 = vector.broadcast %max3A_1056 : f32 to vector<16xf32>
            %max3A_1058 = arith.maximumf %sub3A_1044, %max3A_1057 : vector<16xf32>
            %min3A_1059 = arith.constant 5.110000e+02 : f32
            %min3A_1060 = vector.broadcast %min3A_1059 : f32 to vector<16xf32>
            %min3A_1061 = arith.minimumf %max3A_1058, %min3A_1060 : vector<16xf32>
            %max3A_1062 = arith.constant 0.000000e+00 : f32
            %max3A_1063 = vector.broadcast %max3A_1062 : f32 to vector<16xf32>
            %max3A_1064 = arith.maximumf %sub3A_1055, %max3A_1063 : vector<16xf32>
            %min3A_1065 = arith.constant 5.110000e+02 : f32
            %min3A_1066 = vector.broadcast %min3A_1065 : f32 to vector<16xf32>
            %min3A_1067 = arith.minimumf %max3A_1064, %min3A_1066 : vector<16xf32>
            %convert_element_type3A_1068 = arith.fptosi %min3A_1067 : vector<16xf32> to vector<16xi32>
            %shift_left3A_1069 = arith.constant 9 : i32
            %shift_left3A_1070 = vector.broadcast %shift_left3A_1069 : i32 to vector<16xi32>
            %shift_left3A_1071 = arith.shli %convert_element_type3A_1068, %shift_left3A_1070 : vector<16xi32>
            %convert_element_type3A_1072 = arith.fptosi %min3A_1061 : vector<16xf32> to vector<16xi32>
            %add3A_1073 = arith.addi %shift_left3A_1071, %convert_element_type3A_1072 : vector<16xi32>
            %add3A_1074 = vector.broadcast %mul3A_338 : i32 to vector<16xi32>
            %add3A_1075 = arith.addi %add3A_1073, %add3A_1074 : vector<16xi32>
            %mul3A_1076 = arith.constant 16 : i32
            %mul3A_1077 = arith.muli %scan3A_495, %mul3A_1076 : i32
            %add3A_1078 = arith.constant 3584 : i32
            %add3A_1079 = arith.addi %add3A_1078, %mul3A_1077 : i32
            %swap3A_1080 = arith.index_cast %add3A_1079 : i32 to index
            %swap3A_1081 = tpu.vector_load %arg19[%swap3A_1080] {strides = array<i32>} : memref<4096xi32, #tpu.memory_space<vmem>>, vector<16xi32>,
            %swap3A_1082 = vector.shape_cast %swap3A_1081 : vector<16xi32> to vector<16xi32>
            %swap3A_1083 = vector.shape_cast %add3A_1075 : vector<16xi32> to vector<16xi32>
            tpu.vector_store %arg19[%swap3A_1080], %swap3A_1083 {strides = array<i32>} : memref<4096xi32, #tpu.memory_space<vmem>>, vector<16xi32>,
            %swap3A_1084 = arith.index_cast %add3A_1079 : i32 to index
            %swap3A_1085 = tpu.vector_load %arg16[%swap3A_1084] {strides = array<i32>} : memref<4096xf32, #tpu.memory_space<vmem>>, vector<16xf32>,
            %swap3A_1086 = vector.shape_cast %swap3A_1085 : vector<16xf32> to vector<16xf32>
            %swap3A_1087 = vector.shape_cast %get3A_1034 : vector<16xf32> to vector<16xf32>
            tpu.vector_store %arg16[%swap3A_1084], %swap3A_1087 {strides = array<i32>} : memref<4096xf32, #tpu.memory_space<vmem>>, vector<16xf32>,
          }
          %scan3A_492 = arith.constant 32 : i32
          %dma_start3A_493 = arith.constant 0 : i32
          %dma_start3A_494 = tpu.memref_slice %arg5[%dma_start3A_493] : memref<1048576xf32, #tpu.memory_space<vmem_shared>> -> memref<1048576xf32, #tpu.memory_space<vmem_shared>>
          tpu.enqueue_indirect_dma source(%arg16 : memref<4096xf32, #tpu.memory_space<vmem>>) target(%dma_start3A_494 : memref<1048576xf32, #tpu.memory_space<vmem_shared>>) offsets(%arg19 : memref<4096xi32, #tpu.memory_space<vmem>>) semaphore(%arg27 : memref<!tpu.dma_semaphore, #tpu.memory_space<semaphore_mem>>) {add = true}
        } else {
        }
        %jit3A_408 = arith.constant 3 : i32
        %eq3A_409 = arith.constant 0 : i32
        %eq3A_410 = arith.cmpi eq, %jit3A_408, %eq3A_409 : i32
        %jit3A_411 = arith.constant 1 : i32
        %select_n3A_412 = arith.select %eq3A_410, %jit3A_411, %jit3A_408 : i32
        %rem3A_413 = arith.remsi %scan3A_365, %select_n3A_412 : i32
        %ne3A_414 = arith.constant 0 : i32
        %ne3A_415 = arith.cmpi ne, %rem3A_413, %ne3A_414 : i32
        %lt3A_416 = arith.constant 0 : i32
        %lt3A_417 = arith.cmpi slt, %rem3A_413, %lt3A_416 : i32
        %lt3A_418 = arith.constant 0 : i32
        %lt3A_419 = arith.cmpi slt, %select_n3A_412, %lt3A_418 : i32
        %ne3A_420 = arith.xori %lt3A_417, %lt3A_419 : i1
        %and3A_421 = arith.andi %ne3A_420, %ne3A_415 : i1
        %add3A_422 = arith.addi %rem3A_413, %select_n3A_412 : i32
        %select_n3A_423 = arith.select %and3A_421, %add3A_422, %rem3A_413 : i32
        %eq3A_424 = arith.constant 2 : i32
        %eq3A_425 = arith.cmpi eq, %select_n3A_423, %eq3A_424 : i32
        %convert_element_type3A_426 = arith.extui %eq3A_425 : i1 to i32
        %cond3A_427 = arith.constant 0 : i32
        %cond3A_428 = arith.cmpi ne, %convert_element_type3A_426, %cond3A_427 : i32
        scf.if %cond3A_428 {
          %add3A_429 = arith.constant 1 : i32
          %add3A_430 = arith.addi %scan3A_365, %add3A_429 : i32
          %lt3A_431 = arith.constant 16 : i32
          %lt3A_432 = arith.cmpi slt, %add3A_430, %lt3A_431 : i32
          %convert_element_type3A_433 = arith.extui %lt3A_432 : i1 to i32
          %cond3A_434 = arith.constant 0 : i32
          %cond3A_435 = arith.cmpi ne, %convert_element_type3A_433, %cond3A_434 : i32
          scf.if %cond3A_435 {
            %ge3A = arith.constant 2 : i32
            %ge3A_495 = arith.cmpi sge, %scan3A_365, %ge3A : i32
            %convert_element_type3A_496 = arith.extui %ge3A_495 : i1 to i32
            %cond3A_497 = arith.constant 0 : i32
            %cond3A_498 = arith.cmpi ne, %convert_element_type3A_496, %cond3A_497 : i32
            scf.if %cond3A_498 {
              %dma_wait3A_528 = arith.constant 0 : i32
              %dma_wait3A_529 = tpu.memref_slice %arg5[%dma_wait3A_528] : memref<1048576xf32, #tpu.memory_space<vmem_shared>> -> memref<1048576xf32, #tpu.memory_space<vmem_shared>>
              tpu.wait_indirect_dma semaphore(%arg26 : memref<!tpu.dma_semaphore, #tpu.memory_space<semaphore_mem>>) src(%arg15 : memref<4096xf32, #tpu.memory_space<vmem>>) dst(%dma_wait3A_529 : memref<1048576xf32, #tpu.memory_space<vmem_shared>>)
            } else {
            }
            %add3A_499 = arith.constant 1 : i32
            %add3A_500 = arith.addi %scan3A_365, %add3A_499 : i32
            %mul3A_501 = arith.constant 8 : i32
            %mul3A_502 = arith.muli %add3A_500, %mul3A_501 : i32
            %add3A_503 = arith.addi %mul3A_29, %mul3A_502 : i32
            %dma_start3A_504 = arith.constant 0 : i32
            %dma_start3A_505 = tpu.memref_slice %arg2[%add3A_81, %add3A_503, %dma_start3A_504] : memref<16x512x512xf32, #tpu.memory_space<hbm>> -> memref<1x8x512xf32, #tpu.memory_space<hbm>>
            %dma_start3A_506 = tpu.memref_squeeze %dma_start3A_505 : memref<1x8x512xf32, #tpu.memory_space<hbm>> -> memref<8x512xf32, #tpu.memory_space<hbm>>
            %dma_start3A_507 = arith.constant 0 : i32
            %dma_start3A_508 = tpu.memref_slice %arg2[%add3A_81, %add3A_503, %dma_start3A_507] : memref<16x512x512xf32, #tpu.memory_space<hbm>> -> memref<1x8x512xf32, #tpu.memory_space<hbm>>
            %dma_start3A_509 = tpu.memref_squeeze %dma_start3A_508 : memref<1x8x512xf32, #tpu.memory_space<hbm>> -> memref<8x512xf32, #tpu.memory_space<hbm>>
            tpu.enqueue_dma source(%dma_start3A_509 : memref<8x512xf32, #tpu.memory_space<hbm>>) target(%arg12 : memref<8x512xf32, #tpu.memory_space<vmem>>) target_semaphore(%arg23 : memref<!tpu.dma_semaphore, #tpu.memory_space<semaphore_mem>>)
            %mul3A_510 = arith.constant 2 : i32
            %mul3A_511 = arith.muli %mul3A_510, %add3A_81 : i32
            %dma_start3A_512 = arith.constant 0 : i32
            %dma_start3A_513 = tpu.memref_slice %arg3[%mul3A_511, %add3A_503, %dma_start3A_512] : memref<32x512x512xf32, #tpu.memory_space<hbm>> -> memref<1x8x512xf32, #tpu.memory_space<hbm>>
            %dma_start3A_514 = tpu.memref_squeeze %dma_start3A_513 : memref<1x8x512xf32, #tpu.memory_space<hbm>> -> memref<8x512xf32, #tpu.memory_space<hbm>>
            %dma_start3A_515 = arith.constant 0 : i32
            %dma_start3A_516 = tpu.memref_slice %arg3[%mul3A_511, %add3A_503, %dma_start3A_515] : memref<32x512x512xf32, #tpu.memory_space<hbm>> -> memref<1x8x512xf32, #tpu.memory_space<hbm>>
            %dma_start3A_517 = tpu.memref_squeeze %dma_start3A_516 : memref<1x8x512xf32, #tpu.memory_space<hbm>> -> memref<8x512xf32, #tpu.memory_space<hbm>>
            tpu.enqueue_dma source(%dma_start3A_517 : memref<8x512xf32, #tpu.memory_space<hbm>>) target(%arg6 : memref<8x512xf32, #tpu.memory_space<vmem>>) target_semaphore(%arg23 : memref<!tpu.dma_semaphore, #tpu.memory_space<semaphore_mem>>)
            %mul3A_518 = arith.constant 2 : i32
            %mul3A_519 = arith.muli %mul3A_518, %add3A_81 : i32
            %add3A_520 = arith.constant 1 : i32
            %add3A_521 = arith.addi %mul3A_519, %add3A_520 : i32
            %dma_start3A_522 = arith.constant 0 : i32
            %dma_start3A_523 = tpu.memref_slice %arg3[%add3A_521, %add3A_503, %dma_start3A_522] : memref<32x512x512xf32, #tpu.memory_space<hbm>> -> memref<1x8x512xf32, #tpu.memory_space<hbm>>
            %dma_start3A_524 = tpu.memref_squeeze %dma_start3A_523 : memref<1x8x512xf32, #tpu.memory_space<hbm>> -> memref<8x512xf32, #tpu.memory_space<hbm>>
            %dma_start3A_525 = arith.constant 0 : i32
            %dma_start3A_526 = tpu.memref_slice %arg3[%add3A_521, %add3A_503, %dma_start3A_525] : memref<32x512x512xf32, #tpu.memory_space<hbm>> -> memref<1x8x512xf32, #tpu.memory_space<hbm>>
            %dma_start3A_527 = tpu.memref_squeeze %dma_start3A_526 : memref<1x8x512xf32, #tpu.memory_space<hbm>> -> memref<8x512xf32, #tpu.memory_space<hbm>>
            tpu.enqueue_dma source(%dma_start3A_527 : memref<8x512xf32, #tpu.memory_space<hbm>>) target(%arg9 : memref<8x512xf32, #tpu.memory_space<vmem>>) target_semaphore(%arg23 : memref<!tpu.dma_semaphore, #tpu.memory_space<semaphore_mem>>)
          } else {
          }
          %dma_wait3A_436 = arith.constant 0 : i32
          %dma_wait3A_437 = arith.constant 0 : i32
          %dma_wait3A_438 = tpu.memref_slice %arg2[%add3A_81, %dma_wait3A_436, %dma_wait3A_437] : memref<16x512x512xf32, #tpu.memory_space<hbm>> -> memref<1x8x512xf32, #tpu.memory_space<hbm>>
          %dma_wait3A_439 = tpu.memref_squeeze %dma_wait3A_438 : memref<1x8x512xf32, #tpu.memory_space<hbm>> -> memref<8x512xf32, #tpu.memory_space<hbm>>
          %dma_wait3A_440 = arith.constant 0 : i32
          %dma_wait3A_441 = arith.constant 0 : i32
          %dma_wait3A_442 = tpu.memref_slice %arg2[%add3A_81, %dma_wait3A_440, %dma_wait3A_441] : memref<16x512x512xf32, #tpu.memory_space<hbm>> -> memref<1x8x512xf32, #tpu.memory_space<hbm>>
          %dma_wait3A_443 = tpu.memref_squeeze %dma_wait3A_442 : memref<1x8x512xf32, #tpu.memory_space<hbm>> -> memref<8x512xf32, #tpu.memory_space<hbm>>
          tpu.wait_dma2 semaphore(%arg25 : memref<!tpu.dma_semaphore, #tpu.memory_space<semaphore_mem>>) src(%dma_wait3A_443 : memref<8x512xf32, #tpu.memory_space<hbm>>) dst(%arg14 : memref<8x512xf32, #tpu.memory_space<vmem>>)
          %dma_wait3A_444 = arith.constant 0 : i32
          %dma_wait3A_445 = arith.constant 0 : i32
          %dma_wait3A_446 = tpu.memref_slice %arg2[%add3A_81, %dma_wait3A_444, %dma_wait3A_445] : memref<16x512x512xf32, #tpu.memory_space<hbm>> -> memref<1x8x512xf32, #tpu.memory_space<hbm>>
          %dma_wait3A_447 = tpu.memref_squeeze %dma_wait3A_446 : memref<1x8x512xf32, #tpu.memory_space<hbm>> -> memref<8x512xf32, #tpu.memory_space<hbm>>
          %dma_wait3A_448 = arith.constant 0 : i32
          %dma_wait3A_449 = arith.constant 0 : i32
          %dma_wait3A_450 = tpu.memref_slice %arg2[%add3A_81, %dma_wait3A_448, %dma_wait3A_449] : memref<16x512x512xf32, #tpu.memory_space<hbm>> -> memref<1x8x512xf32, #tpu.memory_space<hbm>>
          %dma_wait3A_451 = tpu.memref_squeeze %dma_wait3A_450 : memref<1x8x512xf32, #tpu.memory_space<hbm>> -> memref<8x512xf32, #tpu.memory_space<hbm>>
          tpu.wait_dma2 semaphore(%arg25 : memref<!tpu.dma_semaphore, #tpu.memory_space<semaphore_mem>>) src(%dma_wait3A_451 : memref<8x512xf32, #tpu.memory_space<hbm>>) dst(%arg8 : memref<8x512xf32, #tpu.memory_space<vmem>>)
          %dma_wait3A_452 = arith.constant 0 : i32
          %dma_wait3A_453 = arith.constant 0 : i32
          %dma_wait3A_454 = tpu.memref_slice %arg2[%add3A_81, %dma_wait3A_452, %dma_wait3A_453] : memref<16x512x512xf32, #tpu.memory_space<hbm>> -> memref<1x8x512xf32, #tpu.memory_space<hbm>>
          %dma_wait3A_455 = tpu.memref_squeeze %dma_wait3A_454 : memref<1x8x512xf32, #tpu.memory_space<hbm>> -> memref<8x512xf32, #tpu.memory_space<hbm>>
          %dma_wait3A_456 = arith.constant 0 : i32
          %dma_wait3A_457 = arith.constant 0 : i32
          %dma_wait3A_458 = tpu.memref_slice %arg2[%add3A_81, %dma_wait3A_456, %dma_wait3A_457] : memref<16x512x512xf32, #tpu.memory_space<hbm>> -> memref<1x8x512xf32, #tpu.memory_space<hbm>>
          %dma_wait3A_459 = tpu.memref_squeeze %dma_wait3A_458 : memref<1x8x512xf32, #tpu.memory_space<hbm>> -> memref<8x512xf32, #tpu.memory_space<hbm>>
          tpu.wait_dma2 semaphore(%arg25 : memref<!tpu.dma_semaphore, #tpu.memory_space<semaphore_mem>>) src(%dma_wait3A_459 : memref<8x512xf32, #tpu.memory_space<hbm>>) dst(%arg11 : memref<8x512xf32, #tpu.memory_space<vmem>>)
          %mul3A_460 = arith.constant 8 : i32
          %mul3A_461 = arith.muli %scan3A_365, %mul3A_460 : i32
          %add3A_462 = arith.addi %mul3A_29, %mul3A_461 : i32
          %add3A_463 = arith.constant 0 : i32
          %add3A_464 = arith.addi %add3A_462, %add3A_463 : i32
          %convert_element_type3A_465 = arith.sitofp %add3A_464 : i32 to f32
          %add3A_466 = arith.constant 1 : i32
          %add3A_467 = arith.addi %add3A_462, %add3A_466 : i32
          %convert_element_type3A_468 = arith.sitofp %add3A_467 : i32 to f32
          %add3A_469 = arith.constant 2 : i32
          %add3A_470 = arith.addi %add3A_462, %add3A_469 : i32
          %convert_element_type3A_471 = arith.sitofp %add3A_470 : i32 to f32
          %add3A_472 = arith.constant 3 : i32
          %add3A_473 = arith.addi %add3A_462, %add3A_472 : i32
          %convert_element_type3A_474 = arith.sitofp %add3A_473 : i32 to f32
          %add3A_475 = arith.constant 4 : i32
          %add3A_476 = arith.addi %add3A_462, %add3A_475 : i32
          %convert_element_type3A_477 = arith.sitofp %add3A_476 : i32 to f32
          %add3A_478 = arith.constant 5 : i32
          %add3A_479 = arith.addi %add3A_462, %add3A_478 : i32
          %convert_element_type3A_480 = arith.sitofp %add3A_479 : i32 to f32
          %add3A_481 = arith.constant 6 : i32
          %add3A_482 = arith.addi %add3A_462, %add3A_481 : i32
          %convert_element_type3A_483 = arith.sitofp %add3A_482 : i32 to f32
          %add3A_484 = arith.constant 7 : i32
          %add3A_485 = arith.addi %add3A_462, %add3A_484 : i32
          %convert_element_type3A_486 = arith.sitofp %add3A_485 : i32 to f32
          %scan3A_487 = arith.constant 0 : i32
          %scan3A_488 = arith.constant 0 : i32
          %scan3A_489 = arith.constant 32 : i32
          %scan3A_490 = arith.addi %scan3A_488, %scan3A_489 : i32
          %scan3A_491 = arith.constant 1 : i32
          scf.for %scan3A_495 = %scan3A_488 to %scan3A_490 step %scan3A_491  : i32 {
            %mul3A_496 = arith.constant 16 : i32
            %mul3A_497 = arith.muli %scan3A_495, %mul3A_496 : i32
            %get3A = arith.index_cast %mul3A_497 : i32 to index
            %get3A_498 = tpu.vector_load %arg22[%get3A] {strides = array<i32>} : memref<512xf32, #tpu.memory_space<vmem>>, vector<16xf32>,
            %get3A_499 = vector.shape_cast %get3A_498 : vector<16xf32> to vector<16xf32>
            %mul3A_500 = arith.constant 16 : i32
            %mul3A_501 = arith.muli %scan3A_495, %mul3A_500 : i32
            %get3A_502 = arith.constant 0 : i32
            %get3A_503 = arith.index_cast %get3A_502 : i32 to index
            %get3A_504 = arith.index_cast %mul3A_501 : i32 to index
            %get3A_505 = tpu.vector_load %arg8[%get3A_503, %get3A_504] {strides = array<i32>} : memref<8x512xf32, #tpu.memory_space<vmem>>, vector<1x16xf32>,
            %get3A_506 = vector.shape_cast %get3A_505 : vector<1x16xf32> to vector<16xf32>
            %mul3A_507 = arith.constant 16 : i32
            %mul3A_508 = arith.muli %scan3A_495, %mul3A_507 : i32
            %get3A_509 = arith.constant 0 : i32
            %get3A_510 = arith.index_cast %get3A_509 : i32 to index
            %get3A_511 = arith.index_cast %mul3A_508 : i32 to index
            %get3A_512 = tpu.vector_load %arg11[%get3A_510, %get3A_511] {strides = array<i32>} : memref<8x512xf32, #tpu.memory_space<vmem>>, vector<1x16xf32>,
            %get3A_513 = vector.shape_cast %get3A_512 : vector<1x16xf32> to vector<16xf32>
            %mul3A_514 = arith.constant 16 : i32
            %mul3A_515 = arith.muli %scan3A_495, %mul3A_514 : i32
            %get3A_516 = arith.constant 0 : i32
            %get3A_517 = arith.index_cast %get3A_516 : i32 to index
            %get3A_518 = arith.index_cast %mul3A_515 : i32 to index
            %get3A_519 = tpu.vector_load %arg14[%get3A_517, %get3A_518] {strides = array<i32>} : memref<8x512xf32, #tpu.memory_space<vmem>>, vector<1x16xf32>,
            %get3A_520 = vector.shape_cast %get3A_519 : vector<1x16xf32> to vector<16xf32>
            %mul3A_521 = arith.constant 1.000000e+01 : f32
            %mul3A_522 = vector.broadcast %mul3A_521 : f32 to vector<16xf32>
            %mul3A_523 = arith.mulf %mul3A_522, %get3A_506 : vector<16xf32>
            %add3A_524 = arith.addf %get3A_499, %mul3A_523 : vector<16xf32>
            %add3A_525 = arith.constant 0x4B400000 : f32
            %add3A_526 = vector.broadcast %add3A_525 : f32 to vector<16xf32>
            %add3A_527 = arith.addf %add3A_524, %add3A_526 : vector<16xf32>
            %sub3A_528 = arith.constant 0x4B400000 : f32
            %sub3A_529 = vector.broadcast %sub3A_528 : f32 to vector<16xf32>
            %sub3A_530 = arith.subf %add3A_527, %sub3A_529 : vector<16xf32>
            %mul3A_531 = arith.constant 1.000000e+01 : f32
            %mul3A_532 = vector.broadcast %mul3A_531 : f32 to vector<16xf32>
            %mul3A_533 = arith.mulf %mul3A_532, %get3A_513 : vector<16xf32>
            %add3A_534 = vector.broadcast %convert_element_type3A_465 : f32 to vector<16xf32>
            %add3A_535 = arith.addf %add3A_534, %mul3A_533 : vector<16xf32>
            %add3A_536 = arith.constant 0x4B400000 : f32
            %add3A_537 = vector.broadcast %add3A_536 : f32 to vector<16xf32>
            %add3A_538 = arith.addf %add3A_535, %add3A_537 : vector<16xf32>
            %sub3A_539 = arith.constant 0x4B400000 : f32
            %sub3A_540 = vector.broadcast %sub3A_539 : f32 to vector<16xf32>
            %sub3A_541 = arith.subf %add3A_538, %sub3A_540 : vector<16xf32>
            %max3A = arith.constant 0.000000e+00 : f32
            %max3A_542 = vector.broadcast %max3A : f32 to vector<16xf32>
            %max3A_543 = arith.maximumf %sub3A_530, %max3A_542 : vector<16xf32>
            %min3A = arith.constant 5.110000e+02 : f32
            %min3A_544 = vector.broadcast %min3A : f32 to vector<16xf32>
            %min3A_545 = arith.minimumf %max3A_543, %min3A_544 : vector<16xf32>
            %max3A_546 = arith.constant 0.000000e+00 : f32
            %max3A_547 = vector.broadcast %max3A_546 : f32 to vector<16xf32>
            %max3A_548 = arith.maximumf %sub3A_541, %max3A_547 : vector<16xf32>
            %min3A_549 = arith.constant 5.110000e+02 : f32
            %min3A_550 = vector.broadcast %min3A_549 : f32 to vector<16xf32>
            %min3A_551 = arith.minimumf %max3A_548, %min3A_550 : vector<16xf32>
            %convert_element_type3A_552 = arith.fptosi %min3A_551 : vector<16xf32> to vector<16xi32>
            %shift_left3A = arith.constant 9 : i32
            %shift_left3A_553 = vector.broadcast %shift_left3A : i32 to vector<16xi32>
            %shift_left3A_554 = arith.shli %convert_element_type3A_552, %shift_left3A_553 : vector<16xi32>
            %convert_element_type3A_555 = arith.fptosi %min3A_545 : vector<16xf32> to vector<16xi32>
            %add3A_556 = arith.addi %shift_left3A_554, %convert_element_type3A_555 : vector<16xi32>
            %add3A_557 = vector.broadcast %mul3A_338 : i32 to vector<16xi32>
            %add3A_558 = arith.addi %add3A_556, %add3A_557 : vector<16xi32>
            %mul3A_559 = arith.constant 16 : i32
            %mul3A_560 = arith.muli %scan3A_495, %mul3A_559 : i32
            %add3A_561 = arith.constant 0 : i32
            %add3A_562 = arith.addi %add3A_561, %mul3A_560 : i32
            %swap3A = arith.index_cast %add3A_562 : i32 to index
            %swap3A_563 = tpu.vector_load %arg20[%swap3A] {strides = array<i32>} : memref<4096xi32, #tpu.memory_space<vmem>>, vector<16xi32>,
            %swap3A_564 = vector.shape_cast %swap3A_563 : vector<16xi32> to vector<16xi32>
            %swap3A_565 = vector.shape_cast %add3A_558 : vector<16xi32> to vector<16xi32>
            tpu.vector_store %arg20[%swap3A], %swap3A_565 {strides = array<i32>} : memref<4096xi32, #tpu.memory_space<vmem>>, vector<16xi32>,
            %swap3A_566 = arith.index_cast %add3A_562 : i32 to index
            %swap3A_567 = tpu.vector_load %arg17[%swap3A_566] {strides = array<i32>} : memref<4096xf32, #tpu.memory_space<vmem>>, vector<16xf32>,
            %swap3A_568 = vector.shape_cast %swap3A_567 : vector<16xf32> to vector<16xf32>
            %swap3A_569 = vector.shape_cast %get3A_520 : vector<16xf32> to vector<16xf32>
            tpu.vector_store %arg17[%swap3A_566], %swap3A_569 {strides = array<i32>} : memref<4096xf32, #tpu.memory_space<vmem>>, vector<16xf32>,
            %mul3A_570 = arith.constant 16 : i32
            %mul3A_571 = arith.muli %scan3A_495, %mul3A_570 : i32
            %get3A_572 = arith.constant 1 : i32
            %get3A_573 = arith.index_cast %get3A_572 : i32 to index
            %get3A_574 = arith.index_cast %mul3A_571 : i32 to index
            %get3A_575 = tpu.vector_load %arg8[%get3A_573, %get3A_574] {strides = array<i32>} : memref<8x512xf32, #tpu.memory_space<vmem>>, vector<1x16xf32>,
            %get3A_576 = vector.shape_cast %get3A_575 : vector<1x16xf32> to vector<16xf32>
            %mul3A_577 = arith.constant 16 : i32
            %mul3A_578 = arith.muli %scan3A_495, %mul3A_577 : i32
            %get3A_579 = arith.constant 1 : i32
            %get3A_580 = arith.index_cast %get3A_579 : i32 to index
            %get3A_581 = arith.index_cast %mul3A_578 : i32 to index
            %get3A_582 = tpu.vector_load %arg11[%get3A_580, %get3A_581] {strides = array<i32>} : memref<8x512xf32, #tpu.memory_space<vmem>>, vector<1x16xf32>,
            %get3A_583 = vector.shape_cast %get3A_582 : vector<1x16xf32> to vector<16xf32>
            %mul3A_584 = arith.constant 16 : i32
            %mul3A_585 = arith.muli %scan3A_495, %mul3A_584 : i32
            %get3A_586 = arith.constant 1 : i32
            %get3A_587 = arith.index_cast %get3A_586 : i32 to index
            %get3A_588 = arith.index_cast %mul3A_585 : i32 to index
            %get3A_589 = tpu.vector_load %arg14[%get3A_587, %get3A_588] {strides = array<i32>} : memref<8x512xf32, #tpu.memory_space<vmem>>, vector<1x16xf32>,
            %get3A_590 = vector.shape_cast %get3A_589 : vector<1x16xf32> to vector<16xf32>
            %mul3A_591 = arith.constant 1.000000e+01 : f32
            %mul3A_592 = vector.broadcast %mul3A_591 : f32 to vector<16xf32>
            %mul3A_593 = arith.mulf %mul3A_592, %get3A_576 : vector<16xf32>
            %add3A_594 = arith.addf %get3A_499, %mul3A_593 : vector<16xf32>
            %add3A_595 = arith.constant 0x4B400000 : f32
            %add3A_596 = vector.broadcast %add3A_595 : f32 to vector<16xf32>
            %add3A_597 = arith.addf %add3A_594, %add3A_596 : vector<16xf32>
            %sub3A_598 = arith.constant 0x4B400000 : f32
            %sub3A_599 = vector.broadcast %sub3A_598 : f32 to vector<16xf32>
            %sub3A_600 = arith.subf %add3A_597, %sub3A_599 : vector<16xf32>
            %mul3A_601 = arith.constant 1.000000e+01 : f32
            %mul3A_602 = vector.broadcast %mul3A_601 : f32 to vector<16xf32>
            %mul3A_603 = arith.mulf %mul3A_602, %get3A_583 : vector<16xf32>
            %add3A_604 = vector.broadcast %convert_element_type3A_468 : f32 to vector<16xf32>
            %add3A_605 = arith.addf %add3A_604, %mul3A_603 : vector<16xf32>
            %add3A_606 = arith.constant 0x4B400000 : f32
            %add3A_607 = vector.broadcast %add3A_606 : f32 to vector<16xf32>
            %add3A_608 = arith.addf %add3A_605, %add3A_607 : vector<16xf32>
            %sub3A_609 = arith.constant 0x4B400000 : f32
            %sub3A_610 = vector.broadcast %sub3A_609 : f32 to vector<16xf32>
            %sub3A_611 = arith.subf %add3A_608, %sub3A_610 : vector<16xf32>
            %max3A_612 = arith.constant 0.000000e+00 : f32
            %max3A_613 = vector.broadcast %max3A_612 : f32 to vector<16xf32>
            %max3A_614 = arith.maximumf %sub3A_600, %max3A_613 : vector<16xf32>
            %min3A_615 = arith.constant 5.110000e+02 : f32
            %min3A_616 = vector.broadcast %min3A_615 : f32 to vector<16xf32>
            %min3A_617 = arith.minimumf %max3A_614, %min3A_616 : vector<16xf32>
            %max3A_618 = arith.constant 0.000000e+00 : f32
            %max3A_619 = vector.broadcast %max3A_618 : f32 to vector<16xf32>
            %max3A_620 = arith.maximumf %sub3A_611, %max3A_619 : vector<16xf32>
            %min3A_621 = arith.constant 5.110000e+02 : f32
            %min3A_622 = vector.broadcast %min3A_621 : f32 to vector<16xf32>
            %min3A_623 = arith.minimumf %max3A_620, %min3A_622 : vector<16xf32>
            %convert_element_type3A_624 = arith.fptosi %min3A_623 : vector<16xf32> to vector<16xi32>
            %shift_left3A_625 = arith.constant 9 : i32
            %shift_left3A_626 = vector.broadcast %shift_left3A_625 : i32 to vector<16xi32>
            %shift_left3A_627 = arith.shli %convert_element_type3A_624, %shift_left3A_626 : vector<16xi32>
            %convert_element_type3A_628 = arith.fptosi %min3A_617 : vector<16xf32> to vector<16xi32>
            %add3A_629 = arith.addi %shift_left3A_627, %convert_element_type3A_628 : vector<16xi32>
            %add3A_630 = vector.broadcast %mul3A_338 : i32 to vector<16xi32>
            %add3A_631 = arith.addi %add3A_629, %add3A_630 : vector<16xi32>
            %mul3A_632 = arith.constant 16 : i32
            %mul3A_633 = arith.muli %scan3A_495, %mul3A_632 : i32
            %add3A_634 = arith.constant 512 : i32
            %add3A_635 = arith.addi %add3A_634, %mul3A_633 : i32
            %swap3A_636 = arith.index_cast %add3A_635 : i32 to index
            %swap3A_637 = tpu.vector_load %arg20[%swap3A_636] {strides = array<i32>} : memref<4096xi32, #tpu.memory_space<vmem>>, vector<16xi32>,
            %swap3A_638 = vector.shape_cast %swap3A_637 : vector<16xi32> to vector<16xi32>
            %swap3A_639 = vector.shape_cast %add3A_631 : vector<16xi32> to vector<16xi32>
            tpu.vector_store %arg20[%swap3A_636], %swap3A_639 {strides = array<i32>} : memref<4096xi32, #tpu.memory_space<vmem>>, vector<16xi32>,
            %swap3A_640 = arith.index_cast %add3A_635 : i32 to index
            %swap3A_641 = tpu.vector_load %arg17[%swap3A_640] {strides = array<i32>} : memref<4096xf32, #tpu.memory_space<vmem>>, vector<16xf32>,
            %swap3A_642 = vector.shape_cast %swap3A_641 : vector<16xf32> to vector<16xf32>
            %swap3A_643 = vector.shape_cast %get3A_590 : vector<16xf32> to vector<16xf32>
            tpu.vector_store %arg17[%swap3A_640], %swap3A_643 {strides = array<i32>} : memref<4096xf32, #tpu.memory_space<vmem>>, vector<16xf32>,
            %mul3A_644 = arith.constant 16 : i32
            %mul3A_645 = arith.muli %scan3A_495, %mul3A_644 : i32
            %get3A_646 = arith.constant 2 : i32
            %get3A_647 = arith.index_cast %get3A_646 : i32 to index
            %get3A_648 = arith.index_cast %mul3A_645 : i32 to index
            %get3A_649 = tpu.vector_load %arg8[%get3A_647, %get3A_648] {strides = array<i32>} : memref<8x512xf32, #tpu.memory_space<vmem>>, vector<1x16xf32>,
            %get3A_650 = vector.shape_cast %get3A_649 : vector<1x16xf32> to vector<16xf32>
            %mul3A_651 = arith.constant 16 : i32
            %mul3A_652 = arith.muli %scan3A_495, %mul3A_651 : i32
            %get3A_653 = arith.constant 2 : i32
            %get3A_654 = arith.index_cast %get3A_653 : i32 to index
            %get3A_655 = arith.index_cast %mul3A_652 : i32 to index
            %get3A_656 = tpu.vector_load %arg11[%get3A_654, %get3A_655] {strides = array<i32>} : memref<8x512xf32, #tpu.memory_space<vmem>>, vector<1x16xf32>,
            %get3A_657 = vector.shape_cast %get3A_656 : vector<1x16xf32> to vector<16xf32>
            %mul3A_658 = arith.constant 16 : i32
            %mul3A_659 = arith.muli %scan3A_495, %mul3A_658 : i32
            %get3A_660 = arith.constant 2 : i32
            %get3A_661 = arith.index_cast %get3A_660 : i32 to index
            %get3A_662 = arith.index_cast %mul3A_659 : i32 to index
            %get3A_663 = tpu.vector_load %arg14[%get3A_661, %get3A_662] {strides = array<i32>} : memref<8x512xf32, #tpu.memory_space<vmem>>, vector<1x16xf32>,
            %get3A_664 = vector.shape_cast %get3A_663 : vector<1x16xf32> to vector<16xf32>
            %mul3A_665 = arith.constant 1.000000e+01 : f32
            %mul3A_666 = vector.broadcast %mul3A_665 : f32 to vector<16xf32>
            %mul3A_667 = arith.mulf %mul3A_666, %get3A_650 : vector<16xf32>
            %add3A_668 = arith.addf %get3A_499, %mul3A_667 : vector<16xf32>
            %add3A_669 = arith.constant 0x4B400000 : f32
            %add3A_670 = vector.broadcast %add3A_669 : f32 to vector<16xf32>
            %add3A_671 = arith.addf %add3A_668, %add3A_670 : vector<16xf32>
            %sub3A_672 = arith.constant 0x4B400000 : f32
            %sub3A_673 = vector.broadcast %sub3A_672 : f32 to vector<16xf32>
            %sub3A_674 = arith.subf %add3A_671, %sub3A_673 : vector<16xf32>
            %mul3A_675 = arith.constant 1.000000e+01 : f32
            %mul3A_676 = vector.broadcast %mul3A_675 : f32 to vector<16xf32>
            %mul3A_677 = arith.mulf %mul3A_676, %get3A_657 : vector<16xf32>
            %add3A_678 = vector.broadcast %convert_element_type3A_471 : f32 to vector<16xf32>
            %add3A_679 = arith.addf %add3A_678, %mul3A_677 : vector<16xf32>
            %add3A_680 = arith.constant 0x4B400000 : f32
            %add3A_681 = vector.broadcast %add3A_680 : f32 to vector<16xf32>
            %add3A_682 = arith.addf %add3A_679, %add3A_681 : vector<16xf32>
            %sub3A_683 = arith.constant 0x4B400000 : f32
            %sub3A_684 = vector.broadcast %sub3A_683 : f32 to vector<16xf32>
            %sub3A_685 = arith.subf %add3A_682, %sub3A_684 : vector<16xf32>
            %max3A_686 = arith.constant 0.000000e+00 : f32
            %max3A_687 = vector.broadcast %max3A_686 : f32 to vector<16xf32>
            %max3A_688 = arith.maximumf %sub3A_674, %max3A_687 : vector<16xf32>
            %min3A_689 = arith.constant 5.110000e+02 : f32
            %min3A_690 = vector.broadcast %min3A_689 : f32 to vector<16xf32>
            %min3A_691 = arith.minimumf %max3A_688, %min3A_690 : vector<16xf32>
            %max3A_692 = arith.constant 0.000000e+00 : f32
            %max3A_693 = vector.broadcast %max3A_692 : f32 to vector<16xf32>
            %max3A_694 = arith.maximumf %sub3A_685, %max3A_693 : vector<16xf32>
            %min3A_695 = arith.constant 5.110000e+02 : f32
            %min3A_696 = vector.broadcast %min3A_695 : f32 to vector<16xf32>
            %min3A_697 = arith.minimumf %max3A_694, %min3A_696 : vector<16xf32>
            %convert_element_type3A_698 = arith.fptosi %min3A_697 : vector<16xf32> to vector<16xi32>
            %shift_left3A_699 = arith.constant 9 : i32
            %shift_left3A_700 = vector.broadcast %shift_left3A_699 : i32 to vector<16xi32>
            %shift_left3A_701 = arith.shli %convert_element_type3A_698, %shift_left3A_700 : vector<16xi32>
            %convert_element_type3A_702 = arith.fptosi %min3A_691 : vector<16xf32> to vector<16xi32>
            %add3A_703 = arith.addi %shift_left3A_701, %convert_element_type3A_702 : vector<16xi32>
            %add3A_704 = vector.broadcast %mul3A_338 : i32 to vector<16xi32>
            %add3A_705 = arith.addi %add3A_703, %add3A_704 : vector<16xi32>
            %mul3A_706 = arith.constant 16 : i32
            %mul3A_707 = arith.muli %scan3A_495, %mul3A_706 : i32
            %add3A_708 = arith.constant 1024 : i32
            %add3A_709 = arith.addi %add3A_708, %mul3A_707 : i32
            %swap3A_710 = arith.index_cast %add3A_709 : i32 to index
            %swap3A_711 = tpu.vector_load %arg20[%swap3A_710] {strides = array<i32>} : memref<4096xi32, #tpu.memory_space<vmem>>, vector<16xi32>,
            %swap3A_712 = vector.shape_cast %swap3A_711 : vector<16xi32> to vector<16xi32>
            %swap3A_713 = vector.shape_cast %add3A_705 : vector<16xi32> to vector<16xi32>
            tpu.vector_store %arg20[%swap3A_710], %swap3A_713 {strides = array<i32>} : memref<4096xi32, #tpu.memory_space<vmem>>, vector<16xi32>,
            %swap3A_714 = arith.index_cast %add3A_709 : i32 to index
            %swap3A_715 = tpu.vector_load %arg17[%swap3A_714] {strides = array<i32>} : memref<4096xf32, #tpu.memory_space<vmem>>, vector<16xf32>,
            %swap3A_716 = vector.shape_cast %swap3A_715 : vector<16xf32> to vector<16xf32>
            %swap3A_717 = vector.shape_cast %get3A_664 : vector<16xf32> to vector<16xf32>
            tpu.vector_store %arg17[%swap3A_714], %swap3A_717 {strides = array<i32>} : memref<4096xf32, #tpu.memory_space<vmem>>, vector<16xf32>,
            %mul3A_718 = arith.constant 16 : i32
            %mul3A_719 = arith.muli %scan3A_495, %mul3A_718 : i32
            %get3A_720 = arith.constant 3 : i32
            %get3A_721 = arith.index_cast %get3A_720 : i32 to index
            %get3A_722 = arith.index_cast %mul3A_719 : i32 to index
            %get3A_723 = tpu.vector_load %arg8[%get3A_721, %get3A_722] {strides = array<i32>} : memref<8x512xf32, #tpu.memory_space<vmem>>, vector<1x16xf32>,
            %get3A_724 = vector.shape_cast %get3A_723 : vector<1x16xf32> to vector<16xf32>
            %mul3A_725 = arith.constant 16 : i32
            %mul3A_726 = arith.muli %scan3A_495, %mul3A_725 : i32
            %get3A_727 = arith.constant 3 : i32
            %get3A_728 = arith.index_cast %get3A_727 : i32 to index
            %get3A_729 = arith.index_cast %mul3A_726 : i32 to index
            %get3A_730 = tpu.vector_load %arg11[%get3A_728, %get3A_729] {strides = array<i32>} : memref<8x512xf32, #tpu.memory_space<vmem>>, vector<1x16xf32>,
            %get3A_731 = vector.shape_cast %get3A_730 : vector<1x16xf32> to vector<16xf32>
            %mul3A_732 = arith.constant 16 : i32
            %mul3A_733 = arith.muli %scan3A_495, %mul3A_732 : i32
            %get3A_734 = arith.constant 3 : i32
            %get3A_735 = arith.index_cast %get3A_734 : i32 to index
            %get3A_736 = arith.index_cast %mul3A_733 : i32 to index
            %get3A_737 = tpu.vector_load %arg14[%get3A_735, %get3A_736] {strides = array<i32>} : memref<8x512xf32, #tpu.memory_space<vmem>>, vector<1x16xf32>,
            %get3A_738 = vector.shape_cast %get3A_737 : vector<1x16xf32> to vector<16xf32>
            %mul3A_739 = arith.constant 1.000000e+01 : f32
            %mul3A_740 = vector.broadcast %mul3A_739 : f32 to vector<16xf32>
            %mul3A_741 = arith.mulf %mul3A_740, %get3A_724 : vector<16xf32>
            %add3A_742 = arith.addf %get3A_499, %mul3A_741 : vector<16xf32>
            %add3A_743 = arith.constant 0x4B400000 : f32
            %add3A_744 = vector.broadcast %add3A_743 : f32 to vector<16xf32>
            %add3A_745 = arith.addf %add3A_742, %add3A_744 : vector<16xf32>
            %sub3A_746 = arith.constant 0x4B400000 : f32
            %sub3A_747 = vector.broadcast %sub3A_746 : f32 to vector<16xf32>
            %sub3A_748 = arith.subf %add3A_745, %sub3A_747 : vector<16xf32>
            %mul3A_749 = arith.constant 1.000000e+01 : f32
            %mul3A_750 = vector.broadcast %mul3A_749 : f32 to vector<16xf32>
            %mul3A_751 = arith.mulf %mul3A_750, %get3A_731 : vector<16xf32>
            %add3A_752 = vector.broadcast %convert_element_type3A_474 : f32 to vector<16xf32>
            %add3A_753 = arith.addf %add3A_752, %mul3A_751 : vector<16xf32>
            %add3A_754 = arith.constant 0x4B400000 : f32
            %add3A_755 = vector.broadcast %add3A_754 : f32 to vector<16xf32>
            %add3A_756 = arith.addf %add3A_753, %add3A_755 : vector<16xf32>
            %sub3A_757 = arith.constant 0x4B400000 : f32
            %sub3A_758 = vector.broadcast %sub3A_757 : f32 to vector<16xf32>
            %sub3A_759 = arith.subf %add3A_756, %sub3A_758 : vector<16xf32>
            %max3A_760 = arith.constant 0.000000e+00 : f32
            %max3A_761 = vector.broadcast %max3A_760 : f32 to vector<16xf32>
            %max3A_762 = arith.maximumf %sub3A_748, %max3A_761 : vector<16xf32>
            %min3A_763 = arith.constant 5.110000e+02 : f32
            %min3A_764 = vector.broadcast %min3A_763 : f32 to vector<16xf32>
            %min3A_765 = arith.minimumf %max3A_762, %min3A_764 : vector<16xf32>
            %max3A_766 = arith.constant 0.000000e+00 : f32
            %max3A_767 = vector.broadcast %max3A_766 : f32 to vector<16xf32>
            %max3A_768 = arith.maximumf %sub3A_759, %max3A_767 : vector<16xf32>
            %min3A_769 = arith.constant 5.110000e+02 : f32
            %min3A_770 = vector.broadcast %min3A_769 : f32 to vector<16xf32>
            %min3A_771 = arith.minimumf %max3A_768, %min3A_770 : vector<16xf32>
            %convert_element_type3A_772 = arith.fptosi %min3A_771 : vector<16xf32> to vector<16xi32>
            %shift_left3A_773 = arith.constant 9 : i32
            %shift_left3A_774 = vector.broadcast %shift_left3A_773 : i32 to vector<16xi32>
            %shift_left3A_775 = arith.shli %convert_element_type3A_772, %shift_left3A_774 : vector<16xi32>
            %convert_element_type3A_776 = arith.fptosi %min3A_765 : vector<16xf32> to vector<16xi32>
            %add3A_777 = arith.addi %shift_left3A_775, %convert_element_type3A_776 : vector<16xi32>
            %add3A_778 = vector.broadcast %mul3A_338 : i32 to vector<16xi32>
            %add3A_779 = arith.addi %add3A_777, %add3A_778 : vector<16xi32>
            %mul3A_780 = arith.constant 16 : i32
            %mul3A_781 = arith.muli %scan3A_495, %mul3A_780 : i32
            %add3A_782 = arith.constant 1536 : i32
            %add3A_783 = arith.addi %add3A_782, %mul3A_781 : i32
            %swap3A_784 = arith.index_cast %add3A_783 : i32 to index
            %swap3A_785 = tpu.vector_load %arg20[%swap3A_784] {strides = array<i32>} : memref<4096xi32, #tpu.memory_space<vmem>>, vector<16xi32>,
            %swap3A_786 = vector.shape_cast %swap3A_785 : vector<16xi32> to vector<16xi32>
            %swap3A_787 = vector.shape_cast %add3A_779 : vector<16xi32> to vector<16xi32>
            tpu.vector_store %arg20[%swap3A_784], %swap3A_787 {strides = array<i32>} : memref<4096xi32, #tpu.memory_space<vmem>>, vector<16xi32>,
            %swap3A_788 = arith.index_cast %add3A_783 : i32 to index
            %swap3A_789 = tpu.vector_load %arg17[%swap3A_788] {strides = array<i32>} : memref<4096xf32, #tpu.memory_space<vmem>>, vector<16xf32>,
            %swap3A_790 = vector.shape_cast %swap3A_789 : vector<16xf32> to vector<16xf32>
            %swap3A_791 = vector.shape_cast %get3A_738 : vector<16xf32> to vector<16xf32>
            tpu.vector_store %arg17[%swap3A_788], %swap3A_791 {strides = array<i32>} : memref<4096xf32, #tpu.memory_space<vmem>>, vector<16xf32>,
            %mul3A_792 = arith.constant 16 : i32
            %mul3A_793 = arith.muli %scan3A_495, %mul3A_792 : i32
            %get3A_794 = arith.constant 4 : i32
            %get3A_795 = arith.index_cast %get3A_794 : i32 to index
            %get3A_796 = arith.index_cast %mul3A_793 : i32 to index
            %get3A_797 = tpu.vector_load %arg8[%get3A_795, %get3A_796] {strides = array<i32>} : memref<8x512xf32, #tpu.memory_space<vmem>>, vector<1x16xf32>,
            %get3A_798 = vector.shape_cast %get3A_797 : vector<1x16xf32> to vector<16xf32>
            %mul3A_799 = arith.constant 16 : i32
            %mul3A_800 = arith.muli %scan3A_495, %mul3A_799 : i32
            %get3A_801 = arith.constant 4 : i32
            %get3A_802 = arith.index_cast %get3A_801 : i32 to index
            %get3A_803 = arith.index_cast %mul3A_800 : i32 to index
            %get3A_804 = tpu.vector_load %arg11[%get3A_802, %get3A_803] {strides = array<i32>} : memref<8x512xf32, #tpu.memory_space<vmem>>, vector<1x16xf32>,
            %get3A_805 = vector.shape_cast %get3A_804 : vector<1x16xf32> to vector<16xf32>
            %mul3A_806 = arith.constant 16 : i32
            %mul3A_807 = arith.muli %scan3A_495, %mul3A_806 : i32
            %get3A_808 = arith.constant 4 : i32
            %get3A_809 = arith.index_cast %get3A_808 : i32 to index
            %get3A_810 = arith.index_cast %mul3A_807 : i32 to index
            %get3A_811 = tpu.vector_load %arg14[%get3A_809, %get3A_810] {strides = array<i32>} : memref<8x512xf32, #tpu.memory_space<vmem>>, vector<1x16xf32>,
            %get3A_812 = vector.shape_cast %get3A_811 : vector<1x16xf32> to vector<16xf32>
            %mul3A_813 = arith.constant 1.000000e+01 : f32
            %mul3A_814 = vector.broadcast %mul3A_813 : f32 to vector<16xf32>
            %mul3A_815 = arith.mulf %mul3A_814, %get3A_798 : vector<16xf32>
            %add3A_816 = arith.addf %get3A_499, %mul3A_815 : vector<16xf32>
            %add3A_817 = arith.constant 0x4B400000 : f32
            %add3A_818 = vector.broadcast %add3A_817 : f32 to vector<16xf32>
            %add3A_819 = arith.addf %add3A_816, %add3A_818 : vector<16xf32>
            %sub3A_820 = arith.constant 0x4B400000 : f32
            %sub3A_821 = vector.broadcast %sub3A_820 : f32 to vector<16xf32>
            %sub3A_822 = arith.subf %add3A_819, %sub3A_821 : vector<16xf32>
            %mul3A_823 = arith.constant 1.000000e+01 : f32
            %mul3A_824 = vector.broadcast %mul3A_823 : f32 to vector<16xf32>
            %mul3A_825 = arith.mulf %mul3A_824, %get3A_805 : vector<16xf32>
            %add3A_826 = vector.broadcast %convert_element_type3A_477 : f32 to vector<16xf32>
            %add3A_827 = arith.addf %add3A_826, %mul3A_825 : vector<16xf32>
            %add3A_828 = arith.constant 0x4B400000 : f32
            %add3A_829 = vector.broadcast %add3A_828 : f32 to vector<16xf32>
            %add3A_830 = arith.addf %add3A_827, %add3A_829 : vector<16xf32>
            %sub3A_831 = arith.constant 0x4B400000 : f32
            %sub3A_832 = vector.broadcast %sub3A_831 : f32 to vector<16xf32>
            %sub3A_833 = arith.subf %add3A_830, %sub3A_832 : vector<16xf32>
            %max3A_834 = arith.constant 0.000000e+00 : f32
            %max3A_835 = vector.broadcast %max3A_834 : f32 to vector<16xf32>
            %max3A_836 = arith.maximumf %sub3A_822, %max3A_835 : vector<16xf32>
            %min3A_837 = arith.constant 5.110000e+02 : f32
            %min3A_838 = vector.broadcast %min3A_837 : f32 to vector<16xf32>
            %min3A_839 = arith.minimumf %max3A_836, %min3A_838 : vector<16xf32>
            %max3A_840 = arith.constant 0.000000e+00 : f32
            %max3A_841 = vector.broadcast %max3A_840 : f32 to vector<16xf32>
            %max3A_842 = arith.maximumf %sub3A_833, %max3A_841 : vector<16xf32>
            %min3A_843 = arith.constant 5.110000e+02 : f32
            %min3A_844 = vector.broadcast %min3A_843 : f32 to vector<16xf32>
            %min3A_845 = arith.minimumf %max3A_842, %min3A_844 : vector<16xf32>
            %convert_element_type3A_846 = arith.fptosi %min3A_845 : vector<16xf32> to vector<16xi32>
            %shift_left3A_847 = arith.constant 9 : i32
            %shift_left3A_848 = vector.broadcast %shift_left3A_847 : i32 to vector<16xi32>
            %shift_left3A_849 = arith.shli %convert_element_type3A_846, %shift_left3A_848 : vector<16xi32>
            %convert_element_type3A_850 = arith.fptosi %min3A_839 : vector<16xf32> to vector<16xi32>
            %add3A_851 = arith.addi %shift_left3A_849, %convert_element_type3A_850 : vector<16xi32>
            %add3A_852 = vector.broadcast %mul3A_338 : i32 to vector<16xi32>
            %add3A_853 = arith.addi %add3A_851, %add3A_852 : vector<16xi32>
            %mul3A_854 = arith.constant 16 : i32
            %mul3A_855 = arith.muli %scan3A_495, %mul3A_854 : i32
            %add3A_856 = arith.constant 2048 : i32
            %add3A_857 = arith.addi %add3A_856, %mul3A_855 : i32
            %swap3A_858 = arith.index_cast %add3A_857 : i32 to index
            %swap3A_859 = tpu.vector_load %arg20[%swap3A_858] {strides = array<i32>} : memref<4096xi32, #tpu.memory_space<vmem>>, vector<16xi32>,
            %swap3A_860 = vector.shape_cast %swap3A_859 : vector<16xi32> to vector<16xi32>
            %swap3A_861 = vector.shape_cast %add3A_853 : vector<16xi32> to vector<16xi32>
            tpu.vector_store %arg20[%swap3A_858], %swap3A_861 {strides = array<i32>} : memref<4096xi32, #tpu.memory_space<vmem>>, vector<16xi32>,
            %swap3A_862 = arith.index_cast %add3A_857 : i32 to index
            %swap3A_863 = tpu.vector_load %arg17[%swap3A_862] {strides = array<i32>} : memref<4096xf32, #tpu.memory_space<vmem>>, vector<16xf32>,
            %swap3A_864 = vector.shape_cast %swap3A_863 : vector<16xf32> to vector<16xf32>
            %swap3A_865 = vector.shape_cast %get3A_812 : vector<16xf32> to vector<16xf32>
            tpu.vector_store %arg17[%swap3A_862], %swap3A_865 {strides = array<i32>} : memref<4096xf32, #tpu.memory_space<vmem>>, vector<16xf32>,
            %mul3A_866 = arith.constant 16 : i32
            %mul3A_867 = arith.muli %scan3A_495, %mul3A_866 : i32
            %get3A_868 = arith.constant 5 : i32
            %get3A_869 = arith.index_cast %get3A_868 : i32 to index
            %get3A_870 = arith.index_cast %mul3A_867 : i32 to index
            %get3A_871 = tpu.vector_load %arg8[%get3A_869, %get3A_870] {strides = array<i32>} : memref<8x512xf32, #tpu.memory_space<vmem>>, vector<1x16xf32>,
            %get3A_872 = vector.shape_cast %get3A_871 : vector<1x16xf32> to vector<16xf32>
            %mul3A_873 = arith.constant 16 : i32
            %mul3A_874 = arith.muli %scan3A_495, %mul3A_873 : i32
            %get3A_875 = arith.constant 5 : i32
            %get3A_876 = arith.index_cast %get3A_875 : i32 to index
            %get3A_877 = arith.index_cast %mul3A_874 : i32 to index
            %get3A_878 = tpu.vector_load %arg11[%get3A_876, %get3A_877] {strides = array<i32>} : memref<8x512xf32, #tpu.memory_space<vmem>>, vector<1x16xf32>,
            %get3A_879 = vector.shape_cast %get3A_878 : vector<1x16xf32> to vector<16xf32>
            %mul3A_880 = arith.constant 16 : i32
            %mul3A_881 = arith.muli %scan3A_495, %mul3A_880 : i32
            %get3A_882 = arith.constant 5 : i32
            %get3A_883 = arith.index_cast %get3A_882 : i32 to index
            %get3A_884 = arith.index_cast %mul3A_881 : i32 to index
            %get3A_885 = tpu.vector_load %arg14[%get3A_883, %get3A_884] {strides = array<i32>} : memref<8x512xf32, #tpu.memory_space<vmem>>, vector<1x16xf32>,
            %get3A_886 = vector.shape_cast %get3A_885 : vector<1x16xf32> to vector<16xf32>
            %mul3A_887 = arith.constant 1.000000e+01 : f32
            %mul3A_888 = vector.broadcast %mul3A_887 : f32 to vector<16xf32>
            %mul3A_889 = arith.mulf %mul3A_888, %get3A_872 : vector<16xf32>
            %add3A_890 = arith.addf %get3A_499, %mul3A_889 : vector<16xf32>
            %add3A_891 = arith.constant 0x4B400000 : f32
            %add3A_892 = vector.broadcast %add3A_891 : f32 to vector<16xf32>
            %add3A_893 = arith.addf %add3A_890, %add3A_892 : vector<16xf32>
            %sub3A_894 = arith.constant 0x4B400000 : f32
            %sub3A_895 = vector.broadcast %sub3A_894 : f32 to vector<16xf32>
            %sub3A_896 = arith.subf %add3A_893, %sub3A_895 : vector<16xf32>
            %mul3A_897 = arith.constant 1.000000e+01 : f32
            %mul3A_898 = vector.broadcast %mul3A_897 : f32 to vector<16xf32>
            %mul3A_899 = arith.mulf %mul3A_898, %get3A_879 : vector<16xf32>
            %add3A_900 = vector.broadcast %convert_element_type3A_480 : f32 to vector<16xf32>
            %add3A_901 = arith.addf %add3A_900, %mul3A_899 : vector<16xf32>
            %add3A_902 = arith.constant 0x4B400000 : f32
            %add3A_903 = vector.broadcast %add3A_902 : f32 to vector<16xf32>
            %add3A_904 = arith.addf %add3A_901, %add3A_903 : vector<16xf32>
            %sub3A_905 = arith.constant 0x4B400000 : f32
            %sub3A_906 = vector.broadcast %sub3A_905 : f32 to vector<16xf32>
            %sub3A_907 = arith.subf %add3A_904, %sub3A_906 : vector<16xf32>
            %max3A_908 = arith.constant 0.000000e+00 : f32
            %max3A_909 = vector.broadcast %max3A_908 : f32 to vector<16xf32>
            %max3A_910 = arith.maximumf %sub3A_896, %max3A_909 : vector<16xf32>
            %min3A_911 = arith.constant 5.110000e+02 : f32
            %min3A_912 = vector.broadcast %min3A_911 : f32 to vector<16xf32>
            %min3A_913 = arith.minimumf %max3A_910, %min3A_912 : vector<16xf32>
            %max3A_914 = arith.constant 0.000000e+00 : f32
            %max3A_915 = vector.broadcast %max3A_914 : f32 to vector<16xf32>
            %max3A_916 = arith.maximumf %sub3A_907, %max3A_915 : vector<16xf32>
            %min3A_917 = arith.constant 5.110000e+02 : f32
            %min3A_918 = vector.broadcast %min3A_917 : f32 to vector<16xf32>
            %min3A_919 = arith.minimumf %max3A_916, %min3A_918 : vector<16xf32>
            %convert_element_type3A_920 = arith.fptosi %min3A_919 : vector<16xf32> to vector<16xi32>
            %shift_left3A_921 = arith.constant 9 : i32
            %shift_left3A_922 = vector.broadcast %shift_left3A_921 : i32 to vector<16xi32>
            %shift_left3A_923 = arith.shli %convert_element_type3A_920, %shift_left3A_922 : vector<16xi32>
            %convert_element_type3A_924 = arith.fptosi %min3A_913 : vector<16xf32> to vector<16xi32>
            %add3A_925 = arith.addi %shift_left3A_923, %convert_element_type3A_924 : vector<16xi32>
            %add3A_926 = vector.broadcast %mul3A_338 : i32 to vector<16xi32>
            %add3A_927 = arith.addi %add3A_925, %add3A_926 : vector<16xi32>
            %mul3A_928 = arith.constant 16 : i32
            %mul3A_929 = arith.muli %scan3A_495, %mul3A_928 : i32
            %add3A_930 = arith.constant 2560 : i32
            %add3A_931 = arith.addi %add3A_930, %mul3A_929 : i32
            %swap3A_932 = arith.index_cast %add3A_931 : i32 to index
            %swap3A_933 = tpu.vector_load %arg20[%swap3A_932] {strides = array<i32>} : memref<4096xi32, #tpu.memory_space<vmem>>, vector<16xi32>,
            %swap3A_934 = vector.shape_cast %swap3A_933 : vector<16xi32> to vector<16xi32>
            %swap3A_935 = vector.shape_cast %add3A_927 : vector<16xi32> to vector<16xi32>
            tpu.vector_store %arg20[%swap3A_932], %swap3A_935 {strides = array<i32>} : memref<4096xi32, #tpu.memory_space<vmem>>, vector<16xi32>,
            %swap3A_936 = arith.index_cast %add3A_931 : i32 to index
            %swap3A_937 = tpu.vector_load %arg17[%swap3A_936] {strides = array<i32>} : memref<4096xf32, #tpu.memory_space<vmem>>, vector<16xf32>,
            %swap3A_938 = vector.shape_cast %swap3A_937 : vector<16xf32> to vector<16xf32>
            %swap3A_939 = vector.shape_cast %get3A_886 : vector<16xf32> to vector<16xf32>
            tpu.vector_store %arg17[%swap3A_936], %swap3A_939 {strides = array<i32>} : memref<4096xf32, #tpu.memory_space<vmem>>, vector<16xf32>,
            %mul3A_940 = arith.constant 16 : i32
            %mul3A_941 = arith.muli %scan3A_495, %mul3A_940 : i32
            %get3A_942 = arith.constant 6 : i32
            %get3A_943 = arith.index_cast %get3A_942 : i32 to index
            %get3A_944 = arith.index_cast %mul3A_941 : i32 to index
            %get3A_945 = tpu.vector_load %arg8[%get3A_943, %get3A_944] {strides = array<i32>} : memref<8x512xf32, #tpu.memory_space<vmem>>, vector<1x16xf32>,
            %get3A_946 = vector.shape_cast %get3A_945 : vector<1x16xf32> to vector<16xf32>
            %mul3A_947 = arith.constant 16 : i32
            %mul3A_948 = arith.muli %scan3A_495, %mul3A_947 : i32
            %get3A_949 = arith.constant 6 : i32
            %get3A_950 = arith.index_cast %get3A_949 : i32 to index
            %get3A_951 = arith.index_cast %mul3A_948 : i32 to index
            %get3A_952 = tpu.vector_load %arg11[%get3A_950, %get3A_951] {strides = array<i32>} : memref<8x512xf32, #tpu.memory_space<vmem>>, vector<1x16xf32>,
            %get3A_953 = vector.shape_cast %get3A_952 : vector<1x16xf32> to vector<16xf32>
            %mul3A_954 = arith.constant 16 : i32
            %mul3A_955 = arith.muli %scan3A_495, %mul3A_954 : i32
            %get3A_956 = arith.constant 6 : i32
            %get3A_957 = arith.index_cast %get3A_956 : i32 to index
            %get3A_958 = arith.index_cast %mul3A_955 : i32 to index
            %get3A_959 = tpu.vector_load %arg14[%get3A_957, %get3A_958] {strides = array<i32>} : memref<8x512xf32, #tpu.memory_space<vmem>>, vector<1x16xf32>,
            %get3A_960 = vector.shape_cast %get3A_959 : vector<1x16xf32> to vector<16xf32>
            %mul3A_961 = arith.constant 1.000000e+01 : f32
            %mul3A_962 = vector.broadcast %mul3A_961 : f32 to vector<16xf32>
            %mul3A_963 = arith.mulf %mul3A_962, %get3A_946 : vector<16xf32>
            %add3A_964 = arith.addf %get3A_499, %mul3A_963 : vector<16xf32>
            %add3A_965 = arith.constant 0x4B400000 : f32
            %add3A_966 = vector.broadcast %add3A_965 : f32 to vector<16xf32>
            %add3A_967 = arith.addf %add3A_964, %add3A_966 : vector<16xf32>
            %sub3A_968 = arith.constant 0x4B400000 : f32
            %sub3A_969 = vector.broadcast %sub3A_968 : f32 to vector<16xf32>
            %sub3A_970 = arith.subf %add3A_967, %sub3A_969 : vector<16xf32>
            %mul3A_971 = arith.constant 1.000000e+01 : f32
            %mul3A_972 = vector.broadcast %mul3A_971 : f32 to vector<16xf32>
            %mul3A_973 = arith.mulf %mul3A_972, %get3A_953 : vector<16xf32>
            %add3A_974 = vector.broadcast %convert_element_type3A_483 : f32 to vector<16xf32>
            %add3A_975 = arith.addf %add3A_974, %mul3A_973 : vector<16xf32>
            %add3A_976 = arith.constant 0x4B400000 : f32
            %add3A_977 = vector.broadcast %add3A_976 : f32 to vector<16xf32>
            %add3A_978 = arith.addf %add3A_975, %add3A_977 : vector<16xf32>
            %sub3A_979 = arith.constant 0x4B400000 : f32
            %sub3A_980 = vector.broadcast %sub3A_979 : f32 to vector<16xf32>
            %sub3A_981 = arith.subf %add3A_978, %sub3A_980 : vector<16xf32>
            %max3A_982 = arith.constant 0.000000e+00 : f32
            %max3A_983 = vector.broadcast %max3A_982 : f32 to vector<16xf32>
            %max3A_984 = arith.maximumf %sub3A_970, %max3A_983 : vector<16xf32>
            %min3A_985 = arith.constant 5.110000e+02 : f32
            %min3A_986 = vector.broadcast %min3A_985 : f32 to vector<16xf32>
            %min3A_987 = arith.minimumf %max3A_984, %min3A_986 : vector<16xf32>
            %max3A_988 = arith.constant 0.000000e+00 : f32
            %max3A_989 = vector.broadcast %max3A_988 : f32 to vector<16xf32>
            %max3A_990 = arith.maximumf %sub3A_981, %max3A_989 : vector<16xf32>
            %min3A_991 = arith.constant 5.110000e+02 : f32
            %min3A_992 = vector.broadcast %min3A_991 : f32 to vector<16xf32>
            %min3A_993 = arith.minimumf %max3A_990, %min3A_992 : vector<16xf32>
            %convert_element_type3A_994 = arith.fptosi %min3A_993 : vector<16xf32> to vector<16xi32>
            %shift_left3A_995 = arith.constant 9 : i32
            %shift_left3A_996 = vector.broadcast %shift_left3A_995 : i32 to vector<16xi32>
            %shift_left3A_997 = arith.shli %convert_element_type3A_994, %shift_left3A_996 : vector<16xi32>
            %convert_element_type3A_998 = arith.fptosi %min3A_987 : vector<16xf32> to vector<16xi32>
            %add3A_999 = arith.addi %shift_left3A_997, %convert_element_type3A_998 : vector<16xi32>
            %add3A_1000 = vector.broadcast %mul3A_338 : i32 to vector<16xi32>
            %add3A_1001 = arith.addi %add3A_999, %add3A_1000 : vector<16xi32>
            %mul3A_1002 = arith.constant 16 : i32
            %mul3A_1003 = arith.muli %scan3A_495, %mul3A_1002 : i32
            %add3A_1004 = arith.constant 3072 : i32
            %add3A_1005 = arith.addi %add3A_1004, %mul3A_1003 : i32
            %swap3A_1006 = arith.index_cast %add3A_1005 : i32 to index
            %swap3A_1007 = tpu.vector_load %arg20[%swap3A_1006] {strides = array<i32>} : memref<4096xi32, #tpu.memory_space<vmem>>, vector<16xi32>,
            %swap3A_1008 = vector.shape_cast %swap3A_1007 : vector<16xi32> to vector<16xi32>
            %swap3A_1009 = vector.shape_cast %add3A_1001 : vector<16xi32> to vector<16xi32>
            tpu.vector_store %arg20[%swap3A_1006], %swap3A_1009 {strides = array<i32>} : memref<4096xi32, #tpu.memory_space<vmem>>, vector<16xi32>,
            %swap3A_1010 = arith.index_cast %add3A_1005 : i32 to index
            %swap3A_1011 = tpu.vector_load %arg17[%swap3A_1010] {strides = array<i32>} : memref<4096xf32, #tpu.memory_space<vmem>>, vector<16xf32>,
            %swap3A_1012 = vector.shape_cast %swap3A_1011 : vector<16xf32> to vector<16xf32>
            %swap3A_1013 = vector.shape_cast %get3A_960 : vector<16xf32> to vector<16xf32>
            tpu.vector_store %arg17[%swap3A_1010], %swap3A_1013 {strides = array<i32>} : memref<4096xf32, #tpu.memory_space<vmem>>, vector<16xf32>,
            %mul3A_1014 = arith.constant 16 : i32
            %mul3A_1015 = arith.muli %scan3A_495, %mul3A_1014 : i32
            %get3A_1016 = arith.constant 7 : i32
            %get3A_1017 = arith.index_cast %get3A_1016 : i32 to index
            %get3A_1018 = arith.index_cast %mul3A_1015 : i32 to index
            %get3A_1019 = tpu.vector_load %arg8[%get3A_1017, %get3A_1018] {strides = array<i32>} : memref<8x512xf32, #tpu.memory_space<vmem>>, vector<1x16xf32>,
            %get3A_1020 = vector.shape_cast %get3A_1019 : vector<1x16xf32> to vector<16xf32>
            %mul3A_1021 = arith.constant 16 : i32
            %mul3A_1022 = arith.muli %scan3A_495, %mul3A_1021 : i32
            %get3A_1023 = arith.constant 7 : i32
            %get3A_1024 = arith.index_cast %get3A_1023 : i32 to index
            %get3A_1025 = arith.index_cast %mul3A_1022 : i32 to index
            %get3A_1026 = tpu.vector_load %arg11[%get3A_1024, %get3A_1025] {strides = array<i32>} : memref<8x512xf32, #tpu.memory_space<vmem>>, vector<1x16xf32>,
            %get3A_1027 = vector.shape_cast %get3A_1026 : vector<1x16xf32> to vector<16xf32>
            %mul3A_1028 = arith.constant 16 : i32
            %mul3A_1029 = arith.muli %scan3A_495, %mul3A_1028 : i32
            %get3A_1030 = arith.constant 7 : i32
            %get3A_1031 = arith.index_cast %get3A_1030 : i32 to index
            %get3A_1032 = arith.index_cast %mul3A_1029 : i32 to index
            %get3A_1033 = tpu.vector_load %arg14[%get3A_1031, %get3A_1032] {strides = array<i32>} : memref<8x512xf32, #tpu.memory_space<vmem>>, vector<1x16xf32>,
            %get3A_1034 = vector.shape_cast %get3A_1033 : vector<1x16xf32> to vector<16xf32>
            %mul3A_1035 = arith.constant 1.000000e+01 : f32
            %mul3A_1036 = vector.broadcast %mul3A_1035 : f32 to vector<16xf32>
            %mul3A_1037 = arith.mulf %mul3A_1036, %get3A_1020 : vector<16xf32>
            %add3A_1038 = arith.addf %get3A_499, %mul3A_1037 : vector<16xf32>
            %add3A_1039 = arith.constant 0x4B400000 : f32
            %add3A_1040 = vector.broadcast %add3A_1039 : f32 to vector<16xf32>
            %add3A_1041 = arith.addf %add3A_1038, %add3A_1040 : vector<16xf32>
            %sub3A_1042 = arith.constant 0x4B400000 : f32
            %sub3A_1043 = vector.broadcast %sub3A_1042 : f32 to vector<16xf32>
            %sub3A_1044 = arith.subf %add3A_1041, %sub3A_1043 : vector<16xf32>
            %mul3A_1045 = arith.constant 1.000000e+01 : f32
            %mul3A_1046 = vector.broadcast %mul3A_1045 : f32 to vector<16xf32>
            %mul3A_1047 = arith.mulf %mul3A_1046, %get3A_1027 : vector<16xf32>
            %add3A_1048 = vector.broadcast %convert_element_type3A_486 : f32 to vector<16xf32>
            %add3A_1049 = arith.addf %add3A_1048, %mul3A_1047 : vector<16xf32>
            %add3A_1050 = arith.constant 0x4B400000 : f32
            %add3A_1051 = vector.broadcast %add3A_1050 : f32 to vector<16xf32>
            %add3A_1052 = arith.addf %add3A_1049, %add3A_1051 : vector<16xf32>
            %sub3A_1053 = arith.constant 0x4B400000 : f32
            %sub3A_1054 = vector.broadcast %sub3A_1053 : f32 to vector<16xf32>
            %sub3A_1055 = arith.subf %add3A_1052, %sub3A_1054 : vector<16xf32>
            %max3A_1056 = arith.constant 0.000000e+00 : f32
            %max3A_1057 = vector.broadcast %max3A_1056 : f32 to vector<16xf32>
            %max3A_1058 = arith.maximumf %sub3A_1044, %max3A_1057 : vector<16xf32>
            %min3A_1059 = arith.constant 5.110000e+02 : f32
            %min3A_1060 = vector.broadcast %min3A_1059 : f32 to vector<16xf32>
            %min3A_1061 = arith.minimumf %max3A_1058, %min3A_1060 : vector<16xf32>
            %max3A_1062 = arith.constant 0.000000e+00 : f32
            %max3A_1063 = vector.broadcast %max3A_1062 : f32 to vector<16xf32>
            %max3A_1064 = arith.maximumf %sub3A_1055, %max3A_1063 : vector<16xf32>
            %min3A_1065 = arith.constant 5.110000e+02 : f32
            %min3A_1066 = vector.broadcast %min3A_1065 : f32 to vector<16xf32>
            %min3A_1067 = arith.minimumf %max3A_1064, %min3A_1066 : vector<16xf32>
            %convert_element_type3A_1068 = arith.fptosi %min3A_1067 : vector<16xf32> to vector<16xi32>
            %shift_left3A_1069 = arith.constant 9 : i32
            %shift_left3A_1070 = vector.broadcast %shift_left3A_1069 : i32 to vector<16xi32>
            %shift_left3A_1071 = arith.shli %convert_element_type3A_1068, %shift_left3A_1070 : vector<16xi32>
            %convert_element_type3A_1072 = arith.fptosi %min3A_1061 : vector<16xf32> to vector<16xi32>
            %add3A_1073 = arith.addi %shift_left3A_1071, %convert_element_type3A_1072 : vector<16xi32>
            %add3A_1074 = vector.broadcast %mul3A_338 : i32 to vector<16xi32>
            %add3A_1075 = arith.addi %add3A_1073, %add3A_1074 : vector<16xi32>
            %mul3A_1076 = arith.constant 16 : i32
            %mul3A_1077 = arith.muli %scan3A_495, %mul3A_1076 : i32
            %add3A_1078 = arith.constant 3584 : i32
            %add3A_1079 = arith.addi %add3A_1078, %mul3A_1077 : i32
            %swap3A_1080 = arith.index_cast %add3A_1079 : i32 to index
            %swap3A_1081 = tpu.vector_load %arg20[%swap3A_1080] {strides = array<i32>} : memref<4096xi32, #tpu.memory_space<vmem>>, vector<16xi32>,
            %swap3A_1082 = vector.shape_cast %swap3A_1081 : vector<16xi32> to vector<16xi32>
            %swap3A_1083 = vector.shape_cast %add3A_1075 : vector<16xi32> to vector<16xi32>
            tpu.vector_store %arg20[%swap3A_1080], %swap3A_1083 {strides = array<i32>} : memref<4096xi32, #tpu.memory_space<vmem>>, vector<16xi32>,
            %swap3A_1084 = arith.index_cast %add3A_1079 : i32 to index
            %swap3A_1085 = tpu.vector_load %arg17[%swap3A_1084] {strides = array<i32>} : memref<4096xf32, #tpu.memory_space<vmem>>, vector<16xf32>,
            %swap3A_1086 = vector.shape_cast %swap3A_1085 : vector<16xf32> to vector<16xf32>
            %swap3A_1087 = vector.shape_cast %get3A_1034 : vector<16xf32> to vector<16xf32>
            tpu.vector_store %arg17[%swap3A_1084], %swap3A_1087 {strides = array<i32>} : memref<4096xf32, #tpu.memory_space<vmem>>, vector<16xf32>,
          }
          %scan3A_492 = arith.constant 32 : i32
          %dma_start3A_493 = arith.constant 0 : i32
          %dma_start3A_494 = tpu.memref_slice %arg5[%dma_start3A_493] : memref<1048576xf32, #tpu.memory_space<vmem_shared>> -> memref<1048576xf32, #tpu.memory_space<vmem_shared>>
          tpu.enqueue_indirect_dma source(%arg17 : memref<4096xf32, #tpu.memory_space<vmem>>) target(%dma_start3A_494 : memref<1048576xf32, #tpu.memory_space<vmem_shared>>) offsets(%arg20 : memref<4096xi32, #tpu.memory_space<vmem>>) semaphore(%arg28 : memref<!tpu.dma_semaphore, #tpu.memory_space<semaphore_mem>>) {add = true}
        } else {
        }
      }
      %scan3A_344 = arith.constant 16 : i32
      %dma_wait3A_345 = arith.constant 0 : i32
      %dma_wait3A_346 = tpu.memref_slice %arg5[%dma_wait3A_345] : memref<1048576xf32, #tpu.memory_space<vmem_shared>> -> memref<1048576xf32, #tpu.memory_space<vmem_shared>>
      tpu.wait_indirect_dma semaphore(%arg26 : memref<!tpu.dma_semaphore, #tpu.memory_space<semaphore_mem>>) src(%arg15 : memref<4096xf32, #tpu.memory_space<vmem>>) dst(%dma_wait3A_346 : memref<1048576xf32, #tpu.memory_space<vmem_shared>>)
      %dma_wait3A_347 = arith.constant 0 : i32
      %dma_wait3A_348 = tpu.memref_slice %arg5[%dma_wait3A_347] : memref<1048576xf32, #tpu.memory_space<vmem_shared>> -> memref<1048576xf32, #tpu.memory_space<vmem_shared>>
      tpu.wait_indirect_dma semaphore(%arg27 : memref<!tpu.dma_semaphore, #tpu.memory_space<semaphore_mem>>) src(%arg16 : memref<4096xf32, #tpu.memory_space<vmem>>) dst(%dma_wait3A_348 : memref<1048576xf32, #tpu.memory_space<vmem_shared>>)
      %dma_wait3A_349 = arith.constant 0 : i32
      %dma_wait3A_350 = tpu.memref_slice %arg5[%dma_wait3A_349] : memref<1048576xf32, #tpu.memory_space<vmem_shared>> -> memref<1048576xf32, #tpu.memory_space<vmem_shared>>
      tpu.wait_indirect_dma semaphore(%arg28 : memref<!tpu.dma_semaphore, #tpu.memory_space<semaphore_mem>>) src(%arg17 : memref<4096xf32, #tpu.memory_space<vmem>>) dst(%dma_wait3A_350 : memref<1048576xf32, #tpu.memory_space<vmem_shared>>)
      %barrier3A_351 = arith.constant 0 : index
      tpu.barrier barrier_id(%barrier3A_351)
      %add3A_352 = arith.constant 1 : i32
      %add3A_353 = arith.addi %scan3A_75, %add3A_352 : i32
      %lt3A_354 = arith.constant 2 : i32
      %lt3A_355 = arith.cmpi slt, %add3A_353, %lt3A_354 : i32
      %convert_element_type3A = arith.extui %lt3A_355 : i1 to i32
      %cond3A = arith.constant 0 : i32
      %cond3A_356 = arith.cmpi ne, %convert_element_type3A, %cond3A : i32
      scf.if %cond3A_356 {
        %add3A_365 = arith.constant 4 : i32
        %add3A_366 = arith.addi %add3A_81, %add3A_365 : i32
        %add3A_367 = arith.constant 0 : i32
        %add3A_368 = arith.addi %mul3A_29, %add3A_367 : i32
        %dma_start3A_369 = arith.constant 0 : i32
        %dma_start3A_370 = tpu.memref_slice %arg2[%add3A_366, %add3A_368, %dma_start3A_369] : memref<16x512x512xf32, #tpu.memory_space<hbm>> -> memref<1x8x512xf32, #tpu.memory_space<hbm>>
        %dma_start3A_371 = tpu.memref_squeeze %dma_start3A_370 : memref<1x8x512xf32, #tpu.memory_space<hbm>> -> memref<8x512xf32, #tpu.memory_space<hbm>>
        %dma_start3A_372 = arith.constant 0 : i32
        %dma_start3A_373 = tpu.memref_slice %arg2[%add3A_366, %add3A_368, %dma_start3A_372] : memref<16x512x512xf32, #tpu.memory_space<hbm>> -> memref<1x8x512xf32, #tpu.memory_space<hbm>>
        %dma_start3A_374 = tpu.memref_squeeze %dma_start3A_373 : memref<1x8x512xf32, #tpu.memory_space<hbm>> -> memref<8x512xf32, #tpu.memory_space<hbm>>
        tpu.enqueue_dma source(%dma_start3A_374 : memref<8x512xf32, #tpu.memory_space<hbm>>) target(%arg12 : memref<8x512xf32, #tpu.memory_space<vmem>>) target_semaphore(%arg23 : memref<!tpu.dma_semaphore, #tpu.memory_space<semaphore_mem>>)
        %mul3A_375 = arith.constant 2 : i32
        %mul3A_376 = arith.muli %mul3A_375, %add3A_366 : i32
        %dma_start3A_377 = arith.constant 0 : i32
        %dma_start3A_378 = tpu.memref_slice %arg3[%mul3A_376, %add3A_368, %dma_start3A_377] : memref<32x512x512xf32, #tpu.memory_space<hbm>> -> memref<1x8x512xf32, #tpu.memory_space<hbm>>
        %dma_start3A_379 = tpu.memref_squeeze %dma_start3A_378 : memref<1x8x512xf32, #tpu.memory_space<hbm>> -> memref<8x512xf32, #tpu.memory_space<hbm>>
        %dma_start3A_380 = arith.constant 0 : i32
        %dma_start3A_381 = tpu.memref_slice %arg3[%mul3A_376, %add3A_368, %dma_start3A_380] : memref<32x512x512xf32, #tpu.memory_space<hbm>> -> memref<1x8x512xf32, #tpu.memory_space<hbm>>
        %dma_start3A_382 = tpu.memref_squeeze %dma_start3A_381 : memref<1x8x512xf32, #tpu.memory_space<hbm>> -> memref<8x512xf32, #tpu.memory_space<hbm>>
        tpu.enqueue_dma source(%dma_start3A_382 : memref<8x512xf32, #tpu.memory_space<hbm>>) target(%arg6 : memref<8x512xf32, #tpu.memory_space<vmem>>) target_semaphore(%arg23 : memref<!tpu.dma_semaphore, #tpu.memory_space<semaphore_mem>>)
        %mul3A_383 = arith.constant 2 : i32
        %mul3A_384 = arith.muli %mul3A_383, %add3A_366 : i32
        %add3A_385 = arith.constant 1 : i32
        %add3A_386 = arith.addi %mul3A_384, %add3A_385 : i32
        %dma_start3A_387 = arith.constant 0 : i32
        %dma_start3A_388 = tpu.memref_slice %arg3[%add3A_386, %add3A_368, %dma_start3A_387] : memref<32x512x512xf32, #tpu.memory_space<hbm>> -> memref<1x8x512xf32, #tpu.memory_space<hbm>>
        %dma_start3A_389 = tpu.memref_squeeze %dma_start3A_388 : memref<1x8x512xf32, #tpu.memory_space<hbm>> -> memref<8x512xf32, #tpu.memory_space<hbm>>
        %dma_start3A_390 = arith.constant 0 : i32
        %dma_start3A_391 = tpu.memref_slice %arg3[%add3A_386, %add3A_368, %dma_start3A_390] : memref<32x512x512xf32, #tpu.memory_space<hbm>> -> memref<1x8x512xf32, #tpu.memory_space<hbm>>
        %dma_start3A_392 = tpu.memref_squeeze %dma_start3A_391 : memref<1x8x512xf32, #tpu.memory_space<hbm>> -> memref<8x512xf32, #tpu.memory_space<hbm>>
        tpu.enqueue_dma source(%dma_start3A_392 : memref<8x512xf32, #tpu.memory_space<hbm>>) target(%arg9 : memref<8x512xf32, #tpu.memory_space<vmem>>) target_semaphore(%arg23 : memref<!tpu.dma_semaphore, #tpu.memory_space<semaphore_mem>>)
      } else {
      }
      %mul3A_357 = arith.constant 8 : i32
      %mul3A_358 = arith.muli %arg0, %mul3A_357 : i32
      %mul3A_359 = arith.constant 4 : i32
      %mul3A_360 = arith.muli %scan3A_75, %mul3A_359 : i32
      %add3A_361 = arith.addi %mul3A_358, %mul3A_360 : i32
      %mul3A_362 = arith.constant 262144 : i32
      %mul3A_363 = arith.muli %add3A_361, %mul3A_362 : i32
      %add3A_364 = arith.addi %mul3A_363, %mul3A_31 : i32
      "tpu.region"() ({
        %run_scoped3A = tpu.sem_alloc : memref<!tpu.dma_semaphore, #tpu.memory_space<semaphore_mem>>
        %dma_start3A_365 = tpu.memref_slice %arg4[%add3A_364] : memref<4194304xf32, #tpu.memory_space<hbm>> -> memref<65536xf32, #tpu.memory_space<hbm>>
        %dma_start3A_366 = tpu.memref_slice %arg5[%mul3A_31] : memref<1048576xf32, #tpu.memory_space<vmem_shared>> -> memref<65536xf32, #tpu.memory_space<vmem_shared>>
        tpu.enqueue_dma source(%dma_start3A_366 : memref<65536xf32, #tpu.memory_space<vmem_shared>>) target(%dma_start3A_365 : memref<65536xf32, #tpu.memory_space<hbm>>) target_semaphore(%run_scoped3A : memref<!tpu.dma_semaphore, #tpu.memory_space<semaphore_mem>>)
        %dma_wait3A_367 = tpu.memref_slice %arg4[%add3A_364] : memref<4194304xf32, #tpu.memory_space<hbm>> -> memref<65536xf32, #tpu.memory_space<hbm>>
        %dma_wait3A_368 = tpu.memref_slice %arg5[%mul3A_31] : memref<1048576xf32, #tpu.memory_space<vmem_shared>> -> memref<65536xf32, #tpu.memory_space<vmem_shared>>
        tpu.wait_dma2 semaphore(%run_scoped3A : memref<!tpu.dma_semaphore, #tpu.memory_space<semaphore_mem>>) src(%dma_wait3A_368 : memref<65536xf32, #tpu.memory_space<vmem_shared>>) dst(%dma_wait3A_367 : memref<65536xf32, #tpu.memory_space<hbm>>)
        tpu.yield
      }) : () -> ()
    }
    %scan3A_74 = arith.constant 2 : i32
    return
  }
}

</mosaic_0001>

<sc_bundles>
// kernel: kernel.3.cloned.1.call-start
scs
__scs_entry_jumppad:
0x0: {  	(pc) =	sbr.rel $0x88, $3  }
0x1: {  	(tag) =	ssettag $0x0;
	lr =	simm.s32 $0x1  }
0x2: {  	[smem:$0x3F9F] =	sst lr;
	_ =	strace $0xD0000000  }
0x3: {  	_ = 	snop  }
0x4: {  	_ = 	snop  }
0x5: {  	_ = 	snop  }
0x6: {  	_ = 	snop  }
0x7: {  	_ = 	snop  }
__scs_overlays_trampoline_lowered:
0x8: {  	[smem:$0x3FAE] =	sst s0  }
0x9: {  	[smem:$0x3FAF] =	sst s1  }
0xa: {  	[smem:$0x3FB0] =	sst s2  }
0xb: {  	[smem:$0x3FB1] =	sst s3  }
0xc: {  	[smem:$0x3FB2] =	sst s4  }
0xd: {  	[smem:$0x3FB3] =	sst s5  }
0xe: {  	[smem:$0x3FB4] =	sst s6  }
0xf: {  	[smem:$0x3FB5] =	sst s7  }
0x10: {  	[smem:$0x3FB6] =	sst s8  }
0x11: {  	[smem:$0x3FB7] =	sst s9;
	s0 =	simm.s32 @!p0 $0x0  }
0x12: {  	s1 =	sld [smem:$0x3F9D];
	s0 =	simm.s32 @p0 $0x1  }
0x13: {  	[smem:$0x3FB8] =	sst s0;
	s0 =	simm.s32 @!p1 $0x0  }
0x14: {  	s2 =	sld [smem:$0x3F9C];
	s0 =	simm.s32 @p1 $0x1  }
0x15: {  	[smem:$0x3FB9] =	sst s0;
	s0 =	simm.s32 @!p2 $0x0  }
0x16: {  	s3 =	sld [smem:$0x3FDB];
	s0 =	simm.s32 @p2 $0x1  }
0x17: {  	s4 =	simm.s32 $0x1BF5;
	[smem:$0x3FBB] =	sst s0  }
0x18: {  	s0 =	sld [smem:$0x3F9E];
	_ =	swait.ge [sflag:s4], $0x0  }
0x19: {  	s7 =	sld [smem:$0x3F9F]  }
0x1a: {  	s8 =	sadd.s32 $0xFFFFE003, lr  }
0x1b: {  	s9 =	sadd.s32 $0xFFFFFEF7, lr;
	s5 =	simm.s32 $0xFFFFFFFF;
	p2 =	slt.u32 s8, $0xFFFFF086  }
0x1c: {  	p1 =	slt.u32 s9, $0xF7A;
	s5 =	simm.s32 @!p2 $0x0  }
0x1d: {  	s5 =	simm.s32 @p1 $0x1;
	p0 =	seq.s32 s7, s2  }
0x1e: {  	s7 =	smul.u32 @!p0 $0xF7A, s2;
	p2 =	seq.s32 @!p0 s5, $0x0  }
0x1f: {  	s9 =	smul.u32 $0xF7A, s1;
	s8 =	simm.s32 @!p0 $0x1BF5;
	p2 =	por !p2, p0  }
0x20: {  	[sflag:s8] =	ssyncset.s32 @!p0 $0xFFFFF086;
	s6 =	sadd.s32 @!p0 s3, s7;
	s7 =	simm.s32 @!p0 $0x108  }
0x21: {  	s3 =	sadd.s32 s3, s9;
	s6 =	sadd.s32 @!p0 $0x88, s6;
	s7 =	simm.s32 @p2 $0x1082  }
0x22: {  	[simem:s7], [sflag:s8] =	dma.local @!p0 [hbm:s6], $0xF7A  }
0x23: {  	s9 =	sor.u32 $0xD0000000, s2;
	s6 =	simm.s32 $0x108;
	_ =	swait.ge @!p0 [sflag:s8], $0x0  }
0x24: {  	s3 =	sadd.s32 $0x88, s3;
	s6 =	simm.s32 @!p1 $0x1082;
	[sflag:s4] =	ssyncset.s32 $0xFFFFF086  }
0x25: {  	[simem:s6], [sflag:s4] =	dma.local [hbm:s3], $0xF7A  }
0x26: {  	[smem:$0x3F9F] =	sst s1;
	(tag) =	ssettag s2;
	_ =	strace s9  }
0x27: {  	s1 =	sld [smem:$0x3FAF]  }
0x28: {  	s2 =	sld [smem:$0x3FB0]  }
0x29: {  	s4 =	sld [smem:$0x3FB2]  }
0x2a: {  	p0 =	seq.s32 s5, $0x0;
	s5 =	sld [smem:$0x3FB3]  }
0x2b: {  	s6 =	sld [smem:$0x3FB4]  }
0x2c: {  	s7 =	sld [smem:$0x3FB5]  }
0x2d: {  	s3 =	simm.s32 $0x108;
	s8 =	sld [smem:$0x3FB6]  }
0x2e: {  	s3 =	simm.s32 @!p0 $0x1082;
	s9 =	sld [smem:$0x3FB7]  }
0x2f: {  	lr =	sadd.s32 s0, s3;
	s0 =	sld [smem:$0x3FAE]  }
0x30: {  	s3 =	sld [smem:$0x3FB1]  }
0x31: {  	[smem:$0x3FBA] =	sst s10  }
0x32: {  	s10 =	sld [smem:$0x3FB8];
	_ =	sdelay $0x3  }
0x33: {  	p0 =	seq.s32 s10, $0x1;
	s10 =	sld [smem:$0x3FBA];
	_ =	sdelay $0x3  }
0x34: {  	[smem:$0x3FBA] =	sst s10  }
0x35: {  	s10 =	sld [smem:$0x3FB9];
	_ =	sdelay $0x3  }
0x36: {  	p1 =	seq.s32 s10, $0x1;
	s10 =	sld [smem:$0x3FBA];
	_ =	sdelay $0x3  }
0x37: {  	[smem:$0x3FBA] =	sst s10  }
0x38: {  	s10 =	sld [smem:$0x3FBB]  }
0x39: {  	_ = 	snop;
	(pc) =	sbr.ind lr, $3  }
0x3a: {  	_ = 	snop  }
0x3b: {  	_ = 	snop  }
0x3c: {  	p2 =	seq.s32 s10, $0x1;
	s10 =	sld [smem:$0x3FBA]  }
0x3d: {  	_ =	shalt  }
0x3e: {  	_ =	shalt  }
0x3f: {  	_ =	shalt  }
0x40: {  	_ =	shalt  }
0x41: {  	_ =	shalt  }
0x42: {  	_ =	shalt  }
0x43: {  	_ =	shalt  }
0x44: {  	_ =	shalt  }
0x45: {  	_ =	shalt  }
0x46: {  	_ =	shalt  }
0x47: {  	_ =	shalt  }
0x48: {  	_ =	shalt  }
0x49: {  	_ =	shalt  }
0x4a: {  	_ =	shalt  }
0x4b: {  	_ =	shalt  }
0x4c: {  	_ =	shalt  }
0x4d: {  	_ =	shalt  }
0x4e: {  	_ =	shalt  }
0x4f: {  	_ =	shalt  }
0x50: {  	_ =	shalt  }
0x51: {  	_ =	shalt  }
0x52: {  	_ =	shalt  }
0x53: {  	_ =	shalt  }
0x54: {  	_ =	shalt  }
0x55: {  	_ =	shalt  }
0x56: {  	_ =	shalt  }
0x57: {  	_ =	shalt  }
0x58: {  	_ =	shalt  }
0x59: {  	_ =	shalt  }
0x5a: {  	_ =	shalt  }
0x5b: {  	_ =	shalt  }
0x5c: {  	_ =	shalt  }
0x5d: {  	_ =	shalt  }
0x5e: {  	_ =	shalt  }
0x5f: {  	_ =	shalt  }
0x60: {  	_ =	shalt  }
0x61: {  	_ =	shalt  }
0x62: {  	_ =	shalt  }
0x63: {  	_ =	shalt  }
0x64: {  	_ =	shalt  }
0x65: {  	_ =	shalt  }
0x66: {  	_ =	shalt  }
0x67: {  	_ =	shalt  }
0x68: {  	_ =	shalt  }
0x69: {  	_ =	shalt  }
0x6a: {  	_ =	shalt  }
0x6b: {  	_ =	shalt  }
0x6c: {  	_ =	shalt  }
0x6d: {  	_ =	shalt  }
0x6e: {  	_ =	shalt  }
0x6f: {  	_ =	shalt  }
0x70: {  	_ =	shalt  }
0x71: {  	_ =	shalt  }
0x72: {  	_ =	shalt  }
0x73: {  	_ =	shalt  }
0x74: {  	_ =	shalt  }
0x75: {  	_ =	shalt  }
0x76: {  	_ =	shalt  }
0x77: {  	_ =	shalt  }
0x78: {  	_ =	shalt  }
0x79: {  	_ =	shalt  }
0x7a: {  	_ =	shalt  }
0x7b: {  	_ =	shalt  }
0x7c: {  	_ =	shalt  }
0x7d: {  	_ =	shalt  }
0x7e: {  	_ =	shalt  }
0x7f: {  	_ =	shalt  }
0x80: {  	_ =	shalt  }
0x81: {  	_ =	shalt  }
0x82: {  	_ =	shalt  }
0x83: {  	_ =	shalt  }
0x84: {  	_ =	shalt  }
0x85: {  	_ =	shalt  }
0x86: {  	_ =	shalt  }
0x87: {  	_ =	shalt  }
.Lfunc_end0:
.L_simem_size_0:
called_computation_lowered:
.L_overlay_start_0:
0x88: {  	s2 =	sld [smem:$0x3FD9]  }
0x89: {  	s3 =	sld [smem:$0x3FFE];
	_ =	sdelay $0x1  }
0x8a: {  	s1 =	srdreg.scid  }
0x8b: {  	s0 =	sand.u32 $0x1, s1  }
0x8c: {  	s17 =	sshll.u32 s0, $0xA;
	s2 =	sadd.s32 s3, s2  }
0x8d: {  	s2 =	sadd.s32 s2, s17  }
0x8e: {  	[smem:$0x3FC6] =	sst s2  }
0x8f: {  	_ = 	snop  }
0x90: {  	s2 =	sld [smem:$0x3FC9]  }
0x91: {  	s18 =	sld [smem:$0x3FC8];
	(tm) =	ssettm $0x1  }
0x92: {  	s4 =	sld [smem:$0x3FFB];
	_ =	sdelay $0x3  }
0x93: {  	_ =	strace s4  }
0x94: {  	s4 =	sld [smem:$0x3FFC];
	_ =	sdelay $0x3  }
0x95: {  	_ =	strace s4  }
0x96: {  	s4 =	sld [smem:$0x3FFD];
	_ =	sdelay $0x3  }
0x97: {  	_ =	strace s4  }
0x98: {  	_ =	strace $0x8FFFFFFF  }
0x99: {  	s19 =	sld [smem:$0x3FDB];
	_ =	sdelay $0x1  }
0x9a: {  	s5 =	simm.s32 $_scs_section_size  }
0x9b: {  	s6 =	simm.s32 $_size__tile_overlayer_lowered;
	s7 =	simm.s32 $_tile_overlayer_lowered  }
0x9c: {  	s22 =	simm.s32 $0x1BFF;
	s21 =	sshll.u32 s7, $0x1;
	s4 =	sadd.s32 s5, s19  }
0x9d: {  	s8 =	simm.s32 $0x0;
	s20 =	sshll.u32 s6, $0x1;
	s6 =	sadd.s32 s21, s4  }
0x9e: {  	[timem:s8], [sflag:s22] =	dma.local [hbm:s6], s20  }
0x9f: {  	_ =	swait.ge [sflag:s22], s20  }
0xa0: {  	s5 =	ssub.s32 $0x0, s20;
	[sflag:s22] =	ssyncset.done $0x0  }
0xa1: {  	[sflag:s22] =	ssyncadd.s32 s5;
	_ =	sdelay $0x1  }
0xa2: {  	s23 =	simm.s32 $0x1B8B  }
0xa3: {  	_ =	swait.ge [sflag:s23], $0x1  }
0xa4: {  	[sflag:s23] =	ssyncset.done $0x0  }
0xa5: {  	s25 =	simm.s32 $0x1B8E;
	s24 =	sld [smem:$0x3FFE];
	[sflag:s23] =	ssyncadd.s32 $0xFFFFFFFF  }
0xa6: {  	s26 =	simm.s32 $execute0_lowered;
	[smem:$0x3FD2] =	sst s25  }
0xa7: {  	s6 =	sshll.u32 s26, $0x1;
	_ =	strace $0x80000046;
	[dreg:$0x1] =	wrdreg $0xFFFFFFFF  }
0xa8: {  	s28 =	simm.s32 $_size_execute0_lowered;
	s4 =	sadd.s32 s4, s6;
	[dreg:$0x0] =	wrdreg $0x0  }
0xa9: {  	s6 =	sshll.u32 s28, $0x1;
	[dreg:$0x2] =	wrdreg s4  }
0xaa: {  	[dreg:$0x3] =	wrdreg s6  }
0xab: {  	[dreg:$0x4] =	wrdreg $0xC0  }
0xac: {  	_ =	task [dreg:s8], $0x5FFFF  }
0xad: {  	[dreg:$0x1] =	wrdreg $0xFFFFFFFF  }
0xae: {  	[dreg:$0x0] =	wrdreg $0x60  }
0xaf: {  	[dreg:$0x2] =	wrdreg s2  }
0xb0: {  	[dreg:$0x3] =	wrdreg s18  }
0xb1: {  	[dreg:$0x4] =	wrdreg s24  }
0xb2: {  	[dreg:$0x5] =	wrdreg $0x0  }
0xb3: {  	[dreg:$0x6] =	wrdreg $0x9  }
0xb4: {  	_ =	task.clear_ibuf [dreg:s8], $0x7FFFF;
	_ =	strace $0x90000046  }
0xb5: {  	s29 =	simm.s32 $0x9;
	_ =	strace $0x80000048  }
0xb6: {  	_ =	swait.ge [sflag:s29], $0x1  }
0xb7: {  	[sflag:s29] =	ssyncadd.s32 $0xFFFFFFFF  }
0xb8: {  	_ =	strace $0x90000048  }
0xb9: {  	_ =	sfence  }
0xba: {  	s30 =	sld [smem:$0x0];
	_ =	sdelay $0x2  }
0xbb: {  	s31 =	sshll.u32 s1, $0xD;
	s1 =	sshrl.u32 s1, $0x2  }
0xbc: {  	s3 =	sand.u32 $0x4000, s31;
	s1 =	sadd.s32 s1, s30  }
0xbd: {  	s0 =	sor.u32 s3, s0;
	s1 =	sshll.u32 s1, $0x11  }
0xbe: {  	s0 =	sor.u32 s1, s0  }
0xbf: {  	s0 =	sadd.s32 $0x8F2B, s0  }
0xc0: {  	[sflag:s0] =	ssyncadd.remote.s32 $0x1  }
0xc1: {  	_ =	sfence.sel $0xFFFF  }
0xc2: {  	[dreg:$0x0] =	wrdreg $0xFFFFFFFF;
	(pc) =	sbr.abs _section_cstart, $3  }
0xc3: {  	[dreg:$0x1] =	wrdreg $0xFFFFFFFF  }
0xc4: {  	_ =	task.clear_ibuf [dreg:s8], $0x2FFFF;
	_ =	strace $0x9FFFFFFF  }
0xc5: {  	(tm) =	ssettm $0x7FFFFFFF  }
tec
execute0_lowered:
.L_overlay_start_1:
0x0: {  	(tag) =	ssettag $0x1  }
0x1: {  	s1 =	rddreg [dreg:$0x0]  }
0x2: {  	s2 =	rddreg [dreg:$0x1]  }
0x3: {  	s0 =	rddreg [dreg:$0x2]  }
0x4: {  	s3 =	rddreg [dreg:$0x3];
	s11 =	simm.s32 $0x0  }
0x5: {  	s9 =	stileid.u32;
	[smem:$0x7FF] =	sst s11;
	s0 =	sadd.s32 $0x400, s0  }
0x6: {  	s22 =	sshll.u32 s9, $0x10;
	_ =	strace $0x80000047;
	[dreg:$0x9] =	wrdreg s0  }
0x7: {  	s4 =	srdreg.scid;
	s24 =	sadd.s32 $0x8000, s2;
	[dreg:$0xa] =	wrdreg s22  }
0x8: {  	s4 =	sand.u32 $0x1, s4;
	s12 =	sshrl.u32 s9, $0x2;
	[dreg:$0xc] =	wrdreg s24  }
0x9: {  	s5 =	sand.u32 $0x3, s9;
	s6 =	sshll.u32 s4, $0x3;
	[dreg:$0x6] =	wrdreg s12  }
0xa: {  	s13 =	sshll.u32 s5, $0x10;
	[dreg:$0x7] =	wrdreg s6  }
0xb: {  	s14 =	sadd.s32 s22, s3;
	[dreg:$0x8] =	wrdreg s13  }
0xc: {  	s26 =	sadd.s32 $0x800, s14;
	[dreg:$0xd] =	wrdreg s14  }
0xd: {  	s10 =	sshll.u32 s5, $0x7;
	s5 =	sadd.s32 $0x1000, s14;
	[dreg:$0x10] =	wrdreg s26  }
0xe: {  	s9 =	sadd.s32 $0x3000, s14;
	[dreg:$0x11] =	wrdreg s5  }
0xf: {  	s15 =	sadd.s32 $0x3800, s14;
	[dreg:$0x15] =	wrdreg s9  }
0x10: {  	s4 =	ssub.s32 $0x2, s4;
	s16 =	sadd.s32 $0x4000, s14;
	[dreg:$0x16] =	wrdreg s15  }
0x11: {  	s6 =	sor.u32 s12, s6;
	s17 =	sadd.s32 $0x4800, s14;
	[dreg:$0x17] =	wrdreg s16  }
0x12: {  	s7 =	sshrl.u32 s4, $0x1;
	s18 =	sadd.s32 $0x5000, s14;
	[dreg:$0x19] =	wrdreg s17  }
0x13: {  	s22 =	sadd.s32 $0x7000, s14;
	s8 =	sshll.u32 s6, $0x12;
	[dreg:$0x1a] =	wrdreg s18  }
0x14: {  	s21 =	sshll.u32 s6, $0x13;
	s6 =	sadd.s32 $0x1800, s14;
	[dreg:$0x1e] =	wrdreg s22  }
0x15: {  	s19 =	ssub.s32 s4, s7;
	s7 =	sadd.s32 $0x2000, s14;
	[dreg:$0x12] =	wrdreg s6  }
0x16: {  	s26 =	sadd.s32 $0x9000, s14;
	[dreg:$0x13] =	wrdreg s7  }
0x17: {  	s5 =	sadd.s32 $0xA000, s14;
	[smem:$0x7F0] =	sst s26  }
0x18: {  	s9 =	sadd.s32 $0xC000, s14;
	[smem:$0x7F2] =	sst s5  }
0x19: {  	s15 =	sadd.s32 $0xC800, s14;
	[smem:$0x7F6] =	sst s9  }
0x1a: {  	s16 =	sadd.s32 $0xD000, s14;
	[smem:$0x7F7] =	sst s15  }
0x1b: {  	s17 =	sadd.s32 $0xD800, s14;
	[smem:$0x7F8] =	sst s16  }
0x1c: {  	s18 =	sadd.s32 $0xE000, s14;
	[smem:$0x7F9] =	sst s17  }
0x1d: {  	s20 =	sor.u32 s13, s8;
	s8 =	sadd.s32 $0x2800, s14;
	[smem:$0x7FA] =	sst s18  }
0x1e: {  	s0 =	smax.u32 s19, $0x1;
	[dreg:$0x14] =	wrdreg s8  }
0x1f: {  	s28 =	simm.s32 $0x3;
	s19 =	sadd.s32 $0x5800, s14;
	[dreg:$0x18] =	wrdreg s0  }
0x20: {  	s23 =	sor.u32 s13, s21;
	s21 =	sadd.s32 $0x6800, s14;
	[dreg:$0x1b] =	wrdreg s19  }
0x21: {  	s29 =	simm.s32 $0x1000;
	s6 =	sadd.s32 $0xA800, s14;
	[dreg:$0x1d] =	wrdreg s21  }
0x22: {  	s30 =	simm.s32 $0x1E000;
	s7 =	sadd.s32 $0xB000, s14;
	[smem:$0x7F3] =	sst s6  }
0x23: {  	s4 =	sshrl.u32 s20, $0x3;
	s20 =	sadd.s32 $0x6000, s14;
	[smem:$0x7F4] =	sst s7  }
0x24: {  	s31 =	simm.s32 $0x1B000;
	s8 =	sadd.s32 $0xB800, s14;
	[dreg:$0x1c] =	wrdreg s20  }
0x25: {  	s22 =	sshll.u32 s12, $0x12;
	s19 =	sadd.s32 $0xE800, s14;
	[smem:$0x7F5] =	sst s8  }
0x26: {  	s26 =	simm.s32 $0x4;
	s21 =	sadd.s32 $0xF800, s14;
	[smem:$0x7FB] =	sst s19  }
0x27: {  	s16 =	simm.s32 $0x2;
	s4 =	sadd.s32 s1, s4;
	[smem:$0x7FD] =	sst s21  }
0x28: {  	s5 =	simm.s32 $0x1A000;
	s20 =	sadd.s32 $0xF000, s14;
	[dreg:$0xb] =	wrdreg s4  }
0x29: {  	s4 =	sshrl.u32 s23, $0x3;
	s23 =	sadd.s32 $0x7800, s14;
	[smem:$0x7FC] =	sst s20  }
0x2a: {  	s7 =	simm.s32 $0x1C000;
	s25 =	sadd.s32 s2, s4;
	[dreg:$0x1f] =	wrdreg s23  }
.Ltmp0:
0x2b: {  	s4 =	sadd.s32 s4, s24;
	[dreg:$0xe] =	wrdreg s25;
	(pc) =	sbr.rel .LBB2_1-.Ltmp0, $4  }
0x2c: {  	s6 =	simm.s32 $0x19000;
	s24 =	sadd.s32 $0x8000, s14;
	[dreg:$0xf] =	wrdreg s4  }
0x2d: {  	s23 =	sor.u32 $0x1000, s13;
	[smem:$0x7EE] =	sst s24;
	s25 =	sadd.s32 $0x8800, s14  }
0x2e: {  	s4 =	sadd.s32 $0x9800, s14;
	s24 =	simm.s32 $0x1F000;
	[smem:$0x7EF] =	sst s25  }
0x2f: {  	v1 =	vimm.f32 $0.0e+00;
	v2 =	vlaneseq.u32;
	v0 =	vmov s22;
	[smem:$0x7F1] =	sst s4;
	s25 =	simm.s32 $0x1D000;
	s4 =	simm.s32 $0x1  }
.LBB2_20:
0x30: {  	s11 =	rddreg [dreg:$0x5]  }
0x31: {  	s0 =	rddreg [dreg:$0x18];
	s11 =	sadd.s32 $0x1, s11  }
0x32: {  	p0 =	sne.s32 s11, s0  }
.Ltmp1:
0x33: {  	_ = 	snop;
	(pc) =	sbr.rel @!p0 .LBB2_21-.Ltmp1, $1  }
0x34: {  	_ =	sdelay $0x3  }
.LBB2_1:
0x35: {  	s0 =	simm.s32 $0x0  }
.LBB2_2:
0x36: {  	p0 =	sne.s32 s0, $0x1FC0  }
.Ltmp2:
0x37: {  	_ = 	snop;
	(pc) =	sbr.rel @p0 .LBB2_2-.Ltmp2, $3  }
0x38: {  	_ =	sdelay $0x1  }
0x39: {  	s8 =	sshra.s32 s0, $0x2  }
0x3a: {  	s0 =	sadd.s32 $0x40, s0;
	[tilespmem:s8+$0x1F000] =	vst v1  }
0x3b: {  	s0 =	simm.s32 $0x0  }
0x3c: {  	v3 =	vor.u32 s0, v2  }
0x3d: {  	v3 =	vcvt.s32.f32 v3  }
0x3e: {  	s0 =	simm.s32 $0x1F800  }
0x3f: {  	[dreg:$0x5] =	wrdreg s11;
	s8 =	simm.s32 $0x10;
	[tilespmem:s0+$0x0] =	vst v3  }
.LBB2_4:
0x40: {  	p0 =	sne.s32 s8, $0x1F0  }
.Ltmp3:
0x41: {  	_ = 	snop;
	(pc) =	sbr.rel @p0 .LBB2_4-.Ltmp3, $4  }
0x42: {  	v3 =	vor.u32 s8, v2  }
0x43: {  	v3 =	vcvt.s32.f32 v3  }
0x44: {  	s0 =	sadd.s32 $0x10, s0  }
0x45: {  	s8 =	sadd.s32 $0x10, s8;
	[tilespmem:s0+$0x0] =	vst v3  }
0x46: {  	s0 =	simm.s32 $0x0;
	s8 =	rddreg [dreg:$0xb];
	s9 =	simm.s32 $0x16000  }
0x47: {  	[tilespmem:s9], [sflag:$0x1] =	stream.linear.gather [hbm4b:s8+s0], $0x1000, $0x38;
	[tilespmem:$0x1FA00] =	vst v63  }
.Ltmp4:
0x48: {  	_ = 	snop;
	(pc) =	sbr.rel .LBB2_6-.Ltmp4, $4  }
0x49: {  	s19 =	rddreg [dreg:$0xe];
	s20 =	simm.s32 $0x10000  }
0x4a: {  	[tilespmem:s20], [sflag:$0x1] =	stream.linear.gather [hbm4b:s19+s0], $0x1000, $0x38;
	[tilespmem:$0x1FA00] =	vst v63  }
0x4b: {  	s21 =	rddreg [dreg:$0xf];
	s22 =	simm.s32 $0x13000;
	p1 =	por $0x1, $0x1  }
0x4c: {  	[tilespmem:s22], [sflag:$0x1] =	stream.linear.gather [hbm4b:s21+s0], $0x1000, $0x38;
	[tilespmem:$0x1FA00] =	vst v63  }
.LBB2_19:
0x4d: {  	_ =	swait.ge [sflag:s26], $0x1000  }
0x4e: {  	[sflag:s26] =	ssyncset.done $0x0  }
0x4f: {  	s0 =	simm.s32 $0x5;
	[sflag:s26] =	ssyncadd.s32 $0xFFFFF000  }
0x50: {  	_ =	swait.ge [sflag:s0], $0x1000  }
0x51: {  	[sflag:s0] =	ssyncset.done $0x0  }
0x52: {  	s9 =	simm.s32 $0x6;
	[sflag:s0] =	ssyncadd.s32 $0xFFFFF000  }
0x53: {  	_ =	swait.ge [sflag:s9], $0x1000  }
0x54: {  	s0 =	sld [smem:$0x7ED];
	_ =	sdelay $0x2  }
0x55: {  	s11 =	simm.s32 @p0 $0x16000;
	s0 =	sor.u32 @p0 $0x4, s0  }
0x56: {  	[sflag:s9] =	ssyncset.done $0x0;
	s12 =	rddreg [dreg:$0x8];
	s8 =	sshll.u32 @p0 s0, $0x12  }
0x57: {  	[sflag:s9] =	ssyncadd.s32 $0xFFFFF000;
	s0 =	sshll.u32 @p0 s0, $0x13;
	s8 =	sor.u32 @p0 s12, s8  }
0x58: {  	s9 =	simm.s32 @p0 $0x0;
	s0 =	sor.u32 @p0 s12, s0;
	s8 =	sshrl.u32 @p0 s8, $0x3  }
0x59: {  	[bflag:$0x0] =	sbarrier.arrive $0xFFFF;
	s0 =	sshrl.u32 @p0 s0, $0x3;
	s8 =	sadd.s32 @p0 s1, s8  }
0x5a: {  	[tilespmem:s11], [sflag:$0x1] =	stream.linear.gather @p0 [hbm4b:s8+s9], $0x1000, $0x38;
	[tilespmem:$0x1FA00] =	vst v63  }
0x5b: {  	s17 =	sld [smem:$0x7EC];
	s8 =	sadd.s32 @p0 s2, s0;
	s11 =	simm.s32 @p0 $0x10000  }
0x5c: {  	[tilespmem:s11], [sflag:$0x1] =	stream.linear.gather @p0 [hbm4b:s8+s9], $0x1000, $0x38;
	[tilespmem:$0x1FA00] =	vst v63  }
0x5d: {  	s8 =	rddreg [dreg:$0xc]  }
0x5e: {  	s18 =	rddreg [dreg:$0xa];
	s0 =	sadd.s32 @p0 s0, s8;
	s8 =	simm.s32 @p0 $0x13000  }
0x5f: {  	[tilespmem:s8], [sflag:$0x1] =	stream.linear.gather @p0 [hbm4b:s0+s9], $0x1000, $0x38;
	[tilespmem:$0x1FA00] =	vst v63  }
0x60: {  	s19 =	stileid.u32;
	s20 =	rddreg [dreg:$0x9];
	s0 =	sshll.u32 s17, $0x12  }
0x61: {  	s22 =	simm.s32 $0x7;
	s14 =	rddreg [dreg:$0xd];
	s0 =	sor.u32 s18, s0  }
0x62: {  	s21 =	sshrl.u32 s14, $0x3;
	s8 =	sshll.u32 s19, $0x6;
	s0 =	sshrl.u32 s0, $0x3  }
.Ltmp5:
0x63: {  	s8 =	sor.u32 $0x1C07, s8;
	s0 =	sadd.s32 s20, s0;
	(pc) =	sbr.rel @!p0 .LBB2_20-.Ltmp5, $4  }
0x64: {  	[hbm:s0], [sflag:s8] =	dma.local [spmem:s21], $0x2000  }
0x65: {  	_ =	swait.ge [sflag:s22], $0x2000  }
0x66: {  	[sflag:s22] =	ssyncset.done $0x0  }
0x67: {  	p1 =	por $0x0, $0x0;
	s0 =	simm.s32 $0x4;
	[sflag:s22] =	ssyncadd.s32 $0xFFFFE000  }
.LBB2_6:
0x68: {  	[spmem:s14] =	stream.linear.scatter [tilespmem:s24], [sflag:$0x4], $0x800, $0x38;
	[tilespmem:$0x1FA00] =	vst v63  }
0x69: {  	s8 =	rddreg [dreg:$0x10]  }
0x6a: {  	s14 =	rddreg [dreg:$0x11]  }
0x6b: {  	[spmem:s8] =	stream.linear.scatter [tilespmem:s24], [sflag:$0x4], $0x800, $0x38;
	[tilespmem:$0x1FA00] =	vst v63  }
0x6c: {  	s15 =	rddreg [dreg:$0x12]  }
0x6d: {  	[spmem:s14] =	stream.linear.scatter [tilespmem:s24], [sflag:$0x4], $0x800, $0x38;
	[tilespmem:$0x1FA00] =	vst v63  }
0x6e: {  	s17 =	rddreg [dreg:$0x13]  }
0x6f: {  	[spmem:s15] =	stream.linear.scatter [tilespmem:s24], [sflag:$0x4], $0x800, $0x38;
	[tilespmem:$0x1FA00] =	vst v63  }
0x70: {  	s18 =	rddreg [dreg:$0x14]  }
0x71: {  	[spmem:s17] =	stream.linear.scatter [tilespmem:s24], [sflag:$0x4], $0x800, $0x38;
	[tilespmem:$0x1FA00] =	vst v63  }
0x72: {  	s19 =	rddreg [dreg:$0x15]  }
0x73: {  	[spmem:s18] =	stream.linear.scatter [tilespmem:s24], [sflag:$0x4], $0x800, $0x38;
	[tilespmem:$0x1FA00] =	vst v63  }
0x74: {  	s20 =	rddreg [dreg:$0x16]  }
0x75: {  	[spmem:s19] =	stream.linear.scatter [tilespmem:s24], [sflag:$0x4], $0x800, $0x38;
	[tilespmem:$0x1FA00] =	vst v63  }
0x76: {  	s21 =	rddreg [dreg:$0x17]  }
0x77: {  	[spmem:s20] =	stream.linear.scatter [tilespmem:s24], [sflag:$0x4], $0x800, $0x38;
	[tilespmem:$0x1FA00] =	vst v63  }
0x78: {  	s22 =	rddreg [dreg:$0x19]  }
0x79: {  	[spmem:s21] =	stream.linear.scatter [tilespmem:s24], [sflag:$0x4], $0x800, $0x38;
	[tilespmem:$0x1FA00] =	vst v63  }
0x7a: {  	s9 =	rddreg [dreg:$0x1a]  }
0x7b: {  	[spmem:s22] =	stream.linear.scatter [tilespmem:s24], [sflag:$0x4], $0x800, $0x38;
	[tilespmem:$0x1FA00] =	vst v63  }
0x7c: {  	s11 =	rddreg [dreg:$0x1b]  }
0x7d: {  	[spmem:s9] =	stream.linear.scatter [tilespmem:s24], [sflag:$0x4], $0x800, $0x38;
	[tilespmem:$0x1FA00] =	vst v63  }
0x7e: {  	s12 =	rddreg [dreg:$0x1c]  }
0x7f: {  	[spmem:s11] =	stream.linear.scatter [tilespmem:s24], [sflag:$0x4], $0x800, $0x38;
	[tilespmem:$0x1FA00] =	vst v63  }
0x80: {  	s13 =	rddreg [dreg:$0x1d]  }
0x81: {  	[spmem:s12] =	stream.linear.scatter [tilespmem:s24], [sflag:$0x4], $0x800, $0x38;
	[tilespmem:$0x1FA00] =	vst v63  }
0x82: {  	s14 =	rddreg [dreg:$0x1e]  }
0x83: {  	[spmem:s13] =	stream.linear.scatter [tilespmem:s24], [sflag:$0x4], $0x800, $0x38;
	[tilespmem:$0x1FA00] =	vst v63  }
0x84: {  	s15 =	rddreg [dreg:$0x1f]  }
0x85: {  	[spmem:s14] =	stream.linear.scatter [tilespmem:s24], [sflag:$0x4], $0x800, $0x38;
	[tilespmem:$0x1FA00] =	vst v63  }
0x86: {  	s17 =	sld [smem:$0x7EE]  }
0x87: {  	[spmem:s15] =	stream.linear.scatter [tilespmem:s24], [sflag:$0x4], $0x800, $0x38;
	[tilespmem:$0x1FA00] =	vst v63  }
0x88: {  	s18 =	sld [smem:$0x7EF]  }
0x89: {  	[spmem:s17] =	stream.linear.scatter [tilespmem:s24], [sflag:$0x4], $0x800, $0x38;
	[tilespmem:$0x1FA00] =	vst v63  }
0x8a: {  	s19 =	sld [smem:$0x7F0]  }
0x8b: {  	[spmem:s18] =	stream.linear.scatter [tilespmem:s24], [sflag:$0x4], $0x800, $0x38;
	[tilespmem:$0x1FA00] =	vst v63  }
0x8c: {  	s20 =	sld [smem:$0x7F1]  }
0x8d: {  	[spmem:s19] =	stream.linear.scatter [tilespmem:s24], [sflag:$0x4], $0x800, $0x38;
	[tilespmem:$0x1FA00] =	vst v63  }
0x8e: {  	s21 =	sld [smem:$0x7F2]  }
0x8f: {  	[spmem:s20] =	stream.linear.scatter [tilespmem:s24], [sflag:$0x4], $0x800, $0x38;
	[tilespmem:$0x1FA00] =	vst v63  }
0x90: {  	s22 =	sld [smem:$0x7F3]  }
0x91: {  	[spmem:s21] =	stream.linear.scatter [tilespmem:s24], [sflag:$0x4], $0x800, $0x38;
	[tilespmem:$0x1FA00] =	vst v63  }
0x92: {  	s9 =	sld [smem:$0x7F4]  }
0x93: {  	[spmem:s22] =	stream.linear.scatter [tilespmem:s24], [sflag:$0x4], $0x800, $0x38;
	[tilespmem:$0x1FA00] =	vst v63  }
0x94: {  	s11 =	sld [smem:$0x7F5]  }
0x95: {  	[spmem:s9] =	stream.linear.scatter [tilespmem:s24], [sflag:$0x4], $0x800, $0x38;
	[tilespmem:$0x1FA00] =	vst v63  }
0x96: {  	s12 =	sld [smem:$0x7F6]  }
0x97: {  	[spmem:s11] =	stream.linear.scatter [tilespmem:s24], [sflag:$0x4], $0x800, $0x38;
	[tilespmem:$0x1FA00] =	vst v63  }
0x98: {  	s13 =	sld [smem:$0x7F7]  }
0x99: {  	[spmem:s12] =	stream.linear.scatter [tilespmem:s24], [sflag:$0x4], $0x800, $0x38;
	[tilespmem:$0x1FA00] =	vst v63  }
0x9a: {  	s14 =	sld [smem:$0x7F8]  }
0x9b: {  	[spmem:s13] =	stream.linear.scatter [tilespmem:s24], [sflag:$0x4], $0x800, $0x38;
	[tilespmem:$0x1FA00] =	vst v63  }
0x9c: {  	s15 =	sld [smem:$0x7F9]  }
0x9d: {  	[spmem:s14] =	stream.linear.scatter [tilespmem:s24], [sflag:$0x4], $0x800, $0x38;
	[tilespmem:$0x1FA00] =	vst v63  }
0x9e: {  	s17 =	sld [smem:$0x7FA]  }
0x9f: {  	[spmem:s15] =	stream.linear.scatter [tilespmem:s24], [sflag:$0x4], $0x800, $0x38;
	[tilespmem:$0x1FA00] =	vst v63  }
0xa0: {  	s18 =	sld [smem:$0x7FB]  }
0xa1: {  	[spmem:s17] =	stream.linear.scatter [tilespmem:s24], [sflag:$0x4], $0x800, $0x38;
	[tilespmem:$0x1FA00] =	vst v63  }
0xa2: {  	s19 =	sld [smem:$0x7FC]  }
0xa3: {  	[spmem:s18] =	stream.linear.scatter [tilespmem:s24], [sflag:$0x4], $0x800, $0x38;
	[tilespmem:$0x1FA00] =	vst v63  }
0xa4: {  	s20 =	sld [smem:$0x7FD]  }
0xa5: {  	[spmem:s19] =	stream.linear.scatter [tilespmem:s24], [sflag:$0x4], $0x800, $0x38;
	[tilespmem:$0x1FA00] =	vst v63  }
0xa6: {  	_ = 	snop  }
0xa7: {  	[spmem:s20] =	stream.linear.scatter [tilespmem:s24], [sflag:$0x4], $0x800, $0x38;
	[tilespmem:$0x1FA00] =	vst v63  }
0xa8: {  	_ =	swait.ge [sflag:s26], $0x800  }
0xa9: {  	[sflag:s26] =	ssyncset.done $0x0  }
0xaa: {  	[sflag:s26] =	ssyncadd.s32 $0xFFFFF800  }
0xab: {  	_ =	swait.ge [sflag:s26], $0x800  }
0xac: {  	[sflag:s26] =	ssyncset.done $0x0  }
0xad: {  	[sflag:s26] =	ssyncadd.s32 $0xFFFFF800  }
0xae: {  	_ =	swait.ge [sflag:s26], $0x800  }
0xaf: {  	[sflag:s26] =	ssyncset.done $0x0  }
0xb0: {  	[sflag:s26] =	ssyncadd.s32 $0xFFFFF800  }
0xb1: {  	_ =	swait.ge [sflag:s26], $0x800  }
0xb2: {  	[sflag:s26] =	ssyncset.done $0x0  }
0xb3: {  	[sflag:s26] =	ssyncadd.s32 $0xFFFFF800  }
0xb4: {  	_ =	swait.ge [sflag:s26], $0x800  }
0xb5: {  	[sflag:s26] =	ssyncset.done $0x0  }
0xb6: {  	[sflag:s26] =	ssyncadd.s32 $0xFFFFF800  }
0xb7: {  	_ =	swait.ge [sflag:s26], $0x800  }
0xb8: {  	[sflag:s26] =	ssyncset.done $0x0  }
0xb9: {  	[sflag:s26] =	ssyncadd.s32 $0xFFFFF800  }
0xba: {  	_ =	swait.ge [sflag:s26], $0x800  }
0xbb: {  	[sflag:s26] =	ssyncset.done $0x0  }
0xbc: {  	[sflag:s26] =	ssyncadd.s32 $0xFFFFF800  }
0xbd: {  	_ =	swait.ge [sflag:s26], $0x800  }
0xbe: {  	[sflag:s26] =	ssyncset.done $0x0  }
0xbf: {  	[sflag:s26] =	ssyncadd.s32 $0xFFFFF800  }
0xc0: {  	_ =	swait.ge [sflag:s26], $0x800  }
0xc1: {  	[sflag:s26] =	ssyncset.done $0x0  }
0xc2: {  	[sflag:s26] =	ssyncadd.s32 $0xFFFFF800  }
0xc3: {  	_ =	swait.ge [sflag:s26], $0x800  }
0xc4: {  	[sflag:s26] =	ssyncset.done $0x0  }
0xc5: {  	[sflag:s26] =	ssyncadd.s32 $0xFFFFF800  }
0xc6: {  	_ =	swait.ge [sflag:s26], $0x800  }
0xc7: {  	[sflag:s26] =	ssyncset.done $0x0  }
0xc8: {  	[sflag:s26] =	ssyncadd.s32 $0xFFFFF800  }
0xc9: {  	_ =	swait.ge [sflag:s26], $0x800  }
0xca: {  	[sflag:s26] =	ssyncset.done $0x0  }
0xcb: {  	[sflag:s26] =	ssyncadd.s32 $0xFFFFF800  }
0xcc: {  	_ =	swait.ge [sflag:s26], $0x800  }
0xcd: {  	[sflag:s26] =	ssyncset.done $0x0  }
0xce: {  	[sflag:s26] =	ssyncadd.s32 $0xFFFFF800  }
0xcf: {  	_ =	swait.ge [sflag:s26], $0x800  }
0xd0: {  	[sflag:s26] =	ssyncset.done $0x0  }
0xd1: {  	[sflag:s26] =	ssyncadd.s32 $0xFFFFF800  }
0xd2: {  	_ =	swait.ge [sflag:s26], $0x800  }
0xd3: {  	[sflag:s26] =	ssyncset.done $0x0  }
0xd4: {  	[sflag:s26] =	ssyncadd.s32 $0xFFFFF800  }
0xd5: {  	_ =	swait.ge [sflag:s26], $0x800  }
0xd6: {  	[sflag:s26] =	ssyncset.done $0x0  }
0xd7: {  	[sflag:s26] =	ssyncadd.s32 $0xFFFFF800  }
0xd8: {  	_ =	swait.ge [sflag:s26], $0x800  }
0xd9: {  	[sflag:s26] =	ssyncset.done $0x0  }
0xda: {  	[sflag:s26] =	ssyncadd.s32 $0xFFFFF800  }
0xdb: {  	_ =	swait.ge [sflag:s26], $0x800  }
0xdc: {  	[sflag:s26] =	ssyncset.done $0x0  }
0xdd: {  	[sflag:s26] =	ssyncadd.s32 $0xFFFFF800  }
0xde: {  	_ =	swait.ge [sflag:s26], $0x800  }
0xdf: {  	[sflag:s26] =	ssyncset.done $0x0  }
0xe0: {  	[sflag:s26] =	ssyncadd.s32 $0xFFFFF800  }
0xe1: {  	_ =	swait.ge [sflag:s26], $0x800  }
0xe2: {  	[sflag:s26] =	ssyncset.done $0x0  }
0xe3: {  	[sflag:s26] =	ssyncadd.s32 $0xFFFFF800  }
0xe4: {  	_ =	swait.ge [sflag:s26], $0x800  }
0xe5: {  	[sflag:s26] =	ssyncset.done $0x0  }
0xe6: {  	[sflag:s26] =	ssyncadd.s32 $0xFFFFF800  }
0xe7: {  	_ =	swait.ge [sflag:s26], $0x800  }
0xe8: {  	[sflag:s26] =	ssyncset.done $0x0  }
0xe9: {  	[sflag:s26] =	ssyncadd.s32 $0xFFFFF800  }
0xea: {  	_ =	swait.ge [sflag:s26], $0x800  }
0xeb: {  	[sflag:s26] =	ssyncset.done $0x0  }
0xec: {  	[sflag:s26] =	ssyncadd.s32 $0xFFFFF800  }
0xed: {  	_ =	swait.ge [sflag:s26], $0x800  }
0xee: {  	[sflag:s26] =	ssyncset.done $0x0  }
0xef: {  	[sflag:s26] =	ssyncadd.s32 $0xFFFFF800  }
0xf0: {  	_ =	swait.ge [sflag:s26], $0x800  }
0xf1: {  	[sflag:s26] =	ssyncset.done $0x0  }
0xf2: {  	[sflag:s26] =	ssyncadd.s32 $0xFFFFF800  }
0xf3: {  	_ =	swait.ge [sflag:s26], $0x800  }
0xf4: {  	[sflag:s26] =	ssyncset.done $0x0  }
0xf5: {  	[sflag:s26] =	ssyncadd.s32 $0xFFFFF800  }
0xf6: {  	_ =	swait.ge [sflag:s26], $0x800  }
0xf7: {  	[sflag:s26] =	ssyncset.done $0x0  }
0xf8: {  	[sflag:s26] =	ssyncadd.s32 $0xFFFFF800  }
0xf9: {  	_ =	swait.ge [sflag:s26], $0x800  }
0xfa: {  	[sflag:s26] =	ssyncset.done $0x0  }
0xfb: {  	[sflag:s26] =	ssyncadd.s32 $0xFFFFF800  }
0xfc: {  	_ =	swait.ge [sflag:s26], $0x800  }
0xfd: {  	[sflag:s26] =	ssyncset.done $0x0  }
0xfe: {  	[sflag:s26] =	ssyncadd.s32 $0xFFFFF800  }
0xff: {  	_ =	swait.ge [sflag:s26], $0x800  }
0x100: {  	[sflag:s26] =	ssyncset.done $0x0  }
0x101: {  	[sflag:s26] =	ssyncadd.s32 $0xFFFFF800  }
0x102: {  	_ =	swait.ge [sflag:s26], $0x800  }
0x103: {  	[sflag:s26] =	ssyncset.done $0x0  }
0x104: {  	[sflag:s26] =	ssyncadd.s32 $0xFFFFF800  }
0x105: {  	_ =	swait.ge [sflag:s26], $0x800  }
.Ltmp6:
0x106: {  	p0 =	por p1, p1;
	s21 =	rddreg [dreg:$0x7];
	(pc) =	sbr.rel .LBB2_7-.Ltmp6, $4  }
0x107: {  	[sflag:s26] =	ssyncset.done $0x0;
	s22 =	rddreg [dreg:$0x6];
	s8 =	sor.u32 s21, s0  }
0x108: {  	[sflag:s26] =	ssyncadd.s32 $0xFFFFF800;
	[smem:$0x7EC] =	sst s8;
	s0 =	sor.u32 s22, s8  }
0x109: {  	s19 =	simm.s32 $0x0;
	[bflag:$0x0] =	sbarrier.arrive $0xFFFF;
	s13 =	sshll.u32 s0, $0x13  }
0x10a: {  	s17 =	sshll.u32 s0, $0x12;
	[smem:$0x7ED] =	sst s0;
	s18 =	sor.u32 $0x40000, s13  }
.LBB2_18:
0x10b: {  	s19 =	sadd.s32 $0x1, s19  }
0x10c: {  	p1 =	sne.s32 s19, $0x10  }
.Ltmp7:
0x10d: {  	_ = 	snop;
	(pc) =	sbr.rel @!p1 .LBB2_19-.Ltmp7, $1  }
0x10e: {  	_ =	sdelay $0x3  }
.LBB2_7:
0x10f: {  	s0 =	smul.u32 $0xAB, s19;
	_ =	sdelay $0x1  }
0x110: {  	s0 =	sshrl.u32 s0, $0x9  }
0x111: {  	s0 =	sand.u32 $0x7F, s0  }
0x112: {  	s0 =	smul.u32 $0x3, s0;
	_ =	sdelay $0x1  }
0x113: {  	s0 =	ssub.s32 s19, s0  }
0x114: {  	s0 =	sand.u32 $0xFF, s0  }
0x115: {  	p2 =	seq.s32 s0, $0x2  }
.Ltmp8:
0x116: {  	_ = 	snop;
	(pc) =	sbr.rel @p2 .LBB2_15-.Ltmp8, $2  }
0x117: {  	_ =	sdelay $0x2  }
0x118: {  	p1 =	seq.s32 s19, $0xF  }
0x119: {  	p3 =	seq.s32 s0, $0x1  }
.Ltmp9:
0x11a: {  	_ = 	snop;
	(pc) =	sbr.rel @!p3 .LBB2_9-.Ltmp9, $3  }
0x11b: {  	_ =	sdelay $0x1  }
0x11c: {  	p2 =	slt.u32 @!p1 s19, $0x2  }
0x11d: {  	s0 =	sshll.u32 @!p1 s19, $0xC;
	p2 =	por p2, p1  }
0x11e: {  	s8 =	simm.s32 @!p2 $0x6  }
0x11f: {  	s0 =	sadd.s32 @!p1 s0, s23;
	_ =	swait.ge @!p2 [sflag:s8], $0x1000  }
0x120: {  	s9 =	sadd.s32 @!p1 s17, s0;
	[sflag:s8] =	ssyncset.done @!p2 $0x0  }
0x121: {  	[sflag:s8] =	ssyncadd.s32 @!p2 $0xFFFFF000;
	s8 =	sshrl.u32 @!p1 s9, $0x3  }
0x122: {  	s11 =	simm.s32 @!p1 $0x18000;
	s9 =	simm.s32 @!p1 $0x0;
	s8 =	sadd.s32 @!p1 s1, s8  }
0x123: {  	[tilespmem:s11], [sflag:$0x3] =	stream.linear.gather @!p1 [hbm4b:s8+s9], $0x1000, $0x38;
	[tilespmem:$0x1FA00] =	vst v63  }
0x124: {  	s8 =	sor.u32 @!p1 s13, s0  }
0x125: {  	s0 =	sadd.s32 @!p1 s0, s18;
	s8 =	sshrl.u32 @!p1 s8, $0x3  }
0x126: {  	s11 =	simm.s32 @!p1 $0x12000;
	s0 =	sshrl.u32 @!p1 s0, $0x3;
	s8 =	sadd.s32 @!p1 s2, s8  }
0x127: {  	[tilespmem:s11], [sflag:$0x3] =	stream.linear.gather @!p1 [hbm4b:s8+s9], $0x1000, $0x38;
	[tilespmem:$0x1FA00] =	vst v63  }
0x128: {  	s0 =	sadd.s32 @!p1 s2, s0;
	s8 =	simm.s32 @!p1 $0x15000  }
0x129: {  	[tilespmem:s8], [sflag:$0x3] =	stream.linear.gather @!p1 [hbm4b:s0+s9], $0x1000, $0x38;
	[tilespmem:$0x1FA00] =	vst v63  }
0x12a: {  	_ =	swait.ge [sflag:s16], $0x1000  }
0x12b: {  	[sflag:s16] =	ssyncset.done $0x0  }
0x12c: {  	[sflag:s16] =	ssyncadd.s32 $0xFFFFF000  }
0x12d: {  	_ =	swait.ge [sflag:s16], $0x1000  }
0x12e: {  	[sflag:s16] =	ssyncset.done $0x0  }
0x12f: {  	[sflag:s16] =	ssyncadd.s32 $0xFFFFF000  }
0x130: {  	s20 =	simm.s32 $0x0;
	_ =	swait.ge [sflag:s16], $0x1000  }
0x131: {  	s12 =	sand.u32 $0x70, s20;
	s11 =	sand.u32 $0xC00, s20;
	[sflag:s16] =	ssyncset.done $0x0  }
0x132: {  	s9 =	sor.u32 s12, s11;
	[sflag:s16] =	ssyncadd.s32 $0xFFFFF000  }
0x133: {  	v3 =	vld [tilespmem:s9+$0x11000]  }
0x134: {  	v4 =	vld [tilespmem:s9+$0x14000]  }
0x135: {  	s21 =	simm.s32 $0x1F800  }
0x136: {  	s14 =	sshll.u32 s19, $0x3;
	v10 =	vld [tilespmem:s21+$0x0]  }
0x137: {  	s8 =	sadd.s32 s10, s14  }
0x138: {  	s0 =	scvt.s32.f32 s8  }
0x139: {  	v5 =	vmul.f32 $1.000000000e+01, v3;
	v4 =	vmul.f32 $1.000000000e+01, v4  }
0x13a: {  	v3 =	vmov s0  }
0x13b: {  	v5 =	vadd.f32 v5, v10;
	v4 =	vadd.f32 v4, v3;
	_ =	sdelay $0x1  }
0x13c: {  	v5 =	vadd.f32 $1.258291200e+07, v5;
	v4 =	vadd.f32 $1.258291200e+07, v4;
	_ =	sdelay $0x1  }
0x13d: {  	v5 =	vadd.f32 $-1.258291200e+07, v5;
	v4 =	vadd.f32 $-1.258291200e+07, v4;
	_ =	sdelay $0x1  }
0x13e: {  	v5 =	vmax.f32 v5, $0.0e+00;
	v4 =	vmax.f32 v4, $0.0e+00  }
0x13f: {  	v5 =	vmin.f32 v5, $5.110000000e+02;
	v4 =	vmin.f32 v4, $5.110000000e+02  }
0x140: {  	v5 =	vtrunc.f32 v5;
	v4 =	vtrunc.f32 v4  }
0x141: {  	v6 =	vld [tilespmem:s9+$0x17000];
	v5 =	vcvt.f32.s32 v5;
	v4 =	vcvt.f32.s32 v4;
	_ =	sdelay $0x1  }
0x142: {  	v5 =	vadd.s32 v5, v0;
	v4 =	vshll.u32 v4, $0x9  }
0x143: {  	s0 =	simm.s32 $0x1D800;
	v4 =	vadd.s32 v4, v5  }
0x144: {  	s22 =	simm.s32 $0x1A800;
	[tilespmem:s0+$0xFFFFF800] =	vst v4  }
0x145: {  	[tilespmem:s22+$0xFFFFF800] =	vst v6  }
0x146: {  	v4 =	vld [tilespmem:s9+$0x11080]  }
0x147: {  	v5 =	vld [tilespmem:s9+$0x14080];
	_ =	sdelay $0x2  }
0x148: {  	s12 =	sor.u32 $0x1, s8  }
0x149: {  	s12 =	scvt.s32.f32 s12  }
0x14a: {  	v6 =	vmul.f32 $1.000000000e+01, v4;
	v5 =	vmul.f32 $1.000000000e+01, v5  }
0x14b: {  	v4 =	vmov s12  }
0x14c: {  	v6 =	vadd.f32 v6, v10;
	v5 =	vadd.f32 v5, v4;
	_ =	sdelay $0x1  }
0x14d: {  	v6 =	vadd.f32 $1.258291200e+07, v6;
	v5 =	vadd.f32 $1.258291200e+07, v5;
	_ =	sdelay $0x1  }
0x14e: {  	v6 =	vadd.f32 $-1.258291200e+07, v6;
	v5 =	vadd.f32 $-1.258291200e+07, v5;
	_ =	sdelay $0x1  }
0x14f: {  	v6 =	vmax.f32 v6, $0.0e+00;
	v5 =	vmax.f32 v5, $0.0e+00  }
0x150: {  	v6 =	vmin.f32 v6, $5.110000000e+02;
	v5 =	vmin.f32 v5, $5.110000000e+02  }
0x151: {  	v6 =	vtrunc.f32 v6;
	v5 =	vtrunc.f32 v5  }
0x152: {  	v7 =	vld [tilespmem:s9+$0x17080];
	v6 =	vcvt.f32.s32 v6;
	v5 =	vcvt.f32.s32 v5;
	_ =	sdelay $0x1  }
0x153: {  	v6 =	vadd.s32 v6, v0;
	v5 =	vshll.u32 v5, $0x9  }
0x154: {  	v5 =	vadd.s32 v5, v6  }
0x155: {  	[tilespmem:s0+$0xFFFFFA00] =	vst v5  }
0x156: {  	[tilespmem:s22+$0xFFFFFA00] =	vst v7  }
0x157: {  	v5 =	vld [tilespmem:s9+$0x11100]  }
0x158: {  	v6 =	vld [tilespmem:s9+$0x14100];
	_ =	sdelay $0x2  }
0x159: {  	s15 =	sor.u32 $0x2, s8  }
0x15a: {  	s12 =	scvt.s32.f32 s15  }
0x15b: {  	v7 =	vmul.f32 $1.000000000e+01, v5;
	v6 =	vmul.f32 $1.000000000e+01, v6  }
0x15c: {  	v5 =	vmov s12  }
0x15d: {  	v7 =	vadd.f32 v7, v10;
	v6 =	vadd.f32 v6, v5;
	_ =	sdelay $0x1  }
0x15e: {  	v7 =	vadd.f32 $1.258291200e+07, v7;
	v6 =	vadd.f32 $1.258291200e+07, v6;
	_ =	sdelay $0x1  }
0x15f: {  	v7 =	vadd.f32 $-1.258291200e+07, v7;
	v6 =	vadd.f32 $-1.258291200e+07, v6;
	_ =	sdelay $0x1  }
0x160: {  	v7 =	vmax.f32 v7, $0.0e+00;
	v6 =	vmax.f32 v6, $0.0e+00  }
0x161: {  	v7 =	vmin.f32 v7, $5.110000000e+02;
	v6 =	vmin.f32 v6, $5.110000000e+02  }
0x162: {  	v7 =	vtrunc.f32 v7;
	v6 =	vtrunc.f32 v6  }
0x163: {  	v8 =	vld [tilespmem:s9+$0x17100];
	v7 =	vcvt.f32.s32 v7;
	v6 =	vcvt.f32.s32 v6;
	_ =	sdelay $0x1  }
0x164: {  	v7 =	vadd.s32 v7, v0;
	v6 =	vshll.u32 v6, $0x9  }
0x165: {  	v6 =	vadd.s32 v6, v7  }
0x166: {  	s11 =	sor.u32 s11, s20;
	[tilespmem:s0+$0xFFFFFC00] =	vst v6  }
0x167: {  	s11 =	sor.u32 $0x180, s11;
	[tilespmem:s22+$0xFFFFFC00] =	vst v8  }
0x168: {  	v6 =	vld [tilespmem:s11+$0x11000]  }
0x169: {  	v7 =	vld [tilespmem:s11+$0x14000];
	_ =	sdelay $0x2  }
0x16a: {  	s14 =	sor.u32 $0x3, s8  }
0x16b: {  	s12 =	scvt.s32.f32 s14  }
0x16c: {  	v8 =	vmul.f32 $1.000000000e+01, v6;
	v7 =	vmul.f32 $1.000000000e+01, v7  }
0x16d: {  	v6 =	vmov s12  }
0x16e: {  	v8 =	vadd.f32 v8, v10;
	v7 =	vadd.f32 v7, v6;
	_ =	sdelay $0x1  }
0x16f: {  	v8 =	vadd.f32 $1.258291200e+07, v8;
	v7 =	vadd.f32 $1.258291200e+07, v7;
	_ =	sdelay $0x1  }
0x170: {  	v8 =	vadd.f32 $-1.258291200e+07, v8;
	v7 =	vadd.f32 $-1.258291200e+07, v7;
	_ =	sdelay $0x1  }
0x171: {  	v8 =	vmax.f32 v8, $0.0e+00;
	v7 =	vmax.f32 v7, $0.0e+00  }
0x172: {  	v8 =	vmin.f32 v8, $5.110000000e+02;
	v7 =	vmin.f32 v7, $5.110000000e+02  }
0x173: {  	v8 =	vtrunc.f32 v8;
	v7 =	vtrunc.f32 v7  }
0x174: {  	v9 =	vld [tilespmem:s11+$0x17000];
	v8 =	vcvt.f32.s32 v8;
	v7 =	vcvt.f32.s32 v7;
	_ =	sdelay $0x1  }
0x175: {  	v8 =	vadd.s32 v8, v0;
	v7 =	vshll.u32 v7, $0x9  }
0x176: {  	v7 =	vadd.s32 v7, v8  }
0x177: {  	[tilespmem:s0+$0xFFFFFE00] =	vst v7  }
0x178: {  	[tilespmem:s22+$0xFFFFFE00] =	vst v9  }
0x179: {  	v7 =	vld [tilespmem:s9+$0x11200]  }
0x17a: {  	v8 =	vld [tilespmem:s9+$0x14200];
	_ =	sdelay $0x2  }
0x17b: {  	s15 =	sor.u32 $0x4, s8  }
0x17c: {  	s11 =	scvt.s32.f32 s15  }
0x17d: {  	v9 =	vmul.f32 $1.000000000e+01, v7;
	v8 =	vmul.f32 $1.000000000e+01, v8  }
0x17e: {  	v7 =	vmov s11  }
0x17f: {  	v9 =	vadd.f32 v9, v10;
	v8 =	vadd.f32 v8, v7;
	_ =	sdelay $0x1  }
0x180: {  	v9 =	vadd.f32 $1.258291200e+07, v9;
	v8 =	vadd.f32 $1.258291200e+07, v8;
	_ =	sdelay $0x1  }
0x181: {  	v9 =	vadd.f32 $-1.258291200e+07, v9;
	v8 =	vadd.f32 $-1.258291200e+07, v8;
	_ =	sdelay $0x1  }
0x182: {  	v9 =	vmax.f32 v9, $0.0e+00;
	v8 =	vmax.f32 v8, $0.0e+00  }
0x183: {  	v9 =	vmin.f32 v9, $5.110000000e+02;
	v8 =	vmin.f32 v8, $5.110000000e+02  }
0x184: {  	v9 =	vtrunc.f32 v9;
	v8 =	vtrunc.f32 v8  }
0x185: {  	v11 =	vld [tilespmem:s9+$0x17200];
	v9 =	vcvt.f32.s32 v9;
	v8 =	vcvt.f32.s32 v8;
	_ =	sdelay $0x1  }
0x186: {  	v9 =	vadd.s32 v9, v0;
	v8 =	vshll.u32 v8, $0x9  }
0x187: {  	v8 =	vadd.s32 v8, v9  }
0x188: {  	[tilespmem:s0+$0x0] =	vst v8  }
0x189: {  	[tilespmem:s22+$0x0] =	vst v11  }
0x18a: {  	v8 =	vld [tilespmem:s9+$0x11280]  }
0x18b: {  	v9 =	vld [tilespmem:s9+$0x14280];
	_ =	sdelay $0x2  }
0x18c: {  	s12 =	sor.u32 $0x5, s8  }
0x18d: {  	s11 =	scvt.s32.f32 s12  }
0x18e: {  	v11 =	vmul.f32 $1.000000000e+01, v8;
	v9 =	vmul.f32 $1.000000000e+01, v9  }
0x18f: {  	v8 =	vmov s11  }
0x190: {  	v11 =	vadd.f32 v11, v10;
	v9 =	vadd.f32 v9, v8;
	_ =	sdelay $0x1  }
0x191: {  	v11 =	vadd.f32 $1.258291200e+07, v11;
	v9 =	vadd.f32 $1.258291200e+07, v9;
	_ =	sdelay $0x1  }
0x192: {  	v11 =	vadd.f32 $-1.258291200e+07, v11;
	v9 =	vadd.f32 $-1.258291200e+07, v9;
	_ =	sdelay $0x1  }
0x193: {  	v11 =	vmax.f32 v11, $0.0e+00;
	v9 =	vmax.f32 v9, $0.0e+00  }
0x194: {  	v11 =	vmin.f32 v11, $5.110000000e+02;
	v9 =	vmin.f32 v9, $5.110000000e+02  }
0x195: {  	v11 =	vtrunc.f32 v11;
	v9 =	vtrunc.f32 v9  }
0x196: {  	v12 =	vld [tilespmem:s9+$0x17280];
	v11 =	vcvt.f32.s32 v11;
	v9 =	vcvt.f32.s32 v9;
	_ =	sdelay $0x1  }
0x197: {  	v11 =	vadd.s32 v11, v0;
	v9 =	vshll.u32 v9, $0x9  }
0x198: {  	v9 =	vadd.s32 v9, v11  }
0x199: {  	[tilespmem:s0+$0x200] =	vst v9  }
0x19a: {  	[tilespmem:s22+$0x200] =	vst v12  }
0x19b: {  	v9 =	vld [tilespmem:s9+$0x11300]  }
0x19c: {  	v11 =	vld [tilespmem:s9+$0x14300];
	_ =	sdelay $0x2  }
0x19d: {  	s14 =	sor.u32 $0x6, s8  }
0x19e: {  	s11 =	scvt.s32.f32 s14  }
0x19f: {  	v12 =	vmul.f32 $1.000000000e+01, v9;
	v11 =	vmul.f32 $1.000000000e+01, v11  }
0x1a0: {  	v9 =	vmov s11  }
0x1a1: {  	v12 =	vadd.f32 v12, v10;
	v11 =	vadd.f32 v11, v9;
	_ =	sdelay $0x1  }
0x1a2: {  	v12 =	vadd.f32 $1.258291200e+07, v12;
	v11 =	vadd.f32 $1.258291200e+07, v11;
	_ =	sdelay $0x1  }
0x1a3: {  	v12 =	vadd.f32 $-1.258291200e+07, v12;
	v11 =	vadd.f32 $-1.258291200e+07, v11;
	_ =	sdelay $0x1  }
0x1a4: {  	v12 =	vmax.f32 v12, $0.0e+00;
	v11 =	vmax.f32 v11, $0.0e+00  }
0x1a5: {  	v12 =	vmin.f32 v12, $5.110000000e+02;
	v11 =	vmin.f32 v11, $5.110000000e+02  }
0x1a6: {  	v12 =	vtrunc.f32 v12;
	v11 =	vtrunc.f32 v11  }
0x1a7: {  	v13 =	vld [tilespmem:s9+$0x17300];
	v12 =	vcvt.f32.s32 v12;
	v11 =	vcvt.f32.s32 v11;
	_ =	sdelay $0x1  }
0x1a8: {  	v12 =	vadd.s32 v12, v0;
	v11 =	vshll.u32 v11, $0x9  }
0x1a9: {  	v11 =	vadd.s32 v11, v12  }
0x1aa: {  	s15 =	sor.u32 s20, s20;
	[tilespmem:s0+$0x400] =	vst v11  }
0x1ab: {  	s9 =	sor.u32 $0x380, s15;
	[tilespmem:s22+$0x400] =	vst v13  }
0x1ac: {  	v11 =	vld [tilespmem:s9+$0x11000]  }
0x1ad: {  	v12 =	vld [tilespmem:s9+$0x14000];
	_ =	sdelay $0x2  }
0x1ae: {  	s8 =	sor.u32 $0x7, s8  }
0x1af: {  	s8 =	scvt.s32.f32 s8;
	v11 =	vmul.f32 $1.000000000e+01, v11  }
0x1b0: {  	v12 =	vmul.f32 $1.000000000e+01, v12  }
0x1b1: {  	v11 =	vadd.f32 v11, v10;
	v10 =	vmov s8  }
0x1b2: {  	v12 =	vadd.f32 v12, v10  }
0x1b3: {  	v11 =	vadd.f32 $1.258291200e+07, v11  }
0x1b4: {  	v13 =	vadd.f32 $1.258291200e+07, v12  }
0x1b5: {  	v14 =	vadd.f32 $-1.258291200e+07, v11  }
0x1b6: {  	v11 =	vadd.f32 $-1.258291200e+07, v13  }
0x1b7: {  	s12 =	simm.s32 $0x1D800;
	s15 =	simm.s32 $0x10;
	s8 =	simm.s32 $0x1A810;
	v12 =	vld [tilespmem:s9+$0x17000];
	v13 =	vmax.f32 v14, $0.0e+00  }
.LBB2_13:
0x1b8: {  	v13 =	vmin.f32 v13, $5.110000000e+02;
	v11 =	vmax.f32 v11, $0.0e+00;
	s20 =	sadd.s32 $0x80, s20;
	s21 =	sadd.s32 $0x10, s21;
	s0 =	sadd.s32 $0x10, s0  }
0x1b9: {  	p1 =	sne.s32 s15, $0x1F0;
	s14 =	smov.u32 s15;
	s15 =	sadd.s32 $0x10, s15;
	v11 =	vmin.f32 v11, $5.110000000e+02;
	v13 =	vtrunc.f32 v13  }
0x1ba: {  	v11 =	vtrunc.f32 v11;
	v13 =	vcvt.f32.s32 v13  }
0x1bb: {  	v11 =	vcvt.f32.s32 v11  }
0x1bc: {  	v13 =	vadd.s32 v13, v0  }
0x1bd: {  	v11 =	vshll.u32 v11, $0x9  }
0x1be: {  	v11 =	vadd.s32 v11, v13  }
0x1bf: {  	s9 =	sand.u32 $0x70, s14;
	s11 =	sand.u32 $0xC00, s20;
	[tilespmem:s12+$0x600] =	vst v11;
	s12 =	smov.u32 s0  }
0x1c0: {  	s9 =	sor.u32 s9, s11;
	s11 =	sor.u32 s11, s14;
	[tilespmem:s22+$0x600] =	vst v12;
	s22 =	smov.u32 s8  }
0x1c1: {  	v12 =	vld [tilespmem:s9+$0x11000]  }
0x1c2: {  	v13 =	vld [tilespmem:s9+$0x14000]  }
0x1c3: {  	v11 =	vld [tilespmem:s21+$0x0];
	_ =	sdelay $0x2  }
0x1c4: {  	v12 =	vmul.f32 $1.000000000e+01, v12  }
0x1c5: {  	v13 =	vmul.f32 $1.000000000e+01, v13  }
0x1c6: {  	v12 =	vadd.f32 v12, v11  }
0x1c7: {  	v13 =	vadd.f32 v13, v3  }
0x1c8: {  	v12 =	vadd.f32 $1.258291200e+07, v12  }
0x1c9: {  	v13 =	vadd.f32 $1.258291200e+07, v13  }
0x1ca: {  	v12 =	vadd.f32 $-1.258291200e+07, v12  }
0x1cb: {  	v13 =	vadd.f32 $-1.258291200e+07, v13  }
0x1cc: {  	v12 =	vmax.f32 v12, $0.0e+00  }
0x1cd: {  	v12 =	vmin.f32 v12, $5.110000000e+02;
	v13 =	vmax.f32 v13, $0.0e+00  }
0x1ce: {  	v13 =	vmin.f32 v13, $5.110000000e+02;
	v12 =	vtrunc.f32 v12  }
0x1cf: {  	v14 =	vld [tilespmem:s9+$0x17000];
	v13 =	vtrunc.f32 v13;
	v12 =	vcvt.f32.s32 v12  }
0x1d0: {  	v13 =	vcvt.f32.s32 v13  }
0x1d1: {  	v12 =	vadd.s32 v12, v0  }
0x1d2: {  	v13 =	vshll.u32 v13, $0x9  }
0x1d3: {  	v12 =	vadd.s32 v13, v12  }
0x1d4: {  	[tilespmem:s0+$0xFFFFF800] =	vst v12  }
0x1d5: {  	[tilespmem:s8+$0xFFFFF800] =	vst v14  }
0x1d6: {  	v12 =	vld [tilespmem:s9+$0x11080]  }
0x1d7: {  	v13 =	vld [tilespmem:s9+$0x14080];
	_ =	sdelay $0x3  }
0x1d8: {  	v12 =	vmul.f32 $1.000000000e+01, v12  }
0x1d9: {  	v13 =	vmul.f32 $1.000000000e+01, v13  }
0x1da: {  	v12 =	vadd.f32 v12, v11  }
0x1db: {  	v13 =	vadd.f32 v13, v4  }
0x1dc: {  	v12 =	vadd.f32 $1.258291200e+07, v12  }
0x1dd: {  	v13 =	vadd.f32 $1.258291200e+07, v13  }
0x1de: {  	v12 =	vadd.f32 $-1.258291200e+07, v12  }
0x1df: {  	v13 =	vadd.f32 $-1.258291200e+07, v13  }
0x1e0: {  	v12 =	vmax.f32 v12, $0.0e+00  }
0x1e1: {  	v12 =	vmin.f32 v12, $5.110000000e+02;
	v13 =	vmax.f32 v13, $0.0e+00  }
0x1e2: {  	v14 =	vld [tilespmem:s9+$0x17080];
	v13 =	vmin.f32 v13, $5.110000000e+02;
	v12 =	vtrunc.f32 v12  }
0x1e3: {  	v13 =	vtrunc.f32 v13;
	v12 =	vcvt.f32.s32 v12  }
0x1e4: {  	v13 =	vcvt.f32.s32 v13  }
0x1e5: {  	v12 =	vadd.s32 v12, v0  }
0x1e6: {  	v13 =	vshll.u32 v13, $0x9  }
0x1e7: {  	v12 =	vadd.s32 v13, v12  }
0x1e8: {  	[tilespmem:s0+$0xFFFFFA00] =	vst v12  }
0x1e9: {  	[tilespmem:s8+$0xFFFFFA00] =	vst v14  }
0x1ea: {  	v12 =	vld [tilespmem:s9+$0x11100]  }
0x1eb: {  	v13 =	vld [tilespmem:s9+$0x14100];
	_ =	sdelay $0x3  }
0x1ec: {  	v12 =	vmul.f32 $1.000000000e+01, v12  }
0x1ed: {  	v13 =	vmul.f32 $1.000000000e+01, v13  }
0x1ee: {  	v12 =	vadd.f32 v12, v11  }
0x1ef: {  	v13 =	vadd.f32 v13, v5  }
0x1f0: {  	v12 =	vadd.f32 $1.258291200e+07, v12  }
0x1f1: {  	v13 =	vadd.f32 $1.258291200e+07, v13  }
0x1f2: {  	v12 =	vadd.f32 $-1.258291200e+07, v12  }
0x1f3: {  	v13 =	vadd.f32 $-1.258291200e+07, v13  }
0x1f4: {  	v12 =	vmax.f32 v12, $0.0e+00  }
0x1f5: {  	v14 =	vld [tilespmem:s9+$0x17100];
	v12 =	vmin.f32 v12, $5.110000000e+02;
	v13 =	vmax.f32 v13, $0.0e+00  }
0x1f6: {  	v13 =	vmin.f32 v13, $5.110000000e+02;
	v12 =	vtrunc.f32 v12  }
0x1f7: {  	v13 =	vtrunc.f32 v13;
	v12 =	vcvt.f32.s32 v12  }
0x1f8: {  	v13 =	vcvt.f32.s32 v13  }
0x1f9: {  	v12 =	vadd.s32 v12, v0  }
0x1fa: {  	v13 =	vshll.u32 v13, $0x9  }
0x1fb: {  	v12 =	vadd.s32 v13, v12  }
0x1fc: {  	[tilespmem:s0+$0xFFFFFC00] =	vst v12  }
0x1fd: {  	s11 =	sor.u32 $0x180, s11;
	[tilespmem:s8+$0xFFFFFC00] =	vst v14  }
0x1fe: {  	v12 =	vld [tilespmem:s11+$0x11000]  }
0x1ff: {  	v13 =	vld [tilespmem:s11+$0x14000];
	_ =	sdelay $0x3  }
0x200: {  	v12 =	vmul.f32 $1.000000000e+01, v12  }
0x201: {  	v13 =	vmul.f32 $1.000000000e+01, v13  }
0x202: {  	v12 =	vadd.f32 v12, v11  }
0x203: {  	v13 =	vadd.f32 v13, v6  }
0x204: {  	v12 =	vadd.f32 $1.258291200e+07, v12  }
0x205: {  	v13 =	vadd.f32 $1.258291200e+07, v13  }
0x206: {  	v12 =	vadd.f32 $-1.258291200e+07, v12  }
0x207: {  	v13 =	vadd.f32 $-1.258291200e+07, v13  }
0x208: {  	v14 =	vld [tilespmem:s11+$0x17000];
	v12 =	vmax.f32 v12, $0.0e+00  }
0x209: {  	v12 =	vmin.f32 v12, $5.110000000e+02;
	v13 =	vmax.f32 v13, $0.0e+00  }
0x20a: {  	v13 =	vmin.f32 v13, $5.110000000e+02;
	v12 =	vtrunc.f32 v12  }
0x20b: {  	v13 =	vtrunc.f32 v13;
	v12 =	vcvt.f32.s32 v12  }
0x20c: {  	v13 =	vcvt.f32.s32 v13  }
0x20d: {  	v12 =	vadd.s32 v12, v0  }
0x20e: {  	v13 =	vshll.u32 v13, $0x9  }
0x20f: {  	v12 =	vadd.s32 v13, v12  }
0x210: {  	[tilespmem:s0+$0xFFFFFE00] =	vst v12  }
0x211: {  	[tilespmem:s8+$0xFFFFFE00] =	vst v14  }
0x212: {  	v12 =	vld [tilespmem:s9+$0x11200]  }
0x213: {  	v13 =	vld [tilespmem:s9+$0x14200];
	_ =	sdelay $0x3  }
0x214: {  	v12 =	vmul.f32 $1.000000000e+01, v12  }
0x215: {  	v13 =	vmul.f32 $1.000000000e+01, v13  }
0x216: {  	v12 =	vadd.f32 v12, v11  }
0x217: {  	v13 =	vadd.f32 v13, v7  }
0x218: {  	v12 =	vadd.f32 $1.258291200e+07, v12  }
0x219: {  	v13 =	vadd.f32 $1.258291200e+07, v13  }
0x21a: {  	v12 =	vadd.f32 $-1.258291200e+07, v12  }
0x21b: {  	v14 =	vld [tilespmem:s9+$0x17200];
	v13 =	vadd.f32 $-1.258291200e+07, v13  }
0x21c: {  	v12 =	vmax.f32 v12, $0.0e+00  }
0x21d: {  	v12 =	vmin.f32 v12, $5.110000000e+02;
	v13 =	vmax.f32 v13, $0.0e+00  }
0x21e: {  	v13 =	vmin.f32 v13, $5.110000000e+02;
	v12 =	vtrunc.f32 v12  }
0x21f: {  	v13 =	vtrunc.f32 v13;
	v12 =	vcvt.f32.s32 v12  }
0x220: {  	v13 =	vcvt.f32.s32 v13  }
0x221: {  	v12 =	vadd.s32 v12, v0  }
0x222: {  	v13 =	vshll.u32 v13, $0x9  }
0x223: {  	v12 =	vadd.s32 v13, v12  }
0x224: {  	[tilespmem:s0+$0x0] =	vst v12  }
0x225: {  	[tilespmem:s8+$0x0] =	vst v14  }
0x226: {  	v12 =	vld [tilespmem:s9+$0x11280]  }
0x227: {  	v13 =	vld [tilespmem:s9+$0x14280]  }
0x228: {  	v14 =	vld [tilespmem:s9+$0x17280];
	_ =	sdelay $0x2  }
0x229: {  	v12 =	vmul.f32 $1.000000000e+01, v12  }
0x22a: {  	v13 =	vmul.f32 $1.000000000e+01, v13  }
0x22b: {  	v12 =	vadd.f32 v12, v11  }
0x22c: {  	v13 =	vadd.f32 v13, v8  }
0x22d: {  	v12 =	vadd.f32 $1.258291200e+07, v12  }
0x22e: {  	v13 =	vadd.f32 $1.258291200e+07, v13  }
0x22f: {  	v12 =	vadd.f32 $-1.258291200e+07, v12  }
0x230: {  	v13 =	vadd.f32 $-1.258291200e+07, v13  }
0x231: {  	v12 =	vmax.f32 v12, $0.0e+00  }
0x232: {  	v12 =	vmin.f32 v12, $5.110000000e+02;
	v13 =	vmax.f32 v13, $0.0e+00  }
0x233: {  	v13 =	vmin.f32 v13, $5.110000000e+02;
	v12 =	vtrunc.f32 v12  }
0x234: {  	v13 =	vtrunc.f32 v13;
	v12 =	vcvt.f32.s32 v12  }
0x235: {  	v13 =	vcvt.f32.s32 v13  }
0x236: {  	v12 =	vadd.s32 v12, v0  }
0x237: {  	v13 =	vshll.u32 v13, $0x9  }
0x238: {  	v12 =	vadd.s32 v13, v12  }
0x239: {  	[tilespmem:s0+$0x200] =	vst v12  }
0x23a: {  	[tilespmem:s8+$0x200] =	vst v14  }
0x23b: {  	v12 =	vld [tilespmem:s9+$0x11300]  }
0x23c: {  	v13 =	vld [tilespmem:s9+$0x14300]  }
0x23d: {  	v14 =	vld [tilespmem:s9+$0x17300];
	_ =	sdelay $0x2  }
0x23e: {  	v12 =	vmul.f32 $1.000000000e+01, v12  }
0x23f: {  	v13 =	vmul.f32 $1.000000000e+01, v13  }
0x240: {  	v12 =	vadd.f32 v12, v11  }
0x241: {  	v13 =	vadd.f32 v13, v9  }
0x242: {  	v12 =	vadd.f32 $1.258291200e+07, v12  }
0x243: {  	v13 =	vadd.f32 $1.258291200e+07, v13  }
0x244: {  	v12 =	vadd.f32 $-1.258291200e+07, v12  }
0x245: {  	v13 =	vadd.f32 $-1.258291200e+07, v13  }
0x246: {  	v12 =	vmax.f32 v12, $0.0e+00  }
0x247: {  	v12 =	vmin.f32 v12, $5.110000000e+02;
	v13 =	vmax.f32 v13, $0.0e+00  }
0x248: {  	v13 =	vmin.f32 v13, $5.110000000e+02;
	v12 =	vtrunc.f32 v12  }
0x249: {  	v13 =	vtrunc.f32 v13;
	v12 =	vcvt.f32.s32 v12  }
0x24a: {  	v13 =	vcvt.f32.s32 v13  }
0x24b: {  	v12 =	vadd.s32 v12, v0  }
0x24c: {  	v13 =	vshll.u32 v13, $0x9  }
0x24d: {  	v12 =	vadd.s32 v13, v12  }
0x24e: {  	s9 =	sor.u32 s20, s14;
	[tilespmem:s0+$0x400] =	vst v12  }
0x24f: {  	s9 =	sor.u32 $0x380, s9;
	[tilespmem:s8+$0x400] =	vst v14  }
0x250: {  	v13 =	vld [tilespmem:s9+$0x11000]  }
0x251: {  	v14 =	vld [tilespmem:s9+$0x14000]  }
0x252: {  	v12 =	vld [tilespmem:s9+$0x17000];
	_ =	sdelay $0x2  }
0x253: {  	v13 =	vmul.f32 $1.000000000e+01, v13  }
0x254: {  	v14 =	vmul.f32 $1.000000000e+01, v14  }
0x255: {  	v11 =	vadd.f32 v13, v11  }
0x256: {  	v13 =	vadd.f32 v14, v10  }
.Ltmp10:
0x257: {  	v11 =	vadd.f32 $1.258291200e+07, v11;
	(pc) =	sbr.rel @p1 .LBB2_13-.Ltmp10, $4  }
0x258: {  	v13 =	vadd.f32 $1.258291200e+07, v13  }
0x259: {  	v14 =	vadd.f32 $-1.258291200e+07, v11  }
0x25a: {  	v11 =	vadd.f32 $-1.258291200e+07, v13  }
0x25b: {  	s8 =	sadd.s32 $0x10, s8;
	v13 =	vmax.f32 v14, $0.0e+00  }
0x25c: {  	v3 =	vmax.f32 v11, $0.0e+00  }
0x25d: {  	v4 =	vmin.f32 v13, $5.110000000e+02;
	v3 =	vmin.f32 v3, $5.110000000e+02  }
0x25e: {  	v4 =	vtrunc.f32 v4;
	v3 =	vtrunc.f32 v3  }
0x25f: {  	v4 =	vcvt.f32.s32 v4;
	v3 =	vcvt.f32.s32 v3;
	_ =	sdelay $0x1  }
.Ltmp11:
0x260: {  	v4 =	vadd.s32 v4, v0;
	v3 =	vshll.u32 v3, $0x9;
	(pc) =	sbr.rel .LBB2_18-.Ltmp11, $4  }
0x261: {  	v3 =	vadd.s32 v3, v4  }
0x262: {  	[tilespmem:s12+$0x600] =	vst v3  }
0x263: {  	[tilespmem:s22+$0x600] =	vst v12  }
0x264: {  	[spmem:s3] =	stream.indirect.scatter.add.f32 [tilespmem:s5], [sflag:$0x5], $0x1, s25, s29, $0xb8;
	[tilespmem:$0x1FA00] =	vst v63  }
.LBB2_15:
0x265: {  	p2 =	slt.u32 @!p1 s19, $0x2  }
0x266: {  	p2 =	por p2, p1  }
0x267: {  	s8 =	sshll.u32 @!p1 s19, $0xC;
	s0 =	simm.s32 @!p2 $0x4  }
0x268: {  	s8 =	sadd.s32 @!p1 s8, s23;
	_ =	swait.ge @!p2 [sflag:s0], $0x1000  }
0x269: {  	s9 =	sadd.s32 @!p1 s17, s8;
	[sflag:s0] =	ssyncset.done @!p2 $0x0  }
0x26a: {  	[sflag:s0] =	ssyncadd.s32 @!p2 $0xFFFFF000;
	s0 =	sshrl.u32 @!p1 s9, $0x3  }
0x26b: {  	s11 =	simm.s32 @!p1 $0x16000;
	s9 =	simm.s32 @!p1 $0x0;
	s0 =	sadd.s32 @!p1 s1, s0  }
0x26c: {  	[tilespmem:s11], [sflag:$0x1] =	stream.linear.gather @!p1 [hbm4b:s0+s9], $0x1000, $0x38;
	[tilespmem:$0x1FA00] =	vst v63  }
0x26d: {  	s0 =	sor.u32 @!p1 s13, s8  }
0x26e: {  	s0 =	sshrl.u32 @!p1 s0, $0x3  }
0x26f: {  	s11 =	simm.s32 @!p1 $0x10000;
	s0 =	sadd.s32 @!p1 s2, s0  }
0x270: {  	[tilespmem:s11], [sflag:$0x1] =	stream.linear.gather @!p1 [hbm4b:s0+s9], $0x1000, $0x38;
	[tilespmem:$0x1FA00] =	vst v63  }
0x271: {  	s0 =	sadd.s32 @!p1 s8, s18  }
0x272: {  	s0 =	sshrl.u32 @!p1 s0, $0x3  }
0x273: {  	s8 =	simm.s32 @!p1 $0x13000;
	s0 =	sadd.s32 @!p1 s2, s0  }
0x274: {  	[tilespmem:s8], [sflag:$0x1] =	stream.linear.gather @!p1 [hbm4b:s0+s9], $0x1000, $0x38;
	[tilespmem:$0x1FA00] =	vst v63  }
0x275: {  	_ =	swait.ge [sflag:s28], $0x1000  }
0x276: {  	[sflag:s28] =	ssyncset.done $0x0  }
0x277: {  	[sflag:s28] =	ssyncadd.s32 $0xFFFFF000  }
0x278: {  	_ =	swait.ge [sflag:s28], $0x1000  }
0x279: {  	[sflag:s28] =	ssyncset.done $0x0  }
0x27a: {  	[sflag:s28] =	ssyncadd.s32 $0xFFFFF000  }
0x27b: {  	s20 =	simm.s32 $0x0;
	_ =	swait.ge [sflag:s28], $0x1000  }
0x27c: {  	s12 =	sand.u32 $0x70, s20;
	s11 =	sand.u32 $0xC00, s20;
	[sflag:s28] =	ssyncset.done $0x0  }
0x27d: {  	s9 =	sor.u32 s12, s11;
	[sflag:s28] =	ssyncadd.s32 $0xFFFFF000  }
0x27e: {  	v3 =	vld [tilespmem:s9+$0x12000]  }
0x27f: {  	v4 =	vld [tilespmem:s9+$0x15000]  }
0x280: {  	s21 =	simm.s32 $0x1F800  }
0x281: {  	s14 =	sshll.u32 s19, $0x3;
	v10 =	vld [tilespmem:s21+$0x0]  }
0x282: {  	s8 =	sadd.s32 s10, s14  }
0x283: {  	s0 =	scvt.s32.f32 s8  }
0x284: {  	v5 =	vmul.f32 $1.000000000e+01, v3;
	v4 =	vmul.f32 $1.000000000e+01, v4  }
0x285: {  	v3 =	vmov s0  }
0x286: {  	v5 =	vadd.f32 v5, v10;
	v4 =	vadd.f32 v4, v3;
	_ =	sdelay $0x1  }
0x287: {  	v5 =	vadd.f32 $1.258291200e+07, v5;
	v4 =	vadd.f32 $1.258291200e+07, v4;
	_ =	sdelay $0x1  }
0x288: {  	v5 =	vadd.f32 $-1.258291200e+07, v5;
	v4 =	vadd.f32 $-1.258291200e+07, v4;
	_ =	sdelay $0x1  }
0x289: {  	v5 =	vmax.f32 v5, $0.0e+00;
	v4 =	vmax.f32 v4, $0.0e+00  }
0x28a: {  	v5 =	vmin.f32 v5, $5.110000000e+02;
	v4 =	vmin.f32 v4, $5.110000000e+02  }
0x28b: {  	v5 =	vtrunc.f32 v5;
	v4 =	vtrunc.f32 v4  }
0x28c: {  	v6 =	vld [tilespmem:s9+$0x18000];
	v5 =	vcvt.f32.s32 v5;
	v4 =	vcvt.f32.s32 v4;
	_ =	sdelay $0x1  }
0x28d: {  	v5 =	vadd.s32 v5, v0;
	v4 =	vshll.u32 v4, $0x9  }
0x28e: {  	s0 =	simm.s32 $0x1E800;
	v4 =	vadd.s32 v4, v5  }
0x28f: {  	s22 =	simm.s32 $0x1B800;
	[tilespmem:s0+$0xFFFFF800] =	vst v4  }
0x290: {  	[tilespmem:s22+$0xFFFFF800] =	vst v6  }
0x291: {  	v4 =	vld [tilespmem:s9+$0x12080]  }
0x292: {  	v5 =	vld [tilespmem:s9+$0x15080];
	_ =	sdelay $0x2  }
0x293: {  	s12 =	sor.u32 $0x1, s8  }
0x294: {  	s12 =	scvt.s32.f32 s12  }
0x295: {  	v6 =	vmul.f32 $1.000000000e+01, v4;
	v5 =	vmul.f32 $1.000000000e+01, v5  }
0x296: {  	v4 =	vmov s12  }
0x297: {  	v6 =	vadd.f32 v6, v10;
	v5 =	vadd.f32 v5, v4;
	_ =	sdelay $0x1  }
0x298: {  	v6 =	vadd.f32 $1.258291200e+07, v6;
	v5 =	vadd.f32 $1.258291200e+07, v5;
	_ =	sdelay $0x1  }
0x299: {  	v6 =	vadd.f32 $-1.258291200e+07, v6;
	v5 =	vadd.f32 $-1.258291200e+07, v5;
	_ =	sdelay $0x1  }
0x29a: {  	v6 =	vmax.f32 v6, $0.0e+00;
	v5 =	vmax.f32 v5, $0.0e+00  }
0x29b: {  	v6 =	vmin.f32 v6, $5.110000000e+02;
	v5 =	vmin.f32 v5, $5.110000000e+02  }
0x29c: {  	v6 =	vtrunc.f32 v6;
	v5 =	vtrunc.f32 v5  }
0x29d: {  	v7 =	vld [tilespmem:s9+$0x18080];
	v6 =	vcvt.f32.s32 v6;
	v5 =	vcvt.f32.s32 v5;
	_ =	sdelay $0x1  }
0x29e: {  	v6 =	vadd.s32 v6, v0;
	v5 =	vshll.u32 v5, $0x9  }
0x29f: {  	v5 =	vadd.s32 v5, v6  }
0x2a0: {  	[tilespmem:s0+$0xFFFFFA00] =	vst v5  }
0x2a1: {  	[tilespmem:s22+$0xFFFFFA00] =	vst v7  }
0x2a2: {  	v5 =	vld [tilespmem:s9+$0x12100]  }
0x2a3: {  	v6 =	vld [tilespmem:s9+$0x15100];
	_ =	sdelay $0x2  }
0x2a4: {  	s15 =	sor.u32 $0x2, s8  }
0x2a5: {  	s12 =	scvt.s32.f32 s15  }
0x2a6: {  	v7 =	vmul.f32 $1.000000000e+01, v5;
	v6 =	vmul.f32 $1.000000000e+01, v6  }
0x2a7: {  	v5 =	vmov s12  }
0x2a8: {  	v7 =	vadd.f32 v7, v10;
	v6 =	vadd.f32 v6, v5;
	_ =	sdelay $0x1  }
0x2a9: {  	v7 =	vadd.f32 $1.258291200e+07, v7;
	v6 =	vadd.f32 $1.258291200e+07, v6;
	_ =	sdelay $0x1  }
0x2aa: {  	v7 =	vadd.f32 $-1.258291200e+07, v7;
	v6 =	vadd.f32 $-1.258291200e+07, v6;
	_ =	sdelay $0x1  }
0x2ab: {  	v7 =	vmax.f32 v7, $0.0e+00;
	v6 =	vmax.f32 v6, $0.0e+00  }
0x2ac: {  	v7 =	vmin.f32 v7, $5.110000000e+02;
	v6 =	vmin.f32 v6, $5.110000000e+02  }
0x2ad: {  	v7 =	vtrunc.f32 v7;
	v6 =	vtrunc.f32 v6  }
0x2ae: {  	v8 =	vld [tilespmem:s9+$0x18100];
	v7 =	vcvt.f32.s32 v7;
	v6 =	vcvt.f32.s32 v6;
	_ =	sdelay $0x1  }
0x2af: {  	v7 =	vadd.s32 v7, v0;
	v6 =	vshll.u32 v6, $0x9  }
0x2b0: {  	v6 =	vadd.s32 v6, v7  }
0x2b1: {  	s11 =	sor.u32 s11, s20;
	[tilespmem:s0+$0xFFFFFC00] =	vst v6  }
0x2b2: {  	s11 =	sor.u32 $0x180, s11;
	[tilespmem:s22+$0xFFFFFC00] =	vst v8  }
0x2b3: {  	v6 =	vld [tilespmem:s11+$0x12000]  }
0x2b4: {  	v7 =	vld [tilespmem:s11+$0x15000];
	_ =	sdelay $0x2  }
0x2b5: {  	s14 =	sor.u32 $0x3, s8  }
0x2b6: {  	s12 =	scvt.s32.f32 s14  }
0x2b7: {  	v8 =	vmul.f32 $1.000000000e+01, v6;
	v7 =	vmul.f32 $1.000000000e+01, v7  }
0x2b8: {  	v6 =	vmov s12  }
0x2b9: {  	v8 =	vadd.f32 v8, v10;
	v7 =	vadd.f32 v7, v6;
	_ =	sdelay $0x1  }
0x2ba: {  	v8 =	vadd.f32 $1.258291200e+07, v8;
	v7 =	vadd.f32 $1.258291200e+07, v7;
	_ =	sdelay $0x1  }
0x2bb: {  	v8 =	vadd.f32 $-1.258291200e+07, v8;
	v7 =	vadd.f32 $-1.258291200e+07, v7;
	_ =	sdelay $0x1  }
0x2bc: {  	v8 =	vmax.f32 v8, $0.0e+00;
	v7 =	vmax.f32 v7, $0.0e+00  }
0x2bd: {  	v8 =	vmin.f32 v8, $5.110000000e+02;
	v7 =	vmin.f32 v7, $5.110000000e+02  }
0x2be: {  	v8 =	vtrunc.f32 v8;
	v7 =	vtrunc.f32 v7  }
0x2bf: {  	v9 =	vld [tilespmem:s11+$0x18000];
	v8 =	vcvt.f32.s32 v8;
	v7 =	vcvt.f32.s32 v7;
	_ =	sdelay $0x1  }
0x2c0: {  	v8 =	vadd.s32 v8, v0;
	v7 =	vshll.u32 v7, $0x9  }
0x2c1: {  	v7 =	vadd.s32 v7, v8  }
0x2c2: {  	[tilespmem:s0+$0xFFFFFE00] =	vst v7  }
0x2c3: {  	[tilespmem:s22+$0xFFFFFE00] =	vst v9  }
0x2c4: {  	v7 =	vld [tilespmem:s9+$0x12200]  }
0x2c5: {  	v8 =	vld [tilespmem:s9+$0x15200];
	_ =	sdelay $0x2  }
0x2c6: {  	s15 =	sor.u32 $0x4, s8  }
0x2c7: {  	s11 =	scvt.s32.f32 s15  }
0x2c8: {  	v9 =	vmul.f32 $1.000000000e+01, v7;
	v8 =	vmul.f32 $1.000000000e+01, v8  }
0x2c9: {  	v7 =	vmov s11  }
0x2ca: {  	v9 =	vadd.f32 v9, v10;
	v8 =	vadd.f32 v8, v7;
	_ =	sdelay $0x1  }
0x2cb: {  	v9 =	vadd.f32 $1.258291200e+07, v9;
	v8 =	vadd.f32 $1.258291200e+07, v8;
	_ =	sdelay $0x1  }
0x2cc: {  	v9 =	vadd.f32 $-1.258291200e+07, v9;
	v8 =	vadd.f32 $-1.258291200e+07, v8;
	_ =	sdelay $0x1  }
0x2cd: {  	v9 =	vmax.f32 v9, $0.0e+00;
	v8 =	vmax.f32 v8, $0.0e+00  }
0x2ce: {  	v9 =	vmin.f32 v9, $5.110000000e+02;
	v8 =	vmin.f32 v8, $5.110000000e+02  }
0x2cf: {  	v9 =	vtrunc.f32 v9;
	v8 =	vtrunc.f32 v8  }
0x2d0: {  	v11 =	vld [tilespmem:s9+$0x18200];
	v9 =	vcvt.f32.s32 v9;
	v8 =	vcvt.f32.s32 v8;
	_ =	sdelay $0x1  }
0x2d1: {  	v9 =	vadd.s32 v9, v0;
	v8 =	vshll.u32 v8, $0x9  }
0x2d2: {  	v8 =	vadd.s32 v8, v9  }
0x2d3: {  	[tilespmem:s0+$0x0] =	vst v8  }
0x2d4: {  	[tilespmem:s22+$0x0] =	vst v11  }
0x2d5: {  	v8 =	vld [tilespmem:s9+$0x12280]  }
0x2d6: {  	v9 =	vld [tilespmem:s9+$0x15280];
	_ =	sdelay $0x2  }
0x2d7: {  	s12 =	sor.u32 $0x5, s8  }
0x2d8: {  	s11 =	scvt.s32.f32 s12  }
0x2d9: {  	v11 =	vmul.f32 $1.000000000e+01, v8;
	v9 =	vmul.f32 $1.000000000e+01, v9  }
0x2da: {  	v8 =	vmov s11  }
0x2db: {  	v11 =	vadd.f32 v11, v10;
	v9 =	vadd.f32 v9, v8;
	_ =	sdelay $0x1  }
0x2dc: {  	v11 =	vadd.f32 $1.258291200e+07, v11;
	v9 =	vadd.f32 $1.258291200e+07, v9;
	_ =	sdelay $0x1  }
0x2dd: {  	v11 =	vadd.f32 $-1.258291200e+07, v11;
	v9 =	vadd.f32 $-1.258291200e+07, v9;
	_ =	sdelay $0x1  }
0x2de: {  	v11 =	vmax.f32 v11, $0.0e+00;
	v9 =	vmax.f32 v9, $0.0e+00  }
0x2df: {  	v11 =	vmin.f32 v11, $5.110000000e+02;
	v9 =	vmin.f32 v9, $5.110000000e+02  }
0x2e0: {  	v11 =	vtrunc.f32 v11;
	v9 =	vtrunc.f32 v9  }
0x2e1: {  	v12 =	vld [tilespmem:s9+$0x18280];
	v11 =	vcvt.f32.s32 v11;
	v9 =	vcvt.f32.s32 v9;
	_ =	sdelay $0x1  }
0x2e2: {  	v11 =	vadd.s32 v11, v0;
	v9 =	vshll.u32 v9, $0x9  }
0x2e3: {  	v9 =	vadd.s32 v9, v11  }
0x2e4: {  	[tilespmem:s0+$0x200] =	vst v9  }
0x2e5: {  	[tilespmem:s22+$0x200] =	vst v12  }
0x2e6: {  	v9 =	vld [tilespmem:s9+$0x12300]  }
0x2e7: {  	v11 =	vld [tilespmem:s9+$0x15300];
	_ =	sdelay $0x2  }
0x2e8: {  	s14 =	sor.u32 $0x6, s8  }
0x2e9: {  	s11 =	scvt.s32.f32 s14  }
0x2ea: {  	v12 =	vmul.f32 $1.000000000e+01, v9;
	v11 =	vmul.f32 $1.000000000e+01, v11  }
0x2eb: {  	v9 =	vmov s11  }
0x2ec: {  	v12 =	vadd.f32 v12, v10;
	v11 =	vadd.f32 v11, v9;
	_ =	sdelay $0x1  }
0x2ed: {  	v12 =	vadd.f32 $1.258291200e+07, v12;
	v11 =	vadd.f32 $1.258291200e+07, v11;
	_ =	sdelay $0x1  }
0x2ee: {  	v12 =	vadd.f32 $-1.258291200e+07, v12;
	v11 =	vadd.f32 $-1.258291200e+07, v11;
	_ =	sdelay $0x1  }
0x2ef: {  	v12 =	vmax.f32 v12, $0.0e+00;
	v11 =	vmax.f32 v11, $0.0e+00  }
0x2f0: {  	v12 =	vmin.f32 v12, $5.110000000e+02;
	v11 =	vmin.f32 v11, $5.110000000e+02  }
0x2f1: {  	v12 =	vtrunc.f32 v12;
	v11 =	vtrunc.f32 v11  }
0x2f2: {  	v13 =	vld [tilespmem:s9+$0x18300];
	v12 =	vcvt.f32.s32 v12;
	v11 =	vcvt.f32.s32 v11;
	_ =	sdelay $0x1  }
0x2f3: {  	v12 =	vadd.s32 v12, v0;
	v11 =	vshll.u32 v11, $0x9  }
0x2f4: {  	v11 =	vadd.s32 v11, v12  }
0x2f5: {  	s15 =	sor.u32 s20, s20;
	[tilespmem:s0+$0x400] =	vst v11  }
0x2f6: {  	s9 =	sor.u32 $0x380, s15;
	[tilespmem:s22+$0x400] =	vst v13  }
0x2f7: {  	v11 =	vld [tilespmem:s9+$0x12000]  }
0x2f8: {  	v12 =	vld [tilespmem:s9+$0x15000];
	_ =	sdelay $0x2  }
0x2f9: {  	s8 =	sor.u32 $0x7, s8  }
0x2fa: {  	s8 =	scvt.s32.f32 s8;
	v11 =	vmul.f32 $1.000000000e+01, v11  }
0x2fb: {  	v12 =	vmul.f32 $1.000000000e+01, v12  }
0x2fc: {  	v11 =	vadd.f32 v11, v10;
	v10 =	vmov s8  }
0x2fd: {  	v12 =	vadd.f32 v12, v10  }
0x2fe: {  	v11 =	vadd.f32 $1.258291200e+07, v11  }
0x2ff: {  	v13 =	vadd.f32 $1.258291200e+07, v12  }
0x300: {  	v14 =	vadd.f32 $-1.258291200e+07, v11  }
0x301: {  	v11 =	vadd.f32 $-1.258291200e+07, v13  }
0x302: {  	s12 =	simm.s32 $0x1E800;
	s15 =	simm.s32 $0x10;
	s8 =	simm.s32 $0x1B810;
	v12 =	vld [tilespmem:s9+$0x18000];
	v13 =	vmax.f32 v14, $0.0e+00  }
.LBB2_16:
0x303: {  	v13 =	vmin.f32 v13, $5.110000000e+02;
	v11 =	vmax.f32 v11, $0.0e+00;
	s20 =	sadd.s32 $0x80, s20;
	s21 =	sadd.s32 $0x10, s21;
	s0 =	sadd.s32 $0x10, s0  }
0x304: {  	p1 =	sne.s32 s15, $0x1F0;
	s14 =	smov.u32 s15;
	s15 =	sadd.s32 $0x10, s15;
	v11 =	vmin.f32 v11, $5.110000000e+02;
	v13 =	vtrunc.f32 v13  }
0x305: {  	v11 =	vtrunc.f32 v11;
	v13 =	vcvt.f32.s32 v13  }
0x306: {  	v11 =	vcvt.f32.s32 v11  }
0x307: {  	v13 =	vadd.s32 v13, v0  }
0x308: {  	v11 =	vshll.u32 v11, $0x9  }
0x309: {  	v11 =	vadd.s32 v11, v13  }
0x30a: {  	s9 =	sand.u32 $0x70, s14;
	s11 =	sand.u32 $0xC00, s20;
	[tilespmem:s12+$0x600] =	vst v11;
	s12 =	smov.u32 s0  }
0x30b: {  	s9 =	sor.u32 s9, s11;
	s11 =	sor.u32 s11, s14;
	[tilespmem:s22+$0x600] =	vst v12;
	s22 =	smov.u32 s8  }
0x30c: {  	v12 =	vld [tilespmem:s9+$0x12000]  }
0x30d: {  	v13 =	vld [tilespmem:s9+$0x15000]  }
0x30e: {  	v11 =	vld [tilespmem:s21+$0x0];
	_ =	sdelay $0x2  }
0x30f: {  	v12 =	vmul.f32 $1.000000000e+01, v12  }
0x310: {  	v13 =	vmul.f32 $1.000000000e+01, v13  }
0x311: {  	v12 =	vadd.f32 v12, v11  }
0x312: {  	v13 =	vadd.f32 v13, v3  }
0x313: {  	v12 =	vadd.f32 $1.258291200e+07, v12  }
0x314: {  	v13 =	vadd.f32 $1.258291200e+07, v13  }
0x315: {  	v12 =	vadd.f32 $-1.258291200e+07, v12  }
0x316: {  	v13 =	vadd.f32 $-1.258291200e+07, v13  }
0x317: {  	v12 =	vmax.f32 v12, $0.0e+00  }
0x318: {  	v12 =	vmin.f32 v12, $5.110000000e+02;
	v13 =	vmax.f32 v13, $0.0e+00  }
0x319: {  	v13 =	vmin.f32 v13, $5.110000000e+02;
	v12 =	vtrunc.f32 v12  }
0x31a: {  	v14 =	vld [tilespmem:s9+$0x18000];
	v13 =	vtrunc.f32 v13;
	v12 =	vcvt.f32.s32 v12  }
0x31b: {  	v13 =	vcvt.f32.s32 v13  }
0x31c: {  	v12 =	vadd.s32 v12, v0  }
0x31d: {  	v13 =	vshll.u32 v13, $0x9  }
0x31e: {  	v12 =	vadd.s32 v13, v12  }
0x31f: {  	[tilespmem:s0+$0xFFFFF800] =	vst v12  }
0x320: {  	[tilespmem:s8+$0xFFFFF800] =	vst v14  }
0x321: {  	v12 =	vld [tilespmem:s9+$0x12080]  }
0x322: {  	v13 =	vld [tilespmem:s9+$0x15080];
	_ =	sdelay $0x3  }
0x323: {  	v12 =	vmul.f32 $1.000000000e+01, v12  }
0x324: {  	v13 =	vmul.f32 $1.000000000e+01, v13  }
0x325: {  	v12 =	vadd.f32 v12, v11  }
0x326: {  	v13 =	vadd.f32 v13, v4  }
0x327: {  	v12 =	vadd.f32 $1.258291200e+07, v12  }
0x328: {  	v13 =	vadd.f32 $1.258291200e+07, v13  }
0x329: {  	v12 =	vadd.f32 $-1.258291200e+07, v12  }
0x32a: {  	v13 =	vadd.f32 $-1.258291200e+07, v13  }
0x32b: {  	v12 =	vmax.f32 v12, $0.0e+00  }
0x32c: {  	v12 =	vmin.f32 v12, $5.110000000e+02;
	v13 =	vmax.f32 v13, $0.0e+00  }
0x32d: {  	v14 =	vld [tilespmem:s9+$0x18080];
	v13 =	vmin.f32 v13, $5.110000000e+02;
	v12 =	vtrunc.f32 v12  }
0x32e: {  	v13 =	vtrunc.f32 v13;
	v12 =	vcvt.f32.s32 v12  }
0x32f: {  	v13 =	vcvt.f32.s32 v13  }
0x330: {  	v12 =	vadd.s32 v12, v0  }
0x331: {  	v13 =	vshll.u32 v13, $0x9  }
0x332: {  	v12 =	vadd.s32 v13, v12  }
0x333: {  	[tilespmem:s0+$0xFFFFFA00] =	vst v12  }
0x334: {  	[tilespmem:s8+$0xFFFFFA00] =	vst v14  }
0x335: {  	v12 =	vld [tilespmem:s9+$0x12100]  }
0x336: {  	v13 =	vld [tilespmem:s9+$0x15100];
	_ =	sdelay $0x3  }
0x337: {  	v12 =	vmul.f32 $1.000000000e+01, v12  }
0x338: {  	v13 =	vmul.f32 $1.000000000e+01, v13  }
0x339: {  	v12 =	vadd.f32 v12, v11  }
0x33a: {  	v13 =	vadd.f32 v13, v5  }
0x33b: {  	v12 =	vadd.f32 $1.258291200e+07, v12  }
0x33c: {  	v13 =	vadd.f32 $1.258291200e+07, v13  }
0x33d: {  	v12 =	vadd.f32 $-1.258291200e+07, v12  }
0x33e: {  	v13 =	vadd.f32 $-1.258291200e+07, v13  }
0x33f: {  	v12 =	vmax.f32 v12, $0.0e+00  }
0x340: {  	v14 =	vld [tilespmem:s9+$0x18100];
	v12 =	vmin.f32 v12, $5.110000000e+02;
	v13 =	vmax.f32 v13, $0.0e+00  }
0x341: {  	v13 =	vmin.f32 v13, $5.110000000e+02;
	v12 =	vtrunc.f32 v12  }
0x342: {  	v13 =	vtrunc.f32 v13;
	v12 =	vcvt.f32.s32 v12  }
0x343: {  	v13 =	vcvt.f32.s32 v13  }
0x344: {  	v12 =	vadd.s32 v12, v0  }
0x345: {  	v13 =	vshll.u32 v13, $0x9  }
0x346: {  	v12 =	vadd.s32 v13, v12  }
0x347: {  	[tilespmem:s0+$0xFFFFFC00] =	vst v12  }
0x348: {  	s11 =	sor.u32 $0x180, s11;
	[tilespmem:s8+$0xFFFFFC00] =	vst v14  }
0x349: {  	v12 =	vld [tilespmem:s11+$0x12000]  }
0x34a: {  	v13 =	vld [tilespmem:s11+$0x15000];
	_ =	sdelay $0x3  }
0x34b: {  	v12 =	vmul.f32 $1.000000000e+01, v12  }
0x34c: {  	v13 =	vmul.f32 $1.000000000e+01, v13  }
0x34d: {  	v12 =	vadd.f32 v12, v11  }
0x34e: {  	v13 =	vadd.f32 v13, v6  }
0x34f: {  	v12 =	vadd.f32 $1.258291200e+07, v12  }
0x350: {  	v13 =	vadd.f32 $1.258291200e+07, v13  }
0x351: {  	v12 =	vadd.f32 $-1.258291200e+07, v12  }
0x352: {  	v13 =	vadd.f32 $-1.258291200e+07, v13  }
0x353: {  	v14 =	vld [tilespmem:s11+$0x18000];
	v12 =	vmax.f32 v12, $0.0e+00  }
0x354: {  	v12 =	vmin.f32 v12, $5.110000000e+02;
	v13 =	vmax.f32 v13, $0.0e+00  }
0x355: {  	v13 =	vmin.f32 v13, $5.110000000e+02;
	v12 =	vtrunc.f32 v12  }
0x356: {  	v13 =	vtrunc.f32 v13;
	v12 =	vcvt.f32.s32 v12  }
0x357: {  	v13 =	vcvt.f32.s32 v13  }
0x358: {  	v12 =	vadd.s32 v12, v0  }
0x359: {  	v13 =	vshll.u32 v13, $0x9  }
0x35a: {  	v12 =	vadd.s32 v13, v12  }
0x35b: {  	[tilespmem:s0+$0xFFFFFE00] =	vst v12  }
0x35c: {  	[tilespmem:s8+$0xFFFFFE00] =	vst v14  }
0x35d: {  	v12 =	vld [tilespmem:s9+$0x12200]  }
0x35e: {  	v13 =	vld [tilespmem:s9+$0x15200];
	_ =	sdelay $0x3  }
0x35f: {  	v12 =	vmul.f32 $1.000000000e+01, v12  }
0x360: {  	v13 =	vmul.f32 $1.000000000e+01, v13  }
0x361: {  	v12 =	vadd.f32 v12, v11  }
0x362: {  	v13 =	vadd.f32 v13, v7  }
0x363: {  	v12 =	vadd.f32 $1.258291200e+07, v12  }
0x364: {  	v13 =	vadd.f32 $1.258291200e+07, v13  }
0x365: {  	v12 =	vadd.f32 $-1.258291200e+07, v12  }
0x366: {  	v14 =	vld [tilespmem:s9+$0x18200];
	v13 =	vadd.f32 $-1.258291200e+07, v13  }
0x367: {  	v12 =	vmax.f32 v12, $0.0e+00  }
0x368: {  	v12 =	vmin.f32 v12, $5.110000000e+02;
	v13 =	vmax.f32 v13, $0.0e+00  }
0x369: {  	v13 =	vmin.f32 v13, $5.110000000e+02;
	v12 =	vtrunc.f32 v12  }
0x36a: {  	v13 =	vtrunc.f32 v13;
	v12 =	vcvt.f32.s32 v12  }
0x36b: {  	v13 =	vcvt.f32.s32 v13  }
0x36c: {  	v12 =	vadd.s32 v12, v0  }
0x36d: {  	v13 =	vshll.u32 v13, $0x9  }
0x36e: {  	v12 =	vadd.s32 v13, v12  }
0x36f: {  	[tilespmem:s0+$0x0] =	vst v12  }
0x370: {  	[tilespmem:s8+$0x0] =	vst v14  }
0x371: {  	v12 =	vld [tilespmem:s9+$0x12280]  }
0x372: {  	v13 =	vld [tilespmem:s9+$0x15280]  }
0x373: {  	v14 =	vld [tilespmem:s9+$0x18280];
	_ =	sdelay $0x2  }
0x374: {  	v12 =	vmul.f32 $1.000000000e+01, v12  }
0x375: {  	v13 =	vmul.f32 $1.000000000e+01, v13  }
0x376: {  	v12 =	vadd.f32 v12, v11  }
0x377: {  	v13 =	vadd.f32 v13, v8  }
0x378: {  	v12 =	vadd.f32 $1.258291200e+07, v12  }
0x379: {  	v13 =	vadd.f32 $1.258291200e+07, v13  }
0x37a: {  	v12 =	vadd.f32 $-1.258291200e+07, v12  }
0x37b: {  	v13 =	vadd.f32 $-1.258291200e+07, v13  }
0x37c: {  	v12 =	vmax.f32 v12, $0.0e+00  }
0x37d: {  	v12 =	vmin.f32 v12, $5.110000000e+02;
	v13 =	vmax.f32 v13, $0.0e+00  }
0x37e: {  	v13 =	vmin.f32 v13, $5.110000000e+02;
	v12 =	vtrunc.f32 v12  }
0x37f: {  	v13 =	vtrunc.f32 v13;
	v12 =	vcvt.f32.s32 v12  }
0x380: {  	v13 =	vcvt.f32.s32 v13  }
0x381: {  	v12 =	vadd.s32 v12, v0  }
0x382: {  	v13 =	vshll.u32 v13, $0x9  }
0x383: {  	v12 =	vadd.s32 v13, v12  }
0x384: {  	[tilespmem:s0+$0x200] =	vst v12  }
0x385: {  	[tilespmem:s8+$0x200] =	vst v14  }
0x386: {  	v12 =	vld [tilespmem:s9+$0x12300]  }
0x387: {  	v13 =	vld [tilespmem:s9+$0x15300]  }
0x388: {  	v14 =	vld [tilespmem:s9+$0x18300];
	_ =	sdelay $0x2  }
0x389: {  	v12 =	vmul.f32 $1.000000000e+01, v12  }
0x38a: {  	v13 =	vmul.f32 $1.000000000e+01, v13  }
0x38b: {  	v12 =	vadd.f32 v12, v11  }
0x38c: {  	v13 =	vadd.f32 v13, v9  }
0x38d: {  	v12 =	vadd.f32 $1.258291200e+07, v12  }
0x38e: {  	v13 =	vadd.f32 $1.258291200e+07, v13  }
0x38f: {  	v12 =	vadd.f32 $-1.258291200e+07, v12  }
0x390: {  	v13 =	vadd.f32 $-1.258291200e+07, v13  }
0x391: {  	v12 =	vmax.f32 v12, $0.0e+00  }
0x392: {  	v12 =	vmin.f32 v12, $5.110000000e+02;
	v13 =	vmax.f32 v13, $0.0e+00  }
0x393: {  	v13 =	vmin.f32 v13, $5.110000000e+02;
	v12 =	vtrunc.f32 v12  }
0x394: {  	v13 =	vtrunc.f32 v13;
	v12 =	vcvt.f32.s32 v12  }
0x395: {  	v13 =	vcvt.f32.s32 v13  }
0x396: {  	v12 =	vadd.s32 v12, v0  }
0x397: {  	v13 =	vshll.u32 v13, $0x9  }
0x398: {  	v12 =	vadd.s32 v13, v12  }
0x399: {  	s9 =	sor.u32 s20, s14;
	[tilespmem:s0+$0x400] =	vst v12  }
0x39a: {  	s9 =	sor.u32 $0x380, s9;
	[tilespmem:s8+$0x400] =	vst v14  }
0x39b: {  	v13 =	vld [tilespmem:s9+$0x12000]  }
0x39c: {  	v14 =	vld [tilespmem:s9+$0x15000]  }
0x39d: {  	v12 =	vld [tilespmem:s9+$0x18000];
	_ =	sdelay $0x2  }
0x39e: {  	v13 =	vmul.f32 $1.000000000e+01, v13  }
0x39f: {  	v14 =	vmul.f32 $1.000000000e+01, v14  }
0x3a0: {  	v11 =	vadd.f32 v13, v11  }
0x3a1: {  	v13 =	vadd.f32 v14, v10  }
.Ltmp12:
0x3a2: {  	v11 =	vadd.f32 $1.258291200e+07, v11;
	(pc) =	sbr.rel @p1 .LBB2_16-.Ltmp12, $4  }
0x3a3: {  	v13 =	vadd.f32 $1.258291200e+07, v13  }
0x3a4: {  	v14 =	vadd.f32 $-1.258291200e+07, v11  }
0x3a5: {  	v11 =	vadd.f32 $-1.258291200e+07, v13  }
0x3a6: {  	s8 =	sadd.s32 $0x10, s8;
	v13 =	vmax.f32 v14, $0.0e+00  }
0x3a7: {  	v3 =	vmax.f32 v11, $0.0e+00  }
0x3a8: {  	v4 =	vmin.f32 v13, $5.110000000e+02;
	v3 =	vmin.f32 v3, $5.110000000e+02  }
0x3a9: {  	v4 =	vtrunc.f32 v4;
	v3 =	vtrunc.f32 v3  }
0x3aa: {  	v4 =	vcvt.f32.s32 v4;
	v3 =	vcvt.f32.s32 v3;
	_ =	sdelay $0x1  }
.Ltmp13:
0x3ab: {  	v4 =	vadd.s32 v4, v0;
	v3 =	vshll.u32 v3, $0x9;
	(pc) =	sbr.rel .LBB2_18-.Ltmp13, $4  }
0x3ac: {  	v3 =	vadd.s32 v3, v4  }
0x3ad: {  	[tilespmem:s12+$0x600] =	vst v3  }
0x3ae: {  	[tilespmem:s22+$0x600] =	vst v12  }
0x3af: {  	[spmem:s3] =	stream.indirect.scatter.add.f32 [tilespmem:s31], [sflag:$0x6], $0x1, s30, s29, $0xb8;
	[tilespmem:$0x1FA00] =	vst v63  }
.LBB2_9:
0x3b0: {  	s8 =	simm.s32 @!p2 $0x5  }
0x3b1: {  	s0 =	sadd.s32 @!p1 s0, s23;
	_ =	swait.ge @!p2 [sflag:s8], $0x1000  }
0x3b2: {  	s9 =	sadd.s32 @!p1 s17, s0;
	[sflag:s8] =	ssyncset.done @!p2 $0x0  }
0x3b3: {  	[sflag:s8] =	ssyncadd.s32 @!p2 $0xFFFFF000;
	s8 =	sshrl.u32 @!p1 s9, $0x3  }
0x3b4: {  	s11 =	simm.s32 @!p1 $0x17000;
	s9 =	simm.s32 @!p1 $0x0;
	s8 =	sadd.s32 @!p1 s1, s8  }
0x3b5: {  	[tilespmem:s11], [sflag:$0x2] =	stream.linear.gather @!p1 [hbm4b:s8+s9], $0x1000, $0x38;
	[tilespmem:$0x1FA00] =	vst v63  }
0x3b6: {  	s8 =	sor.u32 @!p1 s13, s0  }
0x3b7: {  	s0 =	sadd.s32 @!p1 s0, s18;
	s8 =	sshrl.u32 @!p1 s8, $0x3  }
0x3b8: {  	s11 =	simm.s32 @!p1 $0x11000;
	s0 =	sshrl.u32 @!p1 s0, $0x3;
	s8 =	sadd.s32 @!p1 s2, s8  }
0x3b9: {  	[tilespmem:s11], [sflag:$0x2] =	stream.linear.gather @!p1 [hbm4b:s8+s9], $0x1000, $0x38;
	[tilespmem:$0x1FA00] =	vst v63  }
0x3ba: {  	s0 =	sadd.s32 @!p1 s2, s0;
	s8 =	simm.s32 @!p1 $0x14000  }
0x3bb: {  	[tilespmem:s8], [sflag:$0x2] =	stream.linear.gather @!p1 [hbm4b:s0+s9], $0x1000, $0x38;
	[tilespmem:$0x1FA00] =	vst v63  }
0x3bc: {  	_ =	swait.ge [sflag:s4], $0x1000  }
0x3bd: {  	[sflag:s4] =	ssyncset.done $0x0  }
0x3be: {  	[sflag:s4] =	ssyncadd.s32 $0xFFFFF000  }
0x3bf: {  	_ =	swait.ge [sflag:s4], $0x1000  }
0x3c0: {  	[sflag:s4] =	ssyncset.done $0x0  }
0x3c1: {  	[sflag:s4] =	ssyncadd.s32 $0xFFFFF000  }
0x3c2: {  	s20 =	simm.s32 $0x0;
	_ =	swait.ge [sflag:s4], $0x1000  }
0x3c3: {  	s12 =	sand.u32 $0x70, s20;
	s11 =	sand.u32 $0xC00, s20;
	[sflag:s4] =	ssyncset.done $0x0  }
0x3c4: {  	s9 =	sor.u32 s12, s11;
	[sflag:s4] =	ssyncadd.s32 $0xFFFFF000  }
0x3c5: {  	v3 =	vld [tilespmem:s9+$0x10000]  }
0x3c6: {  	v4 =	vld [tilespmem:s9+$0x13000]  }
0x3c7: {  	s21 =	simm.s32 $0x1F800  }
0x3c8: {  	s14 =	sshll.u32 s19, $0x3;
	v10 =	vld [tilespmem:s21+$0x0]  }
0x3c9: {  	s8 =	sadd.s32 s10, s14  }
0x3ca: {  	s0 =	scvt.s32.f32 s8  }
0x3cb: {  	v5 =	vmul.f32 $1.000000000e+01, v3;
	v4 =	vmul.f32 $1.000000000e+01, v4  }
0x3cc: {  	v3 =	vmov s0  }
0x3cd: {  	v5 =	vadd.f32 v5, v10;
	v4 =	vadd.f32 v4, v3;
	_ =	sdelay $0x1  }
0x3ce: {  	v5 =	vadd.f32 $1.258291200e+07, v5;
	v4 =	vadd.f32 $1.258291200e+07, v4;
	_ =	sdelay $0x1  }
0x3cf: {  	v5 =	vadd.f32 $-1.258291200e+07, v5;
	v4 =	vadd.f32 $-1.258291200e+07, v4;
	_ =	sdelay $0x1  }
0x3d0: {  	v5 =	vmax.f32 v5, $0.0e+00;
	v4 =	vmax.f32 v4, $0.0e+00  }
0x3d1: {  	v5 =	vmin.f32 v5, $5.110000000e+02;
	v4 =	vmin.f32 v4, $5.110000000e+02  }
0x3d2: {  	v5 =	vtrunc.f32 v5;
	v4 =	vtrunc.f32 v4  }
0x3d3: {  	v6 =	vld [tilespmem:s9+$0x16000];
	v5 =	vcvt.f32.s32 v5;
	v4 =	vcvt.f32.s32 v4;
	_ =	sdelay $0x1  }
0x3d4: {  	v5 =	vadd.s32 v5, v0;
	v4 =	vshll.u32 v4, $0x9  }
0x3d5: {  	s0 =	simm.s32 $0x1C800;
	v4 =	vadd.s32 v4, v5  }
0x3d6: {  	s22 =	simm.s32 $0x19800;
	[tilespmem:s0+$0xFFFFF800] =	vst v4  }
0x3d7: {  	[tilespmem:s22+$0xFFFFF800] =	vst v6  }
0x3d8: {  	v4 =	vld [tilespmem:s9+$0x10080]  }
0x3d9: {  	v5 =	vld [tilespmem:s9+$0x13080];
	_ =	sdelay $0x2  }
0x3da: {  	s12 =	sor.u32 $0x1, s8  }
0x3db: {  	s12 =	scvt.s32.f32 s12  }
0x3dc: {  	v6 =	vmul.f32 $1.000000000e+01, v4;
	v5 =	vmul.f32 $1.000000000e+01, v5  }
0x3dd: {  	v4 =	vmov s12  }
0x3de: {  	v6 =	vadd.f32 v6, v10;
	v5 =	vadd.f32 v5, v4;
	_ =	sdelay $0x1  }
0x3df: {  	v6 =	vadd.f32 $1.258291200e+07, v6;
	v5 =	vadd.f32 $1.258291200e+07, v5;
	_ =	sdelay $0x1  }
0x3e0: {  	v6 =	vadd.f32 $-1.258291200e+07, v6;
	v5 =	vadd.f32 $-1.258291200e+07, v5;
	_ =	sdelay $0x1  }
0x3e1: {  	v6 =	vmax.f32 v6, $0.0e+00;
	v5 =	vmax.f32 v5, $0.0e+00  }
0x3e2: {  	v6 =	vmin.f32 v6, $5.110000000e+02;
	v5 =	vmin.f32 v5, $5.110000000e+02  }
0x3e3: {  	v6 =	vtrunc.f32 v6;
	v5 =	vtrunc.f32 v5  }
0x3e4: {  	v7 =	vld [tilespmem:s9+$0x16080];
	v6 =	vcvt.f32.s32 v6;
	v5 =	vcvt.f32.s32 v5;
	_ =	sdelay $0x1  }
0x3e5: {  	v6 =	vadd.s32 v6, v0;
	v5 =	vshll.u32 v5, $0x9  }
0x3e6: {  	v5 =	vadd.s32 v5, v6  }
0x3e7: {  	[tilespmem:s0+$0xFFFFFA00] =	vst v5  }
0x3e8: {  	[tilespmem:s22+$0xFFFFFA00] =	vst v7  }
0x3e9: {  	v5 =	vld [tilespmem:s9+$0x10100]  }
0x3ea: {  	v6 =	vld [tilespmem:s9+$0x13100];
	_ =	sdelay $0x2  }
0x3eb: {  	s15 =	sor.u32 $0x2, s8  }
0x3ec: {  	s12 =	scvt.s32.f32 s15  }
0x3ed: {  	v7 =	vmul.f32 $1.000000000e+01, v5;
	v6 =	vmul.f32 $1.000000000e+01, v6  }
0x3ee: {  	v5 =	vmov s12  }
0x3ef: {  	v7 =	vadd.f32 v7, v10;
	v6 =	vadd.f32 v6, v5;
	_ =	sdelay $0x1  }
0x3f0: {  	v7 =	vadd.f32 $1.258291200e+07, v7;
	v6 =	vadd.f32 $1.258291200e+07, v6;
	_ =	sdelay $0x1  }
0x3f1: {  	v7 =	vadd.f32 $-1.258291200e+07, v7;
	v6 =	vadd.f32 $-1.258291200e+07, v6;
	_ =	sdelay $0x1  }
0x3f2: {  	v7 =	vmax.f32 v7, $0.0e+00;
	v6 =	vmax.f32 v6, $0.0e+00  }
0x3f3: {  	v7 =	vmin.f32 v7, $5.110000000e+02;
	v6 =	vmin.f32 v6, $5.110000000e+02  }
0x3f4: {  	v7 =	vtrunc.f32 v7;
	v6 =	vtrunc.f32 v6  }
0x3f5: {  	v8 =	vld [tilespmem:s9+$0x16100];
	v7 =	vcvt.f32.s32 v7;
	v6 =	vcvt.f32.s32 v6;
	_ =	sdelay $0x1  }
0x3f6: {  	v7 =	vadd.s32 v7, v0;
	v6 =	vshll.u32 v6, $0x9  }
0x3f7: {  	v6 =	vadd.s32 v6, v7  }
0x3f8: {  	s11 =	sor.u32 s11, s20;
	[tilespmem:s0+$0xFFFFFC00] =	vst v6  }
0x3f9: {  	s11 =	sor.u32 $0x180, s11;
	[tilespmem:s22+$0xFFFFFC00] =	vst v8  }
0x3fa: {  	v6 =	vld [tilespmem:s11+$0x10000]  }
0x3fb: {  	v7 =	vld [tilespmem:s11+$0x13000];
	_ =	sdelay $0x2  }
0x3fc: {  	s14 =	sor.u32 $0x3, s8  }
0x3fd: {  	s12 =	scvt.s32.f32 s14  }
0x3fe: {  	v8 =	vmul.f32 $1.000000000e+01, v6;
	v7 =	vmul.f32 $1.000000000e+01, v7  }
0x3ff: {  	v6 =	vmov s12  }
0x400: {  	v8 =	vadd.f32 v8, v10;
	v7 =	vadd.f32 v7, v6;
	_ =	sdelay $0x1  }
0x401: {  	v8 =	vadd.f32 $1.258291200e+07, v8;
	v7 =	vadd.f32 $1.258291200e+07, v7;
	_ =	sdelay $0x1  }
0x402: {  	v8 =	vadd.f32 $-1.258291200e+07, v8;
	v7 =	vadd.f32 $-1.258291200e+07, v7;
	_ =	sdelay $0x1  }
0x403: {  	v8 =	vmax.f32 v8, $0.0e+00;
	v7 =	vmax.f32 v7, $0.0e+00  }
0x404: {  	v8 =	vmin.f32 v8, $5.110000000e+02;
	v7 =	vmin.f32 v7, $5.110000000e+02  }
0x405: {  	v8 =	vtrunc.f32 v8;
	v7 =	vtrunc.f32 v7  }
0x406: {  	v9 =	vld [tilespmem:s11+$0x16000];
	v8 =	vcvt.f32.s32 v8;
	v7 =	vcvt.f32.s32 v7;
	_ =	sdelay $0x1  }
0x407: {  	v8 =	vadd.s32 v8, v0;
	v7 =	vshll.u32 v7, $0x9  }
0x408: {  	v7 =	vadd.s32 v7, v8  }
0x409: {  	[tilespmem:s0+$0xFFFFFE00] =	vst v7  }
0x40a: {  	[tilespmem:s22+$0xFFFFFE00] =	vst v9  }
0x40b: {  	v7 =	vld [tilespmem:s9+$0x10200]  }
0x40c: {  	v8 =	vld [tilespmem:s9+$0x13200];
	_ =	sdelay $0x2  }
0x40d: {  	s15 =	sor.u32 $0x4, s8  }
0x40e: {  	s11 =	scvt.s32.f32 s15  }
0x40f: {  	v9 =	vmul.f32 $1.000000000e+01, v7;
	v8 =	vmul.f32 $1.000000000e+01, v8  }
0x410: {  	v7 =	vmov s11  }
0x411: {  	v9 =	vadd.f32 v9, v10;
	v8 =	vadd.f32 v8, v7;
	_ =	sdelay $0x1  }
0x412: {  	v9 =	vadd.f32 $1.258291200e+07, v9;
	v8 =	vadd.f32 $1.258291200e+07, v8;
	_ =	sdelay $0x1  }
0x413: {  	v9 =	vadd.f32 $-1.258291200e+07, v9;
	v8 =	vadd.f32 $-1.258291200e+07, v8;
	_ =	sdelay $0x1  }
0x414: {  	v9 =	vmax.f32 v9, $0.0e+00;
	v8 =	vmax.f32 v8, $0.0e+00  }
0x415: {  	v9 =	vmin.f32 v9, $5.110000000e+02;
	v8 =	vmin.f32 v8, $5.110000000e+02  }
0x416: {  	v9 =	vtrunc.f32 v9;
	v8 =	vtrunc.f32 v8  }
0x417: {  	v11 =	vld [tilespmem:s9+$0x16200];
	v9 =	vcvt.f32.s32 v9;
	v8 =	vcvt.f32.s32 v8;
	_ =	sdelay $0x1  }
0x418: {  	v9 =	vadd.s32 v9, v0;
	v8 =	vshll.u32 v8, $0x9  }
0x419: {  	v8 =	vadd.s32 v8, v9  }
0x41a: {  	[tilespmem:s0+$0x0] =	vst v8  }
0x41b: {  	[tilespmem:s22+$0x0] =	vst v11  }
0x41c: {  	v8 =	vld [tilespmem:s9+$0x10280]  }
0x41d: {  	v9 =	vld [tilespmem:s9+$0x13280];
	_ =	sdelay $0x2  }
0x41e: {  	s12 =	sor.u32 $0x5, s8  }
0x41f: {  	s11 =	scvt.s32.f32 s12  }
0x420: {  	v11 =	vmul.f32 $1.000000000e+01, v8;
	v9 =	vmul.f32 $1.000000000e+01, v9  }
0x421: {  	v8 =	vmov s11  }
0x422: {  	v11 =	vadd.f32 v11, v10;
	v9 =	vadd.f32 v9, v8;
	_ =	sdelay $0x1  }
0x423: {  	v11 =	vadd.f32 $1.258291200e+07, v11;
	v9 =	vadd.f32 $1.258291200e+07, v9;
	_ =	sdelay $0x1  }
0x424: {  	v11 =	vadd.f32 $-1.258291200e+07, v11;
	v9 =	vadd.f32 $-1.258291200e+07, v9;
	_ =	sdelay $0x1  }
0x425: {  	v11 =	vmax.f32 v11, $0.0e+00;
	v9 =	vmax.f32 v9, $0.0e+00  }
0x426: {  	v11 =	vmin.f32 v11, $5.110000000e+02;
	v9 =	vmin.f32 v9, $5.110000000e+02  }
0x427: {  	v11 =	vtrunc.f32 v11;
	v9 =	vtrunc.f32 v9  }
0x428: {  	v12 =	vld [tilespmem:s9+$0x16280];
	v11 =	vcvt.f32.s32 v11;
	v9 =	vcvt.f32.s32 v9;
	_ =	sdelay $0x1  }
0x429: {  	v11 =	vadd.s32 v11, v0;
	v9 =	vshll.u32 v9, $0x9  }
0x42a: {  	v9 =	vadd.s32 v9, v11  }
0x42b: {  	[tilespmem:s0+$0x200] =	vst v9  }
0x42c: {  	[tilespmem:s22+$0x200] =	vst v12  }
0x42d: {  	v9 =	vld [tilespmem:s9+$0x10300]  }
0x42e: {  	v11 =	vld [tilespmem:s9+$0x13300];
	_ =	sdelay $0x2  }
0x42f: {  	s14 =	sor.u32 $0x6, s8  }
0x430: {  	s11 =	scvt.s32.f32 s14  }
0x431: {  	v12 =	vmul.f32 $1.000000000e+01, v9;
	v11 =	vmul.f32 $1.000000000e+01, v11  }
0x432: {  	v9 =	vmov s11  }
0x433: {  	v12 =	vadd.f32 v12, v10;
	v11 =	vadd.f32 v11, v9;
	_ =	sdelay $0x1  }
0x434: {  	v12 =	vadd.f32 $1.258291200e+07, v12;
	v11 =	vadd.f32 $1.258291200e+07, v11;
	_ =	sdelay $0x1  }
0x435: {  	v12 =	vadd.f32 $-1.258291200e+07, v12;
	v11 =	vadd.f32 $-1.258291200e+07, v11;
	_ =	sdelay $0x1  }
0x436: {  	v12 =	vmax.f32 v12, $0.0e+00;
	v11 =	vmax.f32 v11, $0.0e+00  }
0x437: {  	v12 =	vmin.f32 v12, $5.110000000e+02;
	v11 =	vmin.f32 v11, $5.110000000e+02  }
0x438: {  	v12 =	vtrunc.f32 v12;
	v11 =	vtrunc.f32 v11  }
0x439: {  	v13 =	vld [tilespmem:s9+$0x16300];
	v12 =	vcvt.f32.s32 v12;
	v11 =	vcvt.f32.s32 v11;
	_ =	sdelay $0x1  }
0x43a: {  	v12 =	vadd.s32 v12, v0;
	v11 =	vshll.u32 v11, $0x9  }
0x43b: {  	v11 =	vadd.s32 v11, v12  }
0x43c: {  	s15 =	sor.u32 s20, s20;
	[tilespmem:s0+$0x400] =	vst v11  }
0x43d: {  	s9 =	sor.u32 $0x380, s15;
	[tilespmem:s22+$0x400] =	vst v13  }
0x43e: {  	v11 =	vld [tilespmem:s9+$0x10000]  }
0x43f: {  	v12 =	vld [tilespmem:s9+$0x13000];
	_ =	sdelay $0x2  }
0x440: {  	s8 =	sor.u32 $0x7, s8  }
0x441: {  	s8 =	scvt.s32.f32 s8;
	v11 =	vmul.f32 $1.000000000e+01, v11  }
0x442: {  	v12 =	vmul.f32 $1.000000000e+01, v12  }
0x443: {  	v11 =	vadd.f32 v11, v10;
	v10 =	vmov s8  }
0x444: {  	v12 =	vadd.f32 v12, v10  }
0x445: {  	v11 =	vadd.f32 $1.258291200e+07, v11  }
0x446: {  	v13 =	vadd.f32 $1.258291200e+07, v12  }
0x447: {  	v14 =	vadd.f32 $-1.258291200e+07, v11  }
0x448: {  	v11 =	vadd.f32 $-1.258291200e+07, v13  }
0x449: {  	s12 =	simm.s32 $0x1C800;
	s15 =	simm.s32 $0x10;
	s8 =	simm.s32 $0x19810;
	v12 =	vld [tilespmem:s9+$0x16000];
	v13 =	vmax.f32 v14, $0.0e+00  }
.LBB2_10:
0x44a: {  	v13 =	vmin.f32 v13, $5.110000000e+02;
	v11 =	vmax.f32 v11, $0.0e+00;
	s20 =	sadd.s32 $0x80, s20;
	s21 =	sadd.s32 $0x10, s21;
	s0 =	sadd.s32 $0x10, s0  }
0x44b: {  	p1 =	sne.s32 s15, $0x1F0;
	s14 =	smov.u32 s15;
	s15 =	sadd.s32 $0x10, s15;
	v11 =	vmin.f32 v11, $5.110000000e+02;
	v13 =	vtrunc.f32 v13  }
0x44c: {  	v11 =	vtrunc.f32 v11;
	v13 =	vcvt.f32.s32 v13  }
0x44d: {  	v11 =	vcvt.f32.s32 v11  }
0x44e: {  	v13 =	vadd.s32 v13, v0  }
0x44f: {  	v11 =	vshll.u32 v11, $0x9  }
0x450: {  	v11 =	vadd.s32 v11, v13  }
0x451: {  	s9 =	sand.u32 $0x70, s14;
	s11 =	sand.u32 $0xC00, s20;
	[tilespmem:s12+$0x600] =	vst v11;
	s12 =	smov.u32 s0  }
0x452: {  	s9 =	sor.u32 s9, s11;
	s11 =	sor.u32 s11, s14;
	[tilespmem:s22+$0x600] =	vst v12;
	s22 =	smov.u32 s8  }
0x453: {  	v12 =	vld [tilespmem:s9+$0x10000]  }
0x454: {  	v13 =	vld [tilespmem:s9+$0x13000]  }
0x455: {  	v11 =	vld [tilespmem:s21+$0x0];
	_ =	sdelay $0x2  }
0x456: {  	v12 =	vmul.f32 $1.000000000e+01, v12  }
0x457: {  	v13 =	vmul.f32 $1.000000000e+01, v13  }
0x458: {  	v12 =	vadd.f32 v12, v11  }
0x459: {  	v13 =	vadd.f32 v13, v3  }
0x45a: {  	v12 =	vadd.f32 $1.258291200e+07, v12  }
0x45b: {  	v13 =	vadd.f32 $1.258291200e+07, v13  }
0x45c: {  	v12 =	vadd.f32 $-1.258291200e+07, v12  }
0x45d: {  	v13 =	vadd.f32 $-1.258291200e+07, v13  }
0x45e: {  	v12 =	vmax.f32 v12, $0.0e+00  }
0x45f: {  	v12 =	vmin.f32 v12, $5.110000000e+02;
	v13 =	vmax.f32 v13, $0.0e+00  }
0x460: {  	v13 =	vmin.f32 v13, $5.110000000e+02;
	v12 =	vtrunc.f32 v12  }
0x461: {  	v14 =	vld [tilespmem:s9+$0x16000];
	v13 =	vtrunc.f32 v13;
	v12 =	vcvt.f32.s32 v12  }
0x462: {  	v13 =	vcvt.f32.s32 v13  }
0x463: {  	v12 =	vadd.s32 v12, v0  }
0x464: {  	v13 =	vshll.u32 v13, $0x9  }
0x465: {  	v12 =	vadd.s32 v13, v12  }
0x466: {  	[tilespmem:s0+$0xFFFFF800] =	vst v12  }
0x467: {  	[tilespmem:s8+$0xFFFFF800] =	vst v14  }
0x468: {  	v12 =	vld [tilespmem:s9+$0x10080]  }
0x469: {  	v13 =	vld [tilespmem:s9+$0x13080];
	_ =	sdelay $0x3  }
0x46a: {  	v12 =	vmul.f32 $1.000000000e+01, v12  }
0x46b: {  	v13 =	vmul.f32 $1.000000000e+01, v13  }
0x46c: {  	v12 =	vadd.f32 v12, v11  }
0x46d: {  	v13 =	vadd.f32 v13, v4  }
0x46e: {  	v12 =	vadd.f32 $1.258291200e+07, v12  }
0x46f: {  	v13 =	vadd.f32 $1.258291200e+07, v13  }
0x470: {  	v12 =	vadd.f32 $-1.258291200e+07, v12  }
0x471: {  	v13 =	vadd.f32 $-1.258291200e+07, v13  }
0x472: {  	v12 =	vmax.f32 v12, $0.0e+00  }
0x473: {  	v12 =	vmin.f32 v12, $5.110000000e+02;
	v13 =	vmax.f32 v13, $0.0e+00  }
0x474: {  	v14 =	vld [tilespmem:s9+$0x16080];
	v13 =	vmin.f32 v13, $5.110000000e+02;
	v12 =	vtrunc.f32 v12  }
0x475: {  	v13 =	vtrunc.f32 v13;
	v12 =	vcvt.f32.s32 v12  }
0x476: {  	v13 =	vcvt.f32.s32 v13  }
0x477: {  	v12 =	vadd.s32 v12, v0  }
0x478: {  	v13 =	vshll.u32 v13, $0x9  }
0x479: {  	v12 =	vadd.s32 v13, v12  }
0x47a: {  	[tilespmem:s0+$0xFFFFFA00] =	vst v12  }
0x47b: {  	[tilespmem:s8+$0xFFFFFA00] =	vst v14  }
0x47c: {  	v12 =	vld [tilespmem:s9+$0x10100]  }
0x47d: {  	v13 =	vld [tilespmem:s9+$0x13100];
	_ =	sdelay $0x3  }
0x47e: {  	v12 =	vmul.f32 $1.000000000e+01, v12  }
0x47f: {  	v13 =	vmul.f32 $1.000000000e+01, v13  }
0x480: {  	v12 =	vadd.f32 v12, v11  }
0x481: {  	v13 =	vadd.f32 v13, v5  }
0x482: {  	v12 =	vadd.f32 $1.258291200e+07, v12  }
0x483: {  	v13 =	vadd.f32 $1.258291200e+07, v13  }
0x484: {  	v12 =	vadd.f32 $-1.258291200e+07, v12  }
0x485: {  	v13 =	vadd.f32 $-1.258291200e+07, v13  }
0x486: {  	v12 =	vmax.f32 v12, $0.0e+00  }
0x487: {  	v14 =	vld [tilespmem:s9+$0x16100];
	v12 =	vmin.f32 v12, $5.110000000e+02;
	v13 =	vmax.f32 v13, $0.0e+00  }
0x488: {  	v13 =	vmin.f32 v13, $5.110000000e+02;
	v12 =	vtrunc.f32 v12  }
0x489: {  	v13 =	vtrunc.f32 v13;
	v12 =	vcvt.f32.s32 v12  }
0x48a: {  	v13 =	vcvt.f32.s32 v13  }
0x48b: {  	v12 =	vadd.s32 v12, v0  }
0x48c: {  	v13 =	vshll.u32 v13, $0x9  }
0x48d: {  	v12 =	vadd.s32 v13, v12  }
0x48e: {  	[tilespmem:s0+$0xFFFFFC00] =	vst v12  }
0x48f: {  	s11 =	sor.u32 $0x180, s11;
	[tilespmem:s8+$0xFFFFFC00] =	vst v14  }
0x490: {  	v12 =	vld [tilespmem:s11+$0x10000]  }
0x491: {  	v13 =	vld [tilespmem:s11+$0x13000];
	_ =	sdelay $0x3  }
0x492: {  	v12 =	vmul.f32 $1.000000000e+01, v12  }
0x493: {  	v13 =	vmul.f32 $1.000000000e+01, v13  }
0x494: {  	v12 =	vadd.f32 v12, v11  }
0x495: {  	v13 =	vadd.f32 v13, v6  }
0x496: {  	v12 =	vadd.f32 $1.258291200e+07, v12  }
0x497: {  	v13 =	vadd.f32 $1.258291200e+07, v13  }
0x498: {  	v12 =	vadd.f32 $-1.258291200e+07, v12  }
0x499: {  	v13 =	vadd.f32 $-1.258291200e+07, v13  }
0x49a: {  	v14 =	vld [tilespmem:s11+$0x16000];
	v12 =	vmax.f32 v12, $0.0e+00  }
0x49b: {  	v12 =	vmin.f32 v12, $5.110000000e+02;
	v13 =	vmax.f32 v13, $0.0e+00  }
0x49c: {  	v13 =	vmin.f32 v13, $5.110000000e+02;
	v12 =	vtrunc.f32 v12  }
0x49d: {  	v13 =	vtrunc.f32 v13;
	v12 =	vcvt.f32.s32 v12  }
0x49e: {  	v13 =	vcvt.f32.s32 v13  }
0x49f: {  	v12 =	vadd.s32 v12, v0  }
0x4a0: {  	v13 =	vshll.u32 v13, $0x9  }
0x4a1: {  	v12 =	vadd.s32 v13, v12  }
0x4a2: {  	[tilespmem:s0+$0xFFFFFE00] =	vst v12  }
0x4a3: {  	[tilespmem:s8+$0xFFFFFE00] =	vst v14  }
0x4a4: {  	v12 =	vld [tilespmem:s9+$0x10200]  }
0x4a5: {  	v13 =	vld [tilespmem:s9+$0x13200];
	_ =	sdelay $0x3  }
0x4a6: {  	v12 =	vmul.f32 $1.000000000e+01, v12  }
0x4a7: {  	v13 =	vmul.f32 $1.000000000e+01, v13  }
0x4a8: {  	v12 =	vadd.f32 v12, v11  }
0x4a9: {  	v13 =	vadd.f32 v13, v7  }
0x4aa: {  	v12 =	vadd.f32 $1.258291200e+07, v12  }
0x4ab: {  	v13 =	vadd.f32 $1.258291200e+07, v13  }
0x4ac: {  	v12 =	vadd.f32 $-1.258291200e+07, v12  }
0x4ad: {  	v14 =	vld [tilespmem:s9+$0x16200];
	v13 =	vadd.f32 $-1.258291200e+07, v13  }
0x4ae: {  	v12 =	vmax.f32 v12, $0.0e+00  }
0x4af: {  	v12 =	vmin.f32 v12, $5.110000000e+02;
	v13 =	vmax.f32 v13, $0.0e+00  }
0x4b0: {  	v13 =	vmin.f32 v13, $5.110000000e+02;
	v12 =	vtrunc.f32 v12  }
0x4b1: {  	v13 =	vtrunc.f32 v13;
	v12 =	vcvt.f32.s32 v12  }
0x4b2: {  	v13 =	vcvt.f32.s32 v13  }
0x4b3: {  	v12 =	vadd.s32 v12, v0  }
0x4b4: {  	v13 =	vshll.u32 v13, $0x9  }
0x4b5: {  	v12 =	vadd.s32 v13, v12  }
0x4b6: {  	[tilespmem:s0+$0x0] =	vst v12  }
0x4b7: {  	[tilespmem:s8+$0x0] =	vst v14  }
0x4b8: {  	v12 =	vld [tilespmem:s9+$0x10280]  }
0x4b9: {  	v13 =	vld [tilespmem:s9+$0x13280]  }
0x4ba: {  	v14 =	vld [tilespmem:s9+$0x16280];
	_ =	sdelay $0x2  }
0x4bb: {  	v12 =	vmul.f32 $1.000000000e+01, v12  }
0x4bc: {  	v13 =	vmul.f32 $1.000000000e+01, v13  }
0x4bd: {  	v12 =	vadd.f32 v12, v11  }
0x4be: {  	v13 =	vadd.f32 v13, v8  }
0x4bf: {  	v12 =	vadd.f32 $1.258291200e+07, v12  }
0x4c0: {  	v13 =	vadd.f32 $1.258291200e+07, v13  }
0x4c1: {  	v12 =	vadd.f32 $-1.258291200e+07, v12  }
0x4c2: {  	v13 =	vadd.f32 $-1.258291200e+07, v13  }
0x4c3: {  	v12 =	vmax.f32 v12, $0.0e+00  }
0x4c4: {  	v12 =	vmin.f32 v12, $5.110000000e+02;
	v13 =	vmax.f32 v13, $0.0e+00  }
0x4c5: {  	v13 =	vmin.f32 v13, $5.110000000e+02;
	v12 =	vtrunc.f32 v12  }
0x4c6: {  	v13 =	vtrunc.f32 v13;
	v12 =	vcvt.f32.s32 v12  }
0x4c7: {  	v13 =	vcvt.f32.s32 v13  }
0x4c8: {  	v12 =	vadd.s32 v12, v0  }
0x4c9: {  	v13 =	vshll.u32 v13, $0x9  }
0x4ca: {  	v12 =	vadd.s32 v13, v12  }
0x4cb: {  	[tilespmem:s0+$0x200] =	vst v12  }
0x4cc: {  	[tilespmem:s8+$0x200] =	vst v14  }
0x4cd: {  	v12 =	vld [tilespmem:s9+$0x10300]  }
0x4ce: {  	v13 =	vld [tilespmem:s9+$0x13300]  }
0x4cf: {  	v14 =	vld [tilespmem:s9+$0x16300];
	_ =	sdelay $0x2  }
0x4d0: {  	v12 =	vmul.f32 $1.000000000e+01, v12  }
0x4d1: {  	v13 =	vmul.f32 $1.000000000e+01, v13  }
0x4d2: {  	v12 =	vadd.f32 v12, v11  }
0x4d3: {  	v13 =	vadd.f32 v13, v9  }
0x4d4: {  	v12 =	vadd.f32 $1.258291200e+07, v12  }
0x4d5: {  	v13 =	vadd.f32 $1.258291200e+07, v13  }
0x4d6: {  	v12 =	vadd.f32 $-1.258291200e+07, v12  }
0x4d7: {  	v13 =	vadd.f32 $-1.258291200e+07, v13  }
0x4d8: {  	v12 =	vmax.f32 v12, $0.0e+00  }
0x4d9: {  	v12 =	vmin.f32 v12, $5.110000000e+02;
	v13 =	vmax.f32 v13, $0.0e+00  }
0x4da: {  	v13 =	vmin.f32 v13, $5.110000000e+02;
	v12 =	vtrunc.f32 v12  }
0x4db: {  	v13 =	vtrunc.f32 v13;
	v12 =	vcvt.f32.s32 v12  }
0x4dc: {  	v13 =	vcvt.f32.s32 v13  }
0x4dd: {  	v12 =	vadd.s32 v12, v0  }
0x4de: {  	v13 =	vshll.u32 v13, $0x9  }
0x4df: {  	v12 =	vadd.s32 v13, v12  }
0x4e0: {  	s9 =	sor.u32 s20, s14;
	[tilespmem:s0+$0x400] =	vst v12  }
0x4e1: {  	s9 =	sor.u32 $0x380, s9;
	[tilespmem:s8+$0x400] =	vst v14  }
0x4e2: {  	v13 =	vld [tilespmem:s9+$0x10000]  }
0x4e3: {  	v14 =	vld [tilespmem:s9+$0x13000]  }
0x4e4: {  	v12 =	vld [tilespmem:s9+$0x16000];
	_ =	sdelay $0x2  }
0x4e5: {  	v13 =	vmul.f32 $1.000000000e+01, v13  }
0x4e6: {  	v14 =	vmul.f32 $1.000000000e+01, v14  }
0x4e7: {  	v11 =	vadd.f32 v13, v11  }
0x4e8: {  	v13 =	vadd.f32 v14, v10  }
.Ltmp14:
0x4e9: {  	v11 =	vadd.f32 $1.258291200e+07, v11;
	(pc) =	sbr.rel @p1 .LBB2_10-.Ltmp14, $4  }
0x4ea: {  	v13 =	vadd.f32 $1.258291200e+07, v13  }
0x4eb: {  	v14 =	vadd.f32 $-1.258291200e+07, v11  }
0x4ec: {  	v11 =	vadd.f32 $-1.258291200e+07, v13  }
0x4ed: {  	s8 =	sadd.s32 $0x10, s8;
	v13 =	vmax.f32 v14, $0.0e+00  }
0x4ee: {  	v3 =	vmax.f32 v11, $0.0e+00  }
0x4ef: {  	v4 =	vmin.f32 v13, $5.110000000e+02;
	v3 =	vmin.f32 v3, $5.110000000e+02  }
0x4f0: {  	v4 =	vtrunc.f32 v4;
	v3 =	vtrunc.f32 v3  }
0x4f1: {  	v4 =	vcvt.f32.s32 v4;
	v3 =	vcvt.f32.s32 v3;
	_ =	sdelay $0x1  }
.Ltmp15:
0x4f2: {  	v4 =	vadd.s32 v4, v0;
	v3 =	vshll.u32 v3, $0x9;
	(pc) =	sbr.rel .LBB2_18-.Ltmp15, $4  }
0x4f3: {  	v3 =	vadd.s32 v3, v4  }
0x4f4: {  	[tilespmem:s12+$0x600] =	vst v3  }
0x4f5: {  	[tilespmem:s22+$0x600] =	vst v12  }
0x4f6: {  	[spmem:s3] =	stream.indirect.scatter.add.f32 [tilespmem:s6], [sflag:$0x4], $0x1, s7, s29, $0xb8;
	[tilespmem:$0x1FA00] =	vst v63  }
.LBB2_21:
0x4f7: {  	_ =	sfence.sel $0x180000  }
0x4f8: {  	[bflag:$0x0] =	sbarrier.arrive $0xFFFF  }
0x4f9: {  	_ =	strace $0x90000047  }
0x4fa: {  	s0 =	stileid.u32;
	[bflag:$0x2] =	sbarrier.arrive $0xFFFF  }
0x4fb: {  	p0 =	sne.s32 s0, $0x0;
	s0 =	rddreg [dreg:$0x4]  }
0x4fc: {  	s0 =	sadd.s32 @!p0 $0x100000, s0  }
0x4fd: {  	[sflag:s0] =	ssyncadd.tile.s32 @!p0 $0x1;
	_ =	shalt  }
.Lfunc_end2:
_tile_overlayer_lowered:
.L_overlay_start_2:
0x4fe: {  	(tag) =	ssettag $0x2  }
0x4ff: {  	s0 =	rddreg [dreg:$0x0];
	s2 =	stileid.u32  }
0x500: {  	s1 =	rddreg [dreg:$0x1];
	p0 =	sne.s32 s2, $0x0  }
0x501: {  	s3 =	rddreg [dreg:$0x2];
	[bflag:$0x3] =	sbarrier.arrive $0xFFFF;
	s2 =	simm.s32 @!p0 $0x1C07  }
0x502: {  	[timem:s3], [sflag:s2] =	dma.local @!p0 [hbm:s0], s1  }
0x503: {  	s0 =	simm.s32 @!p0 $0x7  }
0x504: {  	_ =	swait.ge @!p0 [sflag:s0], s1  }
0x505: {  	s1 =	ssub.s32 @!p0 $0x0, s1;
	[sflag:s0] =	ssyncset.done @!p0 $0x0  }
0x506: {  	[sflag:s0] =	ssyncadd.s32 @!p0 s1  }
0x507: {  	[bflag:$0x3] =	sbarrier.arrive $0xFFFF  }
0x508: {  	_ =	shalt  }

</sc_bundles>
